<compile_context>
chip_gen: v7x
topology: tpu7x:2x2x1
jax: 0.10.2.dev20260603
libtpu: 0.0.44.dev20260713+nightly
codegen_flags: <defaults>
</compile_context>

<pallas_src>
import jax
import jax.numpy as jnp
from jax import lax
from jax.experimental import pallas as pl
from jax.experimental.pallas import tpu as pltpu
from jax.experimental.pallas import tpu_sc as plsc

_B = 16384
_D = 128
_NC = 2
_NS = 16
_NW = _NC * _NS
_BPW = _B // _NW
_CH = 128
_NCHUNK = _BPW // _CH
_NBUF = 2


def _gmf_body(users_hbm, items_hbm, utab_hbm, itab_hbm, w_hbm, b_hbm,
              out_hbm, uidx_v, iidx_v, ub0, ub1, ib0, ib1,
              w_v, binit_v, qbuf_v, outc_v, sem0, sem1, semp):
    cid = lax.axis_index("c")
    sid = lax.axis_index("s")
    wid = sid * _NC + cid
    base = wid * _BPW

    binit_v[pl.ds(1, 16)] = jnp.zeros((16,), jnp.float32)
    cw = pltpu.async_copy(w_hbm, w_v, semp)
    cb = pltpu.async_copy(b_hbm, binit_v.at[pl.ds(0, 1)], semp)
    cui = pltpu.async_copy(users_hbm.at[pl.ds(base, _BPW)], uidx_v, semp)
    cii = pltpu.async_copy(items_hbm.at[pl.ds(base, _BPW)], iidx_v, semp)
    cw.wait()
    cb.wait()
    cui.wait()
    cii.wait()
    b_init = binit_v[pl.ds(0, 16)]
    w_regs = [w_v[pl.ds(j * 16, 16)] for j in range(8)]

    lane = lax.iota(jnp.int32, 16)
    rot8 = (lane + 8) & 15
    rot4 = (lane & 8) | ((lane + 4) & 7)
    rot2 = (lane & 12) | ((lane + 2) & 3)
    rot1 = (lane & 14) | ((lane + 1) & 1)
    bitrev = (((lane & 1) << 3) | ((lane & 2) << 1)
              | ((lane & 4) >> 1) | ((lane & 8) >> 3))
    m8 = lane < 8
    m4 = (lane & 4) == 0
    m2 = (lane & 2) == 0
    m1 = (lane & 1) == 0

    _dnums = lax.GatherDimensionNumbers(
        offset_dims=(), collapsed_slice_dims=(0,), start_index_map=(0,))

    def _perm(x, idx):
        return lax.gather(x, idx[:, None], _dnums, (1,),
                          mode=lax.GatherScatterMode.PROMISE_IN_BOUNDS)

    ubufs = (ub0, ub1)
    ibufs = (ib0, ib1)
    sems = (sem0, sem1)
    pending = [None] * _NBUF

    _H = _CH // 2

    def start(c):
        k = c % _NBUF
        cps = []
        for h in range(2):
            cps.append(pltpu.async_copy(
                utab_hbm.at[uidx_v.at[pl.ds(c * _CH + h * _H, _H)]],
                ubufs[k].at[pl.ds(h * _H, _H)], sems[k]))
            cps.append(pltpu.async_copy(
                itab_hbm.at[iidx_v.at[pl.ds(c * _CH + h * _H, _H)]],
                ibufs[k].at[pl.ds(h * _H, _H)], sems[k]))
        pending[k] = cps

    for c in range(_NBUF - 1):
        start(c)

    for c in range(_NCHUNK):
        if c + _NBUF - 1 < _NCHUNK:
            start(c + _NBUF - 1)
        k = c % _NBUF
        for cp in pending[k]:
            cp.wait()
        urows_v = ubufs[k]
        irows_v = ibufs[k]

        def row_acc(r):
            acc = b_init
            for j in range(8):
                acc = acc + (urows_v[r, pl.ds(j * 16, 16)]
                             * irows_v[r, pl.ds(j * 16, 16)]
                             * w_regs[j])
            return acc

        def quad_body(i, carry):
            a = row_acc(4 * i)
            b = row_acc(4 * i + 1)
            cc = row_acc(4 * i + 2)
            d = row_acc(4 * i + 3)
            p1 = jnp.where(m8, a + _perm(a, rot8), b + _perm(b, rot8))
            p2 = jnp.where(m8, cc + _perm(cc, rot8), d + _perm(d, rot8))
            q1 = p1 + _perm(p1, rot4)
            q2 = p2 + _perm(p2, rot4)
            s = jnp.where(m4, q1, q2)
            qbuf_v[pl.ds(i * 16, 16)] = s + _perm(s, rot2)
            return carry

        lax.fori_loop(0, _CH // 4, quad_body, 0)

        def merge_body(g, carry):
            t0 = qbuf_v[pl.ds((4 * g) * 16, 16)]
            t1 = qbuf_v[pl.ds((4 * g + 1) * 16, 16)]
            t2 = qbuf_v[pl.ds((4 * g + 2) * 16, 16)]
            t3 = qbuf_v[pl.ds((4 * g + 3) * 16, 16)]
            u1 = jnp.where(m2, t0, t1)
            u2 = jnp.where(m2, t2, t3)
            v1 = u1 + _perm(u1, rot1)
            v2 = u2 + _perm(u2, rot1)
            f0 = jnp.where(m1, v1, v2)
            outc_v[pl.ds(c * _CH + g * 16, 16)] = _perm(f0, bitrev)
            return carry

        lax.fori_loop(0, _CH // 16, merge_body, 0)

    pltpu.sync_copy(outc_v, out_hbm.at[pl.ds(base, _BPW)])


def kernel(users, items, user_table, item_table, W_beta, b_beta):
    users_i = users.astype(jnp.int32)
    items_i = items.astype(jnp.int32)
    w = W_beta.reshape(_D)

    mesh = plsc.VectorSubcoreMesh(core_axis_name="c", subcore_axis_name="s")
    f = pl.kernel(
        _gmf_body,
        mesh=mesh,
        out_type=jax.ShapeDtypeStruct((_B,), jnp.float32),
        scratch_types=[
            pltpu.VMEM((_BPW,), jnp.int32),
            pltpu.VMEM((_BPW,), jnp.int32),
            pltpu.VMEM((_CH, _D), jnp.float32),
            pltpu.VMEM((_CH, _D), jnp.float32),
            pltpu.VMEM((_CH, _D), jnp.float32),
            pltpu.VMEM((_CH, _D), jnp.float32),
            pltpu.VMEM((_D,), jnp.float32),
            pltpu.VMEM((17,), jnp.float32),
            pltpu.VMEM((_CH * 4,), jnp.float32),
            pltpu.VMEM((_BPW,), jnp.float32),
            pltpu.SemaphoreType.DMA,
            pltpu.SemaphoreType.DMA,
            pltpu.SemaphoreType.DMA,
        ],
    )
    out = f(users_i, items_i, user_table, item_table, w, b_beta)
    return out.reshape(_B, 1)

# --- scband reference (transcript-rebuilt; emitter-appended) ---
"""Pipeline reference for scband-gmf-8134668058722 (READ-ONLY COPY).

The authoritative reference and input builder live on the scoring server;
editing this copy changes nothing except your own understanding.
"""

import jax, jax.numpy as jnp
import numpy as np

B = 16384
U = 100000
I = 100000
D = 128

def setup_inputs(seed: int = 0) -> dict:
    key = jax.random.key(seed)
    k1, k2, k3, k4, k5, k6 = jax.random.split(key, 6)
    users = jax.random.randint(k1, (B,), 0, U, dtype=jnp.int64)
    items = jax.random.randint(k2, (B,), 0, I, dtype=jnp.int64)
    user_table = jax.random.normal(k3, (U, D), dtype=jnp.float32) * 0.02
    item_table = jax.random.normal(k4, (I, D), dtype=jnp.float32) * 0.02
    W_beta = jax.random.normal(k5, (1, D), dtype=jnp.float32) * (1.0 / np.sqrt(D))
    b_beta = jax.random.normal(k6, (1,), dtype=jnp.float32) * 0.01
    return {"users": users, "items": items, "user_table": user_table,
            "item_table": item_table, "W_beta": W_beta, "b_beta": b_beta}

def reference(users, items, user_table, item_table, W_beta, b_beta):
    # Embedding lookups (gather)
    u = jnp.take(user_table, users, axis=0)  # [B, D]
    it = jnp.take(item_table, items, axis=0)  # [B, D]
    # Dropout is identity at inference
    prod = u * it  # [B, D]
    out = prod @ W_beta.T + b_beta  # [B, 1]
    return out

if __name__ == "__main__":
    import jax
    _d = setup_inputs()
    print(jax.jit(kernel)(*tuple(_d.values())))

</pallas_src>

<mosaic_0001>
#map = affine_map<(d0, d1) -> (0)>
#map1 = affine_map<(d0, d1) -> (0, 0)>
module attributes {stable_mosaic.version = 14 : i64} {
  func.func @_gmf_body(%arg0: i32, %arg1: i32, %arg2: memref<16384xi32, #tpu.memory_space<hbm>>, %arg3: memref<16384xi32, #tpu.memory_space<hbm>>, %arg4: memref<100000x128xf32, #tpu.memory_space<hbm>>, %arg5: memref<100000x128xf32, #tpu.memory_space<hbm>>, %arg6: memref<128xf32, #tpu.memory_space<hbm>>, %arg7: memref<1xf32, #tpu.memory_space<hbm>>, %arg8: memref<16384xf32, #tpu.memory_space<hbm>>, %arg9: memref<512xi32, #tpu.memory_space<vmem>>, %arg10: memref<512xi32, #tpu.memory_space<vmem>>, %arg11: memref<128x128xf32, #tpu.memory_space<vmem>>, %arg12: memref<128x128xf32, #tpu.memory_space<vmem>>, %arg13: memref<128x128xf32, #tpu.memory_space<vmem>>, %arg14: memref<128x128xf32, #tpu.memory_space<vmem>>, %arg15: memref<128xf32, #tpu.memory_space<vmem>>, %arg16: memref<17xf32, #tpu.memory_space<vmem>>, %arg17: memref<512xf32, #tpu.memory_space<vmem>>, %arg18: memref<512xf32, #tpu.memory_space<vmem>>, %arg19: memref<!tpu.dma_semaphore, #tpu.memory_space<semaphore_mem>>, %arg20: memref<!tpu.dma_semaphore, #tpu.memory_space<semaphore_mem>>, %arg21: memref<!tpu.dma_semaphore, #tpu.memory_space<semaphore_mem>>) attributes {dimension_semantics = [#tpu.dimension_semantics<core_parallel>, #tpu.dimension_semantics<subcore_parallel>], iteration_bounds = array<i64: 2, 16>, scalar_prefetch = 0 : i64, scratch_operands = 13 : i64, tpu.core_type = #tpu.core_type<sc_vector_subcore>, window_params = [{transform_indices = #map}, {transform_indices = #map}, {transform_indices = #map1}, {transform_indices = #map1}, {transform_indices = #map}, {transform_indices = #map}, {transform_indices = #map}]} {
    %mul3A = arith.constant 2 : i32
    %mul3A_0 = arith.muli %arg1, %mul3A : i32
    %add3A = arith.addi %mul3A_0, %arg0 : i32
    %mul3A_1 = arith.constant 512 : i32
    %mul3A_2 = arith.muli %add3A, %mul3A_1 : i32
    %broadcast_in_dim3A = arith.constant 0.000000e+00 : f32
    %broadcast_in_dim3A_3 = vector.broadcast %broadcast_in_dim3A : f32 to vector<16xf32>
    %swap3A = arith.constant 1 : index
    %swap3A_4 = tpu.vector_load %arg16[%swap3A] {strides = array<i32>} : memref<17xf32, #tpu.memory_space<vmem>>, vector<16xf32>,
    %swap3A_5 = vector.shape_cast %swap3A_4 : vector<16xf32> to vector<16xf32>
    %swap3A_6 = vector.shape_cast %broadcast_in_dim3A_3 : vector<16xf32> to vector<16xf32>
    tpu.vector_store %arg16[%swap3A], %swap3A_6 {strides = array<i32>} : memref<17xf32, #tpu.memory_space<vmem>>, vector<16xf32>,
    tpu.enqueue_dma source(%arg6 : memref<128xf32, #tpu.memory_space<hbm>>) target(%arg15 : memref<128xf32, #tpu.memory_space<vmem>>) target_semaphore(%arg21 : memref<!tpu.dma_semaphore, #tpu.memory_space<semaphore_mem>>)
    %dma_start3A = arith.constant 0 : i32
    %dma_start3A_7 = tpu.memref_slice %arg16[%dma_start3A] : memref<17xf32, #tpu.memory_space<vmem>> -> memref<1xf32, #tpu.memory_space<vmem>>
    %dma_start3A_8 = arith.constant 0 : i32
    %dma_start3A_9 = tpu.memref_slice %arg16[%dma_start3A_8] : memref<17xf32, #tpu.memory_space<vmem>> -> memref<1xf32, #tpu.memory_space<vmem>>
    tpu.enqueue_dma source(%arg7 : memref<1xf32, #tpu.memory_space<hbm>>) target(%dma_start3A_9 : memref<1xf32, #tpu.memory_space<vmem>>) target_semaphore(%arg21 : memref<!tpu.dma_semaphore, #tpu.memory_space<semaphore_mem>>)
    %dma_start3A_10 = tpu.memref_slice %arg2[%mul3A_2] : memref<16384xi32, #tpu.memory_space<hbm>> -> memref<512xi32, #tpu.memory_space<hbm>>
    %dma_start3A_11 = tpu.memref_slice %arg2[%mul3A_2] : memref<16384xi32, #tpu.memory_space<hbm>> -> memref<512xi32, #tpu.memory_space<hbm>>
    tpu.enqueue_dma source(%dma_start3A_11 : memref<512xi32, #tpu.memory_space<hbm>>) target(%arg9 : memref<512xi32, #tpu.memory_space<vmem>>) target_semaphore(%arg21 : memref<!tpu.dma_semaphore, #tpu.memory_space<semaphore_mem>>)
    %dma_start3A_12 = tpu.memref_slice %arg3[%mul3A_2] : memref<16384xi32, #tpu.memory_space<hbm>> -> memref<512xi32, #tpu.memory_space<hbm>>
    %dma_start3A_13 = tpu.memref_slice %arg3[%mul3A_2] : memref<16384xi32, #tpu.memory_space<hbm>> -> memref<512xi32, #tpu.memory_space<hbm>>
    tpu.enqueue_dma source(%dma_start3A_13 : memref<512xi32, #tpu.memory_space<hbm>>) target(%arg10 : memref<512xi32, #tpu.memory_space<vmem>>) target_semaphore(%arg21 : memref<!tpu.dma_semaphore, #tpu.memory_space<semaphore_mem>>)
    tpu.wait_dma2 semaphore(%arg21 : memref<!tpu.dma_semaphore, #tpu.memory_space<semaphore_mem>>) src(%arg6 : memref<128xf32, #tpu.memory_space<hbm>>) dst(%arg15 : memref<128xf32, #tpu.memory_space<vmem>>)
    %dma_wait3A = arith.constant 0 : i32
    %dma_wait3A_14 = tpu.memref_slice %arg16[%dma_wait3A] : memref<17xf32, #tpu.memory_space<vmem>> -> memref<1xf32, #tpu.memory_space<vmem>>
    %dma_wait3A_15 = arith.constant 0 : i32
    %dma_wait3A_16 = tpu.memref_slice %arg16[%dma_wait3A_15] : memref<17xf32, #tpu.memory_space<vmem>> -> memref<1xf32, #tpu.memory_space<vmem>>
    tpu.wait_dma2 semaphore(%arg21 : memref<!tpu.dma_semaphore, #tpu.memory_space<semaphore_mem>>) src(%arg7 : memref<1xf32, #tpu.memory_space<hbm>>) dst(%dma_wait3A_16 : memref<1xf32, #tpu.memory_space<vmem>>)
    %dma_wait3A_17 = tpu.memref_slice %arg2[%mul3A_2] : memref<16384xi32, #tpu.memory_space<hbm>> -> memref<512xi32, #tpu.memory_space<hbm>>
    %dma_wait3A_18 = tpu.memref_slice %arg2[%mul3A_2] : memref<16384xi32, #tpu.memory_space<hbm>> -> memref<512xi32, #tpu.memory_space<hbm>>
    tpu.wait_dma2 semaphore(%arg21 : memref<!tpu.dma_semaphore, #tpu.memory_space<semaphore_mem>>) src(%dma_wait3A_18 : memref<512xi32, #tpu.memory_space<hbm>>) dst(%arg9 : memref<512xi32, #tpu.memory_space<vmem>>)
    %dma_wait3A_19 = tpu.memref_slice %arg3[%mul3A_2] : memref<16384xi32, #tpu.memory_space<hbm>> -> memref<512xi32, #tpu.memory_space<hbm>>
    %dma_wait3A_20 = tpu.memref_slice %arg3[%mul3A_2] : memref<16384xi32, #tpu.memory_space<hbm>> -> memref<512xi32, #tpu.memory_space<hbm>>
    tpu.wait_dma2 semaphore(%arg21 : memref<!tpu.dma_semaphore, #tpu.memory_space<semaphore_mem>>) src(%dma_wait3A_20 : memref<512xi32, #tpu.memory_space<hbm>>) dst(%arg10 : memref<512xi32, #tpu.memory_space<vmem>>)
    %get3A = arith.constant 0 : index
    %get3A_21 = tpu.vector_load %arg16[%get3A] {strides = array<i32>} : memref<17xf32, #tpu.memory_space<vmem>>, vector<16xf32>,
    %get3A_22 = vector.shape_cast %get3A_21 : vector<16xf32> to vector<16xf32>
    %get3A_23 = arith.constant 0 : index
    %get3A_24 = tpu.vector_load %arg15[%get3A_23] {strides = array<i32>} : memref<128xf32, #tpu.memory_space<vmem>>, vector<16xf32>,
    %get3A_25 = vector.shape_cast %get3A_24 : vector<16xf32> to vector<16xf32>
    %get3A_26 = arith.constant 16 : index
    %get3A_27 = tpu.vector_load %arg15[%get3A_26] {strides = array<i32>} : memref<128xf32, #tpu.memory_space<vmem>>, vector<16xf32>,
    %get3A_28 = vector.shape_cast %get3A_27 : vector<16xf32> to vector<16xf32>
    %get3A_29 = arith.constant 32 : index
    %get3A_30 = tpu.vector_load %arg15[%get3A_29] {strides = array<i32>} : memref<128xf32, #tpu.memory_space<vmem>>, vector<16xf32>,
    %get3A_31 = vector.shape_cast %get3A_30 : vector<16xf32> to vector<16xf32>
    %get3A_32 = arith.constant 48 : index
    %get3A_33 = tpu.vector_load %arg15[%get3A_32] {strides = array<i32>} : memref<128xf32, #tpu.memory_space<vmem>>, vector<16xf32>,
    %get3A_34 = vector.shape_cast %get3A_33 : vector<16xf32> to vector<16xf32>
    %get3A_35 = arith.constant 64 : index
    %get3A_36 = tpu.vector_load %arg15[%get3A_35] {strides = array<i32>} : memref<128xf32, #tpu.memory_space<vmem>>, vector<16xf32>,
    %get3A_37 = vector.shape_cast %get3A_36 : vector<16xf32> to vector<16xf32>
    %get3A_38 = arith.constant 80 : index
    %get3A_39 = tpu.vector_load %arg15[%get3A_38] {strides = array<i32>} : memref<128xf32, #tpu.memory_space<vmem>>, vector<16xf32>,
    %get3A_40 = vector.shape_cast %get3A_39 : vector<16xf32> to vector<16xf32>
    %get3A_41 = arith.constant 96 : index
    %get3A_42 = tpu.vector_load %arg15[%get3A_41] {strides = array<i32>} : memref<128xf32, #tpu.memory_space<vmem>>, vector<16xf32>,
    %get3A_43 = vector.shape_cast %get3A_42 : vector<16xf32> to vector<16xf32>
    %get3A_44 = arith.constant 112 : index
    %get3A_45 = tpu.vector_load %arg15[%get3A_44] {strides = array<i32>} : memref<128xf32, #tpu.memory_space<vmem>>, vector<16xf32>,
    %get3A_46 = vector.shape_cast %get3A_45 : vector<16xf32> to vector<16xf32>
    %iota3A = tpu.iota {dimensions = array<i32: 0>} : vector<16xi32>
    %add3A_47 = arith.constant 8 : i32
    %add3A_48 = vector.broadcast %add3A_47 : i32 to vector<16xi32>
    %add3A_49 = arith.addi %iota3A, %add3A_48 : vector<16xi32>
    %and3A = arith.constant 15 : i32
    %and3A_50 = vector.broadcast %and3A : i32 to vector<16xi32>
    %and3A_51 = arith.andi %add3A_49, %and3A_50 : vector<16xi32>
    %and3A_52 = arith.constant 8 : i32
    %and3A_53 = vector.broadcast %and3A_52 : i32 to vector<16xi32>
    %and3A_54 = arith.andi %iota3A, %and3A_53 : vector<16xi32>
    %add3A_55 = arith.constant 4 : i32
    %add3A_56 = vector.broadcast %add3A_55 : i32 to vector<16xi32>
    %add3A_57 = arith.addi %iota3A, %add3A_56 : vector<16xi32>
    %and3A_58 = arith.constant 7 : i32
    %and3A_59 = vector.broadcast %and3A_58 : i32 to vector<16xi32>
    %and3A_60 = arith.andi %add3A_57, %and3A_59 : vector<16xi32>
    %or3A = arith.ori %and3A_54, %and3A_60 : vector<16xi32>
    %and3A_61 = arith.constant 12 : i32
    %and3A_62 = vector.broadcast %and3A_61 : i32 to vector<16xi32>
    %and3A_63 = arith.andi %iota3A, %and3A_62 : vector<16xi32>
    %add3A_64 = arith.constant 2 : i32
    %add3A_65 = vector.broadcast %add3A_64 : i32 to vector<16xi32>
    %add3A_66 = arith.addi %iota3A, %add3A_65 : vector<16xi32>
    %and3A_67 = arith.constant 3 : i32
    %and3A_68 = vector.broadcast %and3A_67 : i32 to vector<16xi32>
    %and3A_69 = arith.andi %add3A_66, %and3A_68 : vector<16xi32>
    %or3A_70 = arith.ori %and3A_63, %and3A_69 : vector<16xi32>
    %and3A_71 = arith.constant 14 : i32
    %and3A_72 = vector.broadcast %and3A_71 : i32 to vector<16xi32>
    %and3A_73 = arith.andi %iota3A, %and3A_72 : vector<16xi32>
    %add3A_74 = arith.constant 1 : i32
    %add3A_75 = vector.broadcast %add3A_74 : i32 to vector<16xi32>
    %add3A_76 = arith.addi %iota3A, %add3A_75 : vector<16xi32>
    %and3A_77 = arith.constant 1 : i32
    %and3A_78 = vector.broadcast %and3A_77 : i32 to vector<16xi32>
    %and3A_79 = arith.andi %add3A_76, %and3A_78 : vector<16xi32>
    %or3A_80 = arith.ori %and3A_73, %and3A_79 : vector<16xi32>
    %and3A_81 = arith.constant 1 : i32
    %and3A_82 = vector.broadcast %and3A_81 : i32 to vector<16xi32>
    %and3A_83 = arith.andi %iota3A, %and3A_82 : vector<16xi32>
    %shift_left3A = arith.constant 3 : i32
    %shift_left3A_84 = vector.broadcast %shift_left3A : i32 to vector<16xi32>
    %shift_left3A_85 = arith.shli %and3A_83, %shift_left3A_84 : vector<16xi32>
    %and3A_86 = arith.constant 2 : i32
    %and3A_87 = vector.broadcast %and3A_86 : i32 to vector<16xi32>
    %and3A_88 = arith.andi %iota3A, %and3A_87 : vector<16xi32>
    %shift_left3A_89 = arith.constant 1 : i32
    %shift_left3A_90 = vector.broadcast %shift_left3A_89 : i32 to vector<16xi32>
    %shift_left3A_91 = arith.shli %and3A_88, %shift_left3A_90 : vector<16xi32>
    %or3A_92 = arith.ori %shift_left3A_85, %shift_left3A_91 : vector<16xi32>
    %and3A_93 = arith.constant 4 : i32
    %and3A_94 = vector.broadcast %and3A_93 : i32 to vector<16xi32>
    %and3A_95 = arith.andi %iota3A, %and3A_94 : vector<16xi32>
    %shift_right_arithmetic3A = arith.constant 1 : i32
    %shift_right_arithmetic3A_96 = vector.broadcast %shift_right_arithmetic3A : i32 to vector<16xi32>
    %shift_right_arithmetic3A_97 = arith.shrsi %and3A_95, %shift_right_arithmetic3A_96 : vector<16xi32>
    %or3A_98 = arith.ori %or3A_92, %shift_right_arithmetic3A_97 : vector<16xi32>
    %and3A_99 = arith.constant 8 : i32
    %and3A_100 = vector.broadcast %and3A_99 : i32 to vector<16xi32>
    %and3A_101 = arith.andi %iota3A, %and3A_100 : vector<16xi32>
    %shift_right_arithmetic3A_102 = arith.constant 3 : i32
    %shift_right_arithmetic3A_103 = vector.broadcast %shift_right_arithmetic3A_102 : i32 to vector<16xi32>
    %shift_right_arithmetic3A_104 = arith.shrsi %and3A_101, %shift_right_arithmetic3A_103 : vector<16xi32>
    %or3A_105 = arith.ori %or3A_98, %shift_right_arithmetic3A_104 : vector<16xi32>
    %lt3A = arith.constant 8 : i32
    %lt3A_106 = vector.broadcast %lt3A : i32 to vector<16xi32>
    %lt3A_107 = arith.cmpi slt, %iota3A, %lt3A_106 : vector<16xi32>
    %and3A_108 = arith.constant 4 : i32
    %and3A_109 = vector.broadcast %and3A_108 : i32 to vector<16xi32>
    %and3A_110 = arith.andi %iota3A, %and3A_109 : vector<16xi32>
    %eq3A = arith.constant 0 : i32
    %eq3A_111 = vector.broadcast %eq3A : i32 to vector<16xi32>
    %eq3A_112 = arith.cmpi eq, %and3A_110, %eq3A_111 : vector<16xi32>
    %and3A_113 = arith.constant 2 : i32
    %and3A_114 = vector.broadcast %and3A_113 : i32 to vector<16xi32>
    %and3A_115 = arith.andi %iota3A, %and3A_114 : vector<16xi32>
    %eq3A_116 = arith.constant 0 : i32
    %eq3A_117 = vector.broadcast %eq3A_116 : i32 to vector<16xi32>
    %eq3A_118 = arith.cmpi eq, %and3A_115, %eq3A_117 : vector<16xi32>
    %and3A_119 = arith.constant 1 : i32
    %and3A_120 = vector.broadcast %and3A_119 : i32 to vector<16xi32>
    %and3A_121 = arith.andi %iota3A, %and3A_120 : vector<16xi32>
    %eq3A_122 = arith.constant 0 : i32
    %eq3A_123 = vector.broadcast %eq3A_122 : i32 to vector<16xi32>
    %eq3A_124 = arith.cmpi eq, %and3A_121, %eq3A_123 : vector<16xi32>
    %dma_start3A_125 = arith.constant 0 : i32
    %dma_start3A_126 = arith.constant 0 : i32
    %dma_start3A_127 = tpu.memref_slice %arg11[%dma_start3A_125, %dma_start3A_126] : memref<128x128xf32, #tpu.memory_space<vmem>> -> memref<64x128xf32, #tpu.memory_space<vmem>>
    %dma_start3A_128 = arith.constant 0 : i32
    %dma_start3A_129 = tpu.memref_slice %arg9[%dma_start3A_128] : memref<512xi32, #tpu.memory_space<vmem>> -> memref<64xi32, #tpu.memory_space<vmem>>
    %dma_start3A_130 = arith.constant 0 : i32
    %dma_start3A_131 = arith.constant 0 : i32
    %dma_start3A_132 = tpu.memref_slice %arg4[%dma_start3A_130, %dma_start3A_131] : memref<100000x128xf32, #tpu.memory_space<hbm>> -> memref<100000x128xf32, #tpu.memory_space<hbm>>
    tpu.enqueue_indirect_dma source(%dma_start3A_132 : memref<100000x128xf32, #tpu.memory_space<hbm>>) target(%dma_start3A_127 : memref<64x128xf32, #tpu.memory_space<vmem>>) offsets(%dma_start3A_129 : memref<64xi32, #tpu.memory_space<vmem>>) semaphore(%arg19 : memref<!tpu.dma_semaphore, #tpu.memory_space<semaphore_mem>>)
    %dma_start3A_133 = arith.constant 0 : i32
    %dma_start3A_134 = arith.constant 0 : i32
    %dma_start3A_135 = tpu.memref_slice %arg13[%dma_start3A_133, %dma_start3A_134] : memref<128x128xf32, #tpu.memory_space<vmem>> -> memref<64x128xf32, #tpu.memory_space<vmem>>
    %dma_start3A_136 = arith.constant 0 : i32
    %dma_start3A_137 = tpu.memref_slice %arg10[%dma_start3A_136] : memref<512xi32, #tpu.memory_space<vmem>> -> memref<64xi32, #tpu.memory_space<vmem>>
    %dma_start3A_138 = arith.constant 0 : i32
    %dma_start3A_139 = arith.constant 0 : i32
    %dma_start3A_140 = tpu.memref_slice %arg5[%dma_start3A_138, %dma_start3A_139] : memref<100000x128xf32, #tpu.memory_space<hbm>> -> memref<100000x128xf32, #tpu.memory_space<hbm>>
    tpu.enqueue_indirect_dma source(%dma_start3A_140 : memref<100000x128xf32, #tpu.memory_space<hbm>>) target(%dma_start3A_135 : memref<64x128xf32, #tpu.memory_space<vmem>>) offsets(%dma_start3A_137 : memref<64xi32, #tpu.memory_space<vmem>>) semaphore(%arg19 : memref<!tpu.dma_semaphore, #tpu.memory_space<semaphore_mem>>)
    %dma_start3A_141 = arith.constant 64 : i32
    %dma_start3A_142 = arith.constant 0 : i32
    %dma_start3A_143 = tpu.memref_slice %arg11[%dma_start3A_141, %dma_start3A_142] : memref<128x128xf32, #tpu.memory_space<vmem>> -> memref<64x128xf32, #tpu.memory_space<vmem>>
    %dma_start3A_144 = arith.constant 64 : i32
    %dma_start3A_145 = tpu.memref_slice %arg9[%dma_start3A_144] : memref<512xi32, #tpu.memory_space<vmem>> -> memref<64xi32, #tpu.memory_space<vmem>>
    %dma_start3A_146 = arith.constant 0 : i32
    %dma_start3A_147 = arith.constant 0 : i32
    %dma_start3A_148 = tpu.memref_slice %arg4[%dma_start3A_146, %dma_start3A_147] : memref<100000x128xf32, #tpu.memory_space<hbm>> -> memref<100000x128xf32, #tpu.memory_space<hbm>>
    tpu.enqueue_indirect_dma source(%dma_start3A_148 : memref<100000x128xf32, #tpu.memory_space<hbm>>) target(%dma_start3A_143 : memref<64x128xf32, #tpu.memory_space<vmem>>) offsets(%dma_start3A_145 : memref<64xi32, #tpu.memory_space<vmem>>) semaphore(%arg19 : memref<!tpu.dma_semaphore, #tpu.memory_space<semaphore_mem>>)
    %dma_start3A_149 = arith.constant 64 : i32
    %dma_start3A_150 = arith.constant 0 : i32
    %dma_start3A_151 = tpu.memref_slice %arg13[%dma_start3A_149, %dma_start3A_150] : memref<128x128xf32, #tpu.memory_space<vmem>> -> memref<64x128xf32, #tpu.memory_space<vmem>>
    %dma_start3A_152 = arith.constant 64 : i32
    %dma_start3A_153 = tpu.memref_slice %arg10[%dma_start3A_152] : memref<512xi32, #tpu.memory_space<vmem>> -> memref<64xi32, #tpu.memory_space<vmem>>
    %dma_start3A_154 = arith.constant 0 : i32
    %dma_start3A_155 = arith.constant 0 : i32
    %dma_start3A_156 = tpu.memref_slice %arg5[%dma_start3A_154, %dma_start3A_155] : memref<100000x128xf32, #tpu.memory_space<hbm>> -> memref<100000x128xf32, #tpu.memory_space<hbm>>
    tpu.enqueue_indirect_dma source(%dma_start3A_156 : memref<100000x128xf32, #tpu.memory_space<hbm>>) target(%dma_start3A_151 : memref<64x128xf32, #tpu.memory_space<vmem>>) offsets(%dma_start3A_153 : memref<64xi32, #tpu.memory_space<vmem>>) semaphore(%arg19 : memref<!tpu.dma_semaphore, #tpu.memory_space<semaphore_mem>>)
    %dma_start3A_157 = arith.constant 0 : i32
    %dma_start3A_158 = arith.constant 0 : i32
    %dma_start3A_159 = tpu.memref_slice %arg12[%dma_start3A_157, %dma_start3A_158] : memref<128x128xf32, #tpu.memory_space<vmem>> -> memref<64x128xf32, #tpu.memory_space<vmem>>
    %dma_start3A_160 = arith.constant 128 : i32
    %dma_start3A_161 = tpu.memref_slice %arg9[%dma_start3A_160] : memref<512xi32, #tpu.memory_space<vmem>> -> memref<64xi32, #tpu.memory_space<vmem>>
    %dma_start3A_162 = arith.constant 0 : i32
    %dma_start3A_163 = arith.constant 0 : i32
    %dma_start3A_164 = tpu.memref_slice %arg4[%dma_start3A_162, %dma_start3A_163] : memref<100000x128xf32, #tpu.memory_space<hbm>> -> memref<100000x128xf32, #tpu.memory_space<hbm>>
    tpu.enqueue_indirect_dma source(%dma_start3A_164 : memref<100000x128xf32, #tpu.memory_space<hbm>>) target(%dma_start3A_159 : memref<64x128xf32, #tpu.memory_space<vmem>>) offsets(%dma_start3A_161 : memref<64xi32, #tpu.memory_space<vmem>>) semaphore(%arg20 : memref<!tpu.dma_semaphore, #tpu.memory_space<semaphore_mem>>)
    %dma_start3A_165 = arith.constant 0 : i32
    %dma_start3A_166 = arith.constant 0 : i32
    %dma_start3A_167 = tpu.memref_slice %arg14[%dma_start3A_165, %dma_start3A_166] : memref<128x128xf32, #tpu.memory_space<vmem>> -> memref<64x128xf32, #tpu.memory_space<vmem>>
    %dma_start3A_168 = arith.constant 128 : i32
    %dma_start3A_169 = tpu.memref_slice %arg10[%dma_start3A_168] : memref<512xi32, #tpu.memory_space<vmem>> -> memref<64xi32, #tpu.memory_space<vmem>>
    %dma_start3A_170 = arith.constant 0 : i32
    %dma_start3A_171 = arith.constant 0 : i32
    %dma_start3A_172 = tpu.memref_slice %arg5[%dma_start3A_170, %dma_start3A_171] : memref<100000x128xf32, #tpu.memory_space<hbm>> -> memref<100000x128xf32, #tpu.memory_space<hbm>>
    tpu.enqueue_indirect_dma source(%dma_start3A_172 : memref<100000x128xf32, #tpu.memory_space<hbm>>) target(%dma_start3A_167 : memref<64x128xf32, #tpu.memory_space<vmem>>) offsets(%dma_start3A_169 : memref<64xi32, #tpu.memory_space<vmem>>) semaphore(%arg20 : memref<!tpu.dma_semaphore, #tpu.memory_space<semaphore_mem>>)
    %dma_start3A_173 = arith.constant 64 : i32
    %dma_start3A_174 = arith.constant 0 : i32
    %dma_start3A_175 = tpu.memref_slice %arg12[%dma_start3A_173, %dma_start3A_174] : memref<128x128xf32, #tpu.memory_space<vmem>> -> memref<64x128xf32, #tpu.memory_space<vmem>>
    %dma_start3A_176 = arith.constant 192 : i32
    %dma_start3A_177 = tpu.memref_slice %arg9[%dma_start3A_176] : memref<512xi32, #tpu.memory_space<vmem>> -> memref<64xi32, #tpu.memory_space<vmem>>
    %dma_start3A_178 = arith.constant 0 : i32
    %dma_start3A_179 = arith.constant 0 : i32
    %dma_start3A_180 = tpu.memref_slice %arg4[%dma_start3A_178, %dma_start3A_179] : memref<100000x128xf32, #tpu.memory_space<hbm>> -> memref<100000x128xf32, #tpu.memory_space<hbm>>
    tpu.enqueue_indirect_dma source(%dma_start3A_180 : memref<100000x128xf32, #tpu.memory_space<hbm>>) target(%dma_start3A_175 : memref<64x128xf32, #tpu.memory_space<vmem>>) offsets(%dma_start3A_177 : memref<64xi32, #tpu.memory_space<vmem>>) semaphore(%arg20 : memref<!tpu.dma_semaphore, #tpu.memory_space<semaphore_mem>>)
    %dma_start3A_181 = arith.constant 64 : i32
    %dma_start3A_182 = arith.constant 0 : i32
    %dma_start3A_183 = tpu.memref_slice %arg14[%dma_start3A_181, %dma_start3A_182] : memref<128x128xf32, #tpu.memory_space<vmem>> -> memref<64x128xf32, #tpu.memory_space<vmem>>
    %dma_start3A_184 = arith.constant 192 : i32
    %dma_start3A_185 = tpu.memref_slice %arg10[%dma_start3A_184] : memref<512xi32, #tpu.memory_space<vmem>> -> memref<64xi32, #tpu.memory_space<vmem>>
    %dma_start3A_186 = arith.constant 0 : i32
    %dma_start3A_187 = arith.constant 0 : i32
    %dma_start3A_188 = tpu.memref_slice %arg5[%dma_start3A_186, %dma_start3A_187] : memref<100000x128xf32, #tpu.memory_space<hbm>> -> memref<100000x128xf32, #tpu.memory_space<hbm>>
    tpu.enqueue_indirect_dma source(%dma_start3A_188 : memref<100000x128xf32, #tpu.memory_space<hbm>>) target(%dma_start3A_183 : memref<64x128xf32, #tpu.memory_space<vmem>>) offsets(%dma_start3A_185 : memref<64xi32, #tpu.memory_space<vmem>>) semaphore(%arg20 : memref<!tpu.dma_semaphore, #tpu.memory_space<semaphore_mem>>)
    %dma_wait3A_189 = arith.constant 0 : i32
    %dma_wait3A_190 = arith.constant 0 : i32
    %dma_wait3A_191 = tpu.memref_slice %arg11[%dma_wait3A_189, %dma_wait3A_190] : memref<128x128xf32, #tpu.memory_space<vmem>> -> memref<64x128xf32, #tpu.memory_space<vmem>>
    %dma_wait3A_192 = arith.constant 0 : i32
    %dma_wait3A_193 = tpu.memref_slice %arg9[%dma_wait3A_192] : memref<512xi32, #tpu.memory_space<vmem>> -> memref<64xi32, #tpu.memory_space<vmem>>
    %dma_wait3A_194 = arith.constant 0 : i32
    %dma_wait3A_195 = arith.constant 0 : i32
    %dma_wait3A_196 = tpu.memref_slice %arg4[%dma_wait3A_194, %dma_wait3A_195] : memref<100000x128xf32, #tpu.memory_space<hbm>> -> memref<100000x128xf32, #tpu.memory_space<hbm>>
    tpu.wait_indirect_dma semaphore(%arg19 : memref<!tpu.dma_semaphore, #tpu.memory_space<semaphore_mem>>) src(%dma_wait3A_196 : memref<100000x128xf32, #tpu.memory_space<hbm>>) dst(%dma_wait3A_191 : memref<64x128xf32, #tpu.memory_space<vmem>>)
    %dma_wait3A_197 = arith.constant 0 : i32
    %dma_wait3A_198 = arith.constant 0 : i32
    %dma_wait3A_199 = tpu.memref_slice %arg13[%dma_wait3A_197, %dma_wait3A_198] : memref<128x128xf32, #tpu.memory_space<vmem>> -> memref<64x128xf32, #tpu.memory_space<vmem>>
    %dma_wait3A_200 = arith.constant 0 : i32
    %dma_wait3A_201 = tpu.memref_slice %arg10[%dma_wait3A_200] : memref<512xi32, #tpu.memory_space<vmem>> -> memref<64xi32, #tpu.memory_space<vmem>>
    %dma_wait3A_202 = arith.constant 0 : i32
    %dma_wait3A_203 = arith.constant 0 : i32
    %dma_wait3A_204 = tpu.memref_slice %arg5[%dma_wait3A_202, %dma_wait3A_203] : memref<100000x128xf32, #tpu.memory_space<hbm>> -> memref<100000x128xf32, #tpu.memory_space<hbm>>
    tpu.wait_indirect_dma semaphore(%arg19 : memref<!tpu.dma_semaphore, #tpu.memory_space<semaphore_mem>>) src(%dma_wait3A_204 : memref<100000x128xf32, #tpu.memory_space<hbm>>) dst(%dma_wait3A_199 : memref<64x128xf32, #tpu.memory_space<vmem>>)
    %dma_wait3A_205 = arith.constant 64 : i32
    %dma_wait3A_206 = arith.constant 0 : i32
    %dma_wait3A_207 = tpu.memref_slice %arg11[%dma_wait3A_205, %dma_wait3A_206] : memref<128x128xf32, #tpu.memory_space<vmem>> -> memref<64x128xf32, #tpu.memory_space<vmem>>
    %dma_wait3A_208 = arith.constant 64 : i32
    %dma_wait3A_209 = tpu.memref_slice %arg9[%dma_wait3A_208] : memref<512xi32, #tpu.memory_space<vmem>> -> memref<64xi32, #tpu.memory_space<vmem>>
    %dma_wait3A_210 = arith.constant 0 : i32
    %dma_wait3A_211 = arith.constant 0 : i32
    %dma_wait3A_212 = tpu.memref_slice %arg4[%dma_wait3A_210, %dma_wait3A_211] : memref<100000x128xf32, #tpu.memory_space<hbm>> -> memref<100000x128xf32, #tpu.memory_space<hbm>>
    tpu.wait_indirect_dma semaphore(%arg19 : memref<!tpu.dma_semaphore, #tpu.memory_space<semaphore_mem>>) src(%dma_wait3A_212 : memref<100000x128xf32, #tpu.memory_space<hbm>>) dst(%dma_wait3A_207 : memref<64x128xf32, #tpu.memory_space<vmem>>)
    %dma_wait3A_213 = arith.constant 64 : i32
    %dma_wait3A_214 = arith.constant 0 : i32
    %dma_wait3A_215 = tpu.memref_slice %arg13[%dma_wait3A_213, %dma_wait3A_214] : memref<128x128xf32, #tpu.memory_space<vmem>> -> memref<64x128xf32, #tpu.memory_space<vmem>>
    %dma_wait3A_216 = arith.constant 64 : i32
    %dma_wait3A_217 = tpu.memref_slice %arg10[%dma_wait3A_216] : memref<512xi32, #tpu.memory_space<vmem>> -> memref<64xi32, #tpu.memory_space<vmem>>
    %dma_wait3A_218 = arith.constant 0 : i32
    %dma_wait3A_219 = arith.constant 0 : i32
    %dma_wait3A_220 = tpu.memref_slice %arg5[%dma_wait3A_218, %dma_wait3A_219] : memref<100000x128xf32, #tpu.memory_space<hbm>> -> memref<100000x128xf32, #tpu.memory_space<hbm>>
    tpu.wait_indirect_dma semaphore(%arg19 : memref<!tpu.dma_semaphore, #tpu.memory_space<semaphore_mem>>) src(%dma_wait3A_220 : memref<100000x128xf32, #tpu.memory_space<hbm>>) dst(%dma_wait3A_215 : memref<64x128xf32, #tpu.memory_space<vmem>>)
    %scan3A = arith.constant 0 : i32
    %scan3A_221 = arith.constant 0 : i32
    %scan3A_222 = arith.constant 32 : i32
    %scan3A_223 = arith.addi %scan3A_221, %scan3A_222 : i32
    %scan3A_224 = arith.constant 1 : i32
    scf.for %scan3A_428 = %scan3A_221 to %scan3A_223 step %scan3A_224  : i32 {
      %mul3A_429 = arith.constant 4 : i32
      %mul3A_430 = arith.muli %mul3A_429, %scan3A_428 : i32
      %get3A_431 = arith.index_cast %mul3A_430 : i32 to index
      %get3A_432 = arith.constant 0 : index
      %get3A_433 = tpu.vector_load %arg11[%get3A_431, %get3A_432] {strides = array<i32>} : memref<128x128xf32, #tpu.memory_space<vmem>>, vector<1x16xf32>,
      %get3A_434 = vector.shape_cast %get3A_433 : vector<1x16xf32> to vector<16xf32>
      %get3A_435 = arith.index_cast %mul3A_430 : i32 to index
      %get3A_436 = arith.constant 0 : index
      %get3A_437 = tpu.vector_load %arg13[%get3A_435, %get3A_436] {strides = array<i32>} : memref<128x128xf32, #tpu.memory_space<vmem>>, vector<1x16xf32>,
      %get3A_438 = vector.shape_cast %get3A_437 : vector<1x16xf32> to vector<16xf32>
      %mul3A_439 = arith.mulf %get3A_434, %get3A_438 : vector<16xf32>
      %mul3A_440 = arith.mulf %mul3A_439, %get3A_25 : vector<16xf32>
      %add3A_441 = arith.addf %get3A_22, %mul3A_440 : vector<16xf32>
      %get3A_442 = arith.index_cast %mul3A_430 : i32 to index
      %get3A_443 = arith.constant 16 : index
      %get3A_444 = tpu.vector_load %arg11[%get3A_442, %get3A_443] {strides = array<i32>} : memref<128x128xf32, #tpu.memory_space<vmem>>, vector<1x16xf32>,
      %get3A_445 = vector.shape_cast %get3A_444 : vector<1x16xf32> to vector<16xf32>
      %get3A_446 = arith.index_cast %mul3A_430 : i32 to index
      %get3A_447 = arith.constant 16 : index
      %get3A_448 = tpu.vector_load %arg13[%get3A_446, %get3A_447] {strides = array<i32>} : memref<128x128xf32, #tpu.memory_space<vmem>>, vector<1x16xf32>,
      %get3A_449 = vector.shape_cast %get3A_448 : vector<1x16xf32> to vector<16xf32>
      %mul3A_450 = arith.mulf %get3A_445, %get3A_449 : vector<16xf32>
      %mul3A_451 = arith.mulf %mul3A_450, %get3A_28 : vector<16xf32>
      %add3A_452 = arith.addf %add3A_441, %mul3A_451 : vector<16xf32>
      %get3A_453 = arith.index_cast %mul3A_430 : i32 to index
      %get3A_454 = arith.constant 32 : index
      %get3A_455 = tpu.vector_load %arg11[%get3A_453, %get3A_454] {strides = array<i32>} : memref<128x128xf32, #tpu.memory_space<vmem>>, vector<1x16xf32>,
      %get3A_456 = vector.shape_cast %get3A_455 : vector<1x16xf32> to vector<16xf32>
      %get3A_457 = arith.index_cast %mul3A_430 : i32 to index
      %get3A_458 = arith.constant 32 : index
      %get3A_459 = tpu.vector_load %arg13[%get3A_457, %get3A_458] {strides = array<i32>} : memref<128x128xf32, #tpu.memory_space<vmem>>, vector<1x16xf32>,
      %get3A_460 = vector.shape_cast %get3A_459 : vector<1x16xf32> to vector<16xf32>
      %mul3A_461 = arith.mulf %get3A_456, %get3A_460 : vector<16xf32>
      %mul3A_462 = arith.mulf %mul3A_461, %get3A_31 : vector<16xf32>
      %add3A_463 = arith.addf %add3A_452, %mul3A_462 : vector<16xf32>
      %get3A_464 = arith.index_cast %mul3A_430 : i32 to index
      %get3A_465 = arith.constant 48 : index
      %get3A_466 = tpu.vector_load %arg11[%get3A_464, %get3A_465] {strides = array<i32>} : memref<128x128xf32, #tpu.memory_space<vmem>>, vector<1x16xf32>,
      %get3A_467 = vector.shape_cast %get3A_466 : vector<1x16xf32> to vector<16xf32>
      %get3A_468 = arith.index_cast %mul3A_430 : i32 to index
      %get3A_469 = arith.constant 48 : index
      %get3A_470 = tpu.vector_load %arg13[%get3A_468, %get3A_469] {strides = array<i32>} : memref<128x128xf32, #tpu.memory_space<vmem>>, vector<1x16xf32>,
      %get3A_471 = vector.shape_cast %get3A_470 : vector<1x16xf32> to vector<16xf32>
      %mul3A_472 = arith.mulf %get3A_467, %get3A_471 : vector<16xf32>
      %mul3A_473 = arith.mulf %mul3A_472, %get3A_34 : vector<16xf32>
      %add3A_474 = arith.addf %add3A_463, %mul3A_473 : vector<16xf32>
      %get3A_475 = arith.index_cast %mul3A_430 : i32 to index
      %get3A_476 = arith.constant 64 : index
      %get3A_477 = tpu.vector_load %arg11[%get3A_475, %get3A_476] {strides = array<i32>} : memref<128x128xf32, #tpu.memory_space<vmem>>, vector<1x16xf32>,
      %get3A_478 = vector.shape_cast %get3A_477 : vector<1x16xf32> to vector<16xf32>
      %get3A_479 = arith.index_cast %mul3A_430 : i32 to index
      %get3A_480 = arith.constant 64 : index
      %get3A_481 = tpu.vector_load %arg13[%get3A_479, %get3A_480] {strides = array<i32>} : memref<128x128xf32, #tpu.memory_space<vmem>>, vector<1x16xf32>,
      %get3A_482 = vector.shape_cast %get3A_481 : vector<1x16xf32> to vector<16xf32>
      %mul3A_483 = arith.mulf %get3A_478, %get3A_482 : vector<16xf32>
      %mul3A_484 = arith.mulf %mul3A_483, %get3A_37 : vector<16xf32>
      %add3A_485 = arith.addf %add3A_474, %mul3A_484 : vector<16xf32>
      %get3A_486 = arith.index_cast %mul3A_430 : i32 to index
      %get3A_487 = arith.constant 80 : index
      %get3A_488 = tpu.vector_load %arg11[%get3A_486, %get3A_487] {strides = array<i32>} : memref<128x128xf32, #tpu.memory_space<vmem>>, vector<1x16xf32>,
      %get3A_489 = vector.shape_cast %get3A_488 : vector<1x16xf32> to vector<16xf32>
      %get3A_490 = arith.index_cast %mul3A_430 : i32 to index
      %get3A_491 = arith.constant 80 : index
      %get3A_492 = tpu.vector_load %arg13[%get3A_490, %get3A_491] {strides = array<i32>} : memref<128x128xf32, #tpu.memory_space<vmem>>, vector<1x16xf32>,
      %get3A_493 = vector.shape_cast %get3A_492 : vector<1x16xf32> to vector<16xf32>
      %mul3A_494 = arith.mulf %get3A_489, %get3A_493 : vector<16xf32>
      %mul3A_495 = arith.mulf %mul3A_494, %get3A_40 : vector<16xf32>
      %add3A_496 = arith.addf %add3A_485, %mul3A_495 : vector<16xf32>
      %get3A_497 = arith.index_cast %mul3A_430 : i32 to index
      %get3A_498 = arith.constant 96 : index
      %get3A_499 = tpu.vector_load %arg11[%get3A_497, %get3A_498] {strides = array<i32>} : memref<128x128xf32, #tpu.memory_space<vmem>>, vector<1x16xf32>,
      %get3A_500 = vector.shape_cast %get3A_499 : vector<1x16xf32> to vector<16xf32>
      %get3A_501 = arith.index_cast %mul3A_430 : i32 to index
      %get3A_502 = arith.constant 96 : index
      %get3A_503 = tpu.vector_load %arg13[%get3A_501, %get3A_502] {strides = array<i32>} : memref<128x128xf32, #tpu.memory_space<vmem>>, vector<1x16xf32>,
      %get3A_504 = vector.shape_cast %get3A_503 : vector<1x16xf32> to vector<16xf32>
      %mul3A_505 = arith.mulf %get3A_500, %get3A_504 : vector<16xf32>
      %mul3A_506 = arith.mulf %mul3A_505, %get3A_43 : vector<16xf32>
      %add3A_507 = arith.addf %add3A_496, %mul3A_506 : vector<16xf32>
      %get3A_508 = arith.index_cast %mul3A_430 : i32 to index
      %get3A_509 = arith.constant 112 : index
      %get3A_510 = tpu.vector_load %arg11[%get3A_508, %get3A_509] {strides = array<i32>} : memref<128x128xf32, #tpu.memory_space<vmem>>, vector<1x16xf32>,
      %get3A_511 = vector.shape_cast %get3A_510 : vector<1x16xf32> to vector<16xf32>
      %get3A_512 = arith.index_cast %mul3A_430 : i32 to index
      %get3A_513 = arith.constant 112 : index
      %get3A_514 = tpu.vector_load %arg13[%get3A_512, %get3A_513] {strides = array<i32>} : memref<128x128xf32, #tpu.memory_space<vmem>>, vector<1x16xf32>,
      %get3A_515 = vector.shape_cast %get3A_514 : vector<1x16xf32> to vector<16xf32>
      %mul3A_516 = arith.mulf %get3A_511, %get3A_515 : vector<16xf32>
      %mul3A_517 = arith.mulf %mul3A_516, %get3A_46 : vector<16xf32>
      %add3A_518 = arith.addf %add3A_507, %mul3A_517 : vector<16xf32>
      %mul3A_519 = arith.constant 4 : i32
      %mul3A_520 = arith.muli %mul3A_519, %scan3A_428 : i32
      %add3A_521 = arith.constant 1 : i32
      %add3A_522 = arith.addi %mul3A_520, %add3A_521 : i32
      %get3A_523 = arith.index_cast %add3A_522 : i32 to index
      %get3A_524 = arith.constant 0 : index
      %get3A_525 = tpu.vector_load %arg11[%get3A_523, %get3A_524] {strides = array<i32>} : memref<128x128xf32, #tpu.memory_space<vmem>>, vector<1x16xf32>,
      %get3A_526 = vector.shape_cast %get3A_525 : vector<1x16xf32> to vector<16xf32>
      %get3A_527 = arith.index_cast %add3A_522 : i32 to index
      %get3A_528 = arith.constant 0 : index
      %get3A_529 = tpu.vector_load %arg13[%get3A_527, %get3A_528] {strides = array<i32>} : memref<128x128xf32, #tpu.memory_space<vmem>>, vector<1x16xf32>,
      %get3A_530 = vector.shape_cast %get3A_529 : vector<1x16xf32> to vector<16xf32>
      %mul3A_531 = arith.mulf %get3A_526, %get3A_530 : vector<16xf32>
      %mul3A_532 = arith.mulf %mul3A_531, %get3A_25 : vector<16xf32>
      %add3A_533 = arith.addf %get3A_22, %mul3A_532 : vector<16xf32>
      %get3A_534 = arith.index_cast %add3A_522 : i32 to index
      %get3A_535 = arith.constant 16 : index
      %get3A_536 = tpu.vector_load %arg11[%get3A_534, %get3A_535] {strides = array<i32>} : memref<128x128xf32, #tpu.memory_space<vmem>>, vector<1x16xf32>,
      %get3A_537 = vector.shape_cast %get3A_536 : vector<1x16xf32> to vector<16xf32>
      %get3A_538 = arith.index_cast %add3A_522 : i32 to index
      %get3A_539 = arith.constant 16 : index
      %get3A_540 = tpu.vector_load %arg13[%get3A_538, %get3A_539] {strides = array<i32>} : memref<128x128xf32, #tpu.memory_space<vmem>>, vector<1x16xf32>,
      %get3A_541 = vector.shape_cast %get3A_540 : vector<1x16xf32> to vector<16xf32>
      %mul3A_542 = arith.mulf %get3A_537, %get3A_541 : vector<16xf32>
      %mul3A_543 = arith.mulf %mul3A_542, %get3A_28 : vector<16xf32>
      %add3A_544 = arith.addf %add3A_533, %mul3A_543 : vector<16xf32>
      %get3A_545 = arith.index_cast %add3A_522 : i32 to index
      %get3A_546 = arith.constant 32 : index
      %get3A_547 = tpu.vector_load %arg11[%get3A_545, %get3A_546] {strides = array<i32>} : memref<128x128xf32, #tpu.memory_space<vmem>>, vector<1x16xf32>,
      %get3A_548 = vector.shape_cast %get3A_547 : vector<1x16xf32> to vector<16xf32>
      %get3A_549 = arith.index_cast %add3A_522 : i32 to index
      %get3A_550 = arith.constant 32 : index
      %get3A_551 = tpu.vector_load %arg13[%get3A_549, %get3A_550] {strides = array<i32>} : memref<128x128xf32, #tpu.memory_space<vmem>>, vector<1x16xf32>,
      %get3A_552 = vector.shape_cast %get3A_551 : vector<1x16xf32> to vector<16xf32>
      %mul3A_553 = arith.mulf %get3A_548, %get3A_552 : vector<16xf32>
      %mul3A_554 = arith.mulf %mul3A_553, %get3A_31 : vector<16xf32>
      %add3A_555 = arith.addf %add3A_544, %mul3A_554 : vector<16xf32>
      %get3A_556 = arith.index_cast %add3A_522 : i32 to index
      %get3A_557 = arith.constant 48 : index
      %get3A_558 = tpu.vector_load %arg11[%get3A_556, %get3A_557] {strides = array<i32>} : memref<128x128xf32, #tpu.memory_space<vmem>>, vector<1x16xf32>,
      %get3A_559 = vector.shape_cast %get3A_558 : vector<1x16xf32> to vector<16xf32>
      %get3A_560 = arith.index_cast %add3A_522 : i32 to index
      %get3A_561 = arith.constant 48 : index
      %get3A_562 = tpu.vector_load %arg13[%get3A_560, %get3A_561] {strides = array<i32>} : memref<128x128xf32, #tpu.memory_space<vmem>>, vector<1x16xf32>,
      %get3A_563 = vector.shape_cast %get3A_562 : vector<1x16xf32> to vector<16xf32>
      %mul3A_564 = arith.mulf %get3A_559, %get3A_563 : vector<16xf32>
      %mul3A_565 = arith.mulf %mul3A_564, %get3A_34 : vector<16xf32>
      %add3A_566 = arith.addf %add3A_555, %mul3A_565 : vector<16xf32>
      %get3A_567 = arith.index_cast %add3A_522 : i32 to index
      %get3A_568 = arith.constant 64 : index
      %get3A_569 = tpu.vector_load %arg11[%get3A_567, %get3A_568] {strides = array<i32>} : memref<128x128xf32, #tpu.memory_space<vmem>>, vector<1x16xf32>,
      %get3A_570 = vector.shape_cast %get3A_569 : vector<1x16xf32> to vector<16xf32>
      %get3A_571 = arith.index_cast %add3A_522 : i32 to index
      %get3A_572 = arith.constant 64 : index
      %get3A_573 = tpu.vector_load %arg13[%get3A_571, %get3A_572] {strides = array<i32>} : memref<128x128xf32, #tpu.memory_space<vmem>>, vector<1x16xf32>,
      %get3A_574 = vector.shape_cast %get3A_573 : vector<1x16xf32> to vector<16xf32>
      %mul3A_575 = arith.mulf %get3A_570, %get3A_574 : vector<16xf32>
      %mul3A_576 = arith.mulf %mul3A_575, %get3A_37 : vector<16xf32>
      %add3A_577 = arith.addf %add3A_566, %mul3A_576 : vector<16xf32>
      %get3A_578 = arith.index_cast %add3A_522 : i32 to index
      %get3A_579 = arith.constant 80 : index
      %get3A_580 = tpu.vector_load %arg11[%get3A_578, %get3A_579] {strides = array<i32>} : memref<128x128xf32, #tpu.memory_space<vmem>>, vector<1x16xf32>,
      %get3A_581 = vector.shape_cast %get3A_580 : vector<1x16xf32> to vector<16xf32>
      %get3A_582 = arith.index_cast %add3A_522 : i32 to index
      %get3A_583 = arith.constant 80 : index
      %get3A_584 = tpu.vector_load %arg13[%get3A_582, %get3A_583] {strides = array<i32>} : memref<128x128xf32, #tpu.memory_space<vmem>>, vector<1x16xf32>,
      %get3A_585 = vector.shape_cast %get3A_584 : vector<1x16xf32> to vector<16xf32>
      %mul3A_586 = arith.mulf %get3A_581, %get3A_585 : vector<16xf32>
      %mul3A_587 = arith.mulf %mul3A_586, %get3A_40 : vector<16xf32>
      %add3A_588 = arith.addf %add3A_577, %mul3A_587 : vector<16xf32>
      %get3A_589 = arith.index_cast %add3A_522 : i32 to index
      %get3A_590 = arith.constant 96 : index
      %get3A_591 = tpu.vector_load %arg11[%get3A_589, %get3A_590] {strides = array<i32>} : memref<128x128xf32, #tpu.memory_space<vmem>>, vector<1x16xf32>,
      %get3A_592 = vector.shape_cast %get3A_591 : vector<1x16xf32> to vector<16xf32>
      %get3A_593 = arith.index_cast %add3A_522 : i32 to index
      %get3A_594 = arith.constant 96 : index
      %get3A_595 = tpu.vector_load %arg13[%get3A_593, %get3A_594] {strides = array<i32>} : memref<128x128xf32, #tpu.memory_space<vmem>>, vector<1x16xf32>,
      %get3A_596 = vector.shape_cast %get3A_595 : vector<1x16xf32> to vector<16xf32>
      %mul3A_597 = arith.mulf %get3A_592, %get3A_596 : vector<16xf32>
      %mul3A_598 = arith.mulf %mul3A_597, %get3A_43 : vector<16xf32>
      %add3A_599 = arith.addf %add3A_588, %mul3A_598 : vector<16xf32>
      %get3A_600 = arith.index_cast %add3A_522 : i32 to index
      %get3A_601 = arith.constant 112 : index
      %get3A_602 = tpu.vector_load %arg11[%get3A_600, %get3A_601] {strides = array<i32>} : memref<128x128xf32, #tpu.memory_space<vmem>>, vector<1x16xf32>,
      %get3A_603 = vector.shape_cast %get3A_602 : vector<1x16xf32> to vector<16xf32>
      %get3A_604 = arith.index_cast %add3A_522 : i32 to index
      %get3A_605 = arith.constant 112 : index
      %get3A_606 = tpu.vector_load %arg13[%get3A_604, %get3A_605] {strides = array<i32>} : memref<128x128xf32, #tpu.memory_space<vmem>>, vector<1x16xf32>,
      %get3A_607 = vector.shape_cast %get3A_606 : vector<1x16xf32> to vector<16xf32>
      %mul3A_608 = arith.mulf %get3A_603, %get3A_607 : vector<16xf32>
      %mul3A_609 = arith.mulf %mul3A_608, %get3A_46 : vector<16xf32>
      %add3A_610 = arith.addf %add3A_599, %mul3A_609 : vector<16xf32>
      %mul3A_611 = arith.constant 4 : i32
      %mul3A_612 = arith.muli %mul3A_611, %scan3A_428 : i32
      %add3A_613 = arith.constant 2 : i32
      %add3A_614 = arith.addi %mul3A_612, %add3A_613 : i32
      %get3A_615 = arith.index_cast %add3A_614 : i32 to index
      %get3A_616 = arith.constant 0 : index
      %get3A_617 = tpu.vector_load %arg11[%get3A_615, %get3A_616] {strides = array<i32>} : memref<128x128xf32, #tpu.memory_space<vmem>>, vector<1x16xf32>,
      %get3A_618 = vector.shape_cast %get3A_617 : vector<1x16xf32> to vector<16xf32>
      %get3A_619 = arith.index_cast %add3A_614 : i32 to index
      %get3A_620 = arith.constant 0 : index
      %get3A_621 = tpu.vector_load %arg13[%get3A_619, %get3A_620] {strides = array<i32>} : memref<128x128xf32, #tpu.memory_space<vmem>>, vector<1x16xf32>,
      %get3A_622 = vector.shape_cast %get3A_621 : vector<1x16xf32> to vector<16xf32>
      %mul3A_623 = arith.mulf %get3A_618, %get3A_622 : vector<16xf32>
      %mul3A_624 = arith.mulf %mul3A_623, %get3A_25 : vector<16xf32>
      %add3A_625 = arith.addf %get3A_22, %mul3A_624 : vector<16xf32>
      %get3A_626 = arith.index_cast %add3A_614 : i32 to index
      %get3A_627 = arith.constant 16 : index
      %get3A_628 = tpu.vector_load %arg11[%get3A_626, %get3A_627] {strides = array<i32>} : memref<128x128xf32, #tpu.memory_space<vmem>>, vector<1x16xf32>,
      %get3A_629 = vector.shape_cast %get3A_628 : vector<1x16xf32> to vector<16xf32>
      %get3A_630 = arith.index_cast %add3A_614 : i32 to index
      %get3A_631 = arith.constant 16 : index
      %get3A_632 = tpu.vector_load %arg13[%get3A_630, %get3A_631] {strides = array<i32>} : memref<128x128xf32, #tpu.memory_space<vmem>>, vector<1x16xf32>,
      %get3A_633 = vector.shape_cast %get3A_632 : vector<1x16xf32> to vector<16xf32>
      %mul3A_634 = arith.mulf %get3A_629, %get3A_633 : vector<16xf32>
      %mul3A_635 = arith.mulf %mul3A_634, %get3A_28 : vector<16xf32>
      %add3A_636 = arith.addf %add3A_625, %mul3A_635 : vector<16xf32>
      %get3A_637 = arith.index_cast %add3A_614 : i32 to index
      %get3A_638 = arith.constant 32 : index
      %get3A_639 = tpu.vector_load %arg11[%get3A_637, %get3A_638] {strides = array<i32>} : memref<128x128xf32, #tpu.memory_space<vmem>>, vector<1x16xf32>,
      %get3A_640 = vector.shape_cast %get3A_639 : vector<1x16xf32> to vector<16xf32>
      %get3A_641 = arith.index_cast %add3A_614 : i32 to index
      %get3A_642 = arith.constant 32 : index
      %get3A_643 = tpu.vector_load %arg13[%get3A_641, %get3A_642] {strides = array<i32>} : memref<128x128xf32, #tpu.memory_space<vmem>>, vector<1x16xf32>,
      %get3A_644 = vector.shape_cast %get3A_643 : vector<1x16xf32> to vector<16xf32>
      %mul3A_645 = arith.mulf %get3A_640, %get3A_644 : vector<16xf32>
      %mul3A_646 = arith.mulf %mul3A_645, %get3A_31 : vector<16xf32>
      %add3A_647 = arith.addf %add3A_636, %mul3A_646 : vector<16xf32>
      %get3A_648 = arith.index_cast %add3A_614 : i32 to index
      %get3A_649 = arith.constant 48 : index
      %get3A_650 = tpu.vector_load %arg11[%get3A_648, %get3A_649] {strides = array<i32>} : memref<128x128xf32, #tpu.memory_space<vmem>>, vector<1x16xf32>,
      %get3A_651 = vector.shape_cast %get3A_650 : vector<1x16xf32> to vector<16xf32>
      %get3A_652 = arith.index_cast %add3A_614 : i32 to index
      %get3A_653 = arith.constant 48 : index
      %get3A_654 = tpu.vector_load %arg13[%get3A_652, %get3A_653] {strides = array<i32>} : memref<128x128xf32, #tpu.memory_space<vmem>>, vector<1x16xf32>,
      %get3A_655 = vector.shape_cast %get3A_654 : vector<1x16xf32> to vector<16xf32>
      %mul3A_656 = arith.mulf %get3A_651, %get3A_655 : vector<16xf32>
      %mul3A_657 = arith.mulf %mul3A_656, %get3A_34 : vector<16xf32>
      %add3A_658 = arith.addf %add3A_647, %mul3A_657 : vector<16xf32>
      %get3A_659 = arith.index_cast %add3A_614 : i32 to index
      %get3A_660 = arith.constant 64 : index
      %get3A_661 = tpu.vector_load %arg11[%get3A_659, %get3A_660] {strides = array<i32>} : memref<128x128xf32, #tpu.memory_space<vmem>>, vector<1x16xf32>,
      %get3A_662 = vector.shape_cast %get3A_661 : vector<1x16xf32> to vector<16xf32>
      %get3A_663 = arith.index_cast %add3A_614 : i32 to index
      %get3A_664 = arith.constant 64 : index
      %get3A_665 = tpu.vector_load %arg13[%get3A_663, %get3A_664] {strides = array<i32>} : memref<128x128xf32, #tpu.memory_space<vmem>>, vector<1x16xf32>,
      %get3A_666 = vector.shape_cast %get3A_665 : vector<1x16xf32> to vector<16xf32>
      %mul3A_667 = arith.mulf %get3A_662, %get3A_666 : vector<16xf32>
      %mul3A_668 = arith.mulf %mul3A_667, %get3A_37 : vector<16xf32>
      %add3A_669 = arith.addf %add3A_658, %mul3A_668 : vector<16xf32>
      %get3A_670 = arith.index_cast %add3A_614 : i32 to index
      %get3A_671 = arith.constant 80 : index
      %get3A_672 = tpu.vector_load %arg11[%get3A_670, %get3A_671] {strides = array<i32>} : memref<128x128xf32, #tpu.memory_space<vmem>>, vector<1x16xf32>,
      %get3A_673 = vector.shape_cast %get3A_672 : vector<1x16xf32> to vector<16xf32>
      %get3A_674 = arith.index_cast %add3A_614 : i32 to index
      %get3A_675 = arith.constant 80 : index
      %get3A_676 = tpu.vector_load %arg13[%get3A_674, %get3A_675] {strides = array<i32>} : memref<128x128xf32, #tpu.memory_space<vmem>>, vector<1x16xf32>,
      %get3A_677 = vector.shape_cast %get3A_676 : vector<1x16xf32> to vector<16xf32>
      %mul3A_678 = arith.mulf %get3A_673, %get3A_677 : vector<16xf32>
      %mul3A_679 = arith.mulf %mul3A_678, %get3A_40 : vector<16xf32>
      %add3A_680 = arith.addf %add3A_669, %mul3A_679 : vector<16xf32>
      %get3A_681 = arith.index_cast %add3A_614 : i32 to index
      %get3A_682 = arith.constant 96 : index
      %get3A_683 = tpu.vector_load %arg11[%get3A_681, %get3A_682] {strides = array<i32>} : memref<128x128xf32, #tpu.memory_space<vmem>>, vector<1x16xf32>,
      %get3A_684 = vector.shape_cast %get3A_683 : vector<1x16xf32> to vector<16xf32>
      %get3A_685 = arith.index_cast %add3A_614 : i32 to index
      %get3A_686 = arith.constant 96 : index
      %get3A_687 = tpu.vector_load %arg13[%get3A_685, %get3A_686] {strides = array<i32>} : memref<128x128xf32, #tpu.memory_space<vmem>>, vector<1x16xf32>,
      %get3A_688 = vector.shape_cast %get3A_687 : vector<1x16xf32> to vector<16xf32>
      %mul3A_689 = arith.mulf %get3A_684, %get3A_688 : vector<16xf32>
      %mul3A_690 = arith.mulf %mul3A_689, %get3A_43 : vector<16xf32>
      %add3A_691 = arith.addf %add3A_680, %mul3A_690 : vector<16xf32>
      %get3A_692 = arith.index_cast %add3A_614 : i32 to index
      %get3A_693 = arith.constant 112 : index
      %get3A_694 = tpu.vector_load %arg11[%get3A_692, %get3A_693] {strides = array<i32>} : memref<128x128xf32, #tpu.memory_space<vmem>>, vector<1x16xf32>,
      %get3A_695 = vector.shape_cast %get3A_694 : vector<1x16xf32> to vector<16xf32>
      %get3A_696 = arith.index_cast %add3A_614 : i32 to index
      %get3A_697 = arith.constant 112 : index
      %get3A_698 = tpu.vector_load %arg13[%get3A_696, %get3A_697] {strides = array<i32>} : memref<128x128xf32, #tpu.memory_space<vmem>>, vector<1x16xf32>,
      %get3A_699 = vector.shape_cast %get3A_698 : vector<1x16xf32> to vector<16xf32>
      %mul3A_700 = arith.mulf %get3A_695, %get3A_699 : vector<16xf32>
      %mul3A_701 = arith.mulf %mul3A_700, %get3A_46 : vector<16xf32>
      %add3A_702 = arith.addf %add3A_691, %mul3A_701 : vector<16xf32>
      %mul3A_703 = arith.constant 4 : i32
      %mul3A_704 = arith.muli %mul3A_703, %scan3A_428 : i32
      %add3A_705 = arith.constant 3 : i32
      %add3A_706 = arith.addi %mul3A_704, %add3A_705 : i32
      %get3A_707 = arith.index_cast %add3A_706 : i32 to index
      %get3A_708 = arith.constant 0 : index
      %get3A_709 = tpu.vector_load %arg11[%get3A_707, %get3A_708] {strides = array<i32>} : memref<128x128xf32, #tpu.memory_space<vmem>>, vector<1x16xf32>,
      %get3A_710 = vector.shape_cast %get3A_709 : vector<1x16xf32> to vector<16xf32>
      %get3A_711 = arith.index_cast %add3A_706 : i32 to index
      %get3A_712 = arith.constant 0 : index
      %get3A_713 = tpu.vector_load %arg13[%get3A_711, %get3A_712] {strides = array<i32>} : memref<128x128xf32, #tpu.memory_space<vmem>>, vector<1x16xf32>,
      %get3A_714 = vector.shape_cast %get3A_713 : vector<1x16xf32> to vector<16xf32>
      %mul3A_715 = arith.mulf %get3A_710, %get3A_714 : vector<16xf32>
      %mul3A_716 = arith.mulf %mul3A_715, %get3A_25 : vector<16xf32>
      %add3A_717 = arith.addf %get3A_22, %mul3A_716 : vector<16xf32>
      %get3A_718 = arith.index_cast %add3A_706 : i32 to index
      %get3A_719 = arith.constant 16 : index
      %get3A_720 = tpu.vector_load %arg11[%get3A_718, %get3A_719] {strides = array<i32>} : memref<128x128xf32, #tpu.memory_space<vmem>>, vector<1x16xf32>,
      %get3A_721 = vector.shape_cast %get3A_720 : vector<1x16xf32> to vector<16xf32>
      %get3A_722 = arith.index_cast %add3A_706 : i32 to index
      %get3A_723 = arith.constant 16 : index
      %get3A_724 = tpu.vector_load %arg13[%get3A_722, %get3A_723] {strides = array<i32>} : memref<128x128xf32, #tpu.memory_space<vmem>>, vector<1x16xf32>,
      %get3A_725 = vector.shape_cast %get3A_724 : vector<1x16xf32> to vector<16xf32>
      %mul3A_726 = arith.mulf %get3A_721, %get3A_725 : vector<16xf32>
      %mul3A_727 = arith.mulf %mul3A_726, %get3A_28 : vector<16xf32>
      %add3A_728 = arith.addf %add3A_717, %mul3A_727 : vector<16xf32>
      %get3A_729 = arith.index_cast %add3A_706 : i32 to index
      %get3A_730 = arith.constant 32 : index
      %get3A_731 = tpu.vector_load %arg11[%get3A_729, %get3A_730] {strides = array<i32>} : memref<128x128xf32, #tpu.memory_space<vmem>>, vector<1x16xf32>,
      %get3A_732 = vector.shape_cast %get3A_731 : vector<1x16xf32> to vector<16xf32>
      %get3A_733 = arith.index_cast %add3A_706 : i32 to index
      %get3A_734 = arith.constant 32 : index
      %get3A_735 = tpu.vector_load %arg13[%get3A_733, %get3A_734] {strides = array<i32>} : memref<128x128xf32, #tpu.memory_space<vmem>>, vector<1x16xf32>,
      %get3A_736 = vector.shape_cast %get3A_735 : vector<1x16xf32> to vector<16xf32>
      %mul3A_737 = arith.mulf %get3A_732, %get3A_736 : vector<16xf32>
      %mul3A_738 = arith.mulf %mul3A_737, %get3A_31 : vector<16xf32>
      %add3A_739 = arith.addf %add3A_728, %mul3A_738 : vector<16xf32>
      %get3A_740 = arith.index_cast %add3A_706 : i32 to index
      %get3A_741 = arith.constant 48 : index
      %get3A_742 = tpu.vector_load %arg11[%get3A_740, %get3A_741] {strides = array<i32>} : memref<128x128xf32, #tpu.memory_space<vmem>>, vector<1x16xf32>,
      %get3A_743 = vector.shape_cast %get3A_742 : vector<1x16xf32> to vector<16xf32>
      %get3A_744 = arith.index_cast %add3A_706 : i32 to index
      %get3A_745 = arith.constant 48 : index
      %get3A_746 = tpu.vector_load %arg13[%get3A_744, %get3A_745] {strides = array<i32>} : memref<128x128xf32, #tpu.memory_space<vmem>>, vector<1x16xf32>,
      %get3A_747 = vector.shape_cast %get3A_746 : vector<1x16xf32> to vector<16xf32>
      %mul3A_748 = arith.mulf %get3A_743, %get3A_747 : vector<16xf32>
      %mul3A_749 = arith.mulf %mul3A_748, %get3A_34 : vector<16xf32>
      %add3A_750 = arith.addf %add3A_739, %mul3A_749 : vector<16xf32>
      %get3A_751 = arith.index_cast %add3A_706 : i32 to index
      %get3A_752 = arith.constant 64 : index
      %get3A_753 = tpu.vector_load %arg11[%get3A_751, %get3A_752] {strides = array<i32>} : memref<128x128xf32, #tpu.memory_space<vmem>>, vector<1x16xf32>,
      %get3A_754 = vector.shape_cast %get3A_753 : vector<1x16xf32> to vector<16xf32>
      %get3A_755 = arith.index_cast %add3A_706 : i32 to index
      %get3A_756 = arith.constant 64 : index
      %get3A_757 = tpu.vector_load %arg13[%get3A_755, %get3A_756] {strides = array<i32>} : memref<128x128xf32, #tpu.memory_space<vmem>>, vector<1x16xf32>,
      %get3A_758 = vector.shape_cast %get3A_757 : vector<1x16xf32> to vector<16xf32>
      %mul3A_759 = arith.mulf %get3A_754, %get3A_758 : vector<16xf32>
      %mul3A_760 = arith.mulf %mul3A_759, %get3A_37 : vector<16xf32>
      %add3A_761 = arith.addf %add3A_750, %mul3A_760 : vector<16xf32>
      %get3A_762 = arith.index_cast %add3A_706 : i32 to index
      %get3A_763 = arith.constant 80 : index
      %get3A_764 = tpu.vector_load %arg11[%get3A_762, %get3A_763] {strides = array<i32>} : memref<128x128xf32, #tpu.memory_space<vmem>>, vector<1x16xf32>,
      %get3A_765 = vector.shape_cast %get3A_764 : vector<1x16xf32> to vector<16xf32>
      %get3A_766 = arith.index_cast %add3A_706 : i32 to index
      %get3A_767 = arith.constant 80 : index
      %get3A_768 = tpu.vector_load %arg13[%get3A_766, %get3A_767] {strides = array<i32>} : memref<128x128xf32, #tpu.memory_space<vmem>>, vector<1x16xf32>,
      %get3A_769 = vector.shape_cast %get3A_768 : vector<1x16xf32> to vector<16xf32>
      %mul3A_770 = arith.mulf %get3A_765, %get3A_769 : vector<16xf32>
      %mul3A_771 = arith.mulf %mul3A_770, %get3A_40 : vector<16xf32>
      %add3A_772 = arith.addf %add3A_761, %mul3A_771 : vector<16xf32>
      %get3A_773 = arith.index_cast %add3A_706 : i32 to index
      %get3A_774 = arith.constant 96 : index
      %get3A_775 = tpu.vector_load %arg11[%get3A_773, %get3A_774] {strides = array<i32>} : memref<128x128xf32, #tpu.memory_space<vmem>>, vector<1x16xf32>,
      %get3A_776 = vector.shape_cast %get3A_775 : vector<1x16xf32> to vector<16xf32>
      %get3A_777 = arith.index_cast %add3A_706 : i32 to index
      %get3A_778 = arith.constant 96 : index
      %get3A_779 = tpu.vector_load %arg13[%get3A_777, %get3A_778] {strides = array<i32>} : memref<128x128xf32, #tpu.memory_space<vmem>>, vector<1x16xf32>,
      %get3A_780 = vector.shape_cast %get3A_779 : vector<1x16xf32> to vector<16xf32>
      %mul3A_781 = arith.mulf %get3A_776, %get3A_780 : vector<16xf32>
      %mul3A_782 = arith.mulf %mul3A_781, %get3A_43 : vector<16xf32>
      %add3A_783 = arith.addf %add3A_772, %mul3A_782 : vector<16xf32>
      %get3A_784 = arith.index_cast %add3A_706 : i32 to index
      %get3A_785 = arith.constant 112 : index
      %get3A_786 = tpu.vector_load %arg11[%get3A_784, %get3A_785] {strides = array<i32>} : memref<128x128xf32, #tpu.memory_space<vmem>>, vector<1x16xf32>,
      %get3A_787 = vector.shape_cast %get3A_786 : vector<1x16xf32> to vector<16xf32>
      %get3A_788 = arith.index_cast %add3A_706 : i32 to index
      %get3A_789 = arith.constant 112 : index
      %get3A_790 = tpu.vector_load %arg13[%get3A_788, %get3A_789] {strides = array<i32>} : memref<128x128xf32, #tpu.memory_space<vmem>>, vector<1x16xf32>,
      %get3A_791 = vector.shape_cast %get3A_790 : vector<1x16xf32> to vector<16xf32>
      %mul3A_792 = arith.mulf %get3A_787, %get3A_791 : vector<16xf32>
      %mul3A_793 = arith.mulf %mul3A_792, %get3A_46 : vector<16xf32>
      %add3A_794 = arith.addf %add3A_783, %mul3A_793 : vector<16xf32>
      %broadcast_in_dim3A_795 = vector.shape_cast %and3A_51 : vector<16xi32> to vector<16x1xi32>
      %gather3A = vector.shape_cast %broadcast_in_dim3A_795 : vector<16x1xi32> to vector<16xi32>
      %gather3A_796 = tpu.dynamic_gather %add3A_518[%gather3A] in [0] : vector<16xf32>, vector<16xi32> -> vector<16xf32>
      %add3A_797 = arith.addf %add3A_518, %gather3A_796 : vector<16xf32>
      %broadcast_in_dim3A_798 = vector.shape_cast %and3A_51 : vector<16xi32> to vector<16x1xi32>
      %gather3A_799 = vector.shape_cast %broadcast_in_dim3A_798 : vector<16x1xi32> to vector<16xi32>
      %gather3A_800 = tpu.dynamic_gather %add3A_610[%gather3A_799] in [0] : vector<16xf32>, vector<16xi32> -> vector<16xf32>
      %add3A_801 = arith.addf %add3A_610, %gather3A_800 : vector<16xf32>
      %select_n3A = arith.select %lt3A_107, %add3A_797, %add3A_801 : vector<16xi1>, vector<16xf32>
      %broadcast_in_dim3A_802 = vector.shape_cast %and3A_51 : vector<16xi32> to vector<16x1xi32>
      %gather3A_803 = vector.shape_cast %broadcast_in_dim3A_802 : vector<16x1xi32> to vector<16xi32>
      %gather3A_804 = tpu.dynamic_gather %add3A_702[%gather3A_803] in [0] : vector<16xf32>, vector<16xi32> -> vector<16xf32>
      %add3A_805 = arith.addf %add3A_702, %gather3A_804 : vector<16xf32>
      %broadcast_in_dim3A_806 = vector.shape_cast %and3A_51 : vector<16xi32> to vector<16x1xi32>
      %gather3A_807 = vector.shape_cast %broadcast_in_dim3A_806 : vector<16x1xi32> to vector<16xi32>
      %gather3A_808 = tpu.dynamic_gather %add3A_794[%gather3A_807] in [0] : vector<16xf32>, vector<16xi32> -> vector<16xf32>
      %add3A_809 = arith.addf %add3A_794, %gather3A_808 : vector<16xf32>
      %select_n3A_810 = arith.select %lt3A_107, %add3A_805, %add3A_809 : vector<16xi1>, vector<16xf32>
      %broadcast_in_dim3A_811 = vector.shape_cast %or3A : vector<16xi32> to vector<16x1xi32>
      %gather3A_812 = vector.shape_cast %broadcast_in_dim3A_811 : vector<16x1xi32> to vector<16xi32>
      %gather3A_813 = tpu.dynamic_gather %select_n3A[%gather3A_812] in [0] : vector<16xf32>, vector<16xi32> -> vector<16xf32>
      %add3A_814 = arith.addf %select_n3A, %gather3A_813 : vector<16xf32>
      %broadcast_in_dim3A_815 = vector.shape_cast %or3A : vector<16xi32> to vector<16x1xi32>
      %gather3A_816 = vector.shape_cast %broadcast_in_dim3A_815 : vector<16x1xi32> to vector<16xi32>
      %gather3A_817 = tpu.dynamic_gather %select_n3A_810[%gather3A_816] in [0] : vector<16xf32>, vector<16xi32> -> vector<16xf32>
      %add3A_818 = arith.addf %select_n3A_810, %gather3A_817 : vector<16xf32>
      %select_n3A_819 = arith.select %eq3A_112, %add3A_814, %add3A_818 : vector<16xi1>, vector<16xf32>
      %broadcast_in_dim3A_820 = vector.shape_cast %or3A_70 : vector<16xi32> to vector<16x1xi32>
      %gather3A_821 = vector.shape_cast %broadcast_in_dim3A_820 : vector<16x1xi32> to vector<16xi32>
      %gather3A_822 = tpu.dynamic_gather %select_n3A_819[%gather3A_821] in [0] : vector<16xf32>, vector<16xi32> -> vector<16xf32>
      %add3A_823 = arith.addf %select_n3A_819, %gather3A_822 : vector<16xf32>
      %mul3A_824 = arith.constant 16 : i32
      %mul3A_825 = arith.muli %scan3A_428, %mul3A_824 : i32
      %swap3A_826 = arith.index_cast %mul3A_825 : i32 to index
      %swap3A_827 = tpu.vector_load %arg17[%swap3A_826] {strides = array<i32>} : memref<512xf32, #tpu.memory_space<vmem>>, vector<16xf32>,
      %swap3A_828 = vector.shape_cast %swap3A_827 : vector<16xf32> to vector<16xf32>
      %swap3A_829 = vector.shape_cast %add3A_823 : vector<16xf32> to vector<16xf32>
      tpu.vector_store %arg17[%swap3A_826], %swap3A_829 {strides = array<i32>} : memref<512xf32, #tpu.memory_space<vmem>>, vector<16xf32>,
    }
    %scan3A_225 = arith.constant 32 : i32
    %scan3A_226 = arith.constant 0 : i32
    %scan3A_227 = arith.constant 0 : i32
    %scan3A_228 = arith.constant 8 : i32
    %scan3A_229 = arith.addi %scan3A_227, %scan3A_228 : i32
    %scan3A_230 = arith.constant 1 : i32
    scf.for %scan3A_428 = %scan3A_227 to %scan3A_229 step %scan3A_230  : i32 {
      %mul3A_429 = arith.constant 4 : i32
      %mul3A_430 = arith.muli %mul3A_429, %scan3A_428 : i32
      %mul3A_431 = arith.constant 16 : i32
      %mul3A_432 = arith.muli %mul3A_430, %mul3A_431 : i32
      %get3A_433 = arith.index_cast %mul3A_432 : i32 to index
      %get3A_434 = tpu.vector_load %arg17[%get3A_433] {strides = array<i32>} : memref<512xf32, #tpu.memory_space<vmem>>, vector<16xf32>,
      %get3A_435 = vector.shape_cast %get3A_434 : vector<16xf32> to vector<16xf32>
      %mul3A_436 = arith.constant 4 : i32
      %mul3A_437 = arith.muli %mul3A_436, %scan3A_428 : i32
      %add3A_438 = arith.constant 1 : i32
      %add3A_439 = arith.addi %mul3A_437, %add3A_438 : i32
      %mul3A_440 = arith.constant 16 : i32
      %mul3A_441 = arith.muli %add3A_439, %mul3A_440 : i32
      %get3A_442 = arith.index_cast %mul3A_441 : i32 to index
      %get3A_443 = tpu.vector_load %arg17[%get3A_442] {strides = array<i32>} : memref<512xf32, #tpu.memory_space<vmem>>, vector<16xf32>,
      %get3A_444 = vector.shape_cast %get3A_443 : vector<16xf32> to vector<16xf32>
      %mul3A_445 = arith.constant 4 : i32
      %mul3A_446 = arith.muli %mul3A_445, %scan3A_428 : i32
      %add3A_447 = arith.constant 2 : i32
      %add3A_448 = arith.addi %mul3A_446, %add3A_447 : i32
      %mul3A_449 = arith.constant 16 : i32
      %mul3A_450 = arith.muli %add3A_448, %mul3A_449 : i32
      %get3A_451 = arith.index_cast %mul3A_450 : i32 to index
      %get3A_452 = tpu.vector_load %arg17[%get3A_451] {strides = array<i32>} : memref<512xf32, #tpu.memory_space<vmem>>, vector<16xf32>,
      %get3A_453 = vector.shape_cast %get3A_452 : vector<16xf32> to vector<16xf32>
      %mul3A_454 = arith.constant 4 : i32
      %mul3A_455 = arith.muli %mul3A_454, %scan3A_428 : i32
      %add3A_456 = arith.constant 3 : i32
      %add3A_457 = arith.addi %mul3A_455, %add3A_456 : i32
      %mul3A_458 = arith.constant 16 : i32
      %mul3A_459 = arith.muli %add3A_457, %mul3A_458 : i32
      %get3A_460 = arith.index_cast %mul3A_459 : i32 to index
      %get3A_461 = tpu.vector_load %arg17[%get3A_460] {strides = array<i32>} : memref<512xf32, #tpu.memory_space<vmem>>, vector<16xf32>,
      %get3A_462 = vector.shape_cast %get3A_461 : vector<16xf32> to vector<16xf32>
      %select_n3A = arith.select %eq3A_118, %get3A_435, %get3A_444 : vector<16xi1>, vector<16xf32>
      %select_n3A_463 = arith.select %eq3A_118, %get3A_453, %get3A_462 : vector<16xi1>, vector<16xf32>
      %broadcast_in_dim3A_464 = vector.shape_cast %or3A_80 : vector<16xi32> to vector<16x1xi32>
      %gather3A = vector.shape_cast %broadcast_in_dim3A_464 : vector<16x1xi32> to vector<16xi32>
      %gather3A_465 = tpu.dynamic_gather %select_n3A[%gather3A] in [0] : vector<16xf32>, vector<16xi32> -> vector<16xf32>
      %add3A_466 = arith.addf %select_n3A, %gather3A_465 : vector<16xf32>
      %broadcast_in_dim3A_467 = vector.shape_cast %or3A_80 : vector<16xi32> to vector<16x1xi32>
      %gather3A_468 = vector.shape_cast %broadcast_in_dim3A_467 : vector<16x1xi32> to vector<16xi32>
      %gather3A_469 = tpu.dynamic_gather %select_n3A_463[%gather3A_468] in [0] : vector<16xf32>, vector<16xi32> -> vector<16xf32>
      %add3A_470 = arith.addf %select_n3A_463, %gather3A_469 : vector<16xf32>
      %select_n3A_471 = arith.select %eq3A_124, %add3A_466, %add3A_470 : vector<16xi1>, vector<16xf32>
      %broadcast_in_dim3A_472 = vector.shape_cast %or3A_105 : vector<16xi32> to vector<16x1xi32>
      %gather3A_473 = vector.shape_cast %broadcast_in_dim3A_472 : vector<16x1xi32> to vector<16xi32>
      %gather3A_474 = tpu.dynamic_gather %select_n3A_471[%gather3A_473] in [0] : vector<16xf32>, vector<16xi32> -> vector<16xf32>
      %mul3A_475 = arith.constant 16 : i32
      %mul3A_476 = arith.muli %scan3A_428, %mul3A_475 : i32
      %add3A_477 = arith.constant 0 : i32
      %add3A_478 = arith.addi %add3A_477, %mul3A_476 : i32
      %swap3A_479 = arith.index_cast %add3A_478 : i32 to index
      %swap3A_480 = tpu.vector_load %arg18[%swap3A_479] {strides = array<i32>} : memref<512xf32, #tpu.memory_space<vmem>>, vector<16xf32>,
      %swap3A_481 = vector.shape_cast %swap3A_480 : vector<16xf32> to vector<16xf32>
      %swap3A_482 = vector.shape_cast %gather3A_474 : vector<16xf32> to vector<16xf32>
      tpu.vector_store %arg18[%swap3A_479], %swap3A_482 {strides = array<i32>} : memref<512xf32, #tpu.memory_space<vmem>>, vector<16xf32>,
    }
    %scan3A_231 = arith.constant 8 : i32
    %dma_start3A_232 = arith.constant 0 : i32
    %dma_start3A_233 = arith.constant 0 : i32
    %dma_start3A_234 = tpu.memref_slice %arg11[%dma_start3A_232, %dma_start3A_233] : memref<128x128xf32, #tpu.memory_space<vmem>> -> memref<64x128xf32, #tpu.memory_space<vmem>>
    %dma_start3A_235 = arith.constant 256 : i32
    %dma_start3A_236 = tpu.memref_slice %arg9[%dma_start3A_235] : memref<512xi32, #tpu.memory_space<vmem>> -> memref<64xi32, #tpu.memory_space<vmem>>
    %dma_start3A_237 = arith.constant 0 : i32
    %dma_start3A_238 = arith.constant 0 : i32
    %dma_start3A_239 = tpu.memref_slice %arg4[%dma_start3A_237, %dma_start3A_238] : memref<100000x128xf32, #tpu.memory_space<hbm>> -> memref<100000x128xf32, #tpu.memory_space<hbm>>
    tpu.enqueue_indirect_dma source(%dma_start3A_239 : memref<100000x128xf32, #tpu.memory_space<hbm>>) target(%dma_start3A_234 : memref<64x128xf32, #tpu.memory_space<vmem>>) offsets(%dma_start3A_236 : memref<64xi32, #tpu.memory_space<vmem>>) semaphore(%arg19 : memref<!tpu.dma_semaphore, #tpu.memory_space<semaphore_mem>>)
    %dma_start3A_240 = arith.constant 0 : i32
    %dma_start3A_241 = arith.constant 0 : i32
    %dma_start3A_242 = tpu.memref_slice %arg13[%dma_start3A_240, %dma_start3A_241] : memref<128x128xf32, #tpu.memory_space<vmem>> -> memref<64x128xf32, #tpu.memory_space<vmem>>
    %dma_start3A_243 = arith.constant 256 : i32
    %dma_start3A_244 = tpu.memref_slice %arg10[%dma_start3A_243] : memref<512xi32, #tpu.memory_space<vmem>> -> memref<64xi32, #tpu.memory_space<vmem>>
    %dma_start3A_245 = arith.constant 0 : i32
    %dma_start3A_246 = arith.constant 0 : i32
    %dma_start3A_247 = tpu.memref_slice %arg5[%dma_start3A_245, %dma_start3A_246] : memref<100000x128xf32, #tpu.memory_space<hbm>> -> memref<100000x128xf32, #tpu.memory_space<hbm>>
    tpu.enqueue_indirect_dma source(%dma_start3A_247 : memref<100000x128xf32, #tpu.memory_space<hbm>>) target(%dma_start3A_242 : memref<64x128xf32, #tpu.memory_space<vmem>>) offsets(%dma_start3A_244 : memref<64xi32, #tpu.memory_space<vmem>>) semaphore(%arg19 : memref<!tpu.dma_semaphore, #tpu.memory_space<semaphore_mem>>)
    %dma_start3A_248 = arith.constant 64 : i32
    %dma_start3A_249 = arith.constant 0 : i32
    %dma_start3A_250 = tpu.memref_slice %arg11[%dma_start3A_248, %dma_start3A_249] : memref<128x128xf32, #tpu.memory_space<vmem>> -> memref<64x128xf32, #tpu.memory_space<vmem>>
    %dma_start3A_251 = arith.constant 320 : i32
    %dma_start3A_252 = tpu.memref_slice %arg9[%dma_start3A_251] : memref<512xi32, #tpu.memory_space<vmem>> -> memref<64xi32, #tpu.memory_space<vmem>>
    %dma_start3A_253 = arith.constant 0 : i32
    %dma_start3A_254 = arith.constant 0 : i32
    %dma_start3A_255 = tpu.memref_slice %arg4[%dma_start3A_253, %dma_start3A_254] : memref<100000x128xf32, #tpu.memory_space<hbm>> -> memref<100000x128xf32, #tpu.memory_space<hbm>>
    tpu.enqueue_indirect_dma source(%dma_start3A_255 : memref<100000x128xf32, #tpu.memory_space<hbm>>) target(%dma_start3A_250 : memref<64x128xf32, #tpu.memory_space<vmem>>) offsets(%dma_start3A_252 : memref<64xi32, #tpu.memory_space<vmem>>) semaphore(%arg19 : memref<!tpu.dma_semaphore, #tpu.memory_space<semaphore_mem>>)
    %dma_start3A_256 = arith.constant 64 : i32
    %dma_start3A_257 = arith.constant 0 : i32
    %dma_start3A_258 = tpu.memref_slice %arg13[%dma_start3A_256, %dma_start3A_257] : memref<128x128xf32, #tpu.memory_space<vmem>> -> memref<64x128xf32, #tpu.memory_space<vmem>>
    %dma_start3A_259 = arith.constant 320 : i32
    %dma_start3A_260 = tpu.memref_slice %arg10[%dma_start3A_259] : memref<512xi32, #tpu.memory_space<vmem>> -> memref<64xi32, #tpu.memory_space<vmem>>
    %dma_start3A_261 = arith.constant 0 : i32
    %dma_start3A_262 = arith.constant 0 : i32
    %dma_start3A_263 = tpu.memref_slice %arg5[%dma_start3A_261, %dma_start3A_262] : memref<100000x128xf32, #tpu.memory_space<hbm>> -> memref<100000x128xf32, #tpu.memory_space<hbm>>
    tpu.enqueue_indirect_dma source(%dma_start3A_263 : memref<100000x128xf32, #tpu.memory_space<hbm>>) target(%dma_start3A_258 : memref<64x128xf32, #tpu.memory_space<vmem>>) offsets(%dma_start3A_260 : memref<64xi32, #tpu.memory_space<vmem>>) semaphore(%arg19 : memref<!tpu.dma_semaphore, #tpu.memory_space<semaphore_mem>>)
    %dma_wait3A_264 = arith.constant 0 : i32
    %dma_wait3A_265 = arith.constant 0 : i32
    %dma_wait3A_266 = tpu.memref_slice %arg12[%dma_wait3A_264, %dma_wait3A_265] : memref<128x128xf32, #tpu.memory_space<vmem>> -> memref<64x128xf32, #tpu.memory_space<vmem>>
    %dma_wait3A_267 = arith.constant 128 : i32
    %dma_wait3A_268 = tpu.memref_slice %arg9[%dma_wait3A_267] : memref<512xi32, #tpu.memory_space<vmem>> -> memref<64xi32, #tpu.memory_space<vmem>>
    %dma_wait3A_269 = arith.constant 0 : i32
    %dma_wait3A_270 = arith.constant 0 : i32
    %dma_wait3A_271 = tpu.memref_slice %arg4[%dma_wait3A_269, %dma_wait3A_270] : memref<100000x128xf32, #tpu.memory_space<hbm>> -> memref<100000x128xf32, #tpu.memory_space<hbm>>
    tpu.wait_indirect_dma semaphore(%arg20 : memref<!tpu.dma_semaphore, #tpu.memory_space<semaphore_mem>>) src(%dma_wait3A_271 : memref<100000x128xf32, #tpu.memory_space<hbm>>) dst(%dma_wait3A_266 : memref<64x128xf32, #tpu.memory_space<vmem>>)
    %dma_wait3A_272 = arith.constant 0 : i32
    %dma_wait3A_273 = arith.constant 0 : i32
    %dma_wait3A_274 = tpu.memref_slice %arg14[%dma_wait3A_272, %dma_wait3A_273] : memref<128x128xf32, #tpu.memory_space<vmem>> -> memref<64x128xf32, #tpu.memory_space<vmem>>
    %dma_wait3A_275 = arith.constant 128 : i32
    %dma_wait3A_276 = tpu.memref_slice %arg10[%dma_wait3A_275] : memref<512xi32, #tpu.memory_space<vmem>> -> memref<64xi32, #tpu.memory_space<vmem>>
    %dma_wait3A_277 = arith.constant 0 : i32
    %dma_wait3A_278 = arith.constant 0 : i32
    %dma_wait3A_279 = tpu.memref_slice %arg5[%dma_wait3A_277, %dma_wait3A_278] : memref<100000x128xf32, #tpu.memory_space<hbm>> -> memref<100000x128xf32, #tpu.memory_space<hbm>>
    tpu.wait_indirect_dma semaphore(%arg20 : memref<!tpu.dma_semaphore, #tpu.memory_space<semaphore_mem>>) src(%dma_wait3A_279 : memref<100000x128xf32, #tpu.memory_space<hbm>>) dst(%dma_wait3A_274 : memref<64x128xf32, #tpu.memory_space<vmem>>)
    %dma_wait3A_280 = arith.constant 64 : i32
    %dma_wait3A_281 = arith.constant 0 : i32
    %dma_wait3A_282 = tpu.memref_slice %arg12[%dma_wait3A_280, %dma_wait3A_281] : memref<128x128xf32, #tpu.memory_space<vmem>> -> memref<64x128xf32, #tpu.memory_space<vmem>>
    %dma_wait3A_283 = arith.constant 192 : i32
    %dma_wait3A_284 = tpu.memref_slice %arg9[%dma_wait3A_283] : memref<512xi32, #tpu.memory_space<vmem>> -> memref<64xi32, #tpu.memory_space<vmem>>
    %dma_wait3A_285 = arith.constant 0 : i32
    %dma_wait3A_286 = arith.constant 0 : i32
    %dma_wait3A_287 = tpu.memref_slice %arg4[%dma_wait3A_285, %dma_wait3A_286] : memref<100000x128xf32, #tpu.memory_space<hbm>> -> memref<100000x128xf32, #tpu.memory_space<hbm>>
    tpu.wait_indirect_dma semaphore(%arg20 : memref<!tpu.dma_semaphore, #tpu.memory_space<semaphore_mem>>) src(%dma_wait3A_287 : memref<100000x128xf32, #tpu.memory_space<hbm>>) dst(%dma_wait3A_282 : memref<64x128xf32, #tpu.memory_space<vmem>>)
    %dma_wait3A_288 = arith.constant 64 : i32
    %dma_wait3A_289 = arith.constant 0 : i32
    %dma_wait3A_290 = tpu.memref_slice %arg14[%dma_wait3A_288, %dma_wait3A_289] : memref<128x128xf32, #tpu.memory_space<vmem>> -> memref<64x128xf32, #tpu.memory_space<vmem>>
    %dma_wait3A_291 = arith.constant 192 : i32
    %dma_wait3A_292 = tpu.memref_slice %arg10[%dma_wait3A_291] : memref<512xi32, #tpu.memory_space<vmem>> -> memref<64xi32, #tpu.memory_space<vmem>>
    %dma_wait3A_293 = arith.constant 0 : i32
    %dma_wait3A_294 = arith.constant 0 : i32
    %dma_wait3A_295 = tpu.memref_slice %arg5[%dma_wait3A_293, %dma_wait3A_294] : memref<100000x128xf32, #tpu.memory_space<hbm>> -> memref<100000x128xf32, #tpu.memory_space<hbm>>
    tpu.wait_indirect_dma semaphore(%arg20 : memref<!tpu.dma_semaphore, #tpu.memory_space<semaphore_mem>>) src(%dma_wait3A_295 : memref<100000x128xf32, #tpu.memory_space<hbm>>) dst(%dma_wait3A_290 : memref<64x128xf32, #tpu.memory_space<vmem>>)
    %scan3A_296 = arith.constant 0 : i32
    %scan3A_297 = arith.constant 0 : i32
    %scan3A_298 = arith.constant 32 : i32
    %scan3A_299 = arith.addi %scan3A_297, %scan3A_298 : i32
    %scan3A_300 = arith.constant 1 : i32
    scf.for %scan3A_428 = %scan3A_297 to %scan3A_299 step %scan3A_300  : i32 {
      %mul3A_429 = arith.constant 4 : i32
      %mul3A_430 = arith.muli %mul3A_429, %scan3A_428 : i32
      %get3A_431 = arith.index_cast %mul3A_430 : i32 to index
      %get3A_432 = arith.constant 0 : index
      %get3A_433 = tpu.vector_load %arg12[%get3A_431, %get3A_432] {strides = array<i32>} : memref<128x128xf32, #tpu.memory_space<vmem>>, vector<1x16xf32>,
      %get3A_434 = vector.shape_cast %get3A_433 : vector<1x16xf32> to vector<16xf32>
      %get3A_435 = arith.index_cast %mul3A_430 : i32 to index
      %get3A_436 = arith.constant 0 : index
      %get3A_437 = tpu.vector_load %arg14[%get3A_435, %get3A_436] {strides = array<i32>} : memref<128x128xf32, #tpu.memory_space<vmem>>, vector<1x16xf32>,
      %get3A_438 = vector.shape_cast %get3A_437 : vector<1x16xf32> to vector<16xf32>
      %mul3A_439 = arith.mulf %get3A_434, %get3A_438 : vector<16xf32>
      %mul3A_440 = arith.mulf %mul3A_439, %get3A_25 : vector<16xf32>
      %add3A_441 = arith.addf %get3A_22, %mul3A_440 : vector<16xf32>
      %get3A_442 = arith.index_cast %mul3A_430 : i32 to index
      %get3A_443 = arith.constant 16 : index
      %get3A_444 = tpu.vector_load %arg12[%get3A_442, %get3A_443] {strides = array<i32>} : memref<128x128xf32, #tpu.memory_space<vmem>>, vector<1x16xf32>,
      %get3A_445 = vector.shape_cast %get3A_444 : vector<1x16xf32> to vector<16xf32>
      %get3A_446 = arith.index_cast %mul3A_430 : i32 to index
      %get3A_447 = arith.constant 16 : index
      %get3A_448 = tpu.vector_load %arg14[%get3A_446, %get3A_447] {strides = array<i32>} : memref<128x128xf32, #tpu.memory_space<vmem>>, vector<1x16xf32>,
      %get3A_449 = vector.shape_cast %get3A_448 : vector<1x16xf32> to vector<16xf32>
      %mul3A_450 = arith.mulf %get3A_445, %get3A_449 : vector<16xf32>
      %mul3A_451 = arith.mulf %mul3A_450, %get3A_28 : vector<16xf32>
      %add3A_452 = arith.addf %add3A_441, %mul3A_451 : vector<16xf32>
      %get3A_453 = arith.index_cast %mul3A_430 : i32 to index
      %get3A_454 = arith.constant 32 : index
      %get3A_455 = tpu.vector_load %arg12[%get3A_453, %get3A_454] {strides = array<i32>} : memref<128x128xf32, #tpu.memory_space<vmem>>, vector<1x16xf32>,
      %get3A_456 = vector.shape_cast %get3A_455 : vector<1x16xf32> to vector<16xf32>
      %get3A_457 = arith.index_cast %mul3A_430 : i32 to index
      %get3A_458 = arith.constant 32 : index
      %get3A_459 = tpu.vector_load %arg14[%get3A_457, %get3A_458] {strides = array<i32>} : memref<128x128xf32, #tpu.memory_space<vmem>>, vector<1x16xf32>,
      %get3A_460 = vector.shape_cast %get3A_459 : vector<1x16xf32> to vector<16xf32>
      %mul3A_461 = arith.mulf %get3A_456, %get3A_460 : vector<16xf32>
      %mul3A_462 = arith.mulf %mul3A_461, %get3A_31 : vector<16xf32>
      %add3A_463 = arith.addf %add3A_452, %mul3A_462 : vector<16xf32>
      %get3A_464 = arith.index_cast %mul3A_430 : i32 to index
      %get3A_465 = arith.constant 48 : index
      %get3A_466 = tpu.vector_load %arg12[%get3A_464, %get3A_465] {strides = array<i32>} : memref<128x128xf32, #tpu.memory_space<vmem>>, vector<1x16xf32>,
      %get3A_467 = vector.shape_cast %get3A_466 : vector<1x16xf32> to vector<16xf32>
      %get3A_468 = arith.index_cast %mul3A_430 : i32 to index
      %get3A_469 = arith.constant 48 : index
      %get3A_470 = tpu.vector_load %arg14[%get3A_468, %get3A_469] {strides = array<i32>} : memref<128x128xf32, #tpu.memory_space<vmem>>, vector<1x16xf32>,
      %get3A_471 = vector.shape_cast %get3A_470 : vector<1x16xf32> to vector<16xf32>
      %mul3A_472 = arith.mulf %get3A_467, %get3A_471 : vector<16xf32>
      %mul3A_473 = arith.mulf %mul3A_472, %get3A_34 : vector<16xf32>
      %add3A_474 = arith.addf %add3A_463, %mul3A_473 : vector<16xf32>
      %get3A_475 = arith.index_cast %mul3A_430 : i32 to index
      %get3A_476 = arith.constant 64 : index
      %get3A_477 = tpu.vector_load %arg12[%get3A_475, %get3A_476] {strides = array<i32>} : memref<128x128xf32, #tpu.memory_space<vmem>>, vector<1x16xf32>,
      %get3A_478 = vector.shape_cast %get3A_477 : vector<1x16xf32> to vector<16xf32>
      %get3A_479 = arith.index_cast %mul3A_430 : i32 to index
      %get3A_480 = arith.constant 64 : index
      %get3A_481 = tpu.vector_load %arg14[%get3A_479, %get3A_480] {strides = array<i32>} : memref<128x128xf32, #tpu.memory_space<vmem>>, vector<1x16xf32>,
      %get3A_482 = vector.shape_cast %get3A_481 : vector<1x16xf32> to vector<16xf32>
      %mul3A_483 = arith.mulf %get3A_478, %get3A_482 : vector<16xf32>
      %mul3A_484 = arith.mulf %mul3A_483, %get3A_37 : vector<16xf32>
      %add3A_485 = arith.addf %add3A_474, %mul3A_484 : vector<16xf32>
      %get3A_486 = arith.index_cast %mul3A_430 : i32 to index
      %get3A_487 = arith.constant 80 : index
      %get3A_488 = tpu.vector_load %arg12[%get3A_486, %get3A_487] {strides = array<i32>} : memref<128x128xf32, #tpu.memory_space<vmem>>, vector<1x16xf32>,
      %get3A_489 = vector.shape_cast %get3A_488 : vector<1x16xf32> to vector<16xf32>
      %get3A_490 = arith.index_cast %mul3A_430 : i32 to index
      %get3A_491 = arith.constant 80 : index
      %get3A_492 = tpu.vector_load %arg14[%get3A_490, %get3A_491] {strides = array<i32>} : memref<128x128xf32, #tpu.memory_space<vmem>>, vector<1x16xf32>,
      %get3A_493 = vector.shape_cast %get3A_492 : vector<1x16xf32> to vector<16xf32>
      %mul3A_494 = arith.mulf %get3A_489, %get3A_493 : vector<16xf32>
      %mul3A_495 = arith.mulf %mul3A_494, %get3A_40 : vector<16xf32>
      %add3A_496 = arith.addf %add3A_485, %mul3A_495 : vector<16xf32>
      %get3A_497 = arith.index_cast %mul3A_430 : i32 to index
      %get3A_498 = arith.constant 96 : index
      %get3A_499 = tpu.vector_load %arg12[%get3A_497, %get3A_498] {strides = array<i32>} : memref<128x128xf32, #tpu.memory_space<vmem>>, vector<1x16xf32>,
      %get3A_500 = vector.shape_cast %get3A_499 : vector<1x16xf32> to vector<16xf32>
      %get3A_501 = arith.index_cast %mul3A_430 : i32 to index
      %get3A_502 = arith.constant 96 : index
      %get3A_503 = tpu.vector_load %arg14[%get3A_501, %get3A_502] {strides = array<i32>} : memref<128x128xf32, #tpu.memory_space<vmem>>, vector<1x16xf32>,
      %get3A_504 = vector.shape_cast %get3A_503 : vector<1x16xf32> to vector<16xf32>
      %mul3A_505 = arith.mulf %get3A_500, %get3A_504 : vector<16xf32>
      %mul3A_506 = arith.mulf %mul3A_505, %get3A_43 : vector<16xf32>
      %add3A_507 = arith.addf %add3A_496, %mul3A_506 : vector<16xf32>
      %get3A_508 = arith.index_cast %mul3A_430 : i32 to index
      %get3A_509 = arith.constant 112 : index
      %get3A_510 = tpu.vector_load %arg12[%get3A_508, %get3A_509] {strides = array<i32>} : memref<128x128xf32, #tpu.memory_space<vmem>>, vector<1x16xf32>,
      %get3A_511 = vector.shape_cast %get3A_510 : vector<1x16xf32> to vector<16xf32>
      %get3A_512 = arith.index_cast %mul3A_430 : i32 to index
      %get3A_513 = arith.constant 112 : index
      %get3A_514 = tpu.vector_load %arg14[%get3A_512, %get3A_513] {strides = array<i32>} : memref<128x128xf32, #tpu.memory_space<vmem>>, vector<1x16xf32>,
      %get3A_515 = vector.shape_cast %get3A_514 : vector<1x16xf32> to vector<16xf32>
      %mul3A_516 = arith.mulf %get3A_511, %get3A_515 : vector<16xf32>
      %mul3A_517 = arith.mulf %mul3A_516, %get3A_46 : vector<16xf32>
      %add3A_518 = arith.addf %add3A_507, %mul3A_517 : vector<16xf32>
      %mul3A_519 = arith.constant 4 : i32
      %mul3A_520 = arith.muli %mul3A_519, %scan3A_428 : i32
      %add3A_521 = arith.constant 1 : i32
      %add3A_522 = arith.addi %mul3A_520, %add3A_521 : i32
      %get3A_523 = arith.index_cast %add3A_522 : i32 to index
      %get3A_524 = arith.constant 0 : index
      %get3A_525 = tpu.vector_load %arg12[%get3A_523, %get3A_524] {strides = array<i32>} : memref<128x128xf32, #tpu.memory_space<vmem>>, vector<1x16xf32>,
      %get3A_526 = vector.shape_cast %get3A_525 : vector<1x16xf32> to vector<16xf32>
      %get3A_527 = arith.index_cast %add3A_522 : i32 to index
      %get3A_528 = arith.constant 0 : index
      %get3A_529 = tpu.vector_load %arg14[%get3A_527, %get3A_528] {strides = array<i32>} : memref<128x128xf32, #tpu.memory_space<vmem>>, vector<1x16xf32>,
      %get3A_530 = vector.shape_cast %get3A_529 : vector<1x16xf32> to vector<16xf32>
      %mul3A_531 = arith.mulf %get3A_526, %get3A_530 : vector<16xf32>
      %mul3A_532 = arith.mulf %mul3A_531, %get3A_25 : vector<16xf32>
      %add3A_533 = arith.addf %get3A_22, %mul3A_532 : vector<16xf32>
      %get3A_534 = arith.index_cast %add3A_522 : i32 to index
      %get3A_535 = arith.constant 16 : index
      %get3A_536 = tpu.vector_load %arg12[%get3A_534, %get3A_535] {strides = array<i32>} : memref<128x128xf32, #tpu.memory_space<vmem>>, vector<1x16xf32>,
      %get3A_537 = vector.shape_cast %get3A_536 : vector<1x16xf32> to vector<16xf32>
      %get3A_538 = arith.index_cast %add3A_522 : i32 to index
      %get3A_539 = arith.constant 16 : index
      %get3A_540 = tpu.vector_load %arg14[%get3A_538, %get3A_539] {strides = array<i32>} : memref<128x128xf32, #tpu.memory_space<vmem>>, vector<1x16xf32>,
      %get3A_541 = vector.shape_cast %get3A_540 : vector<1x16xf32> to vector<16xf32>
      %mul3A_542 = arith.mulf %get3A_537, %get3A_541 : vector<16xf32>
      %mul3A_543 = arith.mulf %mul3A_542, %get3A_28 : vector<16xf32>
      %add3A_544 = arith.addf %add3A_533, %mul3A_543 : vector<16xf32>
      %get3A_545 = arith.index_cast %add3A_522 : i32 to index
      %get3A_546 = arith.constant 32 : index
      %get3A_547 = tpu.vector_load %arg12[%get3A_545, %get3A_546] {strides = array<i32>} : memref<128x128xf32, #tpu.memory_space<vmem>>, vector<1x16xf32>,
      %get3A_548 = vector.shape_cast %get3A_547 : vector<1x16xf32> to vector<16xf32>
      %get3A_549 = arith.index_cast %add3A_522 : i32 to index
      %get3A_550 = arith.constant 32 : index
      %get3A_551 = tpu.vector_load %arg14[%get3A_549, %get3A_550] {strides = array<i32>} : memref<128x128xf32, #tpu.memory_space<vmem>>, vector<1x16xf32>,
      %get3A_552 = vector.shape_cast %get3A_551 : vector<1x16xf32> to vector<16xf32>
      %mul3A_553 = arith.mulf %get3A_548, %get3A_552 : vector<16xf32>
      %mul3A_554 = arith.mulf %mul3A_553, %get3A_31 : vector<16xf32>
      %add3A_555 = arith.addf %add3A_544, %mul3A_554 : vector<16xf32>
      %get3A_556 = arith.index_cast %add3A_522 : i32 to index
      %get3A_557 = arith.constant 48 : index
      %get3A_558 = tpu.vector_load %arg12[%get3A_556, %get3A_557] {strides = array<i32>} : memref<128x128xf32, #tpu.memory_space<vmem>>, vector<1x16xf32>,
      %get3A_559 = vector.shape_cast %get3A_558 : vector<1x16xf32> to vector<16xf32>
      %get3A_560 = arith.index_cast %add3A_522 : i32 to index
      %get3A_561 = arith.constant 48 : index
      %get3A_562 = tpu.vector_load %arg14[%get3A_560, %get3A_561] {strides = array<i32>} : memref<128x128xf32, #tpu.memory_space<vmem>>, vector<1x16xf32>,
      %get3A_563 = vector.shape_cast %get3A_562 : vector<1x16xf32> to vector<16xf32>
      %mul3A_564 = arith.mulf %get3A_559, %get3A_563 : vector<16xf32>
      %mul3A_565 = arith.mulf %mul3A_564, %get3A_34 : vector<16xf32>
      %add3A_566 = arith.addf %add3A_555, %mul3A_565 : vector<16xf32>
      %get3A_567 = arith.index_cast %add3A_522 : i32 to index
      %get3A_568 = arith.constant 64 : index
      %get3A_569 = tpu.vector_load %arg12[%get3A_567, %get3A_568] {strides = array<i32>} : memref<128x128xf32, #tpu.memory_space<vmem>>, vector<1x16xf32>,
      %get3A_570 = vector.shape_cast %get3A_569 : vector<1x16xf32> to vector<16xf32>
      %get3A_571 = arith.index_cast %add3A_522 : i32 to index
      %get3A_572 = arith.constant 64 : index
      %get3A_573 = tpu.vector_load %arg14[%get3A_571, %get3A_572] {strides = array<i32>} : memref<128x128xf32, #tpu.memory_space<vmem>>, vector<1x16xf32>,
      %get3A_574 = vector.shape_cast %get3A_573 : vector<1x16xf32> to vector<16xf32>
      %mul3A_575 = arith.mulf %get3A_570, %get3A_574 : vector<16xf32>
      %mul3A_576 = arith.mulf %mul3A_575, %get3A_37 : vector<16xf32>
      %add3A_577 = arith.addf %add3A_566, %mul3A_576 : vector<16xf32>
      %get3A_578 = arith.index_cast %add3A_522 : i32 to index
      %get3A_579 = arith.constant 80 : index
      %get3A_580 = tpu.vector_load %arg12[%get3A_578, %get3A_579] {strides = array<i32>} : memref<128x128xf32, #tpu.memory_space<vmem>>, vector<1x16xf32>,
      %get3A_581 = vector.shape_cast %get3A_580 : vector<1x16xf32> to vector<16xf32>
      %get3A_582 = arith.index_cast %add3A_522 : i32 to index
      %get3A_583 = arith.constant 80 : index
      %get3A_584 = tpu.vector_load %arg14[%get3A_582, %get3A_583] {strides = array<i32>} : memref<128x128xf32, #tpu.memory_space<vmem>>, vector<1x16xf32>,
      %get3A_585 = vector.shape_cast %get3A_584 : vector<1x16xf32> to vector<16xf32>
      %mul3A_586 = arith.mulf %get3A_581, %get3A_585 : vector<16xf32>
      %mul3A_587 = arith.mulf %mul3A_586, %get3A_40 : vector<16xf32>
      %add3A_588 = arith.addf %add3A_577, %mul3A_587 : vector<16xf32>
      %get3A_589 = arith.index_cast %add3A_522 : i32 to index
      %get3A_590 = arith.constant 96 : index
      %get3A_591 = tpu.vector_load %arg12[%get3A_589, %get3A_590] {strides = array<i32>} : memref<128x128xf32, #tpu.memory_space<vmem>>, vector<1x16xf32>,
      %get3A_592 = vector.shape_cast %get3A_591 : vector<1x16xf32> to vector<16xf32>
      %get3A_593 = arith.index_cast %add3A_522 : i32 to index
      %get3A_594 = arith.constant 96 : index
      %get3A_595 = tpu.vector_load %arg14[%get3A_593, %get3A_594] {strides = array<i32>} : memref<128x128xf32, #tpu.memory_space<vmem>>, vector<1x16xf32>,
      %get3A_596 = vector.shape_cast %get3A_595 : vector<1x16xf32> to vector<16xf32>
      %mul3A_597 = arith.mulf %get3A_592, %get3A_596 : vector<16xf32>
      %mul3A_598 = arith.mulf %mul3A_597, %get3A_43 : vector<16xf32>
      %add3A_599 = arith.addf %add3A_588, %mul3A_598 : vector<16xf32>
      %get3A_600 = arith.index_cast %add3A_522 : i32 to index
      %get3A_601 = arith.constant 112 : index
      %get3A_602 = tpu.vector_load %arg12[%get3A_600, %get3A_601] {strides = array<i32>} : memref<128x128xf32, #tpu.memory_space<vmem>>, vector<1x16xf32>,
      %get3A_603 = vector.shape_cast %get3A_602 : vector<1x16xf32> to vector<16xf32>
      %get3A_604 = arith.index_cast %add3A_522 : i32 to index
      %get3A_605 = arith.constant 112 : index
      %get3A_606 = tpu.vector_load %arg14[%get3A_604, %get3A_605] {strides = array<i32>} : memref<128x128xf32, #tpu.memory_space<vmem>>, vector<1x16xf32>,
      %get3A_607 = vector.shape_cast %get3A_606 : vector<1x16xf32> to vector<16xf32>
      %mul3A_608 = arith.mulf %get3A_603, %get3A_607 : vector<16xf32>
      %mul3A_609 = arith.mulf %mul3A_608, %get3A_46 : vector<16xf32>
      %add3A_610 = arith.addf %add3A_599, %mul3A_609 : vector<16xf32>
      %mul3A_611 = arith.constant 4 : i32
      %mul3A_612 = arith.muli %mul3A_611, %scan3A_428 : i32
      %add3A_613 = arith.constant 2 : i32
      %add3A_614 = arith.addi %mul3A_612, %add3A_613 : i32
      %get3A_615 = arith.index_cast %add3A_614 : i32 to index
      %get3A_616 = arith.constant 0 : index
      %get3A_617 = tpu.vector_load %arg12[%get3A_615, %get3A_616] {strides = array<i32>} : memref<128x128xf32, #tpu.memory_space<vmem>>, vector<1x16xf32>,
      %get3A_618 = vector.shape_cast %get3A_617 : vector<1x16xf32> to vector<16xf32>
      %get3A_619 = arith.index_cast %add3A_614 : i32 to index
      %get3A_620 = arith.constant 0 : index
      %get3A_621 = tpu.vector_load %arg14[%get3A_619, %get3A_620] {strides = array<i32>} : memref<128x128xf32, #tpu.memory_space<vmem>>, vector<1x16xf32>,
      %get3A_622 = vector.shape_cast %get3A_621 : vector<1x16xf32> to vector<16xf32>
      %mul3A_623 = arith.mulf %get3A_618, %get3A_622 : vector<16xf32>
      %mul3A_624 = arith.mulf %mul3A_623, %get3A_25 : vector<16xf32>
      %add3A_625 = arith.addf %get3A_22, %mul3A_624 : vector<16xf32>
      %get3A_626 = arith.index_cast %add3A_614 : i32 to index
      %get3A_627 = arith.constant 16 : index
      %get3A_628 = tpu.vector_load %arg12[%get3A_626, %get3A_627] {strides = array<i32>} : memref<128x128xf32, #tpu.memory_space<vmem>>, vector<1x16xf32>,
      %get3A_629 = vector.shape_cast %get3A_628 : vector<1x16xf32> to vector<16xf32>
      %get3A_630 = arith.index_cast %add3A_614 : i32 to index
      %get3A_631 = arith.constant 16 : index
      %get3A_632 = tpu.vector_load %arg14[%get3A_630, %get3A_631] {strides = array<i32>} : memref<128x128xf32, #tpu.memory_space<vmem>>, vector<1x16xf32>,
      %get3A_633 = vector.shape_cast %get3A_632 : vector<1x16xf32> to vector<16xf32>
      %mul3A_634 = arith.mulf %get3A_629, %get3A_633 : vector<16xf32>
      %mul3A_635 = arith.mulf %mul3A_634, %get3A_28 : vector<16xf32>
      %add3A_636 = arith.addf %add3A_625, %mul3A_635 : vector<16xf32>
      %get3A_637 = arith.index_cast %add3A_614 : i32 to index
      %get3A_638 = arith.constant 32 : index
      %get3A_639 = tpu.vector_load %arg12[%get3A_637, %get3A_638] {strides = array<i32>} : memref<128x128xf32, #tpu.memory_space<vmem>>, vector<1x16xf32>,
      %get3A_640 = vector.shape_cast %get3A_639 : vector<1x16xf32> to vector<16xf32>
      %get3A_641 = arith.index_cast %add3A_614 : i32 to index
      %get3A_642 = arith.constant 32 : index
      %get3A_643 = tpu.vector_load %arg14[%get3A_641, %get3A_642] {strides = array<i32>} : memref<128x128xf32, #tpu.memory_space<vmem>>, vector<1x16xf32>,
      %get3A_644 = vector.shape_cast %get3A_643 : vector<1x16xf32> to vector<16xf32>
      %mul3A_645 = arith.mulf %get3A_640, %get3A_644 : vector<16xf32>
      %mul3A_646 = arith.mulf %mul3A_645, %get3A_31 : vector<16xf32>
      %add3A_647 = arith.addf %add3A_636, %mul3A_646 : vector<16xf32>
      %get3A_648 = arith.index_cast %add3A_614 : i32 to index
      %get3A_649 = arith.constant 48 : index
      %get3A_650 = tpu.vector_load %arg12[%get3A_648, %get3A_649] {strides = array<i32>} : memref<128x128xf32, #tpu.memory_space<vmem>>, vector<1x16xf32>,
      %get3A_651 = vector.shape_cast %get3A_650 : vector<1x16xf32> to vector<16xf32>
      %get3A_652 = arith.index_cast %add3A_614 : i32 to index
      %get3A_653 = arith.constant 48 : index
      %get3A_654 = tpu.vector_load %arg14[%get3A_652, %get3A_653] {strides = array<i32>} : memref<128x128xf32, #tpu.memory_space<vmem>>, vector<1x16xf32>,
      %get3A_655 = vector.shape_cast %get3A_654 : vector<1x16xf32> to vector<16xf32>
      %mul3A_656 = arith.mulf %get3A_651, %get3A_655 : vector<16xf32>
      %mul3A_657 = arith.mulf %mul3A_656, %get3A_34 : vector<16xf32>
      %add3A_658 = arith.addf %add3A_647, %mul3A_657 : vector<16xf32>
      %get3A_659 = arith.index_cast %add3A_614 : i32 to index
      %get3A_660 = arith.constant 64 : index
      %get3A_661 = tpu.vector_load %arg12[%get3A_659, %get3A_660] {strides = array<i32>} : memref<128x128xf32, #tpu.memory_space<vmem>>, vector<1x16xf32>,
      %get3A_662 = vector.shape_cast %get3A_661 : vector<1x16xf32> to vector<16xf32>
      %get3A_663 = arith.index_cast %add3A_614 : i32 to index
      %get3A_664 = arith.constant 64 : index
      %get3A_665 = tpu.vector_load %arg14[%get3A_663, %get3A_664] {strides = array<i32>} : memref<128x128xf32, #tpu.memory_space<vmem>>, vector<1x16xf32>,
      %get3A_666 = vector.shape_cast %get3A_665 : vector<1x16xf32> to vector<16xf32>
      %mul3A_667 = arith.mulf %get3A_662, %get3A_666 : vector<16xf32>
      %mul3A_668 = arith.mulf %mul3A_667, %get3A_37 : vector<16xf32>
      %add3A_669 = arith.addf %add3A_658, %mul3A_668 : vector<16xf32>
      %get3A_670 = arith.index_cast %add3A_614 : i32 to index
      %get3A_671 = arith.constant 80 : index
      %get3A_672 = tpu.vector_load %arg12[%get3A_670, %get3A_671] {strides = array<i32>} : memref<128x128xf32, #tpu.memory_space<vmem>>, vector<1x16xf32>,
      %get3A_673 = vector.shape_cast %get3A_672 : vector<1x16xf32> to vector<16xf32>
      %get3A_674 = arith.index_cast %add3A_614 : i32 to index
      %get3A_675 = arith.constant 80 : index
      %get3A_676 = tpu.vector_load %arg14[%get3A_674, %get3A_675] {strides = array<i32>} : memref<128x128xf32, #tpu.memory_space<vmem>>, vector<1x16xf32>,
      %get3A_677 = vector.shape_cast %get3A_676 : vector<1x16xf32> to vector<16xf32>
      %mul3A_678 = arith.mulf %get3A_673, %get3A_677 : vector<16xf32>
      %mul3A_679 = arith.mulf %mul3A_678, %get3A_40 : vector<16xf32>
      %add3A_680 = arith.addf %add3A_669, %mul3A_679 : vector<16xf32>
      %get3A_681 = arith.index_cast %add3A_614 : i32 to index
      %get3A_682 = arith.constant 96 : index
      %get3A_683 = tpu.vector_load %arg12[%get3A_681, %get3A_682] {strides = array<i32>} : memref<128x128xf32, #tpu.memory_space<vmem>>, vector<1x16xf32>,
      %get3A_684 = vector.shape_cast %get3A_683 : vector<1x16xf32> to vector<16xf32>
      %get3A_685 = arith.index_cast %add3A_614 : i32 to index
      %get3A_686 = arith.constant 96 : index
      %get3A_687 = tpu.vector_load %arg14[%get3A_685, %get3A_686] {strides = array<i32>} : memref<128x128xf32, #tpu.memory_space<vmem>>, vector<1x16xf32>,
      %get3A_688 = vector.shape_cast %get3A_687 : vector<1x16xf32> to vector<16xf32>
      %mul3A_689 = arith.mulf %get3A_684, %get3A_688 : vector<16xf32>
      %mul3A_690 = arith.mulf %mul3A_689, %get3A_43 : vector<16xf32>
      %add3A_691 = arith.addf %add3A_680, %mul3A_690 : vector<16xf32>
      %get3A_692 = arith.index_cast %add3A_614 : i32 to index
      %get3A_693 = arith.constant 112 : index
      %get3A_694 = tpu.vector_load %arg12[%get3A_692, %get3A_693] {strides = array<i32>} : memref<128x128xf32, #tpu.memory_space<vmem>>, vector<1x16xf32>,
      %get3A_695 = vector.shape_cast %get3A_694 : vector<1x16xf32> to vector<16xf32>
      %get3A_696 = arith.index_cast %add3A_614 : i32 to index
      %get3A_697 = arith.constant 112 : index
      %get3A_698 = tpu.vector_load %arg14[%get3A_696, %get3A_697] {strides = array<i32>} : memref<128x128xf32, #tpu.memory_space<vmem>>, vector<1x16xf32>,
      %get3A_699 = vector.shape_cast %get3A_698 : vector<1x16xf32> to vector<16xf32>
      %mul3A_700 = arith.mulf %get3A_695, %get3A_699 : vector<16xf32>
      %mul3A_701 = arith.mulf %mul3A_700, %get3A_46 : vector<16xf32>
      %add3A_702 = arith.addf %add3A_691, %mul3A_701 : vector<16xf32>
      %mul3A_703 = arith.constant 4 : i32
      %mul3A_704 = arith.muli %mul3A_703, %scan3A_428 : i32
      %add3A_705 = arith.constant 3 : i32
      %add3A_706 = arith.addi %mul3A_704, %add3A_705 : i32
      %get3A_707 = arith.index_cast %add3A_706 : i32 to index
      %get3A_708 = arith.constant 0 : index
      %get3A_709 = tpu.vector_load %arg12[%get3A_707, %get3A_708] {strides = array<i32>} : memref<128x128xf32, #tpu.memory_space<vmem>>, vector<1x16xf32>,
      %get3A_710 = vector.shape_cast %get3A_709 : vector<1x16xf32> to vector<16xf32>
      %get3A_711 = arith.index_cast %add3A_706 : i32 to index
      %get3A_712 = arith.constant 0 : index
      %get3A_713 = tpu.vector_load %arg14[%get3A_711, %get3A_712] {strides = array<i32>} : memref<128x128xf32, #tpu.memory_space<vmem>>, vector<1x16xf32>,
      %get3A_714 = vector.shape_cast %get3A_713 : vector<1x16xf32> to vector<16xf32>
      %mul3A_715 = arith.mulf %get3A_710, %get3A_714 : vector<16xf32>
      %mul3A_716 = arith.mulf %mul3A_715, %get3A_25 : vector<16xf32>
      %add3A_717 = arith.addf %get3A_22, %mul3A_716 : vector<16xf32>
      %get3A_718 = arith.index_cast %add3A_706 : i32 to index
      %get3A_719 = arith.constant 16 : index
      %get3A_720 = tpu.vector_load %arg12[%get3A_718, %get3A_719] {strides = array<i32>} : memref<128x128xf32, #tpu.memory_space<vmem>>, vector<1x16xf32>,
      %get3A_721 = vector.shape_cast %get3A_720 : vector<1x16xf32> to vector<16xf32>
      %get3A_722 = arith.index_cast %add3A_706 : i32 to index
      %get3A_723 = arith.constant 16 : index
      %get3A_724 = tpu.vector_load %arg14[%get3A_722, %get3A_723] {strides = array<i32>} : memref<128x128xf32, #tpu.memory_space<vmem>>, vector<1x16xf32>,
      %get3A_725 = vector.shape_cast %get3A_724 : vector<1x16xf32> to vector<16xf32>
      %mul3A_726 = arith.mulf %get3A_721, %get3A_725 : vector<16xf32>
      %mul3A_727 = arith.mulf %mul3A_726, %get3A_28 : vector<16xf32>
      %add3A_728 = arith.addf %add3A_717, %mul3A_727 : vector<16xf32>
      %get3A_729 = arith.index_cast %add3A_706 : i32 to index
      %get3A_730 = arith.constant 32 : index
      %get3A_731 = tpu.vector_load %arg12[%get3A_729, %get3A_730] {strides = array<i32>} : memref<128x128xf32, #tpu.memory_space<vmem>>, vector<1x16xf32>,
      %get3A_732 = vector.shape_cast %get3A_731 : vector<1x16xf32> to vector<16xf32>
      %get3A_733 = arith.index_cast %add3A_706 : i32 to index
      %get3A_734 = arith.constant 32 : index
      %get3A_735 = tpu.vector_load %arg14[%get3A_733, %get3A_734] {strides = array<i32>} : memref<128x128xf32, #tpu.memory_space<vmem>>, vector<1x16xf32>,
      %get3A_736 = vector.shape_cast %get3A_735 : vector<1x16xf32> to vector<16xf32>
      %mul3A_737 = arith.mulf %get3A_732, %get3A_736 : vector<16xf32>
      %mul3A_738 = arith.mulf %mul3A_737, %get3A_31 : vector<16xf32>
      %add3A_739 = arith.addf %add3A_728, %mul3A_738 : vector<16xf32>
      %get3A_740 = arith.index_cast %add3A_706 : i32 to index
      %get3A_741 = arith.constant 48 : index
      %get3A_742 = tpu.vector_load %arg12[%get3A_740, %get3A_741] {strides = array<i32>} : memref<128x128xf32, #tpu.memory_space<vmem>>, vector<1x16xf32>,
      %get3A_743 = vector.shape_cast %get3A_742 : vector<1x16xf32> to vector<16xf32>
      %get3A_744 = arith.index_cast %add3A_706 : i32 to index
      %get3A_745 = arith.constant 48 : index
      %get3A_746 = tpu.vector_load %arg14[%get3A_744, %get3A_745] {strides = array<i32>} : memref<128x128xf32, #tpu.memory_space<vmem>>, vector<1x16xf32>,
      %get3A_747 = vector.shape_cast %get3A_746 : vector<1x16xf32> to vector<16xf32>
      %mul3A_748 = arith.mulf %get3A_743, %get3A_747 : vector<16xf32>
      %mul3A_749 = arith.mulf %mul3A_748, %get3A_34 : vector<16xf32>
      %add3A_750 = arith.addf %add3A_739, %mul3A_749 : vector<16xf32>
      %get3A_751 = arith.index_cast %add3A_706 : i32 to index
      %get3A_752 = arith.constant 64 : index
      %get3A_753 = tpu.vector_load %arg12[%get3A_751, %get3A_752] {strides = array<i32>} : memref<128x128xf32, #tpu.memory_space<vmem>>, vector<1x16xf32>,
      %get3A_754 = vector.shape_cast %get3A_753 : vector<1x16xf32> to vector<16xf32>
      %get3A_755 = arith.index_cast %add3A_706 : i32 to index
      %get3A_756 = arith.constant 64 : index
      %get3A_757 = tpu.vector_load %arg14[%get3A_755, %get3A_756] {strides = array<i32>} : memref<128x128xf32, #tpu.memory_space<vmem>>, vector<1x16xf32>,
      %get3A_758 = vector.shape_cast %get3A_757 : vector<1x16xf32> to vector<16xf32>
      %mul3A_759 = arith.mulf %get3A_754, %get3A_758 : vector<16xf32>
      %mul3A_760 = arith.mulf %mul3A_759, %get3A_37 : vector<16xf32>
      %add3A_761 = arith.addf %add3A_750, %mul3A_760 : vector<16xf32>
      %get3A_762 = arith.index_cast %add3A_706 : i32 to index
      %get3A_763 = arith.constant 80 : index
      %get3A_764 = tpu.vector_load %arg12[%get3A_762, %get3A_763] {strides = array<i32>} : memref<128x128xf32, #tpu.memory_space<vmem>>, vector<1x16xf32>,
      %get3A_765 = vector.shape_cast %get3A_764 : vector<1x16xf32> to vector<16xf32>
      %get3A_766 = arith.index_cast %add3A_706 : i32 to index
      %get3A_767 = arith.constant 80 : index
      %get3A_768 = tpu.vector_load %arg14[%get3A_766, %get3A_767] {strides = array<i32>} : memref<128x128xf32, #tpu.memory_space<vmem>>, vector<1x16xf32>,
      %get3A_769 = vector.shape_cast %get3A_768 : vector<1x16xf32> to vector<16xf32>
      %mul3A_770 = arith.mulf %get3A_765, %get3A_769 : vector<16xf32>
      %mul3A_771 = arith.mulf %mul3A_770, %get3A_40 : vector<16xf32>
      %add3A_772 = arith.addf %add3A_761, %mul3A_771 : vector<16xf32>
      %get3A_773 = arith.index_cast %add3A_706 : i32 to index
      %get3A_774 = arith.constant 96 : index
      %get3A_775 = tpu.vector_load %arg12[%get3A_773, %get3A_774] {strides = array<i32>} : memref<128x128xf32, #tpu.memory_space<vmem>>, vector<1x16xf32>,
      %get3A_776 = vector.shape_cast %get3A_775 : vector<1x16xf32> to vector<16xf32>
      %get3A_777 = arith.index_cast %add3A_706 : i32 to index
      %get3A_778 = arith.constant 96 : index
      %get3A_779 = tpu.vector_load %arg14[%get3A_777, %get3A_778] {strides = array<i32>} : memref<128x128xf32, #tpu.memory_space<vmem>>, vector<1x16xf32>,
      %get3A_780 = vector.shape_cast %get3A_779 : vector<1x16xf32> to vector<16xf32>
      %mul3A_781 = arith.mulf %get3A_776, %get3A_780 : vector<16xf32>
      %mul3A_782 = arith.mulf %mul3A_781, %get3A_43 : vector<16xf32>
      %add3A_783 = arith.addf %add3A_772, %mul3A_782 : vector<16xf32>
      %get3A_784 = arith.index_cast %add3A_706 : i32 to index
      %get3A_785 = arith.constant 112 : index
      %get3A_786 = tpu.vector_load %arg12[%get3A_784, %get3A_785] {strides = array<i32>} : memref<128x128xf32, #tpu.memory_space<vmem>>, vector<1x16xf32>,
      %get3A_787 = vector.shape_cast %get3A_786 : vector<1x16xf32> to vector<16xf32>
      %get3A_788 = arith.index_cast %add3A_706 : i32 to index
      %get3A_789 = arith.constant 112 : index
      %get3A_790 = tpu.vector_load %arg14[%get3A_788, %get3A_789] {strides = array<i32>} : memref<128x128xf32, #tpu.memory_space<vmem>>, vector<1x16xf32>,
      %get3A_791 = vector.shape_cast %get3A_790 : vector<1x16xf32> to vector<16xf32>
      %mul3A_792 = arith.mulf %get3A_787, %get3A_791 : vector<16xf32>
      %mul3A_793 = arith.mulf %mul3A_792, %get3A_46 : vector<16xf32>
      %add3A_794 = arith.addf %add3A_783, %mul3A_793 : vector<16xf32>
      %broadcast_in_dim3A_795 = vector.shape_cast %and3A_51 : vector<16xi32> to vector<16x1xi32>
      %gather3A = vector.shape_cast %broadcast_in_dim3A_795 : vector<16x1xi32> to vector<16xi32>
      %gather3A_796 = tpu.dynamic_gather %add3A_518[%gather3A] in [0] : vector<16xf32>, vector<16xi32> -> vector<16xf32>
      %add3A_797 = arith.addf %add3A_518, %gather3A_796 : vector<16xf32>
      %broadcast_in_dim3A_798 = vector.shape_cast %and3A_51 : vector<16xi32> to vector<16x1xi32>
      %gather3A_799 = vector.shape_cast %broadcast_in_dim3A_798 : vector<16x1xi32> to vector<16xi32>
      %gather3A_800 = tpu.dynamic_gather %add3A_610[%gather3A_799] in [0] : vector<16xf32>, vector<16xi32> -> vector<16xf32>
      %add3A_801 = arith.addf %add3A_610, %gather3A_800 : vector<16xf32>
      %select_n3A = arith.select %lt3A_107, %add3A_797, %add3A_801 : vector<16xi1>, vector<16xf32>
      %broadcast_in_dim3A_802 = vector.shape_cast %and3A_51 : vector<16xi32> to vector<16x1xi32>
      %gather3A_803 = vector.shape_cast %broadcast_in_dim3A_802 : vector<16x1xi32> to vector<16xi32>
      %gather3A_804 = tpu.dynamic_gather %add3A_702[%gather3A_803] in [0] : vector<16xf32>, vector<16xi32> -> vector<16xf32>
      %add3A_805 = arith.addf %add3A_702, %gather3A_804 : vector<16xf32>
      %broadcast_in_dim3A_806 = vector.shape_cast %and3A_51 : vector<16xi32> to vector<16x1xi32>
      %gather3A_807 = vector.shape_cast %broadcast_in_dim3A_806 : vector<16x1xi32> to vector<16xi32>
      %gather3A_808 = tpu.dynamic_gather %add3A_794[%gather3A_807] in [0] : vector<16xf32>, vector<16xi32> -> vector<16xf32>
      %add3A_809 = arith.addf %add3A_794, %gather3A_808 : vector<16xf32>
      %select_n3A_810 = arith.select %lt3A_107, %add3A_805, %add3A_809 : vector<16xi1>, vector<16xf32>
      %broadcast_in_dim3A_811 = vector.shape_cast %or3A : vector<16xi32> to vector<16x1xi32>
      %gather3A_812 = vector.shape_cast %broadcast_in_dim3A_811 : vector<16x1xi32> to vector<16xi32>
      %gather3A_813 = tpu.dynamic_gather %select_n3A[%gather3A_812] in [0] : vector<16xf32>, vector<16xi32> -> vector<16xf32>
      %add3A_814 = arith.addf %select_n3A, %gather3A_813 : vector<16xf32>
      %broadcast_in_dim3A_815 = vector.shape_cast %or3A : vector<16xi32> to vector<16x1xi32>
      %gather3A_816 = vector.shape_cast %broadcast_in_dim3A_815 : vector<16x1xi32> to vector<16xi32>
      %gather3A_817 = tpu.dynamic_gather %select_n3A_810[%gather3A_816] in [0] : vector<16xf32>, vector<16xi32> -> vector<16xf32>
      %add3A_818 = arith.addf %select_n3A_810, %gather3A_817 : vector<16xf32>
      %select_n3A_819 = arith.select %eq3A_112, %add3A_814, %add3A_818 : vector<16xi1>, vector<16xf32>
      %broadcast_in_dim3A_820 = vector.shape_cast %or3A_70 : vector<16xi32> to vector<16x1xi32>
      %gather3A_821 = vector.shape_cast %broadcast_in_dim3A_820 : vector<16x1xi32> to vector<16xi32>
      %gather3A_822 = tpu.dynamic_gather %select_n3A_819[%gather3A_821] in [0] : vector<16xf32>, vector<16xi32> -> vector<16xf32>
      %add3A_823 = arith.addf %select_n3A_819, %gather3A_822 : vector<16xf32>
      %mul3A_824 = arith.constant 16 : i32
      %mul3A_825 = arith.muli %scan3A_428, %mul3A_824 : i32
      %swap3A_826 = arith.index_cast %mul3A_825 : i32 to index
      %swap3A_827 = tpu.vector_load %arg17[%swap3A_826] {strides = array<i32>} : memref<512xf32, #tpu.memory_space<vmem>>, vector<16xf32>,
      %swap3A_828 = vector.shape_cast %swap3A_827 : vector<16xf32> to vector<16xf32>
      %swap3A_829 = vector.shape_cast %add3A_823 : vector<16xf32> to vector<16xf32>
      tpu.vector_store %arg17[%swap3A_826], %swap3A_829 {strides = array<i32>} : memref<512xf32, #tpu.memory_space<vmem>>, vector<16xf32>,
    }
    %scan3A_301 = arith.constant 32 : i32
    %scan3A_302 = arith.constant 0 : i32
    %scan3A_303 = arith.constant 0 : i32
    %scan3A_304 = arith.constant 8 : i32
    %scan3A_305 = arith.addi %scan3A_303, %scan3A_304 : i32
    %scan3A_306 = arith.constant 1 : i32
    scf.for %scan3A_428 = %scan3A_303 to %scan3A_305 step %scan3A_306  : i32 {
      %mul3A_429 = arith.constant 4 : i32
      %mul3A_430 = arith.muli %mul3A_429, %scan3A_428 : i32
      %mul3A_431 = arith.constant 16 : i32
      %mul3A_432 = arith.muli %mul3A_430, %mul3A_431 : i32
      %get3A_433 = arith.index_cast %mul3A_432 : i32 to index
      %get3A_434 = tpu.vector_load %arg17[%get3A_433] {strides = array<i32>} : memref<512xf32, #tpu.memory_space<vmem>>, vector<16xf32>,
      %get3A_435 = vector.shape_cast %get3A_434 : vector<16xf32> to vector<16xf32>
      %mul3A_436 = arith.constant 4 : i32
      %mul3A_437 = arith.muli %mul3A_436, %scan3A_428 : i32
      %add3A_438 = arith.constant 1 : i32
      %add3A_439 = arith.addi %mul3A_437, %add3A_438 : i32
      %mul3A_440 = arith.constant 16 : i32
      %mul3A_441 = arith.muli %add3A_439, %mul3A_440 : i32
      %get3A_442 = arith.index_cast %mul3A_441 : i32 to index
      %get3A_443 = tpu.vector_load %arg17[%get3A_442] {strides = array<i32>} : memref<512xf32, #tpu.memory_space<vmem>>, vector<16xf32>,
      %get3A_444 = vector.shape_cast %get3A_443 : vector<16xf32> to vector<16xf32>
      %mul3A_445 = arith.constant 4 : i32
      %mul3A_446 = arith.muli %mul3A_445, %scan3A_428 : i32
      %add3A_447 = arith.constant 2 : i32
      %add3A_448 = arith.addi %mul3A_446, %add3A_447 : i32
      %mul3A_449 = arith.constant 16 : i32
      %mul3A_450 = arith.muli %add3A_448, %mul3A_449 : i32
      %get3A_451 = arith.index_cast %mul3A_450 : i32 to index
      %get3A_452 = tpu.vector_load %arg17[%get3A_451] {strides = array<i32>} : memref<512xf32, #tpu.memory_space<vmem>>, vector<16xf32>,
      %get3A_453 = vector.shape_cast %get3A_452 : vector<16xf32> to vector<16xf32>
      %mul3A_454 = arith.constant 4 : i32
      %mul3A_455 = arith.muli %mul3A_454, %scan3A_428 : i32
      %add3A_456 = arith.constant 3 : i32
      %add3A_457 = arith.addi %mul3A_455, %add3A_456 : i32
      %mul3A_458 = arith.constant 16 : i32
      %mul3A_459 = arith.muli %add3A_457, %mul3A_458 : i32
      %get3A_460 = arith.index_cast %mul3A_459 : i32 to index
      %get3A_461 = tpu.vector_load %arg17[%get3A_460] {strides = array<i32>} : memref<512xf32, #tpu.memory_space<vmem>>, vector<16xf32>,
      %get3A_462 = vector.shape_cast %get3A_461 : vector<16xf32> to vector<16xf32>
      %select_n3A = arith.select %eq3A_118, %get3A_435, %get3A_444 : vector<16xi1>, vector<16xf32>
      %select_n3A_463 = arith.select %eq3A_118, %get3A_453, %get3A_462 : vector<16xi1>, vector<16xf32>
      %broadcast_in_dim3A_464 = vector.shape_cast %or3A_80 : vector<16xi32> to vector<16x1xi32>
      %gather3A = vector.shape_cast %broadcast_in_dim3A_464 : vector<16x1xi32> to vector<16xi32>
      %gather3A_465 = tpu.dynamic_gather %select_n3A[%gather3A] in [0] : vector<16xf32>, vector<16xi32> -> vector<16xf32>
      %add3A_466 = arith.addf %select_n3A, %gather3A_465 : vector<16xf32>
      %broadcast_in_dim3A_467 = vector.shape_cast %or3A_80 : vector<16xi32> to vector<16x1xi32>
      %gather3A_468 = vector.shape_cast %broadcast_in_dim3A_467 : vector<16x1xi32> to vector<16xi32>
      %gather3A_469 = tpu.dynamic_gather %select_n3A_463[%gather3A_468] in [0] : vector<16xf32>, vector<16xi32> -> vector<16xf32>
      %add3A_470 = arith.addf %select_n3A_463, %gather3A_469 : vector<16xf32>
      %select_n3A_471 = arith.select %eq3A_124, %add3A_466, %add3A_470 : vector<16xi1>, vector<16xf32>
      %broadcast_in_dim3A_472 = vector.shape_cast %or3A_105 : vector<16xi32> to vector<16x1xi32>
      %gather3A_473 = vector.shape_cast %broadcast_in_dim3A_472 : vector<16x1xi32> to vector<16xi32>
      %gather3A_474 = tpu.dynamic_gather %select_n3A_471[%gather3A_473] in [0] : vector<16xf32>, vector<16xi32> -> vector<16xf32>
      %mul3A_475 = arith.constant 16 : i32
      %mul3A_476 = arith.muli %scan3A_428, %mul3A_475 : i32
      %add3A_477 = arith.constant 128 : i32
      %add3A_478 = arith.addi %add3A_477, %mul3A_476 : i32
      %swap3A_479 = arith.index_cast %add3A_478 : i32 to index
      %swap3A_480 = tpu.vector_load %arg18[%swap3A_479] {strides = array<i32>} : memref<512xf32, #tpu.memory_space<vmem>>, vector<16xf32>,
      %swap3A_481 = vector.shape_cast %swap3A_480 : vector<16xf32> to vector<16xf32>
      %swap3A_482 = vector.shape_cast %gather3A_474 : vector<16xf32> to vector<16xf32>
      tpu.vector_store %arg18[%swap3A_479], %swap3A_482 {strides = array<i32>} : memref<512xf32, #tpu.memory_space<vmem>>, vector<16xf32>,
    }
    %scan3A_307 = arith.constant 8 : i32
    %dma_start3A_308 = arith.constant 0 : i32
    %dma_start3A_309 = arith.constant 0 : i32
    %dma_start3A_310 = tpu.memref_slice %arg12[%dma_start3A_308, %dma_start3A_309] : memref<128x128xf32, #tpu.memory_space<vmem>> -> memref<64x128xf32, #tpu.memory_space<vmem>>
    %dma_start3A_311 = arith.constant 384 : i32
    %dma_start3A_312 = tpu.memref_slice %arg9[%dma_start3A_311] : memref<512xi32, #tpu.memory_space<vmem>> -> memref<64xi32, #tpu.memory_space<vmem>>
    %dma_start3A_313 = arith.constant 0 : i32
    %dma_start3A_314 = arith.constant 0 : i32
    %dma_start3A_315 = tpu.memref_slice %arg4[%dma_start3A_313, %dma_start3A_314] : memref<100000x128xf32, #tpu.memory_space<hbm>> -> memref<100000x128xf32, #tpu.memory_space<hbm>>
    tpu.enqueue_indirect_dma source(%dma_start3A_315 : memref<100000x128xf32, #tpu.memory_space<hbm>>) target(%dma_start3A_310 : memref<64x128xf32, #tpu.memory_space<vmem>>) offsets(%dma_start3A_312 : memref<64xi32, #tpu.memory_space<vmem>>) semaphore(%arg20 : memref<!tpu.dma_semaphore, #tpu.memory_space<semaphore_mem>>)
    %dma_start3A_316 = arith.constant 0 : i32
    %dma_start3A_317 = arith.constant 0 : i32
    %dma_start3A_318 = tpu.memref_slice %arg14[%dma_start3A_316, %dma_start3A_317] : memref<128x128xf32, #tpu.memory_space<vmem>> -> memref<64x128xf32, #tpu.memory_space<vmem>>
    %dma_start3A_319 = arith.constant 384 : i32
    %dma_start3A_320 = tpu.memref_slice %arg10[%dma_start3A_319] : memref<512xi32, #tpu.memory_space<vmem>> -> memref<64xi32, #tpu.memory_space<vmem>>
    %dma_start3A_321 = arith.constant 0 : i32
    %dma_start3A_322 = arith.constant 0 : i32
    %dma_start3A_323 = tpu.memref_slice %arg5[%dma_start3A_321, %dma_start3A_322] : memref<100000x128xf32, #tpu.memory_space<hbm>> -> memref<100000x128xf32, #tpu.memory_space<hbm>>
    tpu.enqueue_indirect_dma source(%dma_start3A_323 : memref<100000x128xf32, #tpu.memory_space<hbm>>) target(%dma_start3A_318 : memref<64x128xf32, #tpu.memory_space<vmem>>) offsets(%dma_start3A_320 : memref<64xi32, #tpu.memory_space<vmem>>) semaphore(%arg20 : memref<!tpu.dma_semaphore, #tpu.memory_space<semaphore_mem>>)
    %dma_start3A_324 = arith.constant 64 : i32
    %dma_start3A_325 = arith.constant 0 : i32
    %dma_start3A_326 = tpu.memref_slice %arg12[%dma_start3A_324, %dma_start3A_325] : memref<128x128xf32, #tpu.memory_space<vmem>> -> memref<64x128xf32, #tpu.memory_space<vmem>>
    %dma_start3A_327 = arith.constant 448 : i32
    %dma_start3A_328 = tpu.memref_slice %arg9[%dma_start3A_327] : memref<512xi32, #tpu.memory_space<vmem>> -> memref<64xi32, #tpu.memory_space<vmem>>
    %dma_start3A_329 = arith.constant 0 : i32
    %dma_start3A_330 = arith.constant 0 : i32
    %dma_start3A_331 = tpu.memref_slice %arg4[%dma_start3A_329, %dma_start3A_330] : memref<100000x128xf32, #tpu.memory_space<hbm>> -> memref<100000x128xf32, #tpu.memory_space<hbm>>
    tpu.enqueue_indirect_dma source(%dma_start3A_331 : memref<100000x128xf32, #tpu.memory_space<hbm>>) target(%dma_start3A_326 : memref<64x128xf32, #tpu.memory_space<vmem>>) offsets(%dma_start3A_328 : memref<64xi32, #tpu.memory_space<vmem>>) semaphore(%arg20 : memref<!tpu.dma_semaphore, #tpu.memory_space<semaphore_mem>>)
    %dma_start3A_332 = arith.constant 64 : i32
    %dma_start3A_333 = arith.constant 0 : i32
    %dma_start3A_334 = tpu.memref_slice %arg14[%dma_start3A_332, %dma_start3A_333] : memref<128x128xf32, #tpu.memory_space<vmem>> -> memref<64x128xf32, #tpu.memory_space<vmem>>
    %dma_start3A_335 = arith.constant 448 : i32
    %dma_start3A_336 = tpu.memref_slice %arg10[%dma_start3A_335] : memref<512xi32, #tpu.memory_space<vmem>> -> memref<64xi32, #tpu.memory_space<vmem>>
    %dma_start3A_337 = arith.constant 0 : i32
    %dma_start3A_338 = arith.constant 0 : i32
    %dma_start3A_339 = tpu.memref_slice %arg5[%dma_start3A_337, %dma_start3A_338] : memref<100000x128xf32, #tpu.memory_space<hbm>> -> memref<100000x128xf32, #tpu.memory_space<hbm>>
    tpu.enqueue_indirect_dma source(%dma_start3A_339 : memref<100000x128xf32, #tpu.memory_space<hbm>>) target(%dma_start3A_334 : memref<64x128xf32, #tpu.memory_space<vmem>>) offsets(%dma_start3A_336 : memref<64xi32, #tpu.memory_space<vmem>>) semaphore(%arg20 : memref<!tpu.dma_semaphore, #tpu.memory_space<semaphore_mem>>)
    %dma_wait3A_340 = arith.constant 0 : i32
    %dma_wait3A_341 = arith.constant 0 : i32
    %dma_wait3A_342 = tpu.memref_slice %arg11[%dma_wait3A_340, %dma_wait3A_341] : memref<128x128xf32, #tpu.memory_space<vmem>> -> memref<64x128xf32, #tpu.memory_space<vmem>>
    %dma_wait3A_343 = arith.constant 256 : i32
    %dma_wait3A_344 = tpu.memref_slice %arg9[%dma_wait3A_343] : memref<512xi32, #tpu.memory_space<vmem>> -> memref<64xi32, #tpu.memory_space<vmem>>
    %dma_wait3A_345 = arith.constant 0 : i32
    %dma_wait3A_346 = arith.constant 0 : i32
    %dma_wait3A_347 = tpu.memref_slice %arg4[%dma_wait3A_345, %dma_wait3A_346] : memref<100000x128xf32, #tpu.memory_space<hbm>> -> memref<100000x128xf32, #tpu.memory_space<hbm>>
    tpu.wait_indirect_dma semaphore(%arg19 : memref<!tpu.dma_semaphore, #tpu.memory_space<semaphore_mem>>) src(%dma_wait3A_347 : memref<100000x128xf32, #tpu.memory_space<hbm>>) dst(%dma_wait3A_342 : memref<64x128xf32, #tpu.memory_space<vmem>>)
    %dma_wait3A_348 = arith.constant 0 : i32
    %dma_wait3A_349 = arith.constant 0 : i32
    %dma_wait3A_350 = tpu.memref_slice %arg13[%dma_wait3A_348, %dma_wait3A_349] : memref<128x128xf32, #tpu.memory_space<vmem>> -> memref<64x128xf32, #tpu.memory_space<vmem>>
    %dma_wait3A_351 = arith.constant 256 : i32
    %dma_wait3A_352 = tpu.memref_slice %arg10[%dma_wait3A_351] : memref<512xi32, #tpu.memory_space<vmem>> -> memref<64xi32, #tpu.memory_space<vmem>>
    %dma_wait3A_353 = arith.constant 0 : i32
    %dma_wait3A_354 = arith.constant 0 : i32
    %dma_wait3A_355 = tpu.memref_slice %arg5[%dma_wait3A_353, %dma_wait3A_354] : memref<100000x128xf32, #tpu.memory_space<hbm>> -> memref<100000x128xf32, #tpu.memory_space<hbm>>
    tpu.wait_indirect_dma semaphore(%arg19 : memref<!tpu.dma_semaphore, #tpu.memory_space<semaphore_mem>>) src(%dma_wait3A_355 : memref<100000x128xf32, #tpu.memory_space<hbm>>) dst(%dma_wait3A_350 : memref<64x128xf32, #tpu.memory_space<vmem>>)
    %dma_wait3A_356 = arith.constant 64 : i32
    %dma_wait3A_357 = arith.constant 0 : i32
    %dma_wait3A_358 = tpu.memref_slice %arg11[%dma_wait3A_356, %dma_wait3A_357] : memref<128x128xf32, #tpu.memory_space<vmem>> -> memref<64x128xf32, #tpu.memory_space<vmem>>
    %dma_wait3A_359 = arith.constant 320 : i32
    %dma_wait3A_360 = tpu.memref_slice %arg9[%dma_wait3A_359] : memref<512xi32, #tpu.memory_space<vmem>> -> memref<64xi32, #tpu.memory_space<vmem>>
    %dma_wait3A_361 = arith.constant 0 : i32
    %dma_wait3A_362 = arith.constant 0 : i32
    %dma_wait3A_363 = tpu.memref_slice %arg4[%dma_wait3A_361, %dma_wait3A_362] : memref<100000x128xf32, #tpu.memory_space<hbm>> -> memref<100000x128xf32, #tpu.memory_space<hbm>>
    tpu.wait_indirect_dma semaphore(%arg19 : memref<!tpu.dma_semaphore, #tpu.memory_space<semaphore_mem>>) src(%dma_wait3A_363 : memref<100000x128xf32, #tpu.memory_space<hbm>>) dst(%dma_wait3A_358 : memref<64x128xf32, #tpu.memory_space<vmem>>)
    %dma_wait3A_364 = arith.constant 64 : i32
    %dma_wait3A_365 = arith.constant 0 : i32
    %dma_wait3A_366 = tpu.memref_slice %arg13[%dma_wait3A_364, %dma_wait3A_365] : memref<128x128xf32, #tpu.memory_space<vmem>> -> memref<64x128xf32, #tpu.memory_space<vmem>>
    %dma_wait3A_367 = arith.constant 320 : i32
    %dma_wait3A_368 = tpu.memref_slice %arg10[%dma_wait3A_367] : memref<512xi32, #tpu.memory_space<vmem>> -> memref<64xi32, #tpu.memory_space<vmem>>
    %dma_wait3A_369 = arith.constant 0 : i32
    %dma_wait3A_370 = arith.constant 0 : i32
    %dma_wait3A_371 = tpu.memref_slice %arg5[%dma_wait3A_369, %dma_wait3A_370] : memref<100000x128xf32, #tpu.memory_space<hbm>> -> memref<100000x128xf32, #tpu.memory_space<hbm>>
    tpu.wait_indirect_dma semaphore(%arg19 : memref<!tpu.dma_semaphore, #tpu.memory_space<semaphore_mem>>) src(%dma_wait3A_371 : memref<100000x128xf32, #tpu.memory_space<hbm>>) dst(%dma_wait3A_366 : memref<64x128xf32, #tpu.memory_space<vmem>>)
    %scan3A_372 = arith.constant 0 : i32
    %scan3A_373 = arith.constant 0 : i32
    %scan3A_374 = arith.constant 32 : i32
    %scan3A_375 = arith.addi %scan3A_373, %scan3A_374 : i32
    %scan3A_376 = arith.constant 1 : i32
    scf.for %scan3A_428 = %scan3A_373 to %scan3A_375 step %scan3A_376  : i32 {
      %mul3A_429 = arith.constant 4 : i32
      %mul3A_430 = arith.muli %mul3A_429, %scan3A_428 : i32
      %get3A_431 = arith.index_cast %mul3A_430 : i32 to index
      %get3A_432 = arith.constant 0 : index
      %get3A_433 = tpu.vector_load %arg11[%get3A_431, %get3A_432] {strides = array<i32>} : memref<128x128xf32, #tpu.memory_space<vmem>>, vector<1x16xf32>,
      %get3A_434 = vector.shape_cast %get3A_433 : vector<1x16xf32> to vector<16xf32>
      %get3A_435 = arith.index_cast %mul3A_430 : i32 to index
      %get3A_436 = arith.constant 0 : index
      %get3A_437 = tpu.vector_load %arg13[%get3A_435, %get3A_436] {strides = array<i32>} : memref<128x128xf32, #tpu.memory_space<vmem>>, vector<1x16xf32>,
      %get3A_438 = vector.shape_cast %get3A_437 : vector<1x16xf32> to vector<16xf32>
      %mul3A_439 = arith.mulf %get3A_434, %get3A_438 : vector<16xf32>
      %mul3A_440 = arith.mulf %mul3A_439, %get3A_25 : vector<16xf32>
      %add3A_441 = arith.addf %get3A_22, %mul3A_440 : vector<16xf32>
      %get3A_442 = arith.index_cast %mul3A_430 : i32 to index
      %get3A_443 = arith.constant 16 : index
      %get3A_444 = tpu.vector_load %arg11[%get3A_442, %get3A_443] {strides = array<i32>} : memref<128x128xf32, #tpu.memory_space<vmem>>, vector<1x16xf32>,
      %get3A_445 = vector.shape_cast %get3A_444 : vector<1x16xf32> to vector<16xf32>
      %get3A_446 = arith.index_cast %mul3A_430 : i32 to index
      %get3A_447 = arith.constant 16 : index
      %get3A_448 = tpu.vector_load %arg13[%get3A_446, %get3A_447] {strides = array<i32>} : memref<128x128xf32, #tpu.memory_space<vmem>>, vector<1x16xf32>,
      %get3A_449 = vector.shape_cast %get3A_448 : vector<1x16xf32> to vector<16xf32>
      %mul3A_450 = arith.mulf %get3A_445, %get3A_449 : vector<16xf32>
      %mul3A_451 = arith.mulf %mul3A_450, %get3A_28 : vector<16xf32>
      %add3A_452 = arith.addf %add3A_441, %mul3A_451 : vector<16xf32>
      %get3A_453 = arith.index_cast %mul3A_430 : i32 to index
      %get3A_454 = arith.constant 32 : index
      %get3A_455 = tpu.vector_load %arg11[%get3A_453, %get3A_454] {strides = array<i32>} : memref<128x128xf32, #tpu.memory_space<vmem>>, vector<1x16xf32>,
      %get3A_456 = vector.shape_cast %get3A_455 : vector<1x16xf32> to vector<16xf32>
      %get3A_457 = arith.index_cast %mul3A_430 : i32 to index
      %get3A_458 = arith.constant 32 : index
      %get3A_459 = tpu.vector_load %arg13[%get3A_457, %get3A_458] {strides = array<i32>} : memref<128x128xf32, #tpu.memory_space<vmem>>, vector<1x16xf32>,
      %get3A_460 = vector.shape_cast %get3A_459 : vector<1x16xf32> to vector<16xf32>
      %mul3A_461 = arith.mulf %get3A_456, %get3A_460 : vector<16xf32>
      %mul3A_462 = arith.mulf %mul3A_461, %get3A_31 : vector<16xf32>
      %add3A_463 = arith.addf %add3A_452, %mul3A_462 : vector<16xf32>
      %get3A_464 = arith.index_cast %mul3A_430 : i32 to index
      %get3A_465 = arith.constant 48 : index
      %get3A_466 = tpu.vector_load %arg11[%get3A_464, %get3A_465] {strides = array<i32>} : memref<128x128xf32, #tpu.memory_space<vmem>>, vector<1x16xf32>,
      %get3A_467 = vector.shape_cast %get3A_466 : vector<1x16xf32> to vector<16xf32>
      %get3A_468 = arith.index_cast %mul3A_430 : i32 to index
      %get3A_469 = arith.constant 48 : index
      %get3A_470 = tpu.vector_load %arg13[%get3A_468, %get3A_469] {strides = array<i32>} : memref<128x128xf32, #tpu.memory_space<vmem>>, vector<1x16xf32>,
      %get3A_471 = vector.shape_cast %get3A_470 : vector<1x16xf32> to vector<16xf32>
      %mul3A_472 = arith.mulf %get3A_467, %get3A_471 : vector<16xf32>
      %mul3A_473 = arith.mulf %mul3A_472, %get3A_34 : vector<16xf32>
      %add3A_474 = arith.addf %add3A_463, %mul3A_473 : vector<16xf32>
      %get3A_475 = arith.index_cast %mul3A_430 : i32 to index
      %get3A_476 = arith.constant 64 : index
      %get3A_477 = tpu.vector_load %arg11[%get3A_475, %get3A_476] {strides = array<i32>} : memref<128x128xf32, #tpu.memory_space<vmem>>, vector<1x16xf32>,
      %get3A_478 = vector.shape_cast %get3A_477 : vector<1x16xf32> to vector<16xf32>
      %get3A_479 = arith.index_cast %mul3A_430 : i32 to index
      %get3A_480 = arith.constant 64 : index
      %get3A_481 = tpu.vector_load %arg13[%get3A_479, %get3A_480] {strides = array<i32>} : memref<128x128xf32, #tpu.memory_space<vmem>>, vector<1x16xf32>,
      %get3A_482 = vector.shape_cast %get3A_481 : vector<1x16xf32> to vector<16xf32>
      %mul3A_483 = arith.mulf %get3A_478, %get3A_482 : vector<16xf32>
      %mul3A_484 = arith.mulf %mul3A_483, %get3A_37 : vector<16xf32>
      %add3A_485 = arith.addf %add3A_474, %mul3A_484 : vector<16xf32>
      %get3A_486 = arith.index_cast %mul3A_430 : i32 to index
      %get3A_487 = arith.constant 80 : index
      %get3A_488 = tpu.vector_load %arg11[%get3A_486, %get3A_487] {strides = array<i32>} : memref<128x128xf32, #tpu.memory_space<vmem>>, vector<1x16xf32>,
      %get3A_489 = vector.shape_cast %get3A_488 : vector<1x16xf32> to vector<16xf32>
      %get3A_490 = arith.index_cast %mul3A_430 : i32 to index
      %get3A_491 = arith.constant 80 : index
      %get3A_492 = tpu.vector_load %arg13[%get3A_490, %get3A_491] {strides = array<i32>} : memref<128x128xf32, #tpu.memory_space<vmem>>, vector<1x16xf32>,
      %get3A_493 = vector.shape_cast %get3A_492 : vector<1x16xf32> to vector<16xf32>
      %mul3A_494 = arith.mulf %get3A_489, %get3A_493 : vector<16xf32>
      %mul3A_495 = arith.mulf %mul3A_494, %get3A_40 : vector<16xf32>
      %add3A_496 = arith.addf %add3A_485, %mul3A_495 : vector<16xf32>
      %get3A_497 = arith.index_cast %mul3A_430 : i32 to index
      %get3A_498 = arith.constant 96 : index
      %get3A_499 = tpu.vector_load %arg11[%get3A_497, %get3A_498] {strides = array<i32>} : memref<128x128xf32, #tpu.memory_space<vmem>>, vector<1x16xf32>,
      %get3A_500 = vector.shape_cast %get3A_499 : vector<1x16xf32> to vector<16xf32>
      %get3A_501 = arith.index_cast %mul3A_430 : i32 to index
      %get3A_502 = arith.constant 96 : index
      %get3A_503 = tpu.vector_load %arg13[%get3A_501, %get3A_502] {strides = array<i32>} : memref<128x128xf32, #tpu.memory_space<vmem>>, vector<1x16xf32>,
      %get3A_504 = vector.shape_cast %get3A_503 : vector<1x16xf32> to vector<16xf32>
      %mul3A_505 = arith.mulf %get3A_500, %get3A_504 : vector<16xf32>
      %mul3A_506 = arith.mulf %mul3A_505, %get3A_43 : vector<16xf32>
      %add3A_507 = arith.addf %add3A_496, %mul3A_506 : vector<16xf32>
      %get3A_508 = arith.index_cast %mul3A_430 : i32 to index
      %get3A_509 = arith.constant 112 : index
      %get3A_510 = tpu.vector_load %arg11[%get3A_508, %get3A_509] {strides = array<i32>} : memref<128x128xf32, #tpu.memory_space<vmem>>, vector<1x16xf32>,
      %get3A_511 = vector.shape_cast %get3A_510 : vector<1x16xf32> to vector<16xf32>
      %get3A_512 = arith.index_cast %mul3A_430 : i32 to index
      %get3A_513 = arith.constant 112 : index
      %get3A_514 = tpu.vector_load %arg13[%get3A_512, %get3A_513] {strides = array<i32>} : memref<128x128xf32, #tpu.memory_space<vmem>>, vector<1x16xf32>,
      %get3A_515 = vector.shape_cast %get3A_514 : vector<1x16xf32> to vector<16xf32>
      %mul3A_516 = arith.mulf %get3A_511, %get3A_515 : vector<16xf32>
      %mul3A_517 = arith.mulf %mul3A_516, %get3A_46 : vector<16xf32>
      %add3A_518 = arith.addf %add3A_507, %mul3A_517 : vector<16xf32>
      %mul3A_519 = arith.constant 4 : i32
      %mul3A_520 = arith.muli %mul3A_519, %scan3A_428 : i32
      %add3A_521 = arith.constant 1 : i32
      %add3A_522 = arith.addi %mul3A_520, %add3A_521 : i32
      %get3A_523 = arith.index_cast %add3A_522 : i32 to index
      %get3A_524 = arith.constant 0 : index
      %get3A_525 = tpu.vector_load %arg11[%get3A_523, %get3A_524] {strides = array<i32>} : memref<128x128xf32, #tpu.memory_space<vmem>>, vector<1x16xf32>,
      %get3A_526 = vector.shape_cast %get3A_525 : vector<1x16xf32> to vector<16xf32>
      %get3A_527 = arith.index_cast %add3A_522 : i32 to index
      %get3A_528 = arith.constant 0 : index
      %get3A_529 = tpu.vector_load %arg13[%get3A_527, %get3A_528] {strides = array<i32>} : memref<128x128xf32, #tpu.memory_space<vmem>>, vector<1x16xf32>,
      %get3A_530 = vector.shape_cast %get3A_529 : vector<1x16xf32> to vector<16xf32>
      %mul3A_531 = arith.mulf %get3A_526, %get3A_530 : vector<16xf32>
      %mul3A_532 = arith.mulf %mul3A_531, %get3A_25 : vector<16xf32>
      %add3A_533 = arith.addf %get3A_22, %mul3A_532 : vector<16xf32>
      %get3A_534 = arith.index_cast %add3A_522 : i32 to index
      %get3A_535 = arith.constant 16 : index
      %get3A_536 = tpu.vector_load %arg11[%get3A_534, %get3A_535] {strides = array<i32>} : memref<128x128xf32, #tpu.memory_space<vmem>>, vector<1x16xf32>,
      %get3A_537 = vector.shape_cast %get3A_536 : vector<1x16xf32> to vector<16xf32>
      %get3A_538 = arith.index_cast %add3A_522 : i32 to index
      %get3A_539 = arith.constant 16 : index
      %get3A_540 = tpu.vector_load %arg13[%get3A_538, %get3A_539] {strides = array<i32>} : memref<128x128xf32, #tpu.memory_space<vmem>>, vector<1x16xf32>,
      %get3A_541 = vector.shape_cast %get3A_540 : vector<1x16xf32> to vector<16xf32>
      %mul3A_542 = arith.mulf %get3A_537, %get3A_541 : vector<16xf32>
      %mul3A_543 = arith.mulf %mul3A_542, %get3A_28 : vector<16xf32>
      %add3A_544 = arith.addf %add3A_533, %mul3A_543 : vector<16xf32>
      %get3A_545 = arith.index_cast %add3A_522 : i32 to index
      %get3A_546 = arith.constant 32 : index
      %get3A_547 = tpu.vector_load %arg11[%get3A_545, %get3A_546] {strides = array<i32>} : memref<128x128xf32, #tpu.memory_space<vmem>>, vector<1x16xf32>,
      %get3A_548 = vector.shape_cast %get3A_547 : vector<1x16xf32> to vector<16xf32>
      %get3A_549 = arith.index_cast %add3A_522 : i32 to index
      %get3A_550 = arith.constant 32 : index
      %get3A_551 = tpu.vector_load %arg13[%get3A_549, %get3A_550] {strides = array<i32>} : memref<128x128xf32, #tpu.memory_space<vmem>>, vector<1x16xf32>,
      %get3A_552 = vector.shape_cast %get3A_551 : vector<1x16xf32> to vector<16xf32>
      %mul3A_553 = arith.mulf %get3A_548, %get3A_552 : vector<16xf32>
      %mul3A_554 = arith.mulf %mul3A_553, %get3A_31 : vector<16xf32>
      %add3A_555 = arith.addf %add3A_544, %mul3A_554 : vector<16xf32>
      %get3A_556 = arith.index_cast %add3A_522 : i32 to index
      %get3A_557 = arith.constant 48 : index
      %get3A_558 = tpu.vector_load %arg11[%get3A_556, %get3A_557] {strides = array<i32>} : memref<128x128xf32, #tpu.memory_space<vmem>>, vector<1x16xf32>,
      %get3A_559 = vector.shape_cast %get3A_558 : vector<1x16xf32> to vector<16xf32>
      %get3A_560 = arith.index_cast %add3A_522 : i32 to index
      %get3A_561 = arith.constant 48 : index
      %get3A_562 = tpu.vector_load %arg13[%get3A_560, %get3A_561] {strides = array<i32>} : memref<128x128xf32, #tpu.memory_space<vmem>>, vector<1x16xf32>,
      %get3A_563 = vector.shape_cast %get3A_562 : vector<1x16xf32> to vector<16xf32>
      %mul3A_564 = arith.mulf %get3A_559, %get3A_563 : vector<16xf32>
      %mul3A_565 = arith.mulf %mul3A_564, %get3A_34 : vector<16xf32>
      %add3A_566 = arith.addf %add3A_555, %mul3A_565 : vector<16xf32>
      %get3A_567 = arith.index_cast %add3A_522 : i32 to index
      %get3A_568 = arith.constant 64 : index
      %get3A_569 = tpu.vector_load %arg11[%get3A_567, %get3A_568] {strides = array<i32>} : memref<128x128xf32, #tpu.memory_space<vmem>>, vector<1x16xf32>,
      %get3A_570 = vector.shape_cast %get3A_569 : vector<1x16xf32> to vector<16xf32>
      %get3A_571 = arith.index_cast %add3A_522 : i32 to index
      %get3A_572 = arith.constant 64 : index
      %get3A_573 = tpu.vector_load %arg13[%get3A_571, %get3A_572] {strides = array<i32>} : memref<128x128xf32, #tpu.memory_space<vmem>>, vector<1x16xf32>,
      %get3A_574 = vector.shape_cast %get3A_573 : vector<1x16xf32> to vector<16xf32>
      %mul3A_575 = arith.mulf %get3A_570, %get3A_574 : vector<16xf32>
      %mul3A_576 = arith.mulf %mul3A_575, %get3A_37 : vector<16xf32>
      %add3A_577 = arith.addf %add3A_566, %mul3A_576 : vector<16xf32>
      %get3A_578 = arith.index_cast %add3A_522 : i32 to index
      %get3A_579 = arith.constant 80 : index
      %get3A_580 = tpu.vector_load %arg11[%get3A_578, %get3A_579] {strides = array<i32>} : memref<128x128xf32, #tpu.memory_space<vmem>>, vector<1x16xf32>,
      %get3A_581 = vector.shape_cast %get3A_580 : vector<1x16xf32> to vector<16xf32>
      %get3A_582 = arith.index_cast %add3A_522 : i32 to index
      %get3A_583 = arith.constant 80 : index
      %get3A_584 = tpu.vector_load %arg13[%get3A_582, %get3A_583] {strides = array<i32>} : memref<128x128xf32, #tpu.memory_space<vmem>>, vector<1x16xf32>,
      %get3A_585 = vector.shape_cast %get3A_584 : vector<1x16xf32> to vector<16xf32>
      %mul3A_586 = arith.mulf %get3A_581, %get3A_585 : vector<16xf32>
      %mul3A_587 = arith.mulf %mul3A_586, %get3A_40 : vector<16xf32>
      %add3A_588 = arith.addf %add3A_577, %mul3A_587 : vector<16xf32>
      %get3A_589 = arith.index_cast %add3A_522 : i32 to index
      %get3A_590 = arith.constant 96 : index
      %get3A_591 = tpu.vector_load %arg11[%get3A_589, %get3A_590] {strides = array<i32>} : memref<128x128xf32, #tpu.memory_space<vmem>>, vector<1x16xf32>,
      %get3A_592 = vector.shape_cast %get3A_591 : vector<1x16xf32> to vector<16xf32>
      %get3A_593 = arith.index_cast %add3A_522 : i32 to index
      %get3A_594 = arith.constant 96 : index
      %get3A_595 = tpu.vector_load %arg13[%get3A_593, %get3A_594] {strides = array<i32>} : memref<128x128xf32, #tpu.memory_space<vmem>>, vector<1x16xf32>,
      %get3A_596 = vector.shape_cast %get3A_595 : vector<1x16xf32> to vector<16xf32>
      %mul3A_597 = arith.mulf %get3A_592, %get3A_596 : vector<16xf32>
      %mul3A_598 = arith.mulf %mul3A_597, %get3A_43 : vector<16xf32>
      %add3A_599 = arith.addf %add3A_588, %mul3A_598 : vector<16xf32>
      %get3A_600 = arith.index_cast %add3A_522 : i32 to index
      %get3A_601 = arith.constant 112 : index
      %get3A_602 = tpu.vector_load %arg11[%get3A_600, %get3A_601] {strides = array<i32>} : memref<128x128xf32, #tpu.memory_space<vmem>>, vector<1x16xf32>,
      %get3A_603 = vector.shape_cast %get3A_602 : vector<1x16xf32> to vector<16xf32>
      %get3A_604 = arith.index_cast %add3A_522 : i32 to index
      %get3A_605 = arith.constant 112 : index
      %get3A_606 = tpu.vector_load %arg13[%get3A_604, %get3A_605] {strides = array<i32>} : memref<128x128xf32, #tpu.memory_space<vmem>>, vector<1x16xf32>,
      %get3A_607 = vector.shape_cast %get3A_606 : vector<1x16xf32> to vector<16xf32>
      %mul3A_608 = arith.mulf %get3A_603, %get3A_607 : vector<16xf32>
      %mul3A_609 = arith.mulf %mul3A_608, %get3A_46 : vector<16xf32>
      %add3A_610 = arith.addf %add3A_599, %mul3A_609 : vector<16xf32>
      %mul3A_611 = arith.constant 4 : i32
      %mul3A_612 = arith.muli %mul3A_611, %scan3A_428 : i32
      %add3A_613 = arith.constant 2 : i32
      %add3A_614 = arith.addi %mul3A_612, %add3A_613 : i32
      %get3A_615 = arith.index_cast %add3A_614 : i32 to index
      %get3A_616 = arith.constant 0 : index
      %get3A_617 = tpu.vector_load %arg11[%get3A_615, %get3A_616] {strides = array<i32>} : memref<128x128xf32, #tpu.memory_space<vmem>>, vector<1x16xf32>,
      %get3A_618 = vector.shape_cast %get3A_617 : vector<1x16xf32> to vector<16xf32>
      %get3A_619 = arith.index_cast %add3A_614 : i32 to index
      %get3A_620 = arith.constant 0 : index
      %get3A_621 = tpu.vector_load %arg13[%get3A_619, %get3A_620] {strides = array<i32>} : memref<128x128xf32, #tpu.memory_space<vmem>>, vector<1x16xf32>,
      %get3A_622 = vector.shape_cast %get3A_621 : vector<1x16xf32> to vector<16xf32>
      %mul3A_623 = arith.mulf %get3A_618, %get3A_622 : vector<16xf32>
      %mul3A_624 = arith.mulf %mul3A_623, %get3A_25 : vector<16xf32>
      %add3A_625 = arith.addf %get3A_22, %mul3A_624 : vector<16xf32>
      %get3A_626 = arith.index_cast %add3A_614 : i32 to index
      %get3A_627 = arith.constant 16 : index
      %get3A_628 = tpu.vector_load %arg11[%get3A_626, %get3A_627] {strides = array<i32>} : memref<128x128xf32, #tpu.memory_space<vmem>>, vector<1x16xf32>,
      %get3A_629 = vector.shape_cast %get3A_628 : vector<1x16xf32> to vector<16xf32>
      %get3A_630 = arith.index_cast %add3A_614 : i32 to index
      %get3A_631 = arith.constant 16 : index
      %get3A_632 = tpu.vector_load %arg13[%get3A_630, %get3A_631] {strides = array<i32>} : memref<128x128xf32, #tpu.memory_space<vmem>>, vector<1x16xf32>,
      %get3A_633 = vector.shape_cast %get3A_632 : vector<1x16xf32> to vector<16xf32>
      %mul3A_634 = arith.mulf %get3A_629, %get3A_633 : vector<16xf32>
      %mul3A_635 = arith.mulf %mul3A_634, %get3A_28 : vector<16xf32>
      %add3A_636 = arith.addf %add3A_625, %mul3A_635 : vector<16xf32>
      %get3A_637 = arith.index_cast %add3A_614 : i32 to index
      %get3A_638 = arith.constant 32 : index
      %get3A_639 = tpu.vector_load %arg11[%get3A_637, %get3A_638] {strides = array<i32>} : memref<128x128xf32, #tpu.memory_space<vmem>>, vector<1x16xf32>,
      %get3A_640 = vector.shape_cast %get3A_639 : vector<1x16xf32> to vector<16xf32>
      %get3A_641 = arith.index_cast %add3A_614 : i32 to index
      %get3A_642 = arith.constant 32 : index
      %get3A_643 = tpu.vector_load %arg13[%get3A_641, %get3A_642] {strides = array<i32>} : memref<128x128xf32, #tpu.memory_space<vmem>>, vector<1x16xf32>,
      %get3A_644 = vector.shape_cast %get3A_643 : vector<1x16xf32> to vector<16xf32>
      %mul3A_645 = arith.mulf %get3A_640, %get3A_644 : vector<16xf32>
      %mul3A_646 = arith.mulf %mul3A_645, %get3A_31 : vector<16xf32>
      %add3A_647 = arith.addf %add3A_636, %mul3A_646 : vector<16xf32>
      %get3A_648 = arith.index_cast %add3A_614 : i32 to index
      %get3A_649 = arith.constant 48 : index
      %get3A_650 = tpu.vector_load %arg11[%get3A_648, %get3A_649] {strides = array<i32>} : memref<128x128xf32, #tpu.memory_space<vmem>>, vector<1x16xf32>,
      %get3A_651 = vector.shape_cast %get3A_650 : vector<1x16xf32> to vector<16xf32>
      %get3A_652 = arith.index_cast %add3A_614 : i32 to index
      %get3A_653 = arith.constant 48 : index
      %get3A_654 = tpu.vector_load %arg13[%get3A_652, %get3A_653] {strides = array<i32>} : memref<128x128xf32, #tpu.memory_space<vmem>>, vector<1x16xf32>,
      %get3A_655 = vector.shape_cast %get3A_654 : vector<1x16xf32> to vector<16xf32>
      %mul3A_656 = arith.mulf %get3A_651, %get3A_655 : vector<16xf32>
      %mul3A_657 = arith.mulf %mul3A_656, %get3A_34 : vector<16xf32>
      %add3A_658 = arith.addf %add3A_647, %mul3A_657 : vector<16xf32>
      %get3A_659 = arith.index_cast %add3A_614 : i32 to index
      %get3A_660 = arith.constant 64 : index
      %get3A_661 = tpu.vector_load %arg11[%get3A_659, %get3A_660] {strides = array<i32>} : memref<128x128xf32, #tpu.memory_space<vmem>>, vector<1x16xf32>,
      %get3A_662 = vector.shape_cast %get3A_661 : vector<1x16xf32> to vector<16xf32>
      %get3A_663 = arith.index_cast %add3A_614 : i32 to index
      %get3A_664 = arith.constant 64 : index
      %get3A_665 = tpu.vector_load %arg13[%get3A_663, %get3A_664] {strides = array<i32>} : memref<128x128xf32, #tpu.memory_space<vmem>>, vector<1x16xf32>,
      %get3A_666 = vector.shape_cast %get3A_665 : vector<1x16xf32> to vector<16xf32>
      %mul3A_667 = arith.mulf %get3A_662, %get3A_666 : vector<16xf32>
      %mul3A_668 = arith.mulf %mul3A_667, %get3A_37 : vector<16xf32>
      %add3A_669 = arith.addf %add3A_658, %mul3A_668 : vector<16xf32>
      %get3A_670 = arith.index_cast %add3A_614 : i32 to index
      %get3A_671 = arith.constant 80 : index
      %get3A_672 = tpu.vector_load %arg11[%get3A_670, %get3A_671] {strides = array<i32>} : memref<128x128xf32, #tpu.memory_space<vmem>>, vector<1x16xf32>,
      %get3A_673 = vector.shape_cast %get3A_672 : vector<1x16xf32> to vector<16xf32>
      %get3A_674 = arith.index_cast %add3A_614 : i32 to index
      %get3A_675 = arith.constant 80 : index
      %get3A_676 = tpu.vector_load %arg13[%get3A_674, %get3A_675] {strides = array<i32>} : memref<128x128xf32, #tpu.memory_space<vmem>>, vector<1x16xf32>,
      %get3A_677 = vector.shape_cast %get3A_676 : vector<1x16xf32> to vector<16xf32>
      %mul3A_678 = arith.mulf %get3A_673, %get3A_677 : vector<16xf32>
      %mul3A_679 = arith.mulf %mul3A_678, %get3A_40 : vector<16xf32>
      %add3A_680 = arith.addf %add3A_669, %mul3A_679 : vector<16xf32>
      %get3A_681 = arith.index_cast %add3A_614 : i32 to index
      %get3A_682 = arith.constant 96 : index
      %get3A_683 = tpu.vector_load %arg11[%get3A_681, %get3A_682] {strides = array<i32>} : memref<128x128xf32, #tpu.memory_space<vmem>>, vector<1x16xf32>,
      %get3A_684 = vector.shape_cast %get3A_683 : vector<1x16xf32> to vector<16xf32>
      %get3A_685 = arith.index_cast %add3A_614 : i32 to index
      %get3A_686 = arith.constant 96 : index
      %get3A_687 = tpu.vector_load %arg13[%get3A_685, %get3A_686] {strides = array<i32>} : memref<128x128xf32, #tpu.memory_space<vmem>>, vector<1x16xf32>,
      %get3A_688 = vector.shape_cast %get3A_687 : vector<1x16xf32> to vector<16xf32>
      %mul3A_689 = arith.mulf %get3A_684, %get3A_688 : vector<16xf32>
      %mul3A_690 = arith.mulf %mul3A_689, %get3A_43 : vector<16xf32>
      %add3A_691 = arith.addf %add3A_680, %mul3A_690 : vector<16xf32>
      %get3A_692 = arith.index_cast %add3A_614 : i32 to index
      %get3A_693 = arith.constant 112 : index
      %get3A_694 = tpu.vector_load %arg11[%get3A_692, %get3A_693] {strides = array<i32>} : memref<128x128xf32, #tpu.memory_space<vmem>>, vector<1x16xf32>,
      %get3A_695 = vector.shape_cast %get3A_694 : vector<1x16xf32> to vector<16xf32>
      %get3A_696 = arith.index_cast %add3A_614 : i32 to index
      %get3A_697 = arith.constant 112 : index
      %get3A_698 = tpu.vector_load %arg13[%get3A_696, %get3A_697] {strides = array<i32>} : memref<128x128xf32, #tpu.memory_space<vmem>>, vector<1x16xf32>,
      %get3A_699 = vector.shape_cast %get3A_698 : vector<1x16xf32> to vector<16xf32>
      %mul3A_700 = arith.mulf %get3A_695, %get3A_699 : vector<16xf32>
      %mul3A_701 = arith.mulf %mul3A_700, %get3A_46 : vector<16xf32>
      %add3A_702 = arith.addf %add3A_691, %mul3A_701 : vector<16xf32>
      %mul3A_703 = arith.constant 4 : i32
      %mul3A_704 = arith.muli %mul3A_703, %scan3A_428 : i32
      %add3A_705 = arith.constant 3 : i32
      %add3A_706 = arith.addi %mul3A_704, %add3A_705 : i32
      %get3A_707 = arith.index_cast %add3A_706 : i32 to index
      %get3A_708 = arith.constant 0 : index
      %get3A_709 = tpu.vector_load %arg11[%get3A_707, %get3A_708] {strides = array<i32>} : memref<128x128xf32, #tpu.memory_space<vmem>>, vector<1x16xf32>,
      %get3A_710 = vector.shape_cast %get3A_709 : vector<1x16xf32> to vector<16xf32>
      %get3A_711 = arith.index_cast %add3A_706 : i32 to index
      %get3A_712 = arith.constant 0 : index
      %get3A_713 = tpu.vector_load %arg13[%get3A_711, %get3A_712] {strides = array<i32>} : memref<128x128xf32, #tpu.memory_space<vmem>>, vector<1x16xf32>,
      %get3A_714 = vector.shape_cast %get3A_713 : vector<1x16xf32> to vector<16xf32>
      %mul3A_715 = arith.mulf %get3A_710, %get3A_714 : vector<16xf32>
      %mul3A_716 = arith.mulf %mul3A_715, %get3A_25 : vector<16xf32>
      %add3A_717 = arith.addf %get3A_22, %mul3A_716 : vector<16xf32>
      %get3A_718 = arith.index_cast %add3A_706 : i32 to index
      %get3A_719 = arith.constant 16 : index
      %get3A_720 = tpu.vector_load %arg11[%get3A_718, %get3A_719] {strides = array<i32>} : memref<128x128xf32, #tpu.memory_space<vmem>>, vector<1x16xf32>,
      %get3A_721 = vector.shape_cast %get3A_720 : vector<1x16xf32> to vector<16xf32>
      %get3A_722 = arith.index_cast %add3A_706 : i32 to index
      %get3A_723 = arith.constant 16 : index
      %get3A_724 = tpu.vector_load %arg13[%get3A_722, %get3A_723] {strides = array<i32>} : memref<128x128xf32, #tpu.memory_space<vmem>>, vector<1x16xf32>,
      %get3A_725 = vector.shape_cast %get3A_724 : vector<1x16xf32> to vector<16xf32>
      %mul3A_726 = arith.mulf %get3A_721, %get3A_725 : vector<16xf32>
      %mul3A_727 = arith.mulf %mul3A_726, %get3A_28 : vector<16xf32>
      %add3A_728 = arith.addf %add3A_717, %mul3A_727 : vector<16xf32>
      %get3A_729 = arith.index_cast %add3A_706 : i32 to index
      %get3A_730 = arith.constant 32 : index
      %get3A_731 = tpu.vector_load %arg11[%get3A_729, %get3A_730] {strides = array<i32>} : memref<128x128xf32, #tpu.memory_space<vmem>>, vector<1x16xf32>,
      %get3A_732 = vector.shape_cast %get3A_731 : vector<1x16xf32> to vector<16xf32>
      %get3A_733 = arith.index_cast %add3A_706 : i32 to index
      %get3A_734 = arith.constant 32 : index
      %get3A_735 = tpu.vector_load %arg13[%get3A_733, %get3A_734] {strides = array<i32>} : memref<128x128xf32, #tpu.memory_space<vmem>>, vector<1x16xf32>,
      %get3A_736 = vector.shape_cast %get3A_735 : vector<1x16xf32> to vector<16xf32>
      %mul3A_737 = arith.mulf %get3A_732, %get3A_736 : vector<16xf32>
      %mul3A_738 = arith.mulf %mul3A_737, %get3A_31 : vector<16xf32>
      %add3A_739 = arith.addf %add3A_728, %mul3A_738 : vector<16xf32>
      %get3A_740 = arith.index_cast %add3A_706 : i32 to index
      %get3A_741 = arith.constant 48 : index
      %get3A_742 = tpu.vector_load %arg11[%get3A_740, %get3A_741] {strides = array<i32>} : memref<128x128xf32, #tpu.memory_space<vmem>>, vector<1x16xf32>,
      %get3A_743 = vector.shape_cast %get3A_742 : vector<1x16xf32> to vector<16xf32>
      %get3A_744 = arith.index_cast %add3A_706 : i32 to index
      %get3A_745 = arith.constant 48 : index
      %get3A_746 = tpu.vector_load %arg13[%get3A_744, %get3A_745] {strides = array<i32>} : memref<128x128xf32, #tpu.memory_space<vmem>>, vector<1x16xf32>,
      %get3A_747 = vector.shape_cast %get3A_746 : vector<1x16xf32> to vector<16xf32>
      %mul3A_748 = arith.mulf %get3A_743, %get3A_747 : vector<16xf32>
      %mul3A_749 = arith.mulf %mul3A_748, %get3A_34 : vector<16xf32>
      %add3A_750 = arith.addf %add3A_739, %mul3A_749 : vector<16xf32>
      %get3A_751 = arith.index_cast %add3A_706 : i32 to index
      %get3A_752 = arith.constant 64 : index
      %get3A_753 = tpu.vector_load %arg11[%get3A_751, %get3A_752] {strides = array<i32>} : memref<128x128xf32, #tpu.memory_space<vmem>>, vector<1x16xf32>,
      %get3A_754 = vector.shape_cast %get3A_753 : vector<1x16xf32> to vector<16xf32>
      %get3A_755 = arith.index_cast %add3A_706 : i32 to index
      %get3A_756 = arith.constant 64 : index
      %get3A_757 = tpu.vector_load %arg13[%get3A_755, %get3A_756] {strides = array<i32>} : memref<128x128xf32, #tpu.memory_space<vmem>>, vector<1x16xf32>,
      %get3A_758 = vector.shape_cast %get3A_757 : vector<1x16xf32> to vector<16xf32>
      %mul3A_759 = arith.mulf %get3A_754, %get3A_758 : vector<16xf32>
      %mul3A_760 = arith.mulf %mul3A_759, %get3A_37 : vector<16xf32>
      %add3A_761 = arith.addf %add3A_750, %mul3A_760 : vector<16xf32>
      %get3A_762 = arith.index_cast %add3A_706 : i32 to index
      %get3A_763 = arith.constant 80 : index
      %get3A_764 = tpu.vector_load %arg11[%get3A_762, %get3A_763] {strides = array<i32>} : memref<128x128xf32, #tpu.memory_space<vmem>>, vector<1x16xf32>,
      %get3A_765 = vector.shape_cast %get3A_764 : vector<1x16xf32> to vector<16xf32>
      %get3A_766 = arith.index_cast %add3A_706 : i32 to index
      %get3A_767 = arith.constant 80 : index
      %get3A_768 = tpu.vector_load %arg13[%get3A_766, %get3A_767] {strides = array<i32>} : memref<128x128xf32, #tpu.memory_space<vmem>>, vector<1x16xf32>,
      %get3A_769 = vector.shape_cast %get3A_768 : vector<1x16xf32> to vector<16xf32>
      %mul3A_770 = arith.mulf %get3A_765, %get3A_769 : vector<16xf32>
      %mul3A_771 = arith.mulf %mul3A_770, %get3A_40 : vector<16xf32>
      %add3A_772 = arith.addf %add3A_761, %mul3A_771 : vector<16xf32>
      %get3A_773 = arith.index_cast %add3A_706 : i32 to index
      %get3A_774 = arith.constant 96 : index
      %get3A_775 = tpu.vector_load %arg11[%get3A_773, %get3A_774] {strides = array<i32>} : memref<128x128xf32, #tpu.memory_space<vmem>>, vector<1x16xf32>,
      %get3A_776 = vector.shape_cast %get3A_775 : vector<1x16xf32> to vector<16xf32>
      %get3A_777 = arith.index_cast %add3A_706 : i32 to index
      %get3A_778 = arith.constant 96 : index
      %get3A_779 = tpu.vector_load %arg13[%get3A_777, %get3A_778] {strides = array<i32>} : memref<128x128xf32, #tpu.memory_space<vmem>>, vector<1x16xf32>,
      %get3A_780 = vector.shape_cast %get3A_779 : vector<1x16xf32> to vector<16xf32>
      %mul3A_781 = arith.mulf %get3A_776, %get3A_780 : vector<16xf32>
      %mul3A_782 = arith.mulf %mul3A_781, %get3A_43 : vector<16xf32>
      %add3A_783 = arith.addf %add3A_772, %mul3A_782 : vector<16xf32>
      %get3A_784 = arith.index_cast %add3A_706 : i32 to index
      %get3A_785 = arith.constant 112 : index
      %get3A_786 = tpu.vector_load %arg11[%get3A_784, %get3A_785] {strides = array<i32>} : memref<128x128xf32, #tpu.memory_space<vmem>>, vector<1x16xf32>,
      %get3A_787 = vector.shape_cast %get3A_786 : vector<1x16xf32> to vector<16xf32>
      %get3A_788 = arith.index_cast %add3A_706 : i32 to index
      %get3A_789 = arith.constant 112 : index
      %get3A_790 = tpu.vector_load %arg13[%get3A_788, %get3A_789] {strides = array<i32>} : memref<128x128xf32, #tpu.memory_space<vmem>>, vector<1x16xf32>,
      %get3A_791 = vector.shape_cast %get3A_790 : vector<1x16xf32> to vector<16xf32>
      %mul3A_792 = arith.mulf %get3A_787, %get3A_791 : vector<16xf32>
      %mul3A_793 = arith.mulf %mul3A_792, %get3A_46 : vector<16xf32>
      %add3A_794 = arith.addf %add3A_783, %mul3A_793 : vector<16xf32>
      %broadcast_in_dim3A_795 = vector.shape_cast %and3A_51 : vector<16xi32> to vector<16x1xi32>
      %gather3A = vector.shape_cast %broadcast_in_dim3A_795 : vector<16x1xi32> to vector<16xi32>
      %gather3A_796 = tpu.dynamic_gather %add3A_518[%gather3A] in [0] : vector<16xf32>, vector<16xi32> -> vector<16xf32>
      %add3A_797 = arith.addf %add3A_518, %gather3A_796 : vector<16xf32>
      %broadcast_in_dim3A_798 = vector.shape_cast %and3A_51 : vector<16xi32> to vector<16x1xi32>
      %gather3A_799 = vector.shape_cast %broadcast_in_dim3A_798 : vector<16x1xi32> to vector<16xi32>
      %gather3A_800 = tpu.dynamic_gather %add3A_610[%gather3A_799] in [0] : vector<16xf32>, vector<16xi32> -> vector<16xf32>
      %add3A_801 = arith.addf %add3A_610, %gather3A_800 : vector<16xf32>
      %select_n3A = arith.select %lt3A_107, %add3A_797, %add3A_801 : vector<16xi1>, vector<16xf32>
      %broadcast_in_dim3A_802 = vector.shape_cast %and3A_51 : vector<16xi32> to vector<16x1xi32>
      %gather3A_803 = vector.shape_cast %broadcast_in_dim3A_802 : vector<16x1xi32> to vector<16xi32>
      %gather3A_804 = tpu.dynamic_gather %add3A_702[%gather3A_803] in [0] : vector<16xf32>, vector<16xi32> -> vector<16xf32>
      %add3A_805 = arith.addf %add3A_702, %gather3A_804 : vector<16xf32>
      %broadcast_in_dim3A_806 = vector.shape_cast %and3A_51 : vector<16xi32> to vector<16x1xi32>
      %gather3A_807 = vector.shape_cast %broadcast_in_dim3A_806 : vector<16x1xi32> to vector<16xi32>
      %gather3A_808 = tpu.dynamic_gather %add3A_794[%gather3A_807] in [0] : vector<16xf32>, vector<16xi32> -> vector<16xf32>
      %add3A_809 = arith.addf %add3A_794, %gather3A_808 : vector<16xf32>
      %select_n3A_810 = arith.select %lt3A_107, %add3A_805, %add3A_809 : vector<16xi1>, vector<16xf32>
      %broadcast_in_dim3A_811 = vector.shape_cast %or3A : vector<16xi32> to vector<16x1xi32>
      %gather3A_812 = vector.shape_cast %broadcast_in_dim3A_811 : vector<16x1xi32> to vector<16xi32>
      %gather3A_813 = tpu.dynamic_gather %select_n3A[%gather3A_812] in [0] : vector<16xf32>, vector<16xi32> -> vector<16xf32>
      %add3A_814 = arith.addf %select_n3A, %gather3A_813 : vector<16xf32>
      %broadcast_in_dim3A_815 = vector.shape_cast %or3A : vector<16xi32> to vector<16x1xi32>
      %gather3A_816 = vector.shape_cast %broadcast_in_dim3A_815 : vector<16x1xi32> to vector<16xi32>
      %gather3A_817 = tpu.dynamic_gather %select_n3A_810[%gather3A_816] in [0] : vector<16xf32>, vector<16xi32> -> vector<16xf32>
      %add3A_818 = arith.addf %select_n3A_810, %gather3A_817 : vector<16xf32>
      %select_n3A_819 = arith.select %eq3A_112, %add3A_814, %add3A_818 : vector<16xi1>, vector<16xf32>
      %broadcast_in_dim3A_820 = vector.shape_cast %or3A_70 : vector<16xi32> to vector<16x1xi32>
      %gather3A_821 = vector.shape_cast %broadcast_in_dim3A_820 : vector<16x1xi32> to vector<16xi32>
      %gather3A_822 = tpu.dynamic_gather %select_n3A_819[%gather3A_821] in [0] : vector<16xf32>, vector<16xi32> -> vector<16xf32>
      %add3A_823 = arith.addf %select_n3A_819, %gather3A_822 : vector<16xf32>
      %mul3A_824 = arith.constant 16 : i32
      %mul3A_825 = arith.muli %scan3A_428, %mul3A_824 : i32
      %swap3A_826 = arith.index_cast %mul3A_825 : i32 to index
      %swap3A_827 = tpu.vector_load %arg17[%swap3A_826] {strides = array<i32>} : memref<512xf32, #tpu.memory_space<vmem>>, vector<16xf32>,
      %swap3A_828 = vector.shape_cast %swap3A_827 : vector<16xf32> to vector<16xf32>
      %swap3A_829 = vector.shape_cast %add3A_823 : vector<16xf32> to vector<16xf32>
      tpu.vector_store %arg17[%swap3A_826], %swap3A_829 {strides = array<i32>} : memref<512xf32, #tpu.memory_space<vmem>>, vector<16xf32>,
    }
    %scan3A_377 = arith.constant 32 : i32
    %scan3A_378 = arith.constant 0 : i32
    %scan3A_379 = arith.constant 0 : i32
    %scan3A_380 = arith.constant 8 : i32
    %scan3A_381 = arith.addi %scan3A_379, %scan3A_380 : i32
    %scan3A_382 = arith.constant 1 : i32
    scf.for %scan3A_428 = %scan3A_379 to %scan3A_381 step %scan3A_382  : i32 {
      %mul3A_429 = arith.constant 4 : i32
      %mul3A_430 = arith.muli %mul3A_429, %scan3A_428 : i32
      %mul3A_431 = arith.constant 16 : i32
      %mul3A_432 = arith.muli %mul3A_430, %mul3A_431 : i32
      %get3A_433 = arith.index_cast %mul3A_432 : i32 to index
      %get3A_434 = tpu.vector_load %arg17[%get3A_433] {strides = array<i32>} : memref<512xf32, #tpu.memory_space<vmem>>, vector<16xf32>,
      %get3A_435 = vector.shape_cast %get3A_434 : vector<16xf32> to vector<16xf32>
      %mul3A_436 = arith.constant 4 : i32
      %mul3A_437 = arith.muli %mul3A_436, %scan3A_428 : i32
      %add3A_438 = arith.constant 1 : i32
      %add3A_439 = arith.addi %mul3A_437, %add3A_438 : i32
      %mul3A_440 = arith.constant 16 : i32
      %mul3A_441 = arith.muli %add3A_439, %mul3A_440 : i32
      %get3A_442 = arith.index_cast %mul3A_441 : i32 to index
      %get3A_443 = tpu.vector_load %arg17[%get3A_442] {strides = array<i32>} : memref<512xf32, #tpu.memory_space<vmem>>, vector<16xf32>,
      %get3A_444 = vector.shape_cast %get3A_443 : vector<16xf32> to vector<16xf32>
      %mul3A_445 = arith.constant 4 : i32
      %mul3A_446 = arith.muli %mul3A_445, %scan3A_428 : i32
      %add3A_447 = arith.constant 2 : i32
      %add3A_448 = arith.addi %mul3A_446, %add3A_447 : i32
      %mul3A_449 = arith.constant 16 : i32
      %mul3A_450 = arith.muli %add3A_448, %mul3A_449 : i32
      %get3A_451 = arith.index_cast %mul3A_450 : i32 to index
      %get3A_452 = tpu.vector_load %arg17[%get3A_451] {strides = array<i32>} : memref<512xf32, #tpu.memory_space<vmem>>, vector<16xf32>,
      %get3A_453 = vector.shape_cast %get3A_452 : vector<16xf32> to vector<16xf32>
      %mul3A_454 = arith.constant 4 : i32
      %mul3A_455 = arith.muli %mul3A_454, %scan3A_428 : i32
      %add3A_456 = arith.constant 3 : i32
      %add3A_457 = arith.addi %mul3A_455, %add3A_456 : i32
      %mul3A_458 = arith.constant 16 : i32
      %mul3A_459 = arith.muli %add3A_457, %mul3A_458 : i32
      %get3A_460 = arith.index_cast %mul3A_459 : i32 to index
      %get3A_461 = tpu.vector_load %arg17[%get3A_460] {strides = array<i32>} : memref<512xf32, #tpu.memory_space<vmem>>, vector<16xf32>,
      %get3A_462 = vector.shape_cast %get3A_461 : vector<16xf32> to vector<16xf32>
      %select_n3A = arith.select %eq3A_118, %get3A_435, %get3A_444 : vector<16xi1>, vector<16xf32>
      %select_n3A_463 = arith.select %eq3A_118, %get3A_453, %get3A_462 : vector<16xi1>, vector<16xf32>
      %broadcast_in_dim3A_464 = vector.shape_cast %or3A_80 : vector<16xi32> to vector<16x1xi32>
      %gather3A = vector.shape_cast %broadcast_in_dim3A_464 : vector<16x1xi32> to vector<16xi32>
      %gather3A_465 = tpu.dynamic_gather %select_n3A[%gather3A] in [0] : vector<16xf32>, vector<16xi32> -> vector<16xf32>
      %add3A_466 = arith.addf %select_n3A, %gather3A_465 : vector<16xf32>
      %broadcast_in_dim3A_467 = vector.shape_cast %or3A_80 : vector<16xi32> to vector<16x1xi32>
      %gather3A_468 = vector.shape_cast %broadcast_in_dim3A_467 : vector<16x1xi32> to vector<16xi32>
      %gather3A_469 = tpu.dynamic_gather %select_n3A_463[%gather3A_468] in [0] : vector<16xf32>, vector<16xi32> -> vector<16xf32>
      %add3A_470 = arith.addf %select_n3A_463, %gather3A_469 : vector<16xf32>
      %select_n3A_471 = arith.select %eq3A_124, %add3A_466, %add3A_470 : vector<16xi1>, vector<16xf32>
      %broadcast_in_dim3A_472 = vector.shape_cast %or3A_105 : vector<16xi32> to vector<16x1xi32>
      %gather3A_473 = vector.shape_cast %broadcast_in_dim3A_472 : vector<16x1xi32> to vector<16xi32>
      %gather3A_474 = tpu.dynamic_gather %select_n3A_471[%gather3A_473] in [0] : vector<16xf32>, vector<16xi32> -> vector<16xf32>
      %mul3A_475 = arith.constant 16 : i32
      %mul3A_476 = arith.muli %scan3A_428, %mul3A_475 : i32
      %add3A_477 = arith.constant 256 : i32
      %add3A_478 = arith.addi %add3A_477, %mul3A_476 : i32
      %swap3A_479 = arith.index_cast %add3A_478 : i32 to index
      %swap3A_480 = tpu.vector_load %arg18[%swap3A_479] {strides = array<i32>} : memref<512xf32, #tpu.memory_space<vmem>>, vector<16xf32>,
      %swap3A_481 = vector.shape_cast %swap3A_480 : vector<16xf32> to vector<16xf32>
      %swap3A_482 = vector.shape_cast %gather3A_474 : vector<16xf32> to vector<16xf32>
      tpu.vector_store %arg18[%swap3A_479], %swap3A_482 {strides = array<i32>} : memref<512xf32, #tpu.memory_space<vmem>>, vector<16xf32>,
    }
    %scan3A_383 = arith.constant 8 : i32
    %dma_wait3A_384 = arith.constant 0 : i32
    %dma_wait3A_385 = arith.constant 0 : i32
    %dma_wait3A_386 = tpu.memref_slice %arg12[%dma_wait3A_384, %dma_wait3A_385] : memref<128x128xf32, #tpu.memory_space<vmem>> -> memref<64x128xf32, #tpu.memory_space<vmem>>
    %dma_wait3A_387 = arith.constant 384 : i32
    %dma_wait3A_388 = tpu.memref_slice %arg9[%dma_wait3A_387] : memref<512xi32, #tpu.memory_space<vmem>> -> memref<64xi32, #tpu.memory_space<vmem>>
    %dma_wait3A_389 = arith.constant 0 : i32
    %dma_wait3A_390 = arith.constant 0 : i32
    %dma_wait3A_391 = tpu.memref_slice %arg4[%dma_wait3A_389, %dma_wait3A_390] : memref<100000x128xf32, #tpu.memory_space<hbm>> -> memref<100000x128xf32, #tpu.memory_space<hbm>>
    tpu.wait_indirect_dma semaphore(%arg20 : memref<!tpu.dma_semaphore, #tpu.memory_space<semaphore_mem>>) src(%dma_wait3A_391 : memref<100000x128xf32, #tpu.memory_space<hbm>>) dst(%dma_wait3A_386 : memref<64x128xf32, #tpu.memory_space<vmem>>)
    %dma_wait3A_392 = arith.constant 0 : i32
    %dma_wait3A_393 = arith.constant 0 : i32
    %dma_wait3A_394 = tpu.memref_slice %arg14[%dma_wait3A_392, %dma_wait3A_393] : memref<128x128xf32, #tpu.memory_space<vmem>> -> memref<64x128xf32, #tpu.memory_space<vmem>>
    %dma_wait3A_395 = arith.constant 384 : i32
    %dma_wait3A_396 = tpu.memref_slice %arg10[%dma_wait3A_395] : memref<512xi32, #tpu.memory_space<vmem>> -> memref<64xi32, #tpu.memory_space<vmem>>
    %dma_wait3A_397 = arith.constant 0 : i32
    %dma_wait3A_398 = arith.constant 0 : i32
    %dma_wait3A_399 = tpu.memref_slice %arg5[%dma_wait3A_397, %dma_wait3A_398] : memref<100000x128xf32, #tpu.memory_space<hbm>> -> memref<100000x128xf32, #tpu.memory_space<hbm>>
    tpu.wait_indirect_dma semaphore(%arg20 : memref<!tpu.dma_semaphore, #tpu.memory_space<semaphore_mem>>) src(%dma_wait3A_399 : memref<100000x128xf32, #tpu.memory_space<hbm>>) dst(%dma_wait3A_394 : memref<64x128xf32, #tpu.memory_space<vmem>>)
    %dma_wait3A_400 = arith.constant 64 : i32
    %dma_wait3A_401 = arith.constant 0 : i32
    %dma_wait3A_402 = tpu.memref_slice %arg12[%dma_wait3A_400, %dma_wait3A_401] : memref<128x128xf32, #tpu.memory_space<vmem>> -> memref<64x128xf32, #tpu.memory_space<vmem>>
    %dma_wait3A_403 = arith.constant 448 : i32
    %dma_wait3A_404 = tpu.memref_slice %arg9[%dma_wait3A_403] : memref<512xi32, #tpu.memory_space<vmem>> -> memref<64xi32, #tpu.memory_space<vmem>>
    %dma_wait3A_405 = arith.constant 0 : i32
    %dma_wait3A_406 = arith.constant 0 : i32
    %dma_wait3A_407 = tpu.memref_slice %arg4[%dma_wait3A_405, %dma_wait3A_406] : memref<100000x128xf32, #tpu.memory_space<hbm>> -> memref<100000x128xf32, #tpu.memory_space<hbm>>
    tpu.wait_indirect_dma semaphore(%arg20 : memref<!tpu.dma_semaphore, #tpu.memory_space<semaphore_mem>>) src(%dma_wait3A_407 : memref<100000x128xf32, #tpu.memory_space<hbm>>) dst(%dma_wait3A_402 : memref<64x128xf32, #tpu.memory_space<vmem>>)
    %dma_wait3A_408 = arith.constant 64 : i32
    %dma_wait3A_409 = arith.constant 0 : i32
    %dma_wait3A_410 = tpu.memref_slice %arg14[%dma_wait3A_408, %dma_wait3A_409] : memref<128x128xf32, #tpu.memory_space<vmem>> -> memref<64x128xf32, #tpu.memory_space<vmem>>
    %dma_wait3A_411 = arith.constant 448 : i32
    %dma_wait3A_412 = tpu.memref_slice %arg10[%dma_wait3A_411] : memref<512xi32, #tpu.memory_space<vmem>> -> memref<64xi32, #tpu.memory_space<vmem>>
    %dma_wait3A_413 = arith.constant 0 : i32
    %dma_wait3A_414 = arith.constant 0 : i32
    %dma_wait3A_415 = tpu.memref_slice %arg5[%dma_wait3A_413, %dma_wait3A_414] : memref<100000x128xf32, #tpu.memory_space<hbm>> -> memref<100000x128xf32, #tpu.memory_space<hbm>>
    tpu.wait_indirect_dma semaphore(%arg20 : memref<!tpu.dma_semaphore, #tpu.memory_space<semaphore_mem>>) src(%dma_wait3A_415 : memref<100000x128xf32, #tpu.memory_space<hbm>>) dst(%dma_wait3A_410 : memref<64x128xf32, #tpu.memory_space<vmem>>)
    %scan3A_416 = arith.constant 0 : i32
    %scan3A_417 = arith.constant 0 : i32
    %scan3A_418 = arith.constant 32 : i32
    %scan3A_419 = arith.addi %scan3A_417, %scan3A_418 : i32
    %scan3A_420 = arith.constant 1 : i32
    scf.for %scan3A_428 = %scan3A_417 to %scan3A_419 step %scan3A_420  : i32 {
      %mul3A_429 = arith.constant 4 : i32
      %mul3A_430 = arith.muli %mul3A_429, %scan3A_428 : i32
      %get3A_431 = arith.index_cast %mul3A_430 : i32 to index
      %get3A_432 = arith.constant 0 : index
      %get3A_433 = tpu.vector_load %arg12[%get3A_431, %get3A_432] {strides = array<i32>} : memref<128x128xf32, #tpu.memory_space<vmem>>, vector<1x16xf32>,
      %get3A_434 = vector.shape_cast %get3A_433 : vector<1x16xf32> to vector<16xf32>
      %get3A_435 = arith.index_cast %mul3A_430 : i32 to index
      %get3A_436 = arith.constant 0 : index
      %get3A_437 = tpu.vector_load %arg14[%get3A_435, %get3A_436] {strides = array<i32>} : memref<128x128xf32, #tpu.memory_space<vmem>>, vector<1x16xf32>,
      %get3A_438 = vector.shape_cast %get3A_437 : vector<1x16xf32> to vector<16xf32>
      %mul3A_439 = arith.mulf %get3A_434, %get3A_438 : vector<16xf32>
      %mul3A_440 = arith.mulf %mul3A_439, %get3A_25 : vector<16xf32>
      %add3A_441 = arith.addf %get3A_22, %mul3A_440 : vector<16xf32>
      %get3A_442 = arith.index_cast %mul3A_430 : i32 to index
      %get3A_443 = arith.constant 16 : index
      %get3A_444 = tpu.vector_load %arg12[%get3A_442, %get3A_443] {strides = array<i32>} : memref<128x128xf32, #tpu.memory_space<vmem>>, vector<1x16xf32>,
      %get3A_445 = vector.shape_cast %get3A_444 : vector<1x16xf32> to vector<16xf32>
      %get3A_446 = arith.index_cast %mul3A_430 : i32 to index
      %get3A_447 = arith.constant 16 : index
      %get3A_448 = tpu.vector_load %arg14[%get3A_446, %get3A_447] {strides = array<i32>} : memref<128x128xf32, #tpu.memory_space<vmem>>, vector<1x16xf32>,
      %get3A_449 = vector.shape_cast %get3A_448 : vector<1x16xf32> to vector<16xf32>
      %mul3A_450 = arith.mulf %get3A_445, %get3A_449 : vector<16xf32>
      %mul3A_451 = arith.mulf %mul3A_450, %get3A_28 : vector<16xf32>
      %add3A_452 = arith.addf %add3A_441, %mul3A_451 : vector<16xf32>
      %get3A_453 = arith.index_cast %mul3A_430 : i32 to index
      %get3A_454 = arith.constant 32 : index
      %get3A_455 = tpu.vector_load %arg12[%get3A_453, %get3A_454] {strides = array<i32>} : memref<128x128xf32, #tpu.memory_space<vmem>>, vector<1x16xf32>,
      %get3A_456 = vector.shape_cast %get3A_455 : vector<1x16xf32> to vector<16xf32>
      %get3A_457 = arith.index_cast %mul3A_430 : i32 to index
      %get3A_458 = arith.constant 32 : index
      %get3A_459 = tpu.vector_load %arg14[%get3A_457, %get3A_458] {strides = array<i32>} : memref<128x128xf32, #tpu.memory_space<vmem>>, vector<1x16xf32>,
      %get3A_460 = vector.shape_cast %get3A_459 : vector<1x16xf32> to vector<16xf32>
      %mul3A_461 = arith.mulf %get3A_456, %get3A_460 : vector<16xf32>
      %mul3A_462 = arith.mulf %mul3A_461, %get3A_31 : vector<16xf32>
      %add3A_463 = arith.addf %add3A_452, %mul3A_462 : vector<16xf32>
      %get3A_464 = arith.index_cast %mul3A_430 : i32 to index
      %get3A_465 = arith.constant 48 : index
      %get3A_466 = tpu.vector_load %arg12[%get3A_464, %get3A_465] {strides = array<i32>} : memref<128x128xf32, #tpu.memory_space<vmem>>, vector<1x16xf32>,
      %get3A_467 = vector.shape_cast %get3A_466 : vector<1x16xf32> to vector<16xf32>
      %get3A_468 = arith.index_cast %mul3A_430 : i32 to index
      %get3A_469 = arith.constant 48 : index
      %get3A_470 = tpu.vector_load %arg14[%get3A_468, %get3A_469] {strides = array<i32>} : memref<128x128xf32, #tpu.memory_space<vmem>>, vector<1x16xf32>,
      %get3A_471 = vector.shape_cast %get3A_470 : vector<1x16xf32> to vector<16xf32>
      %mul3A_472 = arith.mulf %get3A_467, %get3A_471 : vector<16xf32>
      %mul3A_473 = arith.mulf %mul3A_472, %get3A_34 : vector<16xf32>
      %add3A_474 = arith.addf %add3A_463, %mul3A_473 : vector<16xf32>
      %get3A_475 = arith.index_cast %mul3A_430 : i32 to index
      %get3A_476 = arith.constant 64 : index
      %get3A_477 = tpu.vector_load %arg12[%get3A_475, %get3A_476] {strides = array<i32>} : memref<128x128xf32, #tpu.memory_space<vmem>>, vector<1x16xf32>,
      %get3A_478 = vector.shape_cast %get3A_477 : vector<1x16xf32> to vector<16xf32>
      %get3A_479 = arith.index_cast %mul3A_430 : i32 to index
      %get3A_480 = arith.constant 64 : index
      %get3A_481 = tpu.vector_load %arg14[%get3A_479, %get3A_480] {strides = array<i32>} : memref<128x128xf32, #tpu.memory_space<vmem>>, vector<1x16xf32>,
      %get3A_482 = vector.shape_cast %get3A_481 : vector<1x16xf32> to vector<16xf32>
      %mul3A_483 = arith.mulf %get3A_478, %get3A_482 : vector<16xf32>
      %mul3A_484 = arith.mulf %mul3A_483, %get3A_37 : vector<16xf32>
      %add3A_485 = arith.addf %add3A_474, %mul3A_484 : vector<16xf32>
      %get3A_486 = arith.index_cast %mul3A_430 : i32 to index
      %get3A_487 = arith.constant 80 : index
      %get3A_488 = tpu.vector_load %arg12[%get3A_486, %get3A_487] {strides = array<i32>} : memref<128x128xf32, #tpu.memory_space<vmem>>, vector<1x16xf32>,
      %get3A_489 = vector.shape_cast %get3A_488 : vector<1x16xf32> to vector<16xf32>
      %get3A_490 = arith.index_cast %mul3A_430 : i32 to index
      %get3A_491 = arith.constant 80 : index
      %get3A_492 = tpu.vector_load %arg14[%get3A_490, %get3A_491] {strides = array<i32>} : memref<128x128xf32, #tpu.memory_space<vmem>>, vector<1x16xf32>,
      %get3A_493 = vector.shape_cast %get3A_492 : vector<1x16xf32> to vector<16xf32>
      %mul3A_494 = arith.mulf %get3A_489, %get3A_493 : vector<16xf32>
      %mul3A_495 = arith.mulf %mul3A_494, %get3A_40 : vector<16xf32>
      %add3A_496 = arith.addf %add3A_485, %mul3A_495 : vector<16xf32>
      %get3A_497 = arith.index_cast %mul3A_430 : i32 to index
      %get3A_498 = arith.constant 96 : index
      %get3A_499 = tpu.vector_load %arg12[%get3A_497, %get3A_498] {strides = array<i32>} : memref<128x128xf32, #tpu.memory_space<vmem>>, vector<1x16xf32>,
      %get3A_500 = vector.shape_cast %get3A_499 : vector<1x16xf32> to vector<16xf32>
      %get3A_501 = arith.index_cast %mul3A_430 : i32 to index
      %get3A_502 = arith.constant 96 : index
      %get3A_503 = tpu.vector_load %arg14[%get3A_501, %get3A_502] {strides = array<i32>} : memref<128x128xf32, #tpu.memory_space<vmem>>, vector<1x16xf32>,
      %get3A_504 = vector.shape_cast %get3A_503 : vector<1x16xf32> to vector<16xf32>
      %mul3A_505 = arith.mulf %get3A_500, %get3A_504 : vector<16xf32>
      %mul3A_506 = arith.mulf %mul3A_505, %get3A_43 : vector<16xf32>
      %add3A_507 = arith.addf %add3A_496, %mul3A_506 : vector<16xf32>
      %get3A_508 = arith.index_cast %mul3A_430 : i32 to index
      %get3A_509 = arith.constant 112 : index
      %get3A_510 = tpu.vector_load %arg12[%get3A_508, %get3A_509] {strides = array<i32>} : memref<128x128xf32, #tpu.memory_space<vmem>>, vector<1x16xf32>,
      %get3A_511 = vector.shape_cast %get3A_510 : vector<1x16xf32> to vector<16xf32>
      %get3A_512 = arith.index_cast %mul3A_430 : i32 to index
      %get3A_513 = arith.constant 112 : index
      %get3A_514 = tpu.vector_load %arg14[%get3A_512, %get3A_513] {strides = array<i32>} : memref<128x128xf32, #tpu.memory_space<vmem>>, vector<1x16xf32>,
      %get3A_515 = vector.shape_cast %get3A_514 : vector<1x16xf32> to vector<16xf32>
      %mul3A_516 = arith.mulf %get3A_511, %get3A_515 : vector<16xf32>
      %mul3A_517 = arith.mulf %mul3A_516, %get3A_46 : vector<16xf32>
      %add3A_518 = arith.addf %add3A_507, %mul3A_517 : vector<16xf32>
      %mul3A_519 = arith.constant 4 : i32
      %mul3A_520 = arith.muli %mul3A_519, %scan3A_428 : i32
      %add3A_521 = arith.constant 1 : i32
      %add3A_522 = arith.addi %mul3A_520, %add3A_521 : i32
      %get3A_523 = arith.index_cast %add3A_522 : i32 to index
      %get3A_524 = arith.constant 0 : index
      %get3A_525 = tpu.vector_load %arg12[%get3A_523, %get3A_524] {strides = array<i32>} : memref<128x128xf32, #tpu.memory_space<vmem>>, vector<1x16xf32>,
      %get3A_526 = vector.shape_cast %get3A_525 : vector<1x16xf32> to vector<16xf32>
      %get3A_527 = arith.index_cast %add3A_522 : i32 to index
      %get3A_528 = arith.constant 0 : index
      %get3A_529 = tpu.vector_load %arg14[%get3A_527, %get3A_528] {strides = array<i32>} : memref<128x128xf32, #tpu.memory_space<vmem>>, vector<1x16xf32>,
      %get3A_530 = vector.shape_cast %get3A_529 : vector<1x16xf32> to vector<16xf32>
      %mul3A_531 = arith.mulf %get3A_526, %get3A_530 : vector<16xf32>
      %mul3A_532 = arith.mulf %mul3A_531, %get3A_25 : vector<16xf32>
      %add3A_533 = arith.addf %get3A_22, %mul3A_532 : vector<16xf32>
      %get3A_534 = arith.index_cast %add3A_522 : i32 to index
      %get3A_535 = arith.constant 16 : index
      %get3A_536 = tpu.vector_load %arg12[%get3A_534, %get3A_535] {strides = array<i32>} : memref<128x128xf32, #tpu.memory_space<vmem>>, vector<1x16xf32>,
      %get3A_537 = vector.shape_cast %get3A_536 : vector<1x16xf32> to vector<16xf32>
      %get3A_538 = arith.index_cast %add3A_522 : i32 to index
      %get3A_539 = arith.constant 16 : index
      %get3A_540 = tpu.vector_load %arg14[%get3A_538, %get3A_539] {strides = array<i32>} : memref<128x128xf32, #tpu.memory_space<vmem>>, vector<1x16xf32>,
      %get3A_541 = vector.shape_cast %get3A_540 : vector<1x16xf32> to vector<16xf32>
      %mul3A_542 = arith.mulf %get3A_537, %get3A_541 : vector<16xf32>
      %mul3A_543 = arith.mulf %mul3A_542, %get3A_28 : vector<16xf32>
      %add3A_544 = arith.addf %add3A_533, %mul3A_543 : vector<16xf32>
      %get3A_545 = arith.index_cast %add3A_522 : i32 to index
      %get3A_546 = arith.constant 32 : index
      %get3A_547 = tpu.vector_load %arg12[%get3A_545, %get3A_546] {strides = array<i32>} : memref<128x128xf32, #tpu.memory_space<vmem>>, vector<1x16xf32>,
      %get3A_548 = vector.shape_cast %get3A_547 : vector<1x16xf32> to vector<16xf32>
      %get3A_549 = arith.index_cast %add3A_522 : i32 to index
      %get3A_550 = arith.constant 32 : index
      %get3A_551 = tpu.vector_load %arg14[%get3A_549, %get3A_550] {strides = array<i32>} : memref<128x128xf32, #tpu.memory_space<vmem>>, vector<1x16xf32>,
      %get3A_552 = vector.shape_cast %get3A_551 : vector<1x16xf32> to vector<16xf32>
      %mul3A_553 = arith.mulf %get3A_548, %get3A_552 : vector<16xf32>
      %mul3A_554 = arith.mulf %mul3A_553, %get3A_31 : vector<16xf32>
      %add3A_555 = arith.addf %add3A_544, %mul3A_554 : vector<16xf32>
      %get3A_556 = arith.index_cast %add3A_522 : i32 to index
      %get3A_557 = arith.constant 48 : index
      %get3A_558 = tpu.vector_load %arg12[%get3A_556, %get3A_557] {strides = array<i32>} : memref<128x128xf32, #tpu.memory_space<vmem>>, vector<1x16xf32>,
      %get3A_559 = vector.shape_cast %get3A_558 : vector<1x16xf32> to vector<16xf32>
      %get3A_560 = arith.index_cast %add3A_522 : i32 to index
      %get3A_561 = arith.constant 48 : index
      %get3A_562 = tpu.vector_load %arg14[%get3A_560, %get3A_561] {strides = array<i32>} : memref<128x128xf32, #tpu.memory_space<vmem>>, vector<1x16xf32>,
      %get3A_563 = vector.shape_cast %get3A_562 : vector<1x16xf32> to vector<16xf32>
      %mul3A_564 = arith.mulf %get3A_559, %get3A_563 : vector<16xf32>
      %mul3A_565 = arith.mulf %mul3A_564, %get3A_34 : vector<16xf32>
      %add3A_566 = arith.addf %add3A_555, %mul3A_565 : vector<16xf32>
      %get3A_567 = arith.index_cast %add3A_522 : i32 to index
      %get3A_568 = arith.constant 64 : index
      %get3A_569 = tpu.vector_load %arg12[%get3A_567, %get3A_568] {strides = array<i32>} : memref<128x128xf32, #tpu.memory_space<vmem>>, vector<1x16xf32>,
      %get3A_570 = vector.shape_cast %get3A_569 : vector<1x16xf32> to vector<16xf32>
      %get3A_571 = arith.index_cast %add3A_522 : i32 to index
      %get3A_572 = arith.constant 64 : index
      %get3A_573 = tpu.vector_load %arg14[%get3A_571, %get3A_572] {strides = array<i32>} : memref<128x128xf32, #tpu.memory_space<vmem>>, vector<1x16xf32>,
      %get3A_574 = vector.shape_cast %get3A_573 : vector<1x16xf32> to vector<16xf32>
      %mul3A_575 = arith.mulf %get3A_570, %get3A_574 : vector<16xf32>
      %mul3A_576 = arith.mulf %mul3A_575, %get3A_37 : vector<16xf32>
      %add3A_577 = arith.addf %add3A_566, %mul3A_576 : vector<16xf32>
      %get3A_578 = arith.index_cast %add3A_522 : i32 to index
      %get3A_579 = arith.constant 80 : index
      %get3A_580 = tpu.vector_load %arg12[%get3A_578, %get3A_579] {strides = array<i32>} : memref<128x128xf32, #tpu.memory_space<vmem>>, vector<1x16xf32>,
      %get3A_581 = vector.shape_cast %get3A_580 : vector<1x16xf32> to vector<16xf32>
      %get3A_582 = arith.index_cast %add3A_522 : i32 to index
      %get3A_583 = arith.constant 80 : index
      %get3A_584 = tpu.vector_load %arg14[%get3A_582, %get3A_583] {strides = array<i32>} : memref<128x128xf32, #tpu.memory_space<vmem>>, vector<1x16xf32>,
      %get3A_585 = vector.shape_cast %get3A_584 : vector<1x16xf32> to vector<16xf32>
      %mul3A_586 = arith.mulf %get3A_581, %get3A_585 : vector<16xf32>
      %mul3A_587 = arith.mulf %mul3A_586, %get3A_40 : vector<16xf32>
      %add3A_588 = arith.addf %add3A_577, %mul3A_587 : vector<16xf32>
      %get3A_589 = arith.index_cast %add3A_522 : i32 to index
      %get3A_590 = arith.constant 96 : index
      %get3A_591 = tpu.vector_load %arg12[%get3A_589, %get3A_590] {strides = array<i32>} : memref<128x128xf32, #tpu.memory_space<vmem>>, vector<1x16xf32>,
      %get3A_592 = vector.shape_cast %get3A_591 : vector<1x16xf32> to vector<16xf32>
      %get3A_593 = arith.index_cast %add3A_522 : i32 to index
      %get3A_594 = arith.constant 96 : index
      %get3A_595 = tpu.vector_load %arg14[%get3A_593, %get3A_594] {strides = array<i32>} : memref<128x128xf32, #tpu.memory_space<vmem>>, vector<1x16xf32>,
      %get3A_596 = vector.shape_cast %get3A_595 : vector<1x16xf32> to vector<16xf32>
      %mul3A_597 = arith.mulf %get3A_592, %get3A_596 : vector<16xf32>
      %mul3A_598 = arith.mulf %mul3A_597, %get3A_43 : vector<16xf32>
      %add3A_599 = arith.addf %add3A_588, %mul3A_598 : vector<16xf32>
      %get3A_600 = arith.index_cast %add3A_522 : i32 to index
      %get3A_601 = arith.constant 112 : index
      %get3A_602 = tpu.vector_load %arg12[%get3A_600, %get3A_601] {strides = array<i32>} : memref<128x128xf32, #tpu.memory_space<vmem>>, vector<1x16xf32>,
      %get3A_603 = vector.shape_cast %get3A_602 : vector<1x16xf32> to vector<16xf32>
      %get3A_604 = arith.index_cast %add3A_522 : i32 to index
      %get3A_605 = arith.constant 112 : index
      %get3A_606 = tpu.vector_load %arg14[%get3A_604, %get3A_605] {strides = array<i32>} : memref<128x128xf32, #tpu.memory_space<vmem>>, vector<1x16xf32>,
      %get3A_607 = vector.shape_cast %get3A_606 : vector<1x16xf32> to vector<16xf32>
      %mul3A_608 = arith.mulf %get3A_603, %get3A_607 : vector<16xf32>
      %mul3A_609 = arith.mulf %mul3A_608, %get3A_46 : vector<16xf32>
      %add3A_610 = arith.addf %add3A_599, %mul3A_609 : vector<16xf32>
      %mul3A_611 = arith.constant 4 : i32
      %mul3A_612 = arith.muli %mul3A_611, %scan3A_428 : i32
      %add3A_613 = arith.constant 2 : i32
      %add3A_614 = arith.addi %mul3A_612, %add3A_613 : i32
      %get3A_615 = arith.index_cast %add3A_614 : i32 to index
      %get3A_616 = arith.constant 0 : index
      %get3A_617 = tpu.vector_load %arg12[%get3A_615, %get3A_616] {strides = array<i32>} : memref<128x128xf32, #tpu.memory_space<vmem>>, vector<1x16xf32>,
      %get3A_618 = vector.shape_cast %get3A_617 : vector<1x16xf32> to vector<16xf32>
      %get3A_619 = arith.index_cast %add3A_614 : i32 to index
      %get3A_620 = arith.constant 0 : index
      %get3A_621 = tpu.vector_load %arg14[%get3A_619, %get3A_620] {strides = array<i32>} : memref<128x128xf32, #tpu.memory_space<vmem>>, vector<1x16xf32>,
      %get3A_622 = vector.shape_cast %get3A_621 : vector<1x16xf32> to vector<16xf32>
      %mul3A_623 = arith.mulf %get3A_618, %get3A_622 : vector<16xf32>
      %mul3A_624 = arith.mulf %mul3A_623, %get3A_25 : vector<16xf32>
      %add3A_625 = arith.addf %get3A_22, %mul3A_624 : vector<16xf32>
      %get3A_626 = arith.index_cast %add3A_614 : i32 to index
      %get3A_627 = arith.constant 16 : index
      %get3A_628 = tpu.vector_load %arg12[%get3A_626, %get3A_627] {strides = array<i32>} : memref<128x128xf32, #tpu.memory_space<vmem>>, vector<1x16xf32>,
      %get3A_629 = vector.shape_cast %get3A_628 : vector<1x16xf32> to vector<16xf32>
      %get3A_630 = arith.index_cast %add3A_614 : i32 to index
      %get3A_631 = arith.constant 16 : index
      %get3A_632 = tpu.vector_load %arg14[%get3A_630, %get3A_631] {strides = array<i32>} : memref<128x128xf32, #tpu.memory_space<vmem>>, vector<1x16xf32>,
      %get3A_633 = vector.shape_cast %get3A_632 : vector<1x16xf32> to vector<16xf32>
      %mul3A_634 = arith.mulf %get3A_629, %get3A_633 : vector<16xf32>
      %mul3A_635 = arith.mulf %mul3A_634, %get3A_28 : vector<16xf32>
      %add3A_636 = arith.addf %add3A_625, %mul3A_635 : vector<16xf32>
      %get3A_637 = arith.index_cast %add3A_614 : i32 to index
      %get3A_638 = arith.constant 32 : index
      %get3A_639 = tpu.vector_load %arg12[%get3A_637, %get3A_638] {strides = array<i32>} : memref<128x128xf32, #tpu.memory_space<vmem>>, vector<1x16xf32>,
      %get3A_640 = vector.shape_cast %get3A_639 : vector<1x16xf32> to vector<16xf32>
      %get3A_641 = arith.index_cast %add3A_614 : i32 to index
      %get3A_642 = arith.constant 32 : index
      %get3A_643 = tpu.vector_load %arg14[%get3A_641, %get3A_642] {strides = array<i32>} : memref<128x128xf32, #tpu.memory_space<vmem>>, vector<1x16xf32>,
      %get3A_644 = vector.shape_cast %get3A_643 : vector<1x16xf32> to vector<16xf32>
      %mul3A_645 = arith.mulf %get3A_640, %get3A_644 : vector<16xf32>
      %mul3A_646 = arith.mulf %mul3A_645, %get3A_31 : vector<16xf32>
      %add3A_647 = arith.addf %add3A_636, %mul3A_646 : vector<16xf32>
      %get3A_648 = arith.index_cast %add3A_614 : i32 to index
      %get3A_649 = arith.constant 48 : index
      %get3A_650 = tpu.vector_load %arg12[%get3A_648, %get3A_649] {strides = array<i32>} : memref<128x128xf32, #tpu.memory_space<vmem>>, vector<1x16xf32>,
      %get3A_651 = vector.shape_cast %get3A_650 : vector<1x16xf32> to vector<16xf32>
      %get3A_652 = arith.index_cast %add3A_614 : i32 to index
      %get3A_653 = arith.constant 48 : index
      %get3A_654 = tpu.vector_load %arg14[%get3A_652, %get3A_653] {strides = array<i32>} : memref<128x128xf32, #tpu.memory_space<vmem>>, vector<1x16xf32>,
      %get3A_655 = vector.shape_cast %get3A_654 : vector<1x16xf32> to vector<16xf32>
      %mul3A_656 = arith.mulf %get3A_651, %get3A_655 : vector<16xf32>
      %mul3A_657 = arith.mulf %mul3A_656, %get3A_34 : vector<16xf32>
      %add3A_658 = arith.addf %add3A_647, %mul3A_657 : vector<16xf32>
      %get3A_659 = arith.index_cast %add3A_614 : i32 to index
      %get3A_660 = arith.constant 64 : index
      %get3A_661 = tpu.vector_load %arg12[%get3A_659, %get3A_660] {strides = array<i32>} : memref<128x128xf32, #tpu.memory_space<vmem>>, vector<1x16xf32>,
      %get3A_662 = vector.shape_cast %get3A_661 : vector<1x16xf32> to vector<16xf32>
      %get3A_663 = arith.index_cast %add3A_614 : i32 to index
      %get3A_664 = arith.constant 64 : index
      %get3A_665 = tpu.vector_load %arg14[%get3A_663, %get3A_664] {strides = array<i32>} : memref<128x128xf32, #tpu.memory_space<vmem>>, vector<1x16xf32>,
      %get3A_666 = vector.shape_cast %get3A_665 : vector<1x16xf32> to vector<16xf32>
      %mul3A_667 = arith.mulf %get3A_662, %get3A_666 : vector<16xf32>
      %mul3A_668 = arith.mulf %mul3A_667, %get3A_37 : vector<16xf32>
      %add3A_669 = arith.addf %add3A_658, %mul3A_668 : vector<16xf32>
      %get3A_670 = arith.index_cast %add3A_614 : i32 to index
      %get3A_671 = arith.constant 80 : index
      %get3A_672 = tpu.vector_load %arg12[%get3A_670, %get3A_671] {strides = array<i32>} : memref<128x128xf32, #tpu.memory_space<vmem>>, vector<1x16xf32>,
      %get3A_673 = vector.shape_cast %get3A_672 : vector<1x16xf32> to vector<16xf32>
      %get3A_674 = arith.index_cast %add3A_614 : i32 to index
      %get3A_675 = arith.constant 80 : index
      %get3A_676 = tpu.vector_load %arg14[%get3A_674, %get3A_675] {strides = array<i32>} : memref<128x128xf32, #tpu.memory_space<vmem>>, vector<1x16xf32>,
      %get3A_677 = vector.shape_cast %get3A_676 : vector<1x16xf32> to vector<16xf32>
      %mul3A_678 = arith.mulf %get3A_673, %get3A_677 : vector<16xf32>
      %mul3A_679 = arith.mulf %mul3A_678, %get3A_40 : vector<16xf32>
      %add3A_680 = arith.addf %add3A_669, %mul3A_679 : vector<16xf32>
      %get3A_681 = arith.index_cast %add3A_614 : i32 to index
      %get3A_682 = arith.constant 96 : index
      %get3A_683 = tpu.vector_load %arg12[%get3A_681, %get3A_682] {strides = array<i32>} : memref<128x128xf32, #tpu.memory_space<vmem>>, vector<1x16xf32>,
      %get3A_684 = vector.shape_cast %get3A_683 : vector<1x16xf32> to vector<16xf32>
      %get3A_685 = arith.index_cast %add3A_614 : i32 to index
      %get3A_686 = arith.constant 96 : index
      %get3A_687 = tpu.vector_load %arg14[%get3A_685, %get3A_686] {strides = array<i32>} : memref<128x128xf32, #tpu.memory_space<vmem>>, vector<1x16xf32>,
      %get3A_688 = vector.shape_cast %get3A_687 : vector<1x16xf32> to vector<16xf32>
      %mul3A_689 = arith.mulf %get3A_684, %get3A_688 : vector<16xf32>
      %mul3A_690 = arith.mulf %mul3A_689, %get3A_43 : vector<16xf32>
      %add3A_691 = arith.addf %add3A_680, %mul3A_690 : vector<16xf32>
      %get3A_692 = arith.index_cast %add3A_614 : i32 to index
      %get3A_693 = arith.constant 112 : index
      %get3A_694 = tpu.vector_load %arg12[%get3A_692, %get3A_693] {strides = array<i32>} : memref<128x128xf32, #tpu.memory_space<vmem>>, vector<1x16xf32>,
      %get3A_695 = vector.shape_cast %get3A_694 : vector<1x16xf32> to vector<16xf32>
      %get3A_696 = arith.index_cast %add3A_614 : i32 to index
      %get3A_697 = arith.constant 112 : index
      %get3A_698 = tpu.vector_load %arg14[%get3A_696, %get3A_697] {strides = array<i32>} : memref<128x128xf32, #tpu.memory_space<vmem>>, vector<1x16xf32>,
      %get3A_699 = vector.shape_cast %get3A_698 : vector<1x16xf32> to vector<16xf32>
      %mul3A_700 = arith.mulf %get3A_695, %get3A_699 : vector<16xf32>
      %mul3A_701 = arith.mulf %mul3A_700, %get3A_46 : vector<16xf32>
      %add3A_702 = arith.addf %add3A_691, %mul3A_701 : vector<16xf32>
      %mul3A_703 = arith.constant 4 : i32
      %mul3A_704 = arith.muli %mul3A_703, %scan3A_428 : i32
      %add3A_705 = arith.constant 3 : i32
      %add3A_706 = arith.addi %mul3A_704, %add3A_705 : i32
      %get3A_707 = arith.index_cast %add3A_706 : i32 to index
      %get3A_708 = arith.constant 0 : index
      %get3A_709 = tpu.vector_load %arg12[%get3A_707, %get3A_708] {strides = array<i32>} : memref<128x128xf32, #tpu.memory_space<vmem>>, vector<1x16xf32>,
      %get3A_710 = vector.shape_cast %get3A_709 : vector<1x16xf32> to vector<16xf32>
      %get3A_711 = arith.index_cast %add3A_706 : i32 to index
      %get3A_712 = arith.constant 0 : index
      %get3A_713 = tpu.vector_load %arg14[%get3A_711, %get3A_712] {strides = array<i32>} : memref<128x128xf32, #tpu.memory_space<vmem>>, vector<1x16xf32>,
      %get3A_714 = vector.shape_cast %get3A_713 : vector<1x16xf32> to vector<16xf32>
      %mul3A_715 = arith.mulf %get3A_710, %get3A_714 : vector<16xf32>
      %mul3A_716 = arith.mulf %mul3A_715, %get3A_25 : vector<16xf32>
      %add3A_717 = arith.addf %get3A_22, %mul3A_716 : vector<16xf32>
      %get3A_718 = arith.index_cast %add3A_706 : i32 to index
      %get3A_719 = arith.constant 16 : index
      %get3A_720 = tpu.vector_load %arg12[%get3A_718, %get3A_719] {strides = array<i32>} : memref<128x128xf32, #tpu.memory_space<vmem>>, vector<1x16xf32>,
      %get3A_721 = vector.shape_cast %get3A_720 : vector<1x16xf32> to vector<16xf32>
      %get3A_722 = arith.index_cast %add3A_706 : i32 to index
      %get3A_723 = arith.constant 16 : index
      %get3A_724 = tpu.vector_load %arg14[%get3A_722, %get3A_723] {strides = array<i32>} : memref<128x128xf32, #tpu.memory_space<vmem>>, vector<1x16xf32>,
      %get3A_725 = vector.shape_cast %get3A_724 : vector<1x16xf32> to vector<16xf32>
      %mul3A_726 = arith.mulf %get3A_721, %get3A_725 : vector<16xf32>
      %mul3A_727 = arith.mulf %mul3A_726, %get3A_28 : vector<16xf32>
      %add3A_728 = arith.addf %add3A_717, %mul3A_727 : vector<16xf32>
      %get3A_729 = arith.index_cast %add3A_706 : i32 to index
      %get3A_730 = arith.constant 32 : index
      %get3A_731 = tpu.vector_load %arg12[%get3A_729, %get3A_730] {strides = array<i32>} : memref<128x128xf32, #tpu.memory_space<vmem>>, vector<1x16xf32>,
      %get3A_732 = vector.shape_cast %get3A_731 : vector<1x16xf32> to vector<16xf32>
      %get3A_733 = arith.index_cast %add3A_706 : i32 to index
      %get3A_734 = arith.constant 32 : index
      %get3A_735 = tpu.vector_load %arg14[%get3A_733, %get3A_734] {strides = array<i32>} : memref<128x128xf32, #tpu.memory_space<vmem>>, vector<1x16xf32>,
      %get3A_736 = vector.shape_cast %get3A_735 : vector<1x16xf32> to vector<16xf32>
      %mul3A_737 = arith.mulf %get3A_732, %get3A_736 : vector<16xf32>
      %mul3A_738 = arith.mulf %mul3A_737, %get3A_31 : vector<16xf32>
      %add3A_739 = arith.addf %add3A_728, %mul3A_738 : vector<16xf32>
      %get3A_740 = arith.index_cast %add3A_706 : i32 to index
      %get3A_741 = arith.constant 48 : index
      %get3A_742 = tpu.vector_load %arg12[%get3A_740, %get3A_741] {strides = array<i32>} : memref<128x128xf32, #tpu.memory_space<vmem>>, vector<1x16xf32>,
      %get3A_743 = vector.shape_cast %get3A_742 : vector<1x16xf32> to vector<16xf32>
      %get3A_744 = arith.index_cast %add3A_706 : i32 to index
      %get3A_745 = arith.constant 48 : index
      %get3A_746 = tpu.vector_load %arg14[%get3A_744, %get3A_745] {strides = array<i32>} : memref<128x128xf32, #tpu.memory_space<vmem>>, vector<1x16xf32>,
      %get3A_747 = vector.shape_cast %get3A_746 : vector<1x16xf32> to vector<16xf32>
      %mul3A_748 = arith.mulf %get3A_743, %get3A_747 : vector<16xf32>
      %mul3A_749 = arith.mulf %mul3A_748, %get3A_34 : vector<16xf32>
      %add3A_750 = arith.addf %add3A_739, %mul3A_749 : vector<16xf32>
      %get3A_751 = arith.index_cast %add3A_706 : i32 to index
      %get3A_752 = arith.constant 64 : index
      %get3A_753 = tpu.vector_load %arg12[%get3A_751, %get3A_752] {strides = array<i32>} : memref<128x128xf32, #tpu.memory_space<vmem>>, vector<1x16xf32>,
      %get3A_754 = vector.shape_cast %get3A_753 : vector<1x16xf32> to vector<16xf32>
      %get3A_755 = arith.index_cast %add3A_706 : i32 to index
      %get3A_756 = arith.constant 64 : index
      %get3A_757 = tpu.vector_load %arg14[%get3A_755, %get3A_756] {strides = array<i32>} : memref<128x128xf32, #tpu.memory_space<vmem>>, vector<1x16xf32>,
      %get3A_758 = vector.shape_cast %get3A_757 : vector<1x16xf32> to vector<16xf32>
      %mul3A_759 = arith.mulf %get3A_754, %get3A_758 : vector<16xf32>
      %mul3A_760 = arith.mulf %mul3A_759, %get3A_37 : vector<16xf32>
      %add3A_761 = arith.addf %add3A_750, %mul3A_760 : vector<16xf32>
      %get3A_762 = arith.index_cast %add3A_706 : i32 to index
      %get3A_763 = arith.constant 80 : index
      %get3A_764 = tpu.vector_load %arg12[%get3A_762, %get3A_763] {strides = array<i32>} : memref<128x128xf32, #tpu.memory_space<vmem>>, vector<1x16xf32>,
      %get3A_765 = vector.shape_cast %get3A_764 : vector<1x16xf32> to vector<16xf32>
      %get3A_766 = arith.index_cast %add3A_706 : i32 to index
      %get3A_767 = arith.constant 80 : index
      %get3A_768 = tpu.vector_load %arg14[%get3A_766, %get3A_767] {strides = array<i32>} : memref<128x128xf32, #tpu.memory_space<vmem>>, vector<1x16xf32>,
      %get3A_769 = vector.shape_cast %get3A_768 : vector<1x16xf32> to vector<16xf32>
      %mul3A_770 = arith.mulf %get3A_765, %get3A_769 : vector<16xf32>
      %mul3A_771 = arith.mulf %mul3A_770, %get3A_40 : vector<16xf32>
      %add3A_772 = arith.addf %add3A_761, %mul3A_771 : vector<16xf32>
      %get3A_773 = arith.index_cast %add3A_706 : i32 to index
      %get3A_774 = arith.constant 96 : index
      %get3A_775 = tpu.vector_load %arg12[%get3A_773, %get3A_774] {strides = array<i32>} : memref<128x128xf32, #tpu.memory_space<vmem>>, vector<1x16xf32>,
      %get3A_776 = vector.shape_cast %get3A_775 : vector<1x16xf32> to vector<16xf32>
      %get3A_777 = arith.index_cast %add3A_706 : i32 to index
      %get3A_778 = arith.constant 96 : index
      %get3A_779 = tpu.vector_load %arg14[%get3A_777, %get3A_778] {strides = array<i32>} : memref<128x128xf32, #tpu.memory_space<vmem>>, vector<1x16xf32>,
      %get3A_780 = vector.shape_cast %get3A_779 : vector<1x16xf32> to vector<16xf32>
      %mul3A_781 = arith.mulf %get3A_776, %get3A_780 : vector<16xf32>
      %mul3A_782 = arith.mulf %mul3A_781, %get3A_43 : vector<16xf32>
      %add3A_783 = arith.addf %add3A_772, %mul3A_782 : vector<16xf32>
      %get3A_784 = arith.index_cast %add3A_706 : i32 to index
      %get3A_785 = arith.constant 112 : index
      %get3A_786 = tpu.vector_load %arg12[%get3A_784, %get3A_785] {strides = array<i32>} : memref<128x128xf32, #tpu.memory_space<vmem>>, vector<1x16xf32>,
      %get3A_787 = vector.shape_cast %get3A_786 : vector<1x16xf32> to vector<16xf32>
      %get3A_788 = arith.index_cast %add3A_706 : i32 to index
      %get3A_789 = arith.constant 112 : index
      %get3A_790 = tpu.vector_load %arg14[%get3A_788, %get3A_789] {strides = array<i32>} : memref<128x128xf32, #tpu.memory_space<vmem>>, vector<1x16xf32>,
      %get3A_791 = vector.shape_cast %get3A_790 : vector<1x16xf32> to vector<16xf32>
      %mul3A_792 = arith.mulf %get3A_787, %get3A_791 : vector<16xf32>
      %mul3A_793 = arith.mulf %mul3A_792, %get3A_46 : vector<16xf32>
      %add3A_794 = arith.addf %add3A_783, %mul3A_793 : vector<16xf32>
      %broadcast_in_dim3A_795 = vector.shape_cast %and3A_51 : vector<16xi32> to vector<16x1xi32>
      %gather3A = vector.shape_cast %broadcast_in_dim3A_795 : vector<16x1xi32> to vector<16xi32>
      %gather3A_796 = tpu.dynamic_gather %add3A_518[%gather3A] in [0] : vector<16xf32>, vector<16xi32> -> vector<16xf32>
      %add3A_797 = arith.addf %add3A_518, %gather3A_796 : vector<16xf32>
      %broadcast_in_dim3A_798 = vector.shape_cast %and3A_51 : vector<16xi32> to vector<16x1xi32>
      %gather3A_799 = vector.shape_cast %broadcast_in_dim3A_798 : vector<16x1xi32> to vector<16xi32>
      %gather3A_800 = tpu.dynamic_gather %add3A_610[%gather3A_799] in [0] : vector<16xf32>, vector<16xi32> -> vector<16xf32>
      %add3A_801 = arith.addf %add3A_610, %gather3A_800 : vector<16xf32>
      %select_n3A = arith.select %lt3A_107, %add3A_797, %add3A_801 : vector<16xi1>, vector<16xf32>
      %broadcast_in_dim3A_802 = vector.shape_cast %and3A_51 : vector<16xi32> to vector<16x1xi32>
      %gather3A_803 = vector.shape_cast %broadcast_in_dim3A_802 : vector<16x1xi32> to vector<16xi32>
      %gather3A_804 = tpu.dynamic_gather %add3A_702[%gather3A_803] in [0] : vector<16xf32>, vector<16xi32> -> vector<16xf32>
      %add3A_805 = arith.addf %add3A_702, %gather3A_804 : vector<16xf32>
      %broadcast_in_dim3A_806 = vector.shape_cast %and3A_51 : vector<16xi32> to vector<16x1xi32>
      %gather3A_807 = vector.shape_cast %broadcast_in_dim3A_806 : vector<16x1xi32> to vector<16xi32>
      %gather3A_808 = tpu.dynamic_gather %add3A_794[%gather3A_807] in [0] : vector<16xf32>, vector<16xi32> -> vector<16xf32>
      %add3A_809 = arith.addf %add3A_794, %gather3A_808 : vector<16xf32>
      %select_n3A_810 = arith.select %lt3A_107, %add3A_805, %add3A_809 : vector<16xi1>, vector<16xf32>
      %broadcast_in_dim3A_811 = vector.shape_cast %or3A : vector<16xi32> to vector<16x1xi32>
      %gather3A_812 = vector.shape_cast %broadcast_in_dim3A_811 : vector<16x1xi32> to vector<16xi32>
      %gather3A_813 = tpu.dynamic_gather %select_n3A[%gather3A_812] in [0] : vector<16xf32>, vector<16xi32> -> vector<16xf32>
      %add3A_814 = arith.addf %select_n3A, %gather3A_813 : vector<16xf32>
      %broadcast_in_dim3A_815 = vector.shape_cast %or3A : vector<16xi32> to vector<16x1xi32>
      %gather3A_816 = vector.shape_cast %broadcast_in_dim3A_815 : vector<16x1xi32> to vector<16xi32>
      %gather3A_817 = tpu.dynamic_gather %select_n3A_810[%gather3A_816] in [0] : vector<16xf32>, vector<16xi32> -> vector<16xf32>
      %add3A_818 = arith.addf %select_n3A_810, %gather3A_817 : vector<16xf32>
      %select_n3A_819 = arith.select %eq3A_112, %add3A_814, %add3A_818 : vector<16xi1>, vector<16xf32>
      %broadcast_in_dim3A_820 = vector.shape_cast %or3A_70 : vector<16xi32> to vector<16x1xi32>
      %gather3A_821 = vector.shape_cast %broadcast_in_dim3A_820 : vector<16x1xi32> to vector<16xi32>
      %gather3A_822 = tpu.dynamic_gather %select_n3A_819[%gather3A_821] in [0] : vector<16xf32>, vector<16xi32> -> vector<16xf32>
      %add3A_823 = arith.addf %select_n3A_819, %gather3A_822 : vector<16xf32>
      %mul3A_824 = arith.constant 16 : i32
      %mul3A_825 = arith.muli %scan3A_428, %mul3A_824 : i32
      %swap3A_826 = arith.index_cast %mul3A_825 : i32 to index
      %swap3A_827 = tpu.vector_load %arg17[%swap3A_826] {strides = array<i32>} : memref<512xf32, #tpu.memory_space<vmem>>, vector<16xf32>,
      %swap3A_828 = vector.shape_cast %swap3A_827 : vector<16xf32> to vector<16xf32>
      %swap3A_829 = vector.shape_cast %add3A_823 : vector<16xf32> to vector<16xf32>
      tpu.vector_store %arg17[%swap3A_826], %swap3A_829 {strides = array<i32>} : memref<512xf32, #tpu.memory_space<vmem>>, vector<16xf32>,
    }
    %scan3A_421 = arith.constant 32 : i32
    %scan3A_422 = arith.constant 0 : i32
    %scan3A_423 = arith.constant 0 : i32
    %scan3A_424 = arith.constant 8 : i32
    %scan3A_425 = arith.addi %scan3A_423, %scan3A_424 : i32
    %scan3A_426 = arith.constant 1 : i32
    scf.for %scan3A_428 = %scan3A_423 to %scan3A_425 step %scan3A_426  : i32 {
      %mul3A_429 = arith.constant 4 : i32
      %mul3A_430 = arith.muli %mul3A_429, %scan3A_428 : i32
      %mul3A_431 = arith.constant 16 : i32
      %mul3A_432 = arith.muli %mul3A_430, %mul3A_431 : i32
      %get3A_433 = arith.index_cast %mul3A_432 : i32 to index
      %get3A_434 = tpu.vector_load %arg17[%get3A_433] {strides = array<i32>} : memref<512xf32, #tpu.memory_space<vmem>>, vector<16xf32>,
      %get3A_435 = vector.shape_cast %get3A_434 : vector<16xf32> to vector<16xf32>
      %mul3A_436 = arith.constant 4 : i32
      %mul3A_437 = arith.muli %mul3A_436, %scan3A_428 : i32
      %add3A_438 = arith.constant 1 : i32
      %add3A_439 = arith.addi %mul3A_437, %add3A_438 : i32
      %mul3A_440 = arith.constant 16 : i32
      %mul3A_441 = arith.muli %add3A_439, %mul3A_440 : i32
      %get3A_442 = arith.index_cast %mul3A_441 : i32 to index
      %get3A_443 = tpu.vector_load %arg17[%get3A_442] {strides = array<i32>} : memref<512xf32, #tpu.memory_space<vmem>>, vector<16xf32>,
      %get3A_444 = vector.shape_cast %get3A_443 : vector<16xf32> to vector<16xf32>
      %mul3A_445 = arith.constant 4 : i32
      %mul3A_446 = arith.muli %mul3A_445, %scan3A_428 : i32
      %add3A_447 = arith.constant 2 : i32
      %add3A_448 = arith.addi %mul3A_446, %add3A_447 : i32
      %mul3A_449 = arith.constant 16 : i32
      %mul3A_450 = arith.muli %add3A_448, %mul3A_449 : i32
      %get3A_451 = arith.index_cast %mul3A_450 : i32 to index
      %get3A_452 = tpu.vector_load %arg17[%get3A_451] {strides = array<i32>} : memref<512xf32, #tpu.memory_space<vmem>>, vector<16xf32>,
      %get3A_453 = vector.shape_cast %get3A_452 : vector<16xf32> to vector<16xf32>
      %mul3A_454 = arith.constant 4 : i32
      %mul3A_455 = arith.muli %mul3A_454, %scan3A_428 : i32
      %add3A_456 = arith.constant 3 : i32
      %add3A_457 = arith.addi %mul3A_455, %add3A_456 : i32
      %mul3A_458 = arith.constant 16 : i32
      %mul3A_459 = arith.muli %add3A_457, %mul3A_458 : i32
      %get3A_460 = arith.index_cast %mul3A_459 : i32 to index
      %get3A_461 = tpu.vector_load %arg17[%get3A_460] {strides = array<i32>} : memref<512xf32, #tpu.memory_space<vmem>>, vector<16xf32>,
      %get3A_462 = vector.shape_cast %get3A_461 : vector<16xf32> to vector<16xf32>
      %select_n3A = arith.select %eq3A_118, %get3A_435, %get3A_444 : vector<16xi1>, vector<16xf32>
      %select_n3A_463 = arith.select %eq3A_118, %get3A_453, %get3A_462 : vector<16xi1>, vector<16xf32>
      %broadcast_in_dim3A_464 = vector.shape_cast %or3A_80 : vector<16xi32> to vector<16x1xi32>
      %gather3A = vector.shape_cast %broadcast_in_dim3A_464 : vector<16x1xi32> to vector<16xi32>
      %gather3A_465 = tpu.dynamic_gather %select_n3A[%gather3A] in [0] : vector<16xf32>, vector<16xi32> -> vector<16xf32>
      %add3A_466 = arith.addf %select_n3A, %gather3A_465 : vector<16xf32>
      %broadcast_in_dim3A_467 = vector.shape_cast %or3A_80 : vector<16xi32> to vector<16x1xi32>
      %gather3A_468 = vector.shape_cast %broadcast_in_dim3A_467 : vector<16x1xi32> to vector<16xi32>
      %gather3A_469 = tpu.dynamic_gather %select_n3A_463[%gather3A_468] in [0] : vector<16xf32>, vector<16xi32> -> vector<16xf32>
      %add3A_470 = arith.addf %select_n3A_463, %gather3A_469 : vector<16xf32>
      %select_n3A_471 = arith.select %eq3A_124, %add3A_466, %add3A_470 : vector<16xi1>, vector<16xf32>
      %broadcast_in_dim3A_472 = vector.shape_cast %or3A_105 : vector<16xi32> to vector<16x1xi32>
      %gather3A_473 = vector.shape_cast %broadcast_in_dim3A_472 : vector<16x1xi32> to vector<16xi32>
      %gather3A_474 = tpu.dynamic_gather %select_n3A_471[%gather3A_473] in [0] : vector<16xf32>, vector<16xi32> -> vector<16xf32>
      %mul3A_475 = arith.constant 16 : i32
      %mul3A_476 = arith.muli %scan3A_428, %mul3A_475 : i32
      %add3A_477 = arith.constant 384 : i32
      %add3A_478 = arith.addi %add3A_477, %mul3A_476 : i32
      %swap3A_479 = arith.index_cast %add3A_478 : i32 to index
      %swap3A_480 = tpu.vector_load %arg18[%swap3A_479] {strides = array<i32>} : memref<512xf32, #tpu.memory_space<vmem>>, vector<16xf32>,
      %swap3A_481 = vector.shape_cast %swap3A_480 : vector<16xf32> to vector<16xf32>
      %swap3A_482 = vector.shape_cast %gather3A_474 : vector<16xf32> to vector<16xf32>
      tpu.vector_store %arg18[%swap3A_479], %swap3A_482 {strides = array<i32>} : memref<512xf32, #tpu.memory_space<vmem>>, vector<16xf32>,
    }
    %scan3A_427 = arith.constant 8 : i32
    "tpu.region"() ({
      %run_scoped3A = tpu.sem_alloc : memref<!tpu.dma_semaphore, #tpu.memory_space<semaphore_mem>>
      %dma_start3A_428 = tpu.memref_slice %arg8[%mul3A_2] : memref<16384xf32, #tpu.memory_space<hbm>> -> memref<512xf32, #tpu.memory_space<hbm>>
      %dma_start3A_429 = tpu.memref_slice %arg8[%mul3A_2] : memref<16384xf32, #tpu.memory_space<hbm>> -> memref<512xf32, #tpu.memory_space<hbm>>
      tpu.enqueue_dma source(%arg18 : memref<512xf32, #tpu.memory_space<vmem>>) target(%dma_start3A_429 : memref<512xf32, #tpu.memory_space<hbm>>) target_semaphore(%run_scoped3A : memref<!tpu.dma_semaphore, #tpu.memory_space<semaphore_mem>>)
      %dma_wait3A_430 = tpu.memref_slice %arg8[%mul3A_2] : memref<16384xf32, #tpu.memory_space<hbm>> -> memref<512xf32, #tpu.memory_space<hbm>>
      %dma_wait3A_431 = tpu.memref_slice %arg8[%mul3A_2] : memref<16384xf32, #tpu.memory_space<hbm>> -> memref<512xf32, #tpu.memory_space<hbm>>
      tpu.wait_dma2 semaphore(%run_scoped3A : memref<!tpu.dma_semaphore, #tpu.memory_space<semaphore_mem>>) src(%arg18 : memref<512xf32, #tpu.memory_space<vmem>>) dst(%dma_wait3A_431 : memref<512xf32, #tpu.memory_space<hbm>>)
      tpu.yield
    }) : () -> ()
    return
  }
}

</mosaic_0001>

<sc_bundles>
// kernel: kernel.3.cloned.1.call-start
scs
__scs_entry_jumppad:
0x0: {  	(pc) =	sbr.rel $0x88, $3  }
0x1: {  	(tag) =	ssettag $0x0;
	lr =	simm.s32 $0x1  }
0x2: {  	[smem:$0x3F9B] =	sst lr;
	_ =	strace $0xD0000000  }
0x3: {  	_ = 	snop  }
0x4: {  	_ = 	snop  }
0x5: {  	_ = 	snop  }
0x6: {  	_ = 	snop  }
0x7: {  	_ = 	snop  }
__scs_overlays_trampoline_lowered:
0x8: {  	[smem:$0x3FAA] =	sst s0  }
0x9: {  	[smem:$0x3FAB] =	sst s1  }
0xa: {  	[smem:$0x3FAC] =	sst s2  }
0xb: {  	[smem:$0x3FAD] =	sst s3  }
0xc: {  	[smem:$0x3FAE] =	sst s4  }
0xd: {  	[smem:$0x3FAF] =	sst s5  }
0xe: {  	[smem:$0x3FB0] =	sst s6  }
0xf: {  	[smem:$0x3FB1] =	sst s7  }
0x10: {  	[smem:$0x3FB2] =	sst s8  }
0x11: {  	[smem:$0x3FB3] =	sst s9;
	s0 =	simm.s32 @!p0 $0x0  }
0x12: {  	s1 =	sld [smem:$0x3F99];
	s0 =	simm.s32 @p0 $0x1  }
0x13: {  	[smem:$0x3FB4] =	sst s0;
	s0 =	simm.s32 @!p1 $0x0  }
0x14: {  	s2 =	sld [smem:$0x3F98];
	s0 =	simm.s32 @p1 $0x1  }
0x15: {  	[smem:$0x3FB5] =	sst s0;
	s0 =	simm.s32 @!p2 $0x0  }
0x16: {  	s3 =	sld [smem:$0x3FDB];
	s0 =	simm.s32 @p2 $0x1  }
0x17: {  	s4 =	simm.s32 $0x1BF5;
	[smem:$0x3FB7] =	sst s0  }
0x18: {  	s0 =	sld [smem:$0x3F9A];
	_ =	swait.ge [sflag:s4], $0x0  }
0x19: {  	s7 =	sld [smem:$0x3F9B]  }
0x1a: {  	s8 =	sadd.s32 $0xFFFFE003, lr  }
0x1b: {  	s9 =	sadd.s32 $0xFFFFFEF7, lr;
	s5 =	simm.s32 $0xFFFFFFFF;
	p2 =	slt.u32 s8, $0xFFFFF086  }
0x1c: {  	p1 =	slt.u32 s9, $0xF7A;
	s5 =	simm.s32 @!p2 $0x0  }
0x1d: {  	s5 =	simm.s32 @p1 $0x1;
	p0 =	seq.s32 s7, s2  }
0x1e: {  	s7 =	smul.u32 @!p0 $0xF7A, s2;
	p2 =	seq.s32 @!p0 s5, $0x0  }
0x1f: {  	s9 =	smul.u32 $0xF7A, s1;
	s8 =	simm.s32 @!p0 $0x1BF5;
	p2 =	por !p2, p0  }
0x20: {  	[sflag:s8] =	ssyncset.s32 @!p0 $0xFFFFF086;
	s6 =	sadd.s32 @!p0 s3, s7;
	s7 =	simm.s32 @!p0 $0x108  }
0x21: {  	s3 =	sadd.s32 s3, s9;
	s6 =	sadd.s32 @!p0 $0x88, s6;
	s7 =	simm.s32 @p2 $0x1082  }
0x22: {  	[simem:s7], [sflag:s8] =	dma.local @!p0 [hbm:s6], $0xF7A  }
0x23: {  	s9 =	sor.u32 $0xD0000000, s2;
	s6 =	simm.s32 $0x108;
	_ =	swait.ge @!p0 [sflag:s8], $0x0  }
0x24: {  	s3 =	sadd.s32 $0x88, s3;
	s6 =	simm.s32 @!p1 $0x1082;
	[sflag:s4] =	ssyncset.s32 $0xFFFFF086  }
0x25: {  	[simem:s6], [sflag:s4] =	dma.local [hbm:s3], $0xF7A  }
0x26: {  	[smem:$0x3F9B] =	sst s1;
	(tag) =	ssettag s2;
	_ =	strace s9  }
0x27: {  	s1 =	sld [smem:$0x3FAB]  }
0x28: {  	s2 =	sld [smem:$0x3FAC]  }
0x29: {  	s4 =	sld [smem:$0x3FAE]  }
0x2a: {  	p0 =	seq.s32 s5, $0x0;
	s5 =	sld [smem:$0x3FAF]  }
0x2b: {  	s6 =	sld [smem:$0x3FB0]  }
0x2c: {  	s7 =	sld [smem:$0x3FB1]  }
0x2d: {  	s3 =	simm.s32 $0x108;
	s8 =	sld [smem:$0x3FB2]  }
0x2e: {  	s3 =	simm.s32 @!p0 $0x1082;
	s9 =	sld [smem:$0x3FB3]  }
0x2f: {  	lr =	sadd.s32 s0, s3;
	s0 =	sld [smem:$0x3FAA]  }
0x30: {  	s3 =	sld [smem:$0x3FAD]  }
0x31: {  	[smem:$0x3FB6] =	sst s10  }
0x32: {  	s10 =	sld [smem:$0x3FB4];
	_ =	sdelay $0x3  }
0x33: {  	p0 =	seq.s32 s10, $0x1;
	s10 =	sld [smem:$0x3FB6];
	_ =	sdelay $0x3  }
0x34: {  	[smem:$0x3FB6] =	sst s10  }
0x35: {  	s10 =	sld [smem:$0x3FB5];
	_ =	sdelay $0x3  }
0x36: {  	p1 =	seq.s32 s10, $0x1;
	s10 =	sld [smem:$0x3FB6];
	_ =	sdelay $0x3  }
0x37: {  	[smem:$0x3FB6] =	sst s10  }
0x38: {  	s10 =	sld [smem:$0x3FB7]  }
0x39: {  	_ = 	snop;
	(pc) =	sbr.ind lr, $3  }
0x3a: {  	_ = 	snop  }
0x3b: {  	_ = 	snop  }
0x3c: {  	p2 =	seq.s32 s10, $0x1;
	s10 =	sld [smem:$0x3FB6]  }
0x3d: {  	_ =	shalt  }
0x3e: {  	_ =	shalt  }
0x3f: {  	_ =	shalt  }
0x40: {  	_ =	shalt  }
0x41: {  	_ =	shalt  }
0x42: {  	_ =	shalt  }
0x43: {  	_ =	shalt  }
0x44: {  	_ =	shalt  }
0x45: {  	_ =	shalt  }
0x46: {  	_ =	shalt  }
0x47: {  	_ =	shalt  }
0x48: {  	_ =	shalt  }
0x49: {  	_ =	shalt  }
0x4a: {  	_ =	shalt  }
0x4b: {  	_ =	shalt  }
0x4c: {  	_ =	shalt  }
0x4d: {  	_ =	shalt  }
0x4e: {  	_ =	shalt  }
0x4f: {  	_ =	shalt  }
0x50: {  	_ =	shalt  }
0x51: {  	_ =	shalt  }
0x52: {  	_ =	shalt  }
0x53: {  	_ =	shalt  }
0x54: {  	_ =	shalt  }
0x55: {  	_ =	shalt  }
0x56: {  	_ =	shalt  }
0x57: {  	_ =	shalt  }
0x58: {  	_ =	shalt  }
0x59: {  	_ =	shalt  }
0x5a: {  	_ =	shalt  }
0x5b: {  	_ =	shalt  }
0x5c: {  	_ =	shalt  }
0x5d: {  	_ =	shalt  }
0x5e: {  	_ =	shalt  }
0x5f: {  	_ =	shalt  }
0x60: {  	_ =	shalt  }
0x61: {  	_ =	shalt  }
0x62: {  	_ =	shalt  }
0x63: {  	_ =	shalt  }
0x64: {  	_ =	shalt  }
0x65: {  	_ =	shalt  }
0x66: {  	_ =	shalt  }
0x67: {  	_ =	shalt  }
0x68: {  	_ =	shalt  }
0x69: {  	_ =	shalt  }
0x6a: {  	_ =	shalt  }
0x6b: {  	_ =	shalt  }
0x6c: {  	_ =	shalt  }
0x6d: {  	_ =	shalt  }
0x6e: {  	_ =	shalt  }
0x6f: {  	_ =	shalt  }
0x70: {  	_ =	shalt  }
0x71: {  	_ =	shalt  }
0x72: {  	_ =	shalt  }
0x73: {  	_ =	shalt  }
0x74: {  	_ =	shalt  }
0x75: {  	_ =	shalt  }
0x76: {  	_ =	shalt  }
0x77: {  	_ =	shalt  }
0x78: {  	_ =	shalt  }
0x79: {  	_ =	shalt  }
0x7a: {  	_ =	shalt  }
0x7b: {  	_ =	shalt  }
0x7c: {  	_ =	shalt  }
0x7d: {  	_ =	shalt  }
0x7e: {  	_ =	shalt  }
0x7f: {  	_ =	shalt  }
0x80: {  	_ =	shalt  }
0x81: {  	_ =	shalt  }
0x82: {  	_ =	shalt  }
0x83: {  	_ =	shalt  }
0x84: {  	_ =	shalt  }
0x85: {  	_ =	shalt  }
0x86: {  	_ =	shalt  }
0x87: {  	_ =	shalt  }
.Lfunc_end0:
.L_simem_size_0:
called_computation_lowered:
.L_overlay_start_0:
0x88: {  	s2 =	sld [smem:$0x3FD9]  }
0x89: {  	s3 =	sld [smem:$0x3FFE];
	_ =	sdelay $0x1  }
0x8a: {  	s1 =	srdreg.scid  }
0x8b: {  	s0 =	sand.u32 $0x1, s1  }
0x8c: {  	s18 =	sshll.u32 s0, $0xA;
	s2 =	sadd.s32 s3, s2  }
0x8d: {  	s2 =	sadd.s32 s2, s18  }
0x8e: {  	[smem:$0x3FC2] =	sst s2  }
0x8f: {  	_ = 	snop  }
0x90: {  	s2 =	sld [smem:$0x3FC9]  }
0x91: {  	s19 =	sld [smem:$0x3FC8]  }
0x92: {  	s4 =	sld [smem:$0x3FC7]  }
0x93: {  	s5 =	sld [smem:$0x3FC6]  }
0x94: {  	s6 =	sld [smem:$0x3FC5]  }
0x95: {  	s7 =	sld [smem:$0x3FC4]  }
0x96: {  	s8 =	sld [smem:$0x3FD0];
	(tm) =	ssettm $0x1  }
0x97: {  	s9 =	sld [smem:$0x3FFB];
	_ =	sdelay $0x3  }
0x98: {  	_ =	strace s9  }
0x99: {  	s9 =	sld [smem:$0x3FFC];
	_ =	sdelay $0x3  }
0x9a: {  	_ =	strace s9  }
0x9b: {  	s9 =	sld [smem:$0x3FFD];
	_ =	sdelay $0x3  }
0x9c: {  	_ =	strace s9  }
0x9d: {  	_ =	strace $0x8FFFFFFF  }
0x9e: {  	s20 =	sld [smem:$0x3FDB];
	_ =	sdelay $0x1  }
0x9f: {  	s10 =	simm.s32 $_scs_section_size  }
0xa0: {  	s11 =	simm.s32 $_size__tile_overlayer_lowered;
	s12 =	simm.s32 $_tile_overlayer_lowered  }
0xa1: {  	s23 =	simm.s32 $0x1BFF;
	s22 =	sshll.u32 s12, $0x1;
	s9 =	sadd.s32 s10, s20  }
0xa2: {  	s13 =	simm.s32 $0x0;
	s21 =	sshll.u32 s11, $0x1;
	s11 =	sadd.s32 s22, s9  }
0xa3: {  	[timem:s13], [sflag:s23] =	dma.local [hbm:s11], s21  }
0xa4: {  	_ =	swait.ge [sflag:s23], s21  }
0xa5: {  	s10 =	ssub.s32 $0x0, s21;
	[sflag:s23] =	ssyncset.done $0x0  }
0xa6: {  	[sflag:s23] =	ssyncadd.s32 s10;
	_ =	sdelay $0x1  }
0xa7: {  	s24 =	simm.s32 $0x1B8B  }
0xa8: {  	_ =	swait.ge [sflag:s24], $0x1  }
0xa9: {  	[sflag:s24] =	ssyncset.done $0x0  }
0xaa: {  	s25 =	simm.s32 $0x1B8E;
	[sflag:s24] =	ssyncadd.s32 $0xFFFFFFFF  }
0xab: {  	s26 =	simm.s32 $execute0_lowered;
	[smem:$0x3FD2] =	sst s25  }
0xac: {  	s10 =	sshll.u32 s26, $0x1;
	_ =	strace $0x80000046;
	[dreg:$0x1] =	wrdreg $0xFFFFFFFF  }
0xad: {  	s28 =	simm.s32 $_size_execute0_lowered;
	s9 =	sadd.s32 s9, s10;
	[dreg:$0x0] =	wrdreg $0x0  }
0xae: {  	s10 =	sshll.u32 s28, $0x1;
	[dreg:$0x2] =	wrdreg s9  }
0xaf: {  	[dreg:$0x3] =	wrdreg s10  }
0xb0: {  	[dreg:$0x4] =	wrdreg $0xC0  }
0xb1: {  	_ =	task [dreg:s13], $0x5FFFF  }
0xb2: {  	[dreg:$0x1] =	wrdreg $0xFFFFFFFF  }
0xb3: {  	[dreg:$0x0] =	wrdreg $0x60  }
0xb4: {  	[dreg:$0x2] =	wrdreg s2  }
0xb5: {  	[dreg:$0x3] =	wrdreg s19  }
0xb6: {  	[dreg:$0x4] =	wrdreg s4  }
0xb7: {  	[dreg:$0x5] =	wrdreg s5  }
0xb8: {  	[dreg:$0x6] =	wrdreg s6  }
0xb9: {  	[dreg:$0x7] =	wrdreg s7  }
0xba: {  	[dreg:$0x8] =	wrdreg s8  }
0xbb: {  	[dreg:$0x9] =	wrdreg $0x9  }
0xbc: {  	_ =	task.clear_ibuf [dreg:s13], $0xAFFFF;
	_ =	strace $0x90000046  }
0xbd: {  	s29 =	simm.s32 $0x9;
	_ =	strace $0x80000048  }
0xbe: {  	_ =	swait.ge [sflag:s29], $0x1  }
0xbf: {  	[sflag:s29] =	ssyncadd.s32 $0xFFFFFFFF  }
0xc0: {  	_ =	strace $0x90000048  }
0xc1: {  	_ =	sfence  }
0xc2: {  	s30 =	sld [smem:$0x0];
	_ =	sdelay $0x2  }
0xc3: {  	s31 =	sshll.u32 s1, $0xD;
	s1 =	sshrl.u32 s1, $0x2  }
0xc4: {  	s3 =	sand.u32 $0x4000, s31;
	s1 =	sadd.s32 s1, s30  }
0xc5: {  	s0 =	sor.u32 s3, s0;
	s1 =	sshll.u32 s1, $0x11  }
0xc6: {  	s0 =	sor.u32 s1, s0  }
0xc7: {  	s0 =	sadd.s32 $0x8F2B, s0  }
0xc8: {  	[sflag:s0] =	ssyncadd.remote.s32 $0x1  }
0xc9: {  	_ =	sfence.sel $0xFFFF  }
0xca: {  	[dreg:$0x0] =	wrdreg $0xFFFFFFFF;
	(pc) =	sbr.abs _section_cstart, $3  }
0xcb: {  	[dreg:$0x1] =	wrdreg $0xFFFFFFFF  }
0xcc: {  	_ =	task.clear_ibuf [dreg:s13], $0x2FFFF;
	_ =	strace $0x9FFFFFFF  }
0xcd: {  	(tm) =	ssettm $0x7FFFFFFF  }
tec
execute0_lowered:
.L_overlay_start_1:
0x0: {  	(tag) =	ssettag $0x1  }
0x1: {  	v0 =	vimm.s32 $0x76543210;
	v1 =	vimm.s32 $0xFEDCBA98  }
0x2: {  	v2 =	vimm.s32 $0xBA98FEDC;
	v3 =	vimm.s32 $0x32107654;
	v4 =	vimm.s32 $0xDCFE98BA  }
0x3: {  	v5 =	vimm.s32 $0x54761032;
	vm0 =	vcmask $0x2F20;
	vm1 =	vcmask $0xF00  }
0x4: {  	vm2 =	vcmask $0x700;
	v59 =	vimm.s32 $0xEFCDAB89;
	vm3 =	vcmask $0xB08  }
0x5: {  	vm4 =	vcmask $0x300;
	v60 =	vimm.s32 $0x67452301;
	v61 =	vimm.s32 $0xF7B3D591  }
0x6: {  	s2 =	rddreg [dreg:$0x0];
	v6 =	vimm.s32 $0xE6A2C480;
	v0 =	vunpack.c.l.s4.s8 v0;
	v1 =	vunpack.c.l.s4.s8 v1  }
0x7: {  	s3 =	rddreg [dreg:$0x1];
	v2 =	vunpack.c.l.s4.s8 v2;
	v3 =	vunpack.c.l.s4.s8 v3;
	v4 =	vunpack.c.l.s4.s8 v4  }
0x8: {  	s0 =	rddreg [dreg:$0x2];
	v5 =	vunpack.c.l.s4.s8 v5;
	vm0 =	vmor vm1, vm0;
	vm1 =	vcmask $0x1710  }
0x9: {  	s1 =	rddreg [dreg:$0x3];
	vm3 =	vmor vm4, vm3;
	vm4 =	vcmask $0x1310;
	v6 =	vunpack.c.l.s4.s8 v6  }
0xa: {  	s4 =	rddreg [dreg:$0x6];
	vm1 =	vmor vm2, vm1;
	vm2 =	vcmask $0x2720;
	vm3 =	vmor vm3, vm4  }
0xb: {  	s5 =	simm.s32 $0x0;
	s6 =	srdreg.scid;
	s8 =	stileid.u32;
	vm4 =	vcmask $0x1B18;
	v0 =	vunpack.c.0.s8.s32 v0;
	v1 =	vunpack.c.0.s8.s32 v1  }
0xc: {  	s13 =	simm.s32 $0x200;
	s14 =	simm.s32 $0x3;
	s15 =	simm.s32 $0x40;
	v2 =	vunpack.c.0.s8.s32 v2;
	v3 =	vunpack.c.0.s8.s32 v3;
	v56 =	vunpack.c.0.s8.s32 v4  }
0xd: {  	s16 =	simm.s32 $0x400;
	s17 =	simm.s32 $0x8400;
	s18 =	simm.s32 $0x2400;
	v57 =	vunpack.c.0.s8.s32 v5;
	vm1 =	vmor vm1, vm2;
	v4 =	vunpack.c.l.s4.s8 v60  }
0xe: {  	s20 =	simm.s32 $0xA400;
	s21 =	simm.s32 $0x4400;
	s23 =	simm.s32 $0xC400;
	vm3 =	vmor vm3, vm4;
	vm4 =	vcmask $0x2320;
	v5 =	vunpack.c.l.s4.s8 v61  }
0xf: {  	s26 =	simm.s32 $0x6400;
	s29 =	simm.s32 $0xE400;
	s30 =	simm.s32 $0x1;
	v1 =	vand.u32 $0xF, v1;
	v3 =	vcombine.low v3, v2;
	v2 =	vunpack.c.l.s4.s8 v59  }
0x10: {  	s11 =	simm.s32 $0x180;
	s12 =	simm.s32 $0x380;
	s19 =	simm.s32 $0x1C0;
	v6 =	vunpack.c.0.s8.s32 v6;
	v58 =	vcombine.low v57, v56;
	v0 =	vcombine.low v1, v0  }
0x11: {  	s22 =	simm.s32 $0x3C0;
	s24 =	simm.s32 $0x10700;
	s25 =	simm.s32 $0x4;
	v4 =	vunpack.c.0.s8.s32 v4;
	v5 =	vunpack.c.0.s8.s32 v5;
	v2 =	vunpack.c.0.s8.s32 v2  }
0x12: {  	[smem:$0x7FF] =	sst s5;
	s6 =	sand.u32 $0x1, s6;
	s8 =	sshll.u32 s8, $0x7;
	vm2 =	vcmask $0x3730;
	vm3 =	vmor vm3, vm4;
	vm4 =	vcmask $0x2B28;
	[tilespmem:$0x1FFB0] =	vst v0  }
0x13: {  	s7 =	ssub.s32 $0x2, s6;
	s6 =	sshll.u32 s6, $0x6;
	v62 =	vand.u32 $0xF, v3;
	v63 =	vcombine.low v6, v5;
	_ =	strace $0x80000047;
	[tilespmem:$0x1FFC0] =	vst v58;
	v4 =	vcombine.low v4, v2  }
0x14: {  	s28 =	simm.s32 $0x0;
	s9 =	sshrl.u32 s7, $0x1;
	s6 =	sor.u32 s6, s8;
	vm1 =	vmor vm1, vm2;
	vm3 =	vmor vm3, vm4;
	vm4 =	vcmask $0x3330;
	[tilespmem:$0x1FFD0] =	vst v62  }
0x15: {  	s10 =	ssub.s32 s7, s9;
	s7 =	sadd.s32 s2, s6;
	s8 =	sadd.s32 s3, s6;
	vm2 =	vmor vm3, vm4;
	vm3 =	vcmask $0x3B38;
	[tilespmem:$0x1FFF0] =	vst v63;
	v10 =	vand.u32 $0xF, v4  }
0x16: {  	s9 =	sadd.s32 s4, s6;
	s3 =	simm.s32 $0x2;
	s10 =	smax.u32 s10, $0x1;
	vm2 =	vmor vm2, vm3;
	vm3 =	vmmov $0xff;
	[tilespmem:$0x1FFE0] =	vst v10  }
.LBB2_1:
0x17: {  	v0 =	vimm.f32 $0.0e+00  }
0x18: {  	s2 =	rddreg [dreg:$0x4];
	s4 =	simm.s32 $0x10400;
	[tilespmem:$0x10481] =	vst v0  }
0x19: {  	[tilespmem:s4], [sflag:$0x3] =	stream.linear.gather [hbm4b:s2+s5], $0x80, $0x38;
	[tilespmem:$0x10900] =	vst v63  }
0x1a: {  	s6 =	simm.s32 $0x10480;
	s4 =	rddreg [dreg:$0x5]  }
0x1b: {  	[tilespmem:s6], [sflag:$0x3] =	stream.linear.gather [hbm4b:s4+s5], $0x1, $0x38;
	[tilespmem:$0x10900] =	vst v63  }
0x1c: {  	_ = 	snop  }
0x1d: {  	[tilespmem:s5], [sflag:$0x3] =	stream.linear.gather [hbm4b:s7+s5], $0x200, $0x38;
	[tilespmem:$0x10900] =	vst v63  }
0x1e: {  	_ = 	snop  }
0x1f: {  	[tilespmem:s13], [sflag:$0x3] =	stream.linear.gather [hbm4b:s8+s5], $0x200, $0x38;
	[tilespmem:$0x10900] =	vst v63  }
0x20: {  	_ =	swait.ge [sflag:s14], $0x80  }
0x21: {  	[sflag:s14] =	ssyncset.done $0x0  }
0x22: {  	[sflag:s14] =	ssyncadd.s32 $0xFFFFFF80  }
0x23: {  	_ =	swait.ge [sflag:s14], $0x1  }
0x24: {  	[sflag:s14] =	ssyncset.done $0x0  }
0x25: {  	[sflag:s14] =	ssyncadd.s32 $0xFFFFFFFF  }
0x26: {  	_ =	swait.ge [sflag:s14], $0x200  }
0x27: {  	[sflag:s14] =	ssyncset.done $0x0  }
0x28: {  	[sflag:s14] =	ssyncadd.s32 $0xFFFFFE00  }
0x29: {  	_ =	swait.ge [sflag:s14], $0x200  }
0x2a: {  	[sflag:s14] =	ssyncset.done $0x0  }
0x2b: {  	[sflag:s14] =	ssyncadd.s32 $0xFFFFFE00  }
0x2c: {  	v11 =	vld [tilespmem:$0x10480]  }
0x2d: {  	v3 =	vld [tilespmem:$0x10400]  }
0x2e: {  	v9 =	vld [tilespmem:$0x10410]  }
0x2f: {  	v10 =	vld [tilespmem:$0x10420]  }
0x30: {  	v13 =	vld [tilespmem:$0x10430]  }
0x31: {  	v12 =	vld [tilespmem:$0x10440]  }
0x32: {  	v14 =	vld [tilespmem:$0x10450]  }
0x33: {  	v8 =	vld [tilespmem:$0x10460]  }
0x34: {  	v7 =	vld [tilespmem:$0x10470];
	[tilespmem:s16], [sflag:$0x1] =	stream.indirect.gather [hbm4b:s0+s15], $0x80, s5, s15, $0xb8  }
0x35: {  	_ = 	snop  }
0x36: {  	[tilespmem:s17], [sflag:$0x1] =	stream.indirect.gather [hbm4b:s1+s15], $0x80, s13, s15, $0xb8;
	[tilespmem:$0x10900] =	vst v63  }
0x37: {  	_ = 	snop  }
0x38: {  	[tilespmem:s18], [sflag:$0x1] =	stream.indirect.gather [hbm4b:s0+s15], $0x80, s15, s15, $0xb8;
	[tilespmem:$0x10900] =	vst v63  }
0x39: {  	s4 =	simm.s32 $0x240  }
0x3a: {  	[tilespmem:s20], [sflag:$0x1] =	stream.indirect.gather [hbm4b:s1+s15], $0x80, s4, s15, $0xb8;
	[tilespmem:$0x10900] =	vst v63  }
0x3b: {  	s6 =	simm.s32 $0x80  }
0x3c: {  	[tilespmem:s21], [sflag:$0x2] =	stream.indirect.gather [hbm4b:s0+s15], $0x80, s6, s15, $0xb8;
	[tilespmem:$0x10900] =	vst v63  }
0x3d: {  	s4 =	simm.s32 $0x280  }
0x3e: {  	[tilespmem:s23], [sflag:$0x2] =	stream.indirect.gather [hbm4b:s1+s15], $0x80, s4, s15, $0xb8;
	[tilespmem:$0x10900] =	vst v63  }
0x3f: {  	s6 =	simm.s32 $0xC0  }
0x40: {  	[tilespmem:s26], [sflag:$0x2] =	stream.indirect.gather [hbm4b:s0+s15], $0x80, s6, s15, $0xb8;
	[tilespmem:$0x10900] =	vst v63  }
0x41: {  	s4 =	simm.s32 $0x2C0  }
0x42: {  	[tilespmem:s29], [sflag:$0x2] =	stream.indirect.gather [hbm4b:s1+s15], $0x80, s4, s15, $0xb8;
	[tilespmem:$0x10900] =	vst v63  }
0x43: {  	_ =	swait.ge [sflag:s30], $0x2000  }
0x44: {  	[sflag:s30] =	ssyncset.done $0x0  }
0x45: {  	[sflag:s30] =	ssyncadd.s32 $0xFFFFE000  }
0x46: {  	_ =	swait.ge [sflag:s30], $0x2000  }
0x47: {  	[sflag:s30] =	ssyncset.done $0x0  }
0x48: {  	[sflag:s30] =	ssyncadd.s32 $0xFFFFE000  }
0x49: {  	_ =	swait.ge [sflag:s30], $0x2000  }
0x4a: {  	[sflag:s30] =	ssyncset.done $0x0  }
0x4b: {  	[sflag:s30] =	ssyncadd.s32 $0xFFFFE000  }
0x4c: {  	_ =	swait.ge [sflag:s30], $0x2000  }
0x4d: {  	[sflag:s30] =	ssyncset.done $0x0  }
0x4e: {  	s6 =	simm.s32 $0x0;
	[sflag:s30] =	ssyncadd.s32 $0xFFFFE000  }
0x4f: {  	v15 =	vld [tilespmem:s6+$0x470]  }
0x50: {  	v16 =	vld [tilespmem:s6+$0x8470]  }
0x51: {  	v17 =	vld [tilespmem:s6+$0x4F0]  }
0x52: {  	v18 =	vld [tilespmem:s6+$0x84F0]  }
0x53: {  	v19 =	vld [tilespmem:s6+$0x570]  }
0x54: {  	v20 =	vld [tilespmem:s6+$0x8570]  }
0x55: {  	v21 =	vld [tilespmem:s6+$0x5F0]  }
0x56: {  	v22 =	vld [tilespmem:s6+$0x85F0]  }
0x57: {  	v23 =	vld [tilespmem:s6+$0x460]  }
0x58: {  	v24 =	vld [tilespmem:s6+$0x8460]  }
0x59: {  	v25 =	vld [tilespmem:s6+$0x4E0]  }
0x5a: {  	v26 =	vld [tilespmem:s6+$0x84E0]  }
0x5b: {  	v27 =	vld [tilespmem:s6+$0x560]  }
0x5c: {  	v28 =	vld [tilespmem:s6+$0x8560]  }
0x5d: {  	v29 =	vld [tilespmem:s6+$0x5E0]  }
0x5e: {  	v30 =	vld [tilespmem:s6+$0x85E0]  }
0x5f: {  	v31 =	vld [tilespmem:s6+$0x450]  }
0x60: {  	v32 =	vld [tilespmem:s6+$0x8450]  }
0x61: {  	v33 =	vld [tilespmem:s6+$0x4D0]  }
0x62: {  	v34 =	vld [tilespmem:s6+$0x84D0]  }
0x63: {  	v35 =	vld [tilespmem:s6+$0x550]  }
0x64: {  	v36 =	vld [tilespmem:s6+$0x8550]  }
0x65: {  	v37 =	vld [tilespmem:s6+$0x5D0]  }
0x66: {  	v38 =	vld [tilespmem:s6+$0x85D0]  }
0x67: {  	v39 =	vld [tilespmem:s6+$0x440]  }
0x68: {  	v40 =	vld [tilespmem:s6+$0x8440]  }
0x69: {  	v41 =	vld [tilespmem:s6+$0x4C0]  }
0x6a: {  	v42 =	vld [tilespmem:s6+$0x84C0]  }
0x6b: {  	v43 =	vld [tilespmem:s6+$0x540]  }
0x6c: {  	v44 =	vld [tilespmem:s6+$0x8540]  }
0x6d: {  	v45 =	vld [tilespmem:s6+$0x5C0]  }
0x6e: {  	v46 =	vld [tilespmem:s6+$0x85C0]  }
0x6f: {  	v47 =	vld [tilespmem:s6+$0x430]  }
0x70: {  	v48 =	vld [tilespmem:s6+$0x8430]  }
0x71: {  	v49 =	vld [tilespmem:s6+$0x4B0]  }
0x72: {  	v50 =	vld [tilespmem:s6+$0x84B0]  }
0x73: {  	v51 =	vld [tilespmem:s6+$0x530]  }
0x74: {  	v52 =	vld [tilespmem:s6+$0x8530]  }
0x75: {  	v53 =	vld [tilespmem:s6+$0x5B0]  }
0x76: {  	v54 =	vld [tilespmem:s6+$0x85B0]  }
0x77: {  	v55 =	vld [tilespmem:s6+$0x420]  }
0x78: {  	v56 =	vld [tilespmem:s6+$0x8420]  }
0x79: {  	v57 =	vld [tilespmem:s6+$0x4A0]  }
0x7a: {  	v58 =	vld [tilespmem:s6+$0x84A0]  }
0x7b: {  	v59 =	vld [tilespmem:s6+$0x520]  }
0x7c: {  	v60 =	vld [tilespmem:s6+$0x85A0]  }
0x7d: {  	v61 =	vld [tilespmem:s6+$0x410];
	v15 =	vmul.f32 v16, v15;
	v16 =	vmul.f32 v18, v17  }
0x7e: {  	v17 =	vld [tilespmem:s6+$0x8520];
	v23 =	vmul.f32 v24, v23;
	v24 =	vmul.f32 v26, v25  }
0x7f: {  	v18 =	vld [tilespmem:s6+$0x5A0];
	v19 =	vmul.f32 v20, v19;
	v20 =	vmul.f32 v22, v21  }
0x80: {  	v25 =	vld [tilespmem:s6+$0x8410];
	v27 =	vmul.f32 v28, v27;
	v28 =	vmul.f32 v30, v29  }
0x81: {  	v22 =	vld [tilespmem:s6+$0x490];
	v42 =	vmul.f32 v42, v41;
	v35 =	vmul.f32 v36, v35  }
0x82: {  	v26 =	vld [tilespmem:s6+$0x8490];
	v37 =	vmul.f32 v38, v37;
	v48 =	vmul.f32 v48, v47  }
0x83: {  	v30 =	vld [tilespmem:s6+$0x8510];
	v62 =	vmul.f32 v50, v49;
	v43 =	vmul.f32 v44, v43  }
0x84: {  	v36 =	vld [tilespmem:s6+$0x8590];
	v44 =	vmul.f32 v46, v45;
	v63 =	vmul.f32 v56, v55  }
0x85: {  	v38 =	vld [tilespmem:s6+$0x8400];
	v55 =	vmul.f32 v58, v57;
	v57 =	vmul.f32 v52, v51  }
0x86: {  	v45 =	vld [tilespmem:s6+$0x8480];
	v58 =	vmul.f32 v54, v53;
	v15 =	vmul.f32 v15, v7  }
0x87: {  	v56 =	vld [tilespmem:s6+$0x8500];
	v16 =	vmul.f32 v16, v7;
	v21 =	vmul.f32 v23, v8  }
0x88: {  	v23 =	vmul.f32 v24, v8;
	v24 =	vmul.f32 v32, v31;
	v32 =	vld [tilespmem:s6+$0x510]  }
0x89: {  	v31 =	vmul.f32 v34, v33;
	v34 =	vld [tilespmem:s6+$0x590];
	v33 =	vmul.f32 v42, v12  }
0x8a: {  	v42 =	vld [tilespmem:s6+$0x480];
	v41 =	vmul.f32 v62, v13;
	v46 =	vmul.f32 v63, v10  }
0x8b: {  	v47 =	vmul.f32 v55, v10;
	v62 =	vld [tilespmem:s6+$0x580];
	v24 =	vmul.f32 v24, v14  }
0x8c: {  	v29 =	vmul.f32 v31, v14;
	v31 =	vmul.f32 v40, v39;
	v39 =	vld [tilespmem:s6+$0x400]  }
0x8d: {  	v40 =	vmul.f32 v48, v13;
	v48 =	vld [tilespmem:s6+$0x500];
	v25 =	vmul.f32 v25, v61  }
0x8e: {  	v22 =	vmul.f32 v26, v22;
	v26 =	vld [tilespmem:s6+$0x8580];
	v17 =	vmul.f32 v17, v59  }
0x8f: {  	v18 =	vmul.f32 v60, v18;
	v31 =	vmul.f32 v31, v12  }
0x90: {  	v25 =	vmul.f32 v25, v9;
	v22 =	vmul.f32 v22, v9  }
0x91: {  	v30 =	vmul.f32 v30, v32;
	v63 =	vmul.f32 v36, v34  }
0x92: {  	v54 =	vmul.f32 v45, v42;
	v53 =	vmul.f32 v38, v39  }
0x93: {  	v55 =	vmul.f32 v56, v48;
	v26 =	vmul.f32 v26, v62  }
0x94: {  	v36 =	vmul.f32 v54, v3;
	v34 =	vmul.f32 v53, v3  }
0x95: {  	v38 =	vmul.f32 v55, v3;
	v26 =	vmul.f32 v26, v3  }
0x96: {  	v30 =	vmul.f32 v30, v9;
	v36 =	vadd.f32 v36, v11;
	v34 =	vadd.f32 v34, v11  }
0x97: {  	v32 =	vmul.f32 v63, v9;
	v38 =	vadd.f32 v38, v11;
	v26 =	vadd.f32 v26, v11  }
0x98: {  	v17 =	vmul.f32 v17, v10;
	v22 =	vadd.f32 v22, v36;
	v25 =	vadd.f32 v25, v34  }
0x99: {  	v18 =	vmul.f32 v18, v10;
	v30 =	vadd.f32 v30, v38;
	v26 =	vadd.f32 v32, v26  }
0x9a: {  	v56 =	vmul.f32 v57, v13;
	v22 =	vadd.f32 v47, v22;
	v25 =	vadd.f32 v46, v25  }
0x9b: {  	v17 =	vadd.f32 v17, v30;
	v18 =	vadd.f32 v18, v26;
	v26 =	vmul.f32 v58, v13  }
0x9c: {  	v22 =	vadd.f32 v41, v22;
	v30 =	vmul.f32 v43, v12;
	v25 =	vadd.f32 v40, v25  }
0x9d: {  	v17 =	vadd.f32 v56, v17;
	v18 =	vadd.f32 v26, v18;
	v26 =	vmul.f32 v44, v12  }
0x9e: {  	v22 =	vadd.f32 v33, v22;
	v25 =	vadd.f32 v31, v25;
	v31 =	vmul.f32 v35, v14  }
0x9f: {  	v17 =	vadd.f32 v30, v17;
	v18 =	vadd.f32 v26, v18;
	v26 =	vmul.f32 v37, v14  }
0xa0: {  	v22 =	vadd.f32 v29, v22;
	v24 =	vadd.f32 v24, v25;
	v25 =	vmul.f32 v27, v8  }
0xa1: {  	v0 =	vld [tilespmem:$0x1FFB0];
	v17 =	vadd.f32 v31, v17;
	v18 =	vadd.f32 v26, v18;
	v26 =	vmul.f32 v28, v8  }
0xa2: {  	v19 =	vmul.f32 v19, v7;
	v22 =	vadd.f32 v23, v22;
	v21 =	vadd.f32 v21, v24  }
0xa3: {  	v20 =	vmul.f32 v20, v7;
	v17 =	vadd.f32 v25, v17;
	v18 =	vadd.f32 v26, v18  }
0xa4: {  	v16 =	vadd.f32 v16, v22;
	v15 =	vadd.f32 v15, v21  }
0xa5: {  	v17 =	vadd.f32 v19, v17;
	v18 =	vadd.f32 v20, v18  }
0xa6: {  	v20 =	vperm.xlane v16, v0;
	v19 =	vperm.xlane v15, v0  }
0xa7: {  	v21 =	vperm.xlane v17, v0;
	v22 =	vperm.xlane v18, v0;
	v0 =	vld [tilespmem:$0x1FFD0]  }
0xa8: {  	v16 =	vadd.f32 v20, v16;
	v15 =	vadd.f32 v19, v15  }
0xa9: {  	v17 =	vadd.f32 v21, v17;
	v18 =	vadd.f32 v22, v18;
	_ =	sdelay $0x1  }
0xaa: {  	v15 =	vsel vm3, v15, v16;
	v16 =	vsel vm3, v17, v18  }
0xab: {  	v17 =	vperm.xlane v15, v0;
	v18 =	vperm.xlane v16, v0;
	v0 =	vld [tilespmem:$0x1FFC0];
	_ =	sdelay $0x1  }
0xac: {  	v15 =	vadd.f32 v17, v15;
	v16 =	vadd.f32 v18, v16;
	_ =	sdelay $0x1  }
0xad: {  	v15 =	vsel vm0, v15, v16  }
0xae: {  	v16 =	vperm.xlane v15, v0;
	_ =	sdelay $0x1  }
0xaf: {  	v15 =	vadd.f32 v15, v16  }
0xb0: {  	s31 =	simm.s32 $0x10500  }
0xb1: {  	s2 =	simm.s32 $0x200;
	[tilespmem:s31+$0x0] =	vst v15  }
0xb2: {  	v15 =	vld [tilespmem:s2+$0x470]  }
0xb3: {  	v16 =	vld [tilespmem:s2+$0x8470]  }
0xb4: {  	v17 =	vld [tilespmem:s2+$0x4F0]  }
0xb5: {  	v18 =	vld [tilespmem:s2+$0x84F0]  }
0xb6: {  	v19 =	vld [tilespmem:s2+$0x570]  }
0xb7: {  	v20 =	vld [tilespmem:s2+$0x8570]  }
0xb8: {  	v21 =	vld [tilespmem:s2+$0x5F0]  }
0xb9: {  	v22 =	vld [tilespmem:s2+$0x85F0]  }
0xba: {  	v23 =	vld [tilespmem:s2+$0x460]  }
0xbb: {  	v24 =	vld [tilespmem:s2+$0x8460]  }
0xbc: {  	v25 =	vld [tilespmem:s2+$0x4E0]  }
0xbd: {  	v26 =	vld [tilespmem:s2+$0x84E0]  }
0xbe: {  	v44 =	vld [tilespmem:s2+$0x560]  }
0xbf: {  	v28 =	vld [tilespmem:s2+$0x8560]  }
0xc0: {  	v30 =	vld [tilespmem:s2+$0x5E0]  }
0xc1: {  	v33 =	vld [tilespmem:s2+$0x85E0]  }
0xc2: {  	v35 =	vld [tilespmem:s2+$0x450]  }
0xc3: {  	v36 =	vld [tilespmem:s2+$0x8450]  }
0xc4: {  	v39 =	vld [tilespmem:s2+$0x4D0]  }
0xc5: {  	v41 =	vld [tilespmem:s2+$0x84D0]  }
0xc6: {  	v52 =	vld [tilespmem:s2+$0x550]  }
0xc7: {  	v27 =	vld [tilespmem:s2+$0x8550]  }
0xc8: {  	v53 =	vld [tilespmem:s2+$0x5D0]  }
0xc9: {  	v49 =	vld [tilespmem:s2+$0x85D0]  }
0xca: {  	v45 =	vld [tilespmem:s2+$0x440]  }
0xcb: {  	v48 =	vld [tilespmem:s2+$0x8440]  }
0xcc: {  	v50 =	vld [tilespmem:s2+$0x4C0]  }
0xcd: {  	v51 =	vld [tilespmem:s2+$0x84C0]  }
0xce: {  	v1 =	vld [tilespmem:s2+$0x540]  }
0xcf: {  	v60 =	vld [tilespmem:s2+$0x8540]  }
0xd0: {  	v54 =	vld [tilespmem:s2+$0x5C0]  }
0xd1: {  	v55 =	vld [tilespmem:s2+$0x85C0]  }
0xd2: {  	v56 =	vld [tilespmem:s2+$0x430]  }
0xd3: {  	v57 =	vld [tilespmem:s2+$0x8430]  }
0xd4: {  	v58 =	vld [tilespmem:s2+$0x4B0]  }
0xd5: {  	v59 =	vld [tilespmem:s2+$0x84B0]  }
0xd6: {  	v0 =	vld [tilespmem:s2+$0x530]  }
0xd7: {  	v61 =	vld [tilespmem:s2+$0x8530]  }
0xd8: {  	v62 =	vld [tilespmem:s2+$0x5B0]  }
0xd9: {  	v63 =	vld [tilespmem:s2+$0x85B0]  }
0xda: {  	v47 =	vld [tilespmem:s2+$0x420]  }
0xdb: {  	v46 =	vld [tilespmem:s2+$0x8420]  }
0xdc: {  	v42 =	vld [tilespmem:s2+$0x4A0]  }
0xdd: {  	v2 =	vld [tilespmem:s2+$0x84A0]  }
0xde: {  	v29 =	vld [tilespmem:s2+$0x520]  }
0xdf: {  	v31 =	vld [tilespmem:s2+$0x8520]  }
0xe0: {  	v32 =	vld [tilespmem:s2+$0x5A0];
	v15 =	vmul.f32 v16, v15;
	v16 =	vmul.f32 v18, v17  }
0xe1: {  	v34 =	vld [tilespmem:s2+$0x85A0];
	v23 =	vmul.f32 v24, v23;
	v24 =	vmul.f32 v26, v25  }
0xe2: {  	v37 =	vld [tilespmem:s2+$0x410];
	v18 =	vmul.f32 v20, v19;
	v17 =	vmul.f32 v22, v21  }
0xe3: {  	v38 =	vld [tilespmem:s2+$0x8410];
	v22 =	vmul.f32 v28, v44;
	v21 =	vmul.f32 v33, v30  }
0xe4: {  	v40 =	vld [tilespmem:s2+$0x490];
	v28 =	vmul.f32 v48, v45;
	v30 =	vmul.f32 v51, v50  }
0xe5: {  	v43 =	vld [tilespmem:s2+$0x8490];
	v26 =	vmul.f32 v27, v52;
	v25 =	vmul.f32 v49, v53  }
0xe6: {  	v44 =	vld [tilespmem:s2+$0x8510];
	v57 =	vmul.f32 v57, v56;
	v59 =	vmul.f32 v59, v58  }
0xe7: {  	v45 =	vld [tilespmem:s2+$0x590];
	v33 =	vmul.f32 v60, v1;
	v46 =	vmul.f32 v46, v47  }
0xe8: {  	v48 =	vld [tilespmem:s2+$0x8590];
	v2 =	vmul.f32 v2, v42;
	v42 =	vmul.f32 v61, v0  }
0xe9: {  	v49 =	vld [tilespmem:s2+$0x8400];
	v15 =	vmul.f32 v15, v7;
	v16 =	vmul.f32 v16, v7  }
0xea: {  	v50 =	vld [tilespmem:s2+$0x400];
	v19 =	vmul.f32 v23, v8;
	v20 =	vmul.f32 v24, v8  }
0xeb: {  	v51 =	vld [tilespmem:s2+$0x480];
	v23 =	vmul.f32 v36, v35;
	v24 =	vmul.f32 v41, v39  }
0xec: {  	v52 =	vld [tilespmem:s2+$0x8480];
	v27 =	vmul.f32 v28, v12;
	v28 =	vmul.f32 v30, v12  }
0xed: {  	v53 =	vld [tilespmem:s2+$0x500];
	v30 =	vmul.f32 v55, v54;
	v35 =	vmul.f32 v57, v13  }
0xee: {  	v39 =	vld [tilespmem:s2+$0x510];
	v36 =	vmul.f32 v59, v13;
	v41 =	vmul.f32 v63, v62  }
0xef: {  	v54 =	vld [tilespmem:s2+$0x8500];
	v46 =	vmul.f32 v46, v10;
	v47 =	vmul.f32 v2, v10  }
0xf0: {  	s4 =	simm.s32 $0x1000;
	v55 =	vld [tilespmem:s2+$0x580];
	v23 =	vmul.f32 v23, v14;
	v24 =	vmul.f32 v24, v14  }
.LBB2_2:
0xf1: {  	v61 =	vld [tilespmem:s2+$0x8580]  }
0xf2: {  	v2 =	vmul.f32 v38, v37;
	v60 =	vmul.f32 v43, v40  }
0xf3: {  	v29 =	vmul.f32 v31, v29;
	v31 =	vmul.f32 v34, v32  }
0xf4: {  	v63 =	vmul.f32 v44, v39;
	v48 =	vmul.f32 v48, v45  }
0xf5: {  	v50 =	vmul.f32 v49, v50;
	v52 =	vmul.f32 v52, v51  }
0xf6: {  	v54 =	vmul.f32 v54, v53;
	v38 =	vmul.f32 v61, v55  }
0xf7: {  	v2 =	vmul.f32 v2, v9;
	v62 =	vmul.f32 v60, v9  }
0xf8: {  	v39 =	vmul.f32 v50, v3;
	v40 =	vmul.f32 v52, v3  }
0xf9: {  	v43 =	vmul.f32 v54, v3;
	v38 =	vmul.f32 v38, v3  }
0xfa: {  	v34 =	vmul.f32 v63, v9;
	v39 =	vadd.f32 v39, v11;
	v40 =	vadd.f32 v40, v11  }
0xfb: {  	v37 =	vmul.f32 v48, v9;
	v43 =	vadd.f32 v43, v11;
	v38 =	vadd.f32 v38, v11  }
0xfc: {  	v29 =	vmul.f32 v29, v10;
	v2 =	vadd.f32 v2, v39;
	v32 =	vadd.f32 v62, v40  }
0xfd: {  	v31 =	vmul.f32 v31, v10;
	v34 =	vadd.f32 v34, v43;
	v37 =	vadd.f32 v37, v38  }
0xfe: {  	v56 =	vmul.f32 v42, v13;
	v2 =	vadd.f32 v46, v2;
	v32 =	vadd.f32 v47, v32  }
0xff: {  	v57 =	vmul.f32 v41, v13;
	v29 =	vadd.f32 v29, v34;
	v31 =	vadd.f32 v31, v37  }
0x100: {  	v33 =	vmul.f32 v33, v12;
	v2 =	vadd.f32 v35, v2;
	v32 =	vadd.f32 v36, v32  }
0x101: {  	v30 =	vmul.f32 v30, v12;
	v29 =	vadd.f32 v56, v29;
	v31 =	vadd.f32 v57, v31  }
0x102: {  	v26 =	vmul.f32 v26, v14;
	v2 =	vadd.f32 v27, v2;
	v27 =	vadd.f32 v28, v32  }
0x103: {  	v25 =	vmul.f32 v25, v14;
	v28 =	vadd.f32 v33, v29;
	v29 =	vadd.f32 v30, v31  }
0x104: {  	v22 =	vmul.f32 v22, v8;
	v2 =	vadd.f32 v23, v2;
	v23 =	vadd.f32 v24, v27  }
0x105: {  	v21 =	vmul.f32 v21, v8;
	v0 =	vld [tilespmem:$0x1FFB0];
	v24 =	vadd.f32 v26, v28;
	v25 =	vadd.f32 v25, v29  }
0x106: {  	v18 =	vmul.f32 v18, v7;
	v2 =	vadd.f32 v19, v2;
	v19 =	vadd.f32 v20, v23  }
0x107: {  	v17 =	vmul.f32 v17, v7;
	v20 =	vadd.f32 v22, v24;
	v21 =	vadd.f32 v21, v25  }
0x108: {  	v2 =	vadd.f32 v15, v2;
	v15 =	vadd.f32 v16, v19  }
0x109: {  	v16 =	vadd.f32 v18, v20;
	v17 =	vadd.f32 v17, v21  }
0x10a: {  	v18 =	vperm.xlane v2, v0;
	v19 =	vperm.xlane v15, v0  }
0x10b: {  	v20 =	vperm.xlane v16, v0;
	v21 =	vperm.xlane v17, v0;
	v0 =	vld [tilespmem:$0x1FFD0]  }
0x10c: {  	v2 =	vadd.f32 v18, v2;
	v15 =	vadd.f32 v19, v15  }
0x10d: {  	v16 =	vadd.f32 v20, v16;
	v17 =	vadd.f32 v21, v17;
	_ =	sdelay $0x1  }
0x10e: {  	v2 =	vsel vm3, v2, v15;
	v15 =	vsel vm3, v16, v17  }
0x10f: {  	v16 =	vperm.xlane v2, v0;
	v17 =	vperm.xlane v15, v0;
	v0 =	vld [tilespmem:$0x1FFC0];
	_ =	sdelay $0x1  }
0x110: {  	v2 =	vadd.f32 v16, v2;
	v15 =	vadd.f32 v17, v15;
	_ =	sdelay $0x1  }
0x111: {  	v2 =	vsel vm0, v2, v15  }
0x112: {  	v15 =	vperm.xlane v2, v0;
	_ =	sdelay $0x1  }
0x113: {  	v2 =	vadd.f32 v2, v15  }
0x114: {  	s31 =	sadd.s32 $0x10, s31  }
0x115: {  	s2 =	sshra.s32 s4, $0x2;
	[tilespmem:s31+$0x0] =	vst v2  }
0x116: {  	v2 =	vld [tilespmem:s2+$0x470]  }
0x117: {  	v15 =	vld [tilespmem:s2+$0x8470]  }
0x118: {  	v16 =	vld [tilespmem:s2+$0x4F0]  }
0x119: {  	v17 =	vld [tilespmem:s2+$0x84F0]  }
0x11a: {  	v18 =	vld [tilespmem:s2+$0x570]  }
0x11b: {  	v19 =	vld [tilespmem:s2+$0x8570]  }
0x11c: {  	v20 =	vld [tilespmem:s2+$0x5F0]  }
0x11d: {  	v21 =	vld [tilespmem:s2+$0x85F0]  }
0x11e: {  	v22 =	vld [tilespmem:s2+$0x460]  }
0x11f: {  	v23 =	vld [tilespmem:s2+$0x8460]  }
0x120: {  	v24 =	vld [tilespmem:s2+$0x4E0]  }
0x121: {  	v25 =	vld [tilespmem:s2+$0x84E0]  }
0x122: {  	v26 =	vld [tilespmem:s2+$0x560]  }
0x123: {  	v27 =	vld [tilespmem:s2+$0x8560]  }
0x124: {  	v28 =	vld [tilespmem:s2+$0x5E0]  }
0x125: {  	v30 =	vld [tilespmem:s2+$0x85E0]  }
0x126: {  	v33 =	vld [tilespmem:s2+$0x450]  }
0x127: {  	v35 =	vld [tilespmem:s2+$0x8450]  }
0x128: {  	v36 =	vld [tilespmem:s2+$0x4D0]  }
0x129: {  	v39 =	vld [tilespmem:s2+$0x84D0]  }
0x12a: {  	v41 =	vld [tilespmem:s2+$0x550]  }
0x12b: {  	v42 =	vld [tilespmem:s2+$0x8550]  }
0x12c: {  	v46 =	vld [tilespmem:s2+$0x5D0]  }
0x12d: {  	v47 =	vld [tilespmem:s2+$0x85D0]  }
0x12e: {  	v45 =	vld [tilespmem:s2+$0x440]  }
0x12f: {  	v48 =	vld [tilespmem:s2+$0x8440]  }
0x130: {  	v49 =	vld [tilespmem:s2+$0x4C0]  }
0x131: {  	v50 =	vld [tilespmem:s2+$0x84C0]  }
0x132: {  	v52 =	vld [tilespmem:s2+$0x540]  }
0x133: {  	v53 =	vld [tilespmem:s2+$0x8540]  }
0x134: {  	v54 =	vld [tilespmem:s2+$0x5C0]  }
0x135: {  	v55 =	vld [tilespmem:s2+$0x85C0]  }
0x136: {  	v51 =	vld [tilespmem:s2+$0x430]  }
0x137: {  	v56 =	vld [tilespmem:s2+$0x8430]  }
0x138: {  	v57 =	vld [tilespmem:s2+$0x4B0]  }
0x139: {  	v58 =	vld [tilespmem:s2+$0x84B0]  }
0x13a: {  	v59 =	vld [tilespmem:s2+$0x530]  }
0x13b: {  	v60 =	vld [tilespmem:s2+$0x8530]  }
0x13c: {  	v61 =	vld [tilespmem:s2+$0x5B0]  }
0x13d: {  	v62 =	vld [tilespmem:s2+$0x85B0]  }
0x13e: {  	v63 =	vld [tilespmem:s2+$0x420]  }
0x13f: {  	v1 =	vld [tilespmem:s2+$0x8420]  }
0x140: {  	v5 =	vld [tilespmem:s2+$0x4A0]  }
0x141: {  	v4 =	vld [tilespmem:s2+$0x84A0]  }
0x142: {  	v29 =	vld [tilespmem:s2+$0x520]  }
0x143: {  	v31 =	vld [tilespmem:s2+$0x8520]  }
0x144: {  	v32 =	vld [tilespmem:s2+$0x5A0];
	v2 =	vmul.f32 v15, v2;
	v16 =	vmul.f32 v17, v16  }
0x145: {  	v34 =	vld [tilespmem:s2+$0x85A0];
	v18 =	vmul.f32 v19, v18;
	v17 =	vmul.f32 v21, v20  }
0x146: {  	v37 =	vld [tilespmem:s2+$0x410];
	v21 =	vmul.f32 v30, v28;
	v28 =	vmul.f32 v50, v49  }
0x147: {  	v38 =	vld [tilespmem:s2+$0x8410];
	v58 =	vmul.f32 v58, v57;
	v30 =	vmul.f32 v55, v54  }
0x148: {  	v40 =	vld [tilespmem:s2+$0x490];
	v1 =	vmul.f32 v1, v63;
	v15 =	vmul.f32 v2, v7  }
0x149: {  	v43 =	vld [tilespmem:s2+$0x8490];
	v16 =	vmul.f32 v16, v7;
	v2 =	vmul.f32 v23, v22  }
0x14a: {  	v44 =	vld [tilespmem:s2+$0x8510];
	v22 =	vmul.f32 v25, v24;
	v24 =	vmul.f32 v39, v36  }
0x14b: {  	v49 =	vld [tilespmem:s2+$0x8400];
	v25 =	vmul.f32 v47, v46;
	v28 =	vmul.f32 v28, v12  }
0x14c: {  	v50 =	vld [tilespmem:s2+$0x400];
	v19 =	vmul.f32 v2, v8;
	v2 =	vmul.f32 v35, v33  }
0x14d: {  	v54 =	vld [tilespmem:s2+$0x8500];
	v36 =	vmul.f32 v58, v13;
	v20 =	vmul.f32 v22, v8  }
0x14e: {  	v55 =	vld [tilespmem:s2+$0x580];
	v23 =	vmul.f32 v2, v14;
	v2 =	vmul.f32 v48, v45  }
0x14f: {  	p0 =	sne.s32 s4, $0xF800;
	v39 =	vld [tilespmem:s2+$0x510];
	v22 =	vmul.f32 v27, v26;
	v33 =	vmul.f32 v53, v52  }
.Ltmp0:
0x150: {  	v52 =	vld [tilespmem:s2+$0x8480];
	v27 =	vmul.f32 v2, v12;
	v2 =	vmul.f32 v56, v51;
	(pc) =	sbr.rel @p0 .LBB2_2-.Ltmp0, $4  }
0x151: {  	v46 =	vmul.f32 v1, v10;
	v24 =	vmul.f32 v24, v14;
	v53 =	vld [tilespmem:s2+$0x500]  }
0x152: {  	v45 =	vld [tilespmem:s2+$0x590];
	v35 =	vmul.f32 v2, v13;
	v2 =	vmul.f32 v4, v5  }
0x153: {  	v26 =	vmul.f32 v42, v41;
	v42 =	vmul.f32 v60, v59;
	v48 =	vld [tilespmem:s2+$0x8590]  }
0x154: {  	s4 =	sadd.s32 $0x800, s4;
	v41 =	vmul.f32 v62, v61;
	v51 =	vld [tilespmem:s2+$0x480];
	v47 =	vmul.f32 v2, v10  }
0x155: {  	v1 =	vmul.f32 v38, v37;
	v2 =	vmul.f32 v43, v40;
	v4 =	vld [tilespmem:s2+$0x8580]  }
0x156: {  	v5 =	vmul.f32 v31, v29;
	v43 =	vmul.f32 v34, v32  }
0x157: {  	v44 =	vmul.f32 v44, v39;
	v57 =	vmul.f32 v49, v50  }
0x158: {  	v59 =	vmul.f32 v54, v53;
	v1 =	vmul.f32 v1, v9  }
0x159: {  	v2 =	vmul.f32 v2, v9;
	v34 =	vmul.f32 v57, v3  }
0x15a: {  	v58 =	vmul.f32 v52, v51;
	v4 =	vmul.f32 v4, v55  }
0x15b: {  	v56 =	vmul.f32 v48, v45;
	v38 =	vmul.f32 v59, v3  }
0x15c: {  	v37 =	vmul.f32 v58, v3;
	v4 =	vmul.f32 v4, v3  }
0x15d: {  	v31 =	vmul.f32 v44, v9;
	v34 =	vadd.f32 v34, v11;
	v38 =	vadd.f32 v38, v11  }
0x15e: {  	v32 =	vmul.f32 v56, v9;
	v37 =	vadd.f32 v37, v11;
	v4 =	vadd.f32 v4, v11  }
0x15f: {  	v5 =	vmul.f32 v5, v10;
	v1 =	vadd.f32 v1, v34;
	v31 =	vadd.f32 v31, v38  }
0x160: {  	v29 =	vmul.f32 v43, v10;
	v2 =	vadd.f32 v2, v37;
	v4 =	vadd.f32 v32, v4  }
0x161: {  	v60 =	vmul.f32 v42, v13;
	v1 =	vadd.f32 v46, v1;
	v5 =	vadd.f32 v5, v31  }
0x162: {  	v61 =	vmul.f32 v41, v13;
	v2 =	vadd.f32 v47, v2;
	v4 =	vadd.f32 v29, v4  }
0x163: {  	v62 =	vmul.f32 v33, v12;
	v1 =	vadd.f32 v35, v1;
	v5 =	vadd.f32 v60, v5  }
0x164: {  	v63 =	vmul.f32 v30, v12;
	v2 =	vadd.f32 v36, v2;
	v4 =	vadd.f32 v61, v4  }
0x165: {  	v26 =	vmul.f32 v26, v14;
	v1 =	vadd.f32 v27, v1;
	v5 =	vadd.f32 v62, v5  }
0x166: {  	v25 =	vmul.f32 v25, v14;
	v2 =	vadd.f32 v28, v2;
	v4 =	vadd.f32 v63, v4  }
0x167: {  	v22 =	vmul.f32 v22, v8;
	v1 =	vadd.f32 v23, v1;
	v5 =	vadd.f32 v26, v5  }
0x168: {  	v21 =	vmul.f32 v21, v8;
	v0 =	vld [tilespmem:$0x1FFB0];
	v2 =	vadd.f32 v24, v2;
	v4 =	vadd.f32 v25, v4  }
0x169: {  	v18 =	vmul.f32 v18, v7;
	v1 =	vadd.f32 v19, v1;
	v5 =	vadd.f32 v22, v5  }
0x16a: {  	v17 =	vmul.f32 v17, v7;
	v2 =	vadd.f32 v20, v2;
	v4 =	vadd.f32 v21, v4  }
0x16b: {  	v1 =	vadd.f32 v15, v1;
	v5 =	vadd.f32 v18, v5  }
0x16c: {  	v2 =	vadd.f32 v16, v2;
	v4 =	vadd.f32 v17, v4  }
0x16d: {  	v15 =	vperm.xlane v1, v0;
	v17 =	vperm.xlane v5, v0  }
0x16e: {  	v16 =	vperm.xlane v2, v0;
	v18 =	vperm.xlane v4, v0;
	v0 =	vld [tilespmem:$0x1FFD0]  }
0x16f: {  	v1 =	vadd.f32 v15, v1;
	v5 =	vadd.f32 v17, v5  }
0x170: {  	v2 =	vadd.f32 v16, v2;
	v4 =	vadd.f32 v18, v4;
	_ =	sdelay $0x1  }
0x171: {  	v1 =	vsel vm3, v1, v2;
	v2 =	vsel vm3, v5, v4  }
0x172: {  	v4 =	vperm.xlane v1, v0;
	v5 =	vperm.xlane v2, v0;
	v0 =	vld [tilespmem:$0x1FFC0];
	_ =	sdelay $0x1  }
0x173: {  	v1 =	vadd.f32 v4, v1;
	v2 =	vadd.f32 v5, v2;
	_ =	sdelay $0x1  }
0x174: {  	v1 =	vsel vm0, v1, v2  }
0x175: {  	v2 =	vperm.xlane v1, v0;
	_ =	sdelay $0x1  }
0x176: {  	v1 =	vadd.f32 v1, v2  }
0x177: {  	s31 =	sadd.s32 $0x10, s31;
	v6 =	vld [tilespmem:$0x1FFE0]  }
0x178: {  	s4 =	simm.s32 $0x10520;
	v0 =	vld [tilespmem:$0x1FFF0];
	[tilespmem:s31+$0x0] =	vst v1  }
0x179: {  	v15 =	vld [tilespmem:s4+$0xFFFFFFF0]  }
0x17a: {  	v16 =	vld [tilespmem:s4+$0xFFFFFFE0]  }
0x17b: {  	v17 =	vld [tilespmem:s4+$0x0]  }
0x17c: {  	s2 =	simm.s32 $0x0;
	s6 =	simm.s32 $0x40;
	v18 =	vld [tilespmem:s4+$0x10]  }
.LBB2_4:
0x17d: {  	p0 =	sne.s32 s6, $0x1C0;
	_ =	sdelay $0x3  }
0x17e: {  	v1 =	vsel vm1, v16, v15;
	v2 =	vsel vm1, v17, v18  }
0x17f: {  	v4 =	vperm.xlane v1, v6;
	v5 =	vperm.xlane v2, v6;
	_ =	sdelay $0x1  }
0x180: {  	v1 =	vadd.f32 v4, v1;
	v2 =	vadd.f32 v5, v2;
	_ =	sdelay $0x1  }
0x181: {  	v1 =	vsel vm2, v1, v2  }
0x182: {  	v1 =	vperm.xlane v1, v0  }
0x183: {  	s31 =	sshra.s32 s2, $0x2;
	s2 =	smov.u32 s6  }
.Ltmp1:
0x184: {  	s4 =	sadd.s32 $0x40, s4;
	[tilespmem:s31+$0x10700] =	vst v1;
	(pc) =	sbr.rel @p0 .LBB2_4-.Ltmp1, $4  }
0x185: {  	v15 =	vld [tilespmem:s4+$0xFFFFFFF0]  }
0x186: {  	v16 =	vld [tilespmem:s4+$0xFFFFFFE0]  }
0x187: {  	v17 =	vld [tilespmem:s4+$0x0]  }
0x188: {  	s6 =	sadd.s32 $0x40, s6;
	v18 =	vld [tilespmem:s4+$0x10]  }
0x189: {  	_ =	sdelay $0x3  }
0x18a: {  	v1 =	vsel vm1, v16, v15;
	v2 =	vsel vm1, v17, v18  }
0x18b: {  	v4 =	vperm.xlane v1, v6;
	v5 =	vperm.xlane v2, v6;
	_ =	sdelay $0x1  }
0x18c: {  	v1 =	vadd.f32 v4, v1;
	v2 =	vadd.f32 v5, v2;
	_ =	sdelay $0x1  }
0x18d: {  	v1 =	vsel vm2, v1, v2  }
0x18e: {  	v1 =	vperm.xlane v1, v0  }
0x18f: {  	s2 =	sshra.s32 s2, $0x2  }
0x190: {  	s6 =	simm.s32 $0x100;
	[tilespmem:s2+$0x10700] =	vst v1  }
0x191: {  	[tilespmem:s16], [sflag:$0x1] =	stream.indirect.gather [hbm4b:s0+s15], $0x80, s6, s15, $0xb8;
	[tilespmem:$0x10900] =	vst v63  }
0x192: {  	s4 =	simm.s32 $0x300  }
0x193: {  	[tilespmem:s17], [sflag:$0x1] =	stream.indirect.gather [hbm4b:s1+s15], $0x80, s4, s15, $0xb8;
	[tilespmem:$0x10900] =	vst v63  }
0x194: {  	s6 =	simm.s32 $0x140  }
0x195: {  	[tilespmem:s18], [sflag:$0x1] =	stream.indirect.gather [hbm4b:s0+s15], $0x80, s6, s15, $0xb8;
	[tilespmem:$0x10900] =	vst v63  }
0x196: {  	s4 =	simm.s32 $0x340  }
0x197: {  	[tilespmem:s20], [sflag:$0x1] =	stream.indirect.gather [hbm4b:s1+s15], $0x80, s4, s15, $0xb8;
	[tilespmem:$0x10900] =	vst v63  }
0x198: {  	_ =	swait.ge [sflag:s3], $0x2000  }
0x199: {  	[sflag:s3] =	ssyncset.done $0x0  }
0x19a: {  	[sflag:s3] =	ssyncadd.s32 $0xFFFFE000  }
0x19b: {  	_ =	swait.ge [sflag:s3], $0x2000  }
0x19c: {  	[sflag:s3] =	ssyncset.done $0x0  }
0x19d: {  	[sflag:s3] =	ssyncadd.s32 $0xFFFFE000  }
0x19e: {  	_ =	swait.ge [sflag:s3], $0x2000  }
0x19f: {  	[sflag:s3] =	ssyncset.done $0x0  }
0x1a0: {  	[sflag:s3] =	ssyncadd.s32 $0xFFFFE000  }
0x1a1: {  	_ =	swait.ge [sflag:s3], $0x2000  }
0x1a2: {  	[sflag:s3] =	ssyncset.done $0x0  }
0x1a3: {  	s6 =	simm.s32 $0x0;
	[sflag:s3] =	ssyncadd.s32 $0xFFFFE000  }
0x1a4: {  	v58 =	vld [tilespmem:s6+$0x4470]  }
0x1a5: {  	v59 =	vld [tilespmem:s6+$0xC470]  }
0x1a6: {  	v4 =	vld [tilespmem:s6+$0x44F0]  }
0x1a7: {  	v5 =	vld [tilespmem:s6+$0xC4F0]  }
0x1a8: {  	v15 =	vld [tilespmem:s6+$0x4570]  }
0x1a9: {  	v16 =	vld [tilespmem:s6+$0xC570]  }
0x1aa: {  	v17 =	vld [tilespmem:s6+$0x45F0]  }
0x1ab: {  	v18 =	vld [tilespmem:s6+$0xC5F0]  }
0x1ac: {  	v19 =	vld [tilespmem:s6+$0x4460]  }
0x1ad: {  	v20 =	vld [tilespmem:s6+$0xC460]  }
0x1ae: {  	v21 =	vld [tilespmem:s6+$0x44E0]  }
0x1af: {  	v22 =	vld [tilespmem:s6+$0xC4E0]  }
0x1b0: {  	v23 =	vld [tilespmem:s6+$0x4560]  }
0x1b1: {  	v24 =	vld [tilespmem:s6+$0xC560]  }
0x1b2: {  	v25 =	vld [tilespmem:s6+$0x45E0]  }
0x1b3: {  	v26 =	vld [tilespmem:s6+$0xC5E0]  }
0x1b4: {  	v27 =	vld [tilespmem:s6+$0x4450]  }
0x1b5: {  	v28 =	vld [tilespmem:s6+$0xC450]  }
0x1b6: {  	v29 =	vld [tilespmem:s6+$0x44D0]  }
0x1b7: {  	v30 =	vld [tilespmem:s6+$0xC4D0]  }
0x1b8: {  	v31 =	vld [tilespmem:s6+$0x4550]  }
0x1b9: {  	v32 =	vld [tilespmem:s6+$0xC550]  }
0x1ba: {  	v33 =	vld [tilespmem:s6+$0x45D0]  }
0x1bb: {  	v34 =	vld [tilespmem:s6+$0xC5D0]  }
0x1bc: {  	v35 =	vld [tilespmem:s6+$0x4440]  }
0x1bd: {  	v36 =	vld [tilespmem:s6+$0xC440]  }
0x1be: {  	v37 =	vld [tilespmem:s6+$0x44C0]  }
0x1bf: {  	v38 =	vld [tilespmem:s6+$0xC4C0]  }
0x1c0: {  	v39 =	vld [tilespmem:s6+$0x4540]  }
0x1c1: {  	v40 =	vld [tilespmem:s6+$0xC540]  }
0x1c2: {  	v41 =	vld [tilespmem:s6+$0x45C0]  }
0x1c3: {  	v42 =	vld [tilespmem:s6+$0xC5C0]  }
0x1c4: {  	v43 =	vld [tilespmem:s6+$0x4430]  }
0x1c5: {  	v44 =	vld [tilespmem:s6+$0xC430]  }
0x1c6: {  	v45 =	vld [tilespmem:s6+$0x44B0]  }
0x1c7: {  	v46 =	vld [tilespmem:s6+$0xC4B0]  }
0x1c8: {  	v47 =	vld [tilespmem:s6+$0x4530]  }
0x1c9: {  	v48 =	vld [tilespmem:s6+$0xC530]  }
0x1ca: {  	v49 =	vld [tilespmem:s6+$0x45B0]  }
0x1cb: {  	v50 =	vld [tilespmem:s6+$0xC5B0]  }
0x1cc: {  	v51 =	vld [tilespmem:s6+$0x4420]  }
0x1cd: {  	v52 =	vld [tilespmem:s6+$0xC420]  }
0x1ce: {  	v53 =	vld [tilespmem:s6+$0x44A0]  }
0x1cf: {  	v54 =	vld [tilespmem:s6+$0xC4A0]  }
0x1d0: {  	v55 =	vld [tilespmem:s6+$0x4520]  }
0x1d1: {  	v56 =	vld [tilespmem:s6+$0xC5A0]  }
0x1d2: {  	v57 =	vld [tilespmem:s6+$0x4410];
	v1 =	vmul.f32 v59, v58  }
0x1d3: {  	v63 =	vld [tilespmem:s6+$0x4480];
	v60 =	vmul.f32 v5, v4;
	v19 =	vmul.f32 v20, v19  }
0x1d4: {  	v0 =	vld [tilespmem:s6+$0xC480];
	v20 =	vmul.f32 v22, v21;
	v15 =	vmul.f32 v16, v15  }
0x1d5: {  	v4 =	vld [tilespmem:s6+$0xC520];
	v16 =	vmul.f32 v18, v17;
	v23 =	vmul.f32 v24, v23  }
0x1d6: {  	v5 =	vld [tilespmem:s6+$0x45A0];
	v24 =	vmul.f32 v26, v25;
	v31 =	vmul.f32 v32, v31  }
0x1d7: {  	v21 =	vld [tilespmem:s6+$0xC410];
	v33 =	vmul.f32 v34, v33;
	v61 =	vmul.f32 v44, v43  }
0x1d8: {  	v18 =	vld [tilespmem:s6+$0x4490];
	v62 =	vmul.f32 v46, v45;
	v39 =	vmul.f32 v40, v39  }
0x1d9: {  	v22 =	vld [tilespmem:s6+$0xC490];
	v40 =	vmul.f32 v42, v41;
	v52 =	vmul.f32 v52, v51  }
0x1da: {  	v26 =	vld [tilespmem:s6+$0xC510];
	v54 =	vmul.f32 v54, v53;
	v63 =	vmul.f32 v0, v63  }
0x1db: {  	v32 =	vld [tilespmem:s6+$0xC590];
	v1 =	vmul.f32 v1, v7;
	v2 =	vmul.f32 v60, v7  }
0x1dc: {  	v34 =	vld [tilespmem:s6+$0xC400];
	v17 =	vmul.f32 v19, v8;
	v19 =	vmul.f32 v20, v8  }
0x1dd: {  	v58 =	vld [tilespmem:s6+$0x4500];
	v20 =	vmul.f32 v28, v27;
	v27 =	vmul.f32 v30, v29  }
0x1de: {  	v59 =	vld [tilespmem:s6+$0xC500];
	v29 =	vmul.f32 v38, v37;
	v37 =	vmul.f32 v62, v13  }
0x1df: {  	v28 =	vld [tilespmem:s6+$0x4510];
	v60 =	vmul.f32 v48, v47;
	v42 =	vmul.f32 v52, v10  }
0x1e0: {  	v30 =	vld [tilespmem:s6+$0x4590];
	v43 =	vmul.f32 v54, v10;
	v25 =	vmul.f32 v27, v14  }
0x1e1: {  	v62 =	vld [tilespmem:s6+$0x4580];
	v27 =	vmul.f32 v36, v35;
	v29 =	vmul.f32 v29, v12  }
0x1e2: {  	v35 =	vld [tilespmem:s6+$0x4400];
	v36 =	vmul.f32 v61, v13;
	v61 =	vmul.f32 v50, v49  }
0x1e3: {  	v21 =	vmul.f32 v21, v57;
	v18 =	vmul.f32 v22, v18;
	v22 =	vld [tilespmem:s6+$0xC580]  }
0x1e4: {  	v4 =	vmul.f32 v4, v55;
	v5 =	vmul.f32 v56, v5  }
0x1e5: {  	v0 =	vmul.f32 v59, v58;
	v27 =	vmul.f32 v27, v12  }
0x1e6: {  	v21 =	vmul.f32 v21, v9;
	v26 =	vmul.f32 v26, v28  }
0x1e7: {  	v28 =	vmul.f32 v32, v30;
	v30 =	vmul.f32 v34, v35  }
0x1e8: {  	v32 =	vmul.f32 v63, v3;
	v22 =	vmul.f32 v22, v62  }
0x1e9: {  	v34 =	vmul.f32 v0, v3;
	v30 =	vmul.f32 v30, v3  }
0x1ea: {  	v18 =	vmul.f32 v18, v9;
	v32 =	vadd.f32 v32, v11;
	v22 =	vmul.f32 v22, v3  }
0x1eb: {  	v26 =	vmul.f32 v26, v9;
	v34 =	vadd.f32 v34, v11;
	v30 =	vadd.f32 v30, v11  }
0x1ec: {  	v28 =	vmul.f32 v28, v9;
	v18 =	vadd.f32 v18, v32;
	v22 =	vadd.f32 v22, v11  }
0x1ed: {  	v4 =	vmul.f32 v4, v10;
	v26 =	vadd.f32 v26, v34;
	v21 =	vadd.f32 v21, v30  }
0x1ee: {  	v5 =	vmul.f32 v5, v10;
	v18 =	vadd.f32 v43, v18;
	v22 =	vadd.f32 v28, v22  }
0x1ef: {  	v4 =	vadd.f32 v4, v26;
	v28 =	vmul.f32 v60, v13;
	v21 =	vadd.f32 v42, v21  }
0x1f0: {  	v18 =	vadd.f32 v37, v18;
	v5 =	vadd.f32 v5, v22;
	v22 =	vmul.f32 v61, v13  }
0x1f1: {  	v26 =	vmul.f32 v39, v12;
	v4 =	vadd.f32 v28, v4;
	v21 =	vadd.f32 v36, v21  }
0x1f2: {  	v18 =	vadd.f32 v29, v18;
	v5 =	vadd.f32 v22, v5;
	v22 =	vmul.f32 v40, v12  }
0x1f3: {  	v20 =	vmul.f32 v20, v14;
	v4 =	vadd.f32 v26, v4;
	v21 =	vadd.f32 v27, v21  }
0x1f4: {  	v27 =	vmul.f32 v31, v14;
	v5 =	vadd.f32 v22, v5;
	v22 =	vmul.f32 v33, v14  }
0x1f5: {  	v18 =	vadd.f32 v25, v18;
	v20 =	vadd.f32 v20, v21;
	v21 =	vmul.f32 v23, v8  }
0x1f6: {  	v36 =	vld [tilespmem:$0x1FFB0];
	v4 =	vadd.f32 v27, v4;
	v5 =	vadd.f32 v22, v5;
	v22 =	vmul.f32 v24, v8  }
0x1f7: {  	v15 =	vmul.f32 v15, v7;
	v18 =	vadd.f32 v19, v18;
	v17 =	vadd.f32 v17, v20  }
0x1f8: {  	v16 =	vmul.f32 v16, v7;
	v4 =	vadd.f32 v21, v4;
	v5 =	vadd.f32 v22, v5  }
0x1f9: {  	v2 =	vadd.f32 v2, v18;
	v1 =	vadd.f32 v1, v17  }
0x1fa: {  	v4 =	vadd.f32 v15, v4;
	v5 =	vadd.f32 v16, v5  }
0x1fb: {  	v16 =	vperm.xlane v2, v36;
	v15 =	vperm.xlane v1, v36  }
0x1fc: {  	v38 =	vld [tilespmem:$0x1FFD0];
	v17 =	vperm.xlane v4, v36;
	v18 =	vperm.xlane v5, v36  }
0x1fd: {  	v2 =	vadd.f32 v16, v2;
	v1 =	vadd.f32 v15, v1  }
0x1fe: {  	v4 =	vadd.f32 v17, v4;
	v5 =	vadd.f32 v18, v5;
	_ =	sdelay $0x1  }
0x1ff: {  	v1 =	vsel vm3, v1, v2;
	v37 =	vsel vm3, v4, v5  }
0x200: {  	v39 =	vld [tilespmem:$0x1FFC0];
	v4 =	vperm.xlane v1, v38;
	v5 =	vperm.xlane v37, v38;
	_ =	sdelay $0x1  }
0x201: {  	v1 =	vadd.f32 v4, v1;
	v2 =	vadd.f32 v5, v37;
	_ =	sdelay $0x1  }
0x202: {  	v1 =	vsel vm0, v1, v2  }
0x203: {  	v2 =	vperm.xlane v1, v39;
	_ =	sdelay $0x1  }
0x204: {  	v1 =	vadd.f32 v1, v2  }
0x205: {  	s31 =	simm.s32 $0x10500  }
0x206: {  	s2 =	simm.s32 $0x200;
	[tilespmem:s31+$0x0] =	vst v1  }
0x207: {  	v1 =	vld [tilespmem:s2+$0x4470]  }
0x208: {  	v2 =	vld [tilespmem:s2+$0xC470]  }
0x209: {  	v4 =	vld [tilespmem:s2+$0x44F0]  }
0x20a: {  	v5 =	vld [tilespmem:s2+$0xC4F0]  }
0x20b: {  	v17 =	vld [tilespmem:s2+$0x4570]  }
0x20c: {  	v18 =	vld [tilespmem:s2+$0xC570]  }
0x20d: {  	v19 =	vld [tilespmem:s2+$0x45F0]  }
0x20e: {  	v20 =	vld [tilespmem:s2+$0xC5F0]  }
0x20f: {  	v21 =	vld [tilespmem:s2+$0x4460]  }
0x210: {  	v22 =	vld [tilespmem:s2+$0xC460]  }
0x211: {  	v23 =	vld [tilespmem:s2+$0x44E0]  }
0x212: {  	v24 =	vld [tilespmem:s2+$0xC4E0]  }
0x213: {  	v44 =	vld [tilespmem:s2+$0x4560]  }
0x214: {  	v26 =	vld [tilespmem:s2+$0xC560]  }
0x215: {  	v27 =	vld [tilespmem:s2+$0x45E0]  }
0x216: {  	v28 =	vld [tilespmem:s2+$0xC5E0]  }
0x217: {  	v30 =	vld [tilespmem:s2+$0x4450]  }
0x218: {  	v33 =	vld [tilespmem:s2+$0xC450]  }
0x219: {  	v35 =	vld [tilespmem:s2+$0x44D0]  }
0x21a: {  	v36 =	vld [tilespmem:s2+$0xC4D0]  }
0x21b: {  	v52 =	vld [tilespmem:s2+$0x4550]  }
0x21c: {  	v25 =	vld [tilespmem:s2+$0xC550]  }
0x21d: {  	v53 =	vld [tilespmem:s2+$0x45D0]  }
0x21e: {  	v47 =	vld [tilespmem:s2+$0xC5D0]  }
0x21f: {  	v45 =	vld [tilespmem:s2+$0x4440]  }
0x220: {  	v48 =	vld [tilespmem:s2+$0xC440]  }
0x221: {  	v49 =	vld [tilespmem:s2+$0x44C0]  }
0x222: {  	v50 =	vld [tilespmem:s2+$0xC4C0]  }
0x223: {  	v6 =	vld [tilespmem:s2+$0x4540]  }
0x224: {  	v59 =	vld [tilespmem:s2+$0xC540]  }
0x225: {  	v54 =	vld [tilespmem:s2+$0x45C0]  }
0x226: {  	v55 =	vld [tilespmem:s2+$0xC5C0]  }
0x227: {  	v51 =	vld [tilespmem:s2+$0x4430]  }
0x228: {  	v56 =	vld [tilespmem:s2+$0xC430]  }
0x229: {  	v57 =	vld [tilespmem:s2+$0x44B0]  }
0x22a: {  	v58 =	vld [tilespmem:s2+$0xC4B0]  }
0x22b: {  	v0 =	vld [tilespmem:s2+$0x4530]  }
0x22c: {  	v60 =	vld [tilespmem:s2+$0xC530]  }
0x22d: {  	v61 =	vld [tilespmem:s2+$0x45B0]  }
0x22e: {  	v62 =	vld [tilespmem:s2+$0xC5B0]  }
0x22f: {  	v63 =	vld [tilespmem:s2+$0x4420]  }
0x230: {  	v46 =	vld [tilespmem:s2+$0xC420]  }
0x231: {  	v42 =	vld [tilespmem:s2+$0x44A0]  }
0x232: {  	v41 =	vld [tilespmem:s2+$0xC4A0]  }
0x233: {  	v29 =	vld [tilespmem:s2+$0x4520]  }
0x234: {  	v31 =	vld [tilespmem:s2+$0xC520]  }
0x235: {  	v32 =	vld [tilespmem:s2+$0x45A0];
	v1 =	vmul.f32 v2, v1;
	v40 =	vmul.f32 v5, v4  }
0x236: {  	v34 =	vld [tilespmem:s2+$0xC5A0];
	v43 =	vmul.f32 v22, v21;
	v2 =	vmul.f32 v24, v23  }
0x237: {  	v37 =	vld [tilespmem:s2+$0x4410];
	v18 =	vmul.f32 v18, v17;
	v17 =	vmul.f32 v20, v19  }
0x238: {  	v38 =	vld [tilespmem:s2+$0xC410];
	v22 =	vmul.f32 v26, v44;
	v21 =	vmul.f32 v28, v27  }
0x239: {  	v39 =	vld [tilespmem:s2+$0x4510];
	v26 =	vmul.f32 v25, v52;
	v25 =	vmul.f32 v47, v53  }
0x23a: {  	v44 =	vld [tilespmem:s2+$0xC510];
	v56 =	vmul.f32 v56, v51;
	v58 =	vmul.f32 v58, v57  }
0x23b: {  	v51 =	vld [tilespmem:s2+$0x4480];
	v15 =	vmul.f32 v1, v7;
	v16 =	vmul.f32 v40, v7  }
0x23c: {  	v52 =	vld [tilespmem:s2+$0xC480];
	v19 =	vmul.f32 v43, v8;
	v20 =	vmul.f32 v2, v8  }
0x23d: {  	v53 =	vld [tilespmem:s2+$0x4500];
	v1 =	vmul.f32 v33, v30;
	v33 =	vmul.f32 v36, v35  }
0x23e: {  	v40 =	vld [tilespmem:s2+$0x4490];
	v35 =	vmul.f32 v48, v45;
	v36 =	vmul.f32 v50, v49  }
0x23f: {  	v43 =	vld [tilespmem:s2+$0xC490];
	v30 =	vmul.f32 v55, v54;
	v23 =	vmul.f32 v1, v14  }
0x240: {  	v45 =	vld [tilespmem:s2+$0x4590];
	v24 =	vmul.f32 v33, v14;
	v27 =	vmul.f32 v35, v12  }
0x241: {  	v48 =	vld [tilespmem:s2+$0xC590];
	v28 =	vmul.f32 v36, v12;
	v33 =	vmul.f32 v59, v6  }
0x242: {  	v49 =	vld [tilespmem:s2+$0xC400];
	v35 =	vmul.f32 v56, v13;
	v36 =	vmul.f32 v58, v13  }
0x243: {  	v50 =	vld [tilespmem:s2+$0x4400];
	v59 =	vmul.f32 v46, v63;
	v63 =	vmul.f32 v41, v42  }
0x244: {  	v54 =	vld [tilespmem:s2+$0xC500];
	v42 =	vmul.f32 v60, v0;
	v41 =	vmul.f32 v62, v61  }
0x245: {  	s4 =	simm.s32 $0x0;
	[tilespmem:$0x1FFA0] =	vst v9;
	s6 =	simm.s32 $0x1000;
	v9 =	vmov v3;
	v55 =	vld [tilespmem:s2+$0x4580];
	v46 =	vmul.f32 v59, v10;
	v47 =	vmul.f32 v63, v10  }
.LBB2_6:
0x246: {  	v4 =	vld [tilespmem:s2+$0xC580]  }
0x247: {  	v0 =	vld [tilespmem:$0x1FFA0];
	v1 =	vmul.f32 v38, v37;
	v2 =	vmul.f32 v43, v40  }
0x248: {  	v5 =	vmul.f32 v31, v29;
	v29 =	vmul.f32 v34, v32  }
0x249: {  	v31 =	vmul.f32 v44, v39;
	v59 =	vmul.f32 v48, v45  }
0x24a: {  	v60 =	vmul.f32 v49, v50;
	v61 =	vmul.f32 v52, v51  }
0x24b: {  	v62 =	vmul.f32 v54, v53;
	v4 =	vmul.f32 v4, v55  }
0x24c: {  	v1 =	vmul.f32 v1, v0;
	v2 =	vmul.f32 v2, v0  }
0x24d: {  	v34 =	vmul.f32 v60, v9;
	v37 =	vmul.f32 v61, v9  }
0x24e: {  	v38 =	vmul.f32 v62, v9;
	v4 =	vmul.f32 v4, v9  }
0x24f: {  	v31 =	vmul.f32 v31, v0;
	v34 =	vadd.f32 v34, v11;
	v37 =	vadd.f32 v37, v11  }
0x250: {  	v32 =	vmul.f32 v59, v0;
	v38 =	vadd.f32 v38, v11;
	v4 =	vadd.f32 v4, v11  }
0x251: {  	v5 =	vmul.f32 v5, v10;
	v1 =	vadd.f32 v1, v34;
	v2 =	vadd.f32 v2, v37  }
0x252: {  	v29 =	vmul.f32 v29, v10;
	v31 =	vadd.f32 v31, v38;
	v4 =	vadd.f32 v32, v4  }
0x253: {  	v63 =	vmul.f32 v42, v13;
	v1 =	vadd.f32 v46, v1;
	v2 =	vadd.f32 v47, v2  }
0x254: {  	v5 =	vadd.f32 v5, v31;
	v4 =	vadd.f32 v29, v4;
	v29 =	vmul.f32 v41, v13  }
0x255: {  	v31 =	vmul.f32 v33, v12;
	v1 =	vadd.f32 v35, v1;
	v2 =	vadd.f32 v36, v2  }
0x256: {  	v5 =	vadd.f32 v63, v5;
	v4 =	vadd.f32 v29, v4;
	v29 =	vmul.f32 v30, v12  }
0x257: {  	v26 =	vmul.f32 v26, v14;
	v1 =	vadd.f32 v27, v1;
	v2 =	vadd.f32 v28, v2  }
0x258: {  	v25 =	vmul.f32 v25, v14;
	v5 =	vadd.f32 v31, v5;
	v4 =	vadd.f32 v29, v4  }
0x259: {  	v22 =	vmul.f32 v22, v8;
	v1 =	vadd.f32 v23, v1;
	v2 =	vadd.f32 v24, v2  }
0x25a: {  	v21 =	vmul.f32 v21, v8;
	v36 =	vld [tilespmem:$0x1FFB0];
	v5 =	vadd.f32 v26, v5;
	v4 =	vadd.f32 v25, v4  }
0x25b: {  	v18 =	vmul.f32 v18, v7;
	v1 =	vadd.f32 v19, v1;
	v2 =	vadd.f32 v20, v2  }
0x25c: {  	v17 =	vmul.f32 v17, v7;
	v5 =	vadd.f32 v22, v5;
	v4 =	vadd.f32 v21, v4  }
0x25d: {  	v1 =	vadd.f32 v15, v1;
	v2 =	vadd.f32 v16, v2  }
0x25e: {  	v5 =	vadd.f32 v18, v5;
	v4 =	vadd.f32 v17, v4  }
0x25f: {  	v15 =	vperm.xlane v1, v36;
	v16 =	vperm.xlane v2, v36  }
0x260: {  	v38 =	vld [tilespmem:$0x1FFD0];
	v17 =	vperm.xlane v5, v36;
	v18 =	vperm.xlane v4, v36  }
0x261: {  	v1 =	vadd.f32 v15, v1;
	v2 =	vadd.f32 v16, v2  }
0x262: {  	v5 =	vadd.f32 v17, v5;
	v4 =	vadd.f32 v18, v4;
	_ =	sdelay $0x1  }
0x263: {  	v1 =	vsel vm3, v1, v2;
	v37 =	vsel vm3, v5, v4  }
0x264: {  	v39 =	vld [tilespmem:$0x1FFC0];
	v4 =	vperm.xlane v1, v38;
	v5 =	vperm.xlane v37, v38;
	_ =	sdelay $0x1  }
0x265: {  	v1 =	vadd.f32 v4, v1;
	v2 =	vadd.f32 v5, v37;
	_ =	sdelay $0x1  }
0x266: {  	v1 =	vsel vm0, v1, v2  }
0x267: {  	v2 =	vperm.xlane v1, v39;
	_ =	sdelay $0x1  }
0x268: {  	v1 =	vadd.f32 v1, v2  }
0x269: {  	s31 =	sadd.s32 $0x10, s31  }
0x26a: {  	s2 =	sshra.s32 s6, $0x2;
	[tilespmem:s31+$0x0] =	vst v1  }
0x26b: {  	v1 =	vld [tilespmem:s2+$0x4470]  }
0x26c: {  	v2 =	vld [tilespmem:s2+$0xC470]  }
0x26d: {  	v4 =	vld [tilespmem:s2+$0x44F0]  }
0x26e: {  	v5 =	vld [tilespmem:s2+$0xC4F0]  }
0x26f: {  	v17 =	vld [tilespmem:s2+$0x4570]  }
0x270: {  	v18 =	vld [tilespmem:s2+$0xC570]  }
0x271: {  	v19 =	vld [tilespmem:s2+$0x45F0]  }
0x272: {  	v20 =	vld [tilespmem:s2+$0xC5F0]  }
0x273: {  	v21 =	vld [tilespmem:s2+$0x4460]  }
0x274: {  	v22 =	vld [tilespmem:s2+$0xC460]  }
0x275: {  	v23 =	vld [tilespmem:s2+$0x44E0]  }
0x276: {  	v24 =	vld [tilespmem:s2+$0xC4E0]  }
0x277: {  	v25 =	vld [tilespmem:s2+$0x4560]  }
0x278: {  	v26 =	vld [tilespmem:s2+$0xC560]  }
0x279: {  	v27 =	vld [tilespmem:s2+$0x45E0]  }
0x27a: {  	v28 =	vld [tilespmem:s2+$0xC5E0]  }
0x27b: {  	v30 =	vld [tilespmem:s2+$0x4450]  }
0x27c: {  	v33 =	vld [tilespmem:s2+$0xC450]  }
0x27d: {  	v35 =	vld [tilespmem:s2+$0x44D0]  }
0x27e: {  	v36 =	vld [tilespmem:s2+$0xC4D0]  }
0x27f: {  	v41 =	vld [tilespmem:s2+$0x4550]  }
0x280: {  	v42 =	vld [tilespmem:s2+$0xC550]  }
0x281: {  	v46 =	vld [tilespmem:s2+$0x45D0]  }
0x282: {  	v47 =	vld [tilespmem:s2+$0xC5D0]  }
0x283: {  	v45 =	vld [tilespmem:s2+$0x4440]  }
0x284: {  	v48 =	vld [tilespmem:s2+$0xC440]  }
0x285: {  	v49 =	vld [tilespmem:s2+$0x44C0]  }
0x286: {  	v50 =	vld [tilespmem:s2+$0xC4C0]  }
0x287: {  	v52 =	vld [tilespmem:s2+$0x4540]  }
0x288: {  	v53 =	vld [tilespmem:s2+$0xC540]  }
0x289: {  	v54 =	vld [tilespmem:s2+$0x45C0]  }
0x28a: {  	v55 =	vld [tilespmem:s2+$0xC5C0]  }
0x28b: {  	v51 =	vld [tilespmem:s2+$0x4430]  }
0x28c: {  	v56 =	vld [tilespmem:s2+$0xC430]  }
0x28d: {  	v57 =	vld [tilespmem:s2+$0x44B0]  }
0x28e: {  	v58 =	vld [tilespmem:s2+$0xC4B0]  }
0x28f: {  	v59 =	vld [tilespmem:s2+$0x4530]  }
0x290: {  	v60 =	vld [tilespmem:s2+$0xC530]  }
0x291: {  	v61 =	vld [tilespmem:s2+$0x45B0]  }
0x292: {  	v62 =	vld [tilespmem:s2+$0xC5B0]  }
0x293: {  	v63 =	vld [tilespmem:s2+$0x4420]  }
0x294: {  	v3 =	vld [tilespmem:s2+$0xC420]  }
0x295: {  	v0 =	vld [tilespmem:s2+$0x44A0]  }
0x296: {  	v6 =	vld [tilespmem:s2+$0xC4A0]  }
0x297: {  	v29 =	vld [tilespmem:s2+$0x4520]  }
0x298: {  	v31 =	vld [tilespmem:s2+$0xC520]  }
0x299: {  	v32 =	vld [tilespmem:s2+$0x45A0];
	v1 =	vmul.f32 v2, v1;
	v40 =	vmul.f32 v5, v4  }
0x29a: {  	v34 =	vld [tilespmem:s2+$0xC5A0];
	v43 =	vmul.f32 v22, v21;
	v44 =	vmul.f32 v24, v23  }
0x29b: {  	v37 =	vld [tilespmem:s2+$0x4410];
	v18 =	vmul.f32 v18, v17;
	v17 =	vmul.f32 v20, v19  }
0x29c: {  	v38 =	vld [tilespmem:s2+$0xC410];
	v22 =	vmul.f32 v26, v25;
	v21 =	vmul.f32 v28, v27  }
0x29d: {  	v39 =	vld [tilespmem:s2+$0x4510];
	v26 =	vmul.f32 v42, v41;
	v25 =	vmul.f32 v47, v46  }
0x29e: {  	v56 =	vmul.f32 v56, v51;
	v58 =	vmul.f32 v58, v57;
	v51 =	vld [tilespmem:s2+$0x4480]  }
0x29f: {  	v63 =	vmul.f32 v3, v63;
	v16 =	vmul.f32 v40, v7;
	v40 =	vld [tilespmem:s2+$0x4490]  }
0x2a0: {  	v15 =	vmul.f32 v1, v7;
	v19 =	vmul.f32 v43, v8;
	v43 =	vld [tilespmem:s2+$0xC490]  }
0x2a1: {  	v20 =	vmul.f32 v44, v8;
	v1 =	vmul.f32 v33, v30;
	v44 =	vld [tilespmem:s2+$0xC510]  }
0x2a2: {  	v33 =	vmul.f32 v36, v35;
	v35 =	vmul.f32 v48, v45;
	v45 =	vld [tilespmem:s2+$0x4590]  }
0x2a3: {  	v0 =	vmul.f32 v6, v0;
	v42 =	vmul.f32 v60, v59;
	v48 =	vld [tilespmem:s2+$0xC590]  }
0x2a4: {  	p0 =	sne.s32 s6, $0xF800;
	v41 =	vmul.f32 v62, v61;
	v36 =	vmul.f32 v50, v49;
	v49 =	vld [tilespmem:s2+$0xC400]  }
.Ltmp2:
0x2a5: {  	v50 =	vld [tilespmem:s2+$0x4400];
	v30 =	vmul.f32 v55, v54;
	v46 =	vmul.f32 v63, v10;
	(pc) =	sbr.rel @p0 .LBB2_6-.Ltmp2, $4  }
0x2a6: {  	v54 =	vld [tilespmem:s2+$0xC500];
	v47 =	vmul.f32 v0, v10;
	v23 =	vmul.f32 v1, v14  }
0x2a7: {  	v55 =	vld [tilespmem:s2+$0x4580];
	v24 =	vmul.f32 v33, v14;
	v27 =	vmul.f32 v35, v12  }
0x2a8: {  	v28 =	vmul.f32 v36, v12;
	v33 =	vmul.f32 v53, v52;
	v52 =	vld [tilespmem:s2+$0xC480]  }
0x2a9: {  	s6 =	sadd.s32 $0x800, s6;
	v35 =	vmul.f32 v56, v13;
	v36 =	vmul.f32 v58, v13;
	v53 =	vld [tilespmem:s2+$0x4500]  }
0x2aa: {  	v2 =	vld [tilespmem:s2+$0xC580];
	_ =	sdelay $0x1  }
0x2ab: {  	v0 =	vmul.f32 v38, v37;
	v1 =	vmul.f32 v43, v40  }
0x2ac: {  	v3 =	vmul.f32 v31, v29;
	v4 =	vmul.f32 v34, v32  }
0x2ad: {  	v43 =	vld [tilespmem:$0x1FFA0];
	v5 =	vmul.f32 v44, v39;
	v58 =	vmul.f32 v49, v50  }
0x2ae: {  	v6 =	vmul.f32 v48, v45;
	v2 =	vmul.f32 v2, v55  }
0x2af: {  	v29 =	vmul.f32 v58, v9;
	v60 =	vmul.f32 v54, v53  }
0x2b0: {  	v59 =	vmul.f32 v52, v51;
	v2 =	vmul.f32 v2, v9  }
0x2b1: {  	v4 =	vmul.f32 v4, v10;
	v29 =	vadd.f32 v29, v11;
	v32 =	vmul.f32 v60, v9  }
0x2b2: {  	v31 =	vmul.f32 v59, v9;
	v6 =	vmul.f32 v6, v43;
	v2 =	vadd.f32 v2, v11  }
0x2b3: {  	v0 =	vmul.f32 v0, v43;
	v5 =	vmul.f32 v5, v43;
	v32 =	vadd.f32 v32, v11  }
0x2b4: {  	v1 =	vmul.f32 v1, v43;
	v31 =	vadd.f32 v31, v11;
	v2 =	vadd.f32 v6, v2  }
0x2b5: {  	v3 =	vmul.f32 v3, v10;
	v0 =	vadd.f32 v0, v29;
	v5 =	vadd.f32 v5, v32  }
0x2b6: {  	v1 =	vadd.f32 v1, v31;
	v2 =	vadd.f32 v4, v2;
	v4 =	vmul.f32 v41, v13  }
0x2b7: {  	v0 =	vadd.f32 v46, v0;
	v6 =	vmul.f32 v42, v13;
	v3 =	vadd.f32 v3, v5  }
0x2b8: {  	v1 =	vadd.f32 v47, v1;
	v2 =	vadd.f32 v4, v2;
	v4 =	vmul.f32 v30, v12  }
0x2b9: {  	v0 =	vadd.f32 v35, v0;
	v5 =	vmul.f32 v33, v12;
	v3 =	vadd.f32 v6, v3  }
0x2ba: {  	v1 =	vadd.f32 v36, v1;
	v2 =	vadd.f32 v4, v2;
	v4 =	vmul.f32 v25, v14  }
0x2bb: {  	v0 =	vadd.f32 v27, v0;
	v6 =	vmul.f32 v26, v14;
	v3 =	vadd.f32 v5, v3  }
0x2bc: {  	v55 =	vmovc v14;
	v1 =	vadd.f32 v28, v1;
	v2 =	vadd.f32 v4, v2;
	v4 =	vmul.f32 v21, v8  }
0x2bd: {  	v0 =	vadd.f32 v23, v0;
	v5 =	vmul.f32 v22, v8;
	v14 =	vmovc v8;
	v3 =	vadd.f32 v6, v3  }
0x2be: {  	v6 =	vmul.f32 v18, v7;
	v8 =	vmovc v7;
	v2 =	vadd.f32 v4, v2;
	v4 =	vmul.f32 v17, v7;
	v7 =	vld [tilespmem:$0x1FFB0]  }
0x2bf: {  	v3 =	vadd.f32 v5, v3  }
0x2c0: {  	v1 =	vadd.f32 v24, v1;
	v0 =	vadd.f32 v19, v0  }
0x2c1: {  	v3 =	vadd.f32 v6, v3;
	v2 =	vadd.f32 v4, v2  }
0x2c2: {  	v1 =	vadd.f32 v20, v1  }
0x2c3: {  	v0 =	vadd.f32 v15, v0;
	v6 =	vperm.xlane v3, v7;
	v15 =	vperm.xlane v2, v7  }
0x2c4: {  	v1 =	vadd.f32 v16, v1  }
0x2c5: {  	v3 =	vadd.f32 v6, v3;
	v2 =	vadd.f32 v15, v2;
	_ =	sdelay $0x1  }
0x2c6: {  	v4 =	vperm.xlane v0, v7;
	v5 =	vperm.xlane v1, v7;
	v61 =	vsel vm3, v3, v2;
	v3 =	vld [tilespmem:$0x1FFD0];
	_ =	sdelay $0x1  }
0x2c7: {  	v0 =	vadd.f32 v4, v0;
	v1 =	vadd.f32 v5, v1;
	_ =	sdelay $0x1  }
0x2c8: {  	v0 =	vsel vm3, v0, v1  }
0x2c9: {  	v63 =	vld [tilespmem:$0x1FFC0];
	v62 =	vperm.xlane v0, v3;
	v3 =	vperm.xlane v61, v3;
	_ =	sdelay $0x1  }
0x2ca: {  	v0 =	vadd.f32 v62, v0;
	v1 =	vadd.f32 v3, v61;
	_ =	sdelay $0x1  }
0x2cb: {  	v0 =	vsel vm0, v0, v1  }
0x2cc: {  	v1 =	vperm.xlane v0, v63;
	_ =	sdelay $0x1  }
0x2cd: {  	v0 =	vadd.f32 v0, v1  }
0x2ce: {  	s31 =	sadd.s32 $0x10, s31;
	v4 =	vld [tilespmem:$0x1FFF0]  }
0x2cf: {  	s2 =	simm.s32 $0x10520;
	v5 =	vld [tilespmem:$0x1FFE0];
	[tilespmem:s31+$0x0] =	vst v0  }
0x2d0: {  	v15 =	vld [tilespmem:s2+$0xFFFFFFF0]  }
0x2d1: {  	v16 =	vld [tilespmem:s2+$0xFFFFFFE0]  }
0x2d2: {  	[tilespmem:$0x1FF80] =	vst v9;
	v17 =	vld [tilespmem:s2+$0x0]  }
0x2d3: {  	[tilespmem:$0x1FF90] =	vst v11;
	v56 =	vmovc v10;
	s6 =	simm.s32 $0x40;
	v9 =	vmov v13;
	v11 =	vmov v12;
	v13 =	vmov v43;
	v18 =	vld [tilespmem:s2+$0x10]  }
.LBB2_8:
0x2d4: {  	p0 =	sne.s32 s6, $0x1C0;
	_ =	sdelay $0x3  }
0x2d5: {  	v0 =	vsel vm1, v16, v15;
	v1 =	vsel vm1, v17, v18  }
0x2d6: {  	v2 =	vperm.xlane v0, v5;
	v3 =	vperm.xlane v1, v5;
	_ =	sdelay $0x1  }
0x2d7: {  	v0 =	vadd.f32 v2, v0;
	v1 =	vadd.f32 v3, v1;
	_ =	sdelay $0x1  }
0x2d8: {  	v0 =	vsel vm2, v0, v1  }
0x2d9: {  	v0 =	vperm.xlane v0, v4  }
0x2da: {  	s31 =	sshra.s32 s4, $0x2;
	s4 =	smov.u32 s6  }
.Ltmp3:
0x2db: {  	s2 =	sadd.s32 $0x40, s2;
	[tilespmem:s31+$0x10780] =	vst v0;
	(pc) =	sbr.rel @p0 .LBB2_8-.Ltmp3, $4  }
0x2dc: {  	v15 =	vld [tilespmem:s2+$0xFFFFFFF0]  }
0x2dd: {  	v16 =	vld [tilespmem:s2+$0xFFFFFFE0]  }
0x2de: {  	v17 =	vld [tilespmem:s2+$0x0]  }
0x2df: {  	s6 =	sadd.s32 $0x40, s6;
	v18 =	vld [tilespmem:s2+$0x10]  }
0x2e0: {  	_ =	sdelay $0x3  }
0x2e1: {  	v0 =	vsel vm1, v16, v15;
	v1 =	vsel vm1, v17, v18  }
0x2e2: {  	v2 =	vperm.xlane v0, v5;
	v3 =	vperm.xlane v1, v5;
	_ =	sdelay $0x1  }
0x2e3: {  	v0 =	vadd.f32 v2, v0;
	v1 =	vadd.f32 v3, v1;
	_ =	sdelay $0x1  }
0x2e4: {  	v0 =	vsel vm2, v0, v1  }
0x2e5: {  	v0 =	vperm.xlane v0, v4  }
0x2e6: {  	s2 =	sshra.s32 s4, $0x2  }
0x2e7: {  	[tilespmem:s2+$0x10780] =	vst v0  }
0x2e8: {  	[tilespmem:s21], [sflag:$0x2] =	stream.indirect.gather [hbm4b:s0+s15], $0x80, s11, s15, $0xb8;
	[tilespmem:$0x10900] =	vst v63  }
0x2e9: {  	_ = 	snop  }
0x2ea: {  	[tilespmem:s23], [sflag:$0x2] =	stream.indirect.gather [hbm4b:s1+s15], $0x80, s12, s15, $0xb8;
	[tilespmem:$0x10900] =	vst v63  }
0x2eb: {  	_ = 	snop  }
0x2ec: {  	[tilespmem:s26], [sflag:$0x2] =	stream.indirect.gather [hbm4b:s0+s15], $0x80, s19, s15, $0xb8;
	[tilespmem:$0x10900] =	vst v63  }
0x2ed: {  	_ = 	snop  }
0x2ee: {  	[tilespmem:s29], [sflag:$0x2] =	stream.indirect.gather [hbm4b:s1+s15], $0x80, s22, s15, $0xb8;
	[tilespmem:$0x10900] =	vst v63  }
0x2ef: {  	_ =	swait.ge [sflag:s30], $0x2000  }
0x2f0: {  	[sflag:s30] =	ssyncset.done $0x0  }
0x2f1: {  	[sflag:s30] =	ssyncadd.s32 $0xFFFFE000  }
0x2f2: {  	_ =	swait.ge [sflag:s30], $0x2000  }
0x2f3: {  	[sflag:s30] =	ssyncset.done $0x0  }
0x2f4: {  	[sflag:s30] =	ssyncadd.s32 $0xFFFFE000  }
0x2f5: {  	_ =	swait.ge [sflag:s30], $0x2000  }
0x2f6: {  	[sflag:s30] =	ssyncset.done $0x0  }
0x2f7: {  	[sflag:s30] =	ssyncadd.s32 $0xFFFFE000  }
0x2f8: {  	_ =	swait.ge [sflag:s30], $0x2000  }
0x2f9: {  	[sflag:s30] =	ssyncset.done $0x0  }
0x2fa: {  	s6 =	simm.s32 $0x0;
	[sflag:s30] =	ssyncadd.s32 $0xFFFFE000  }
0x2fb: {  	v58 =	vld [tilespmem:s6+$0x470]  }
0x2fc: {  	v59 =	vld [tilespmem:s6+$0x8470]  }
0x2fd: {  	v60 =	vld [tilespmem:s6+$0x4F0]  }
0x2fe: {  	v61 =	vld [tilespmem:s6+$0x84F0]  }
0x2ff: {  	v62 =	vld [tilespmem:s6+$0x570]  }
0x300: {  	v63 =	vld [tilespmem:s6+$0x8570]  }
0x301: {  	v6 =	vld [tilespmem:s6+$0x5F0]  }
0x302: {  	v15 =	vld [tilespmem:s6+$0x85F0]  }
0x303: {  	v16 =	vld [tilespmem:s6+$0x460]  }
0x304: {  	v17 =	vld [tilespmem:s6+$0x8460]  }
0x305: {  	v18 =	vld [tilespmem:s6+$0x4E0]  }
0x306: {  	v19 =	vld [tilespmem:s6+$0x84E0]  }
0x307: {  	v20 =	vld [tilespmem:s6+$0x560]  }
0x308: {  	v21 =	vld [tilespmem:s6+$0x8560]  }
0x309: {  	v22 =	vld [tilespmem:s6+$0x5E0]  }
0x30a: {  	v23 =	vld [tilespmem:s6+$0x85E0]  }
0x30b: {  	v24 =	vld [tilespmem:s6+$0x450]  }
0x30c: {  	v25 =	vld [tilespmem:s6+$0x8450]  }
0x30d: {  	v26 =	vld [tilespmem:s6+$0x4D0]  }
0x30e: {  	v27 =	vld [tilespmem:s6+$0x84D0]  }
0x30f: {  	v28 =	vld [tilespmem:s6+$0x550]  }
0x310: {  	v29 =	vld [tilespmem:s6+$0x8550]  }
0x311: {  	v30 =	vld [tilespmem:s6+$0x5D0]  }
0x312: {  	v31 =	vld [tilespmem:s6+$0x85D0]  }
0x313: {  	v32 =	vld [tilespmem:s6+$0x440]  }
0x314: {  	v33 =	vld [tilespmem:s6+$0x8440]  }
0x315: {  	v34 =	vld [tilespmem:s6+$0x4C0]  }
0x316: {  	v35 =	vld [tilespmem:s6+$0x84C0]  }
0x317: {  	v36 =	vld [tilespmem:s6+$0x540]  }
0x318: {  	v37 =	vld [tilespmem:s6+$0x8540]  }
0x319: {  	v38 =	vld [tilespmem:s6+$0x5C0]  }
0x31a: {  	v39 =	vld [tilespmem:s6+$0x85C0]  }
0x31b: {  	v40 =	vld [tilespmem:s6+$0x430]  }
0x31c: {  	v41 =	vld [tilespmem:s6+$0x8430]  }
0x31d: {  	v42 =	vld [tilespmem:s6+$0x4B0]  }
0x31e: {  	v43 =	vld [tilespmem:s6+$0x84B0]  }
0x31f: {  	v44 =	vld [tilespmem:s6+$0x530]  }
0x320: {  	v45 =	vld [tilespmem:s6+$0x8530]  }
0x321: {  	v46 =	vld [tilespmem:s6+$0x5B0]  }
0x322: {  	v47 =	vld [tilespmem:s6+$0x85B0]  }
0x323: {  	v48 =	vld [tilespmem:s6+$0x420]  }
0x324: {  	v49 =	vld [tilespmem:s6+$0x8420]  }
0x325: {  	v50 =	vld [tilespmem:s6+$0x4A0]  }
0x326: {  	v51 =	vld [tilespmem:s6+$0x84A0]  }
0x327: {  	v52 =	vld [tilespmem:s6+$0x520]  }
0x328: {  	v2 =	vld [tilespmem:s6+$0x8520]  }
0x329: {  	v3 =	vld [tilespmem:s6+$0x5A0]  }
0x32a: {  	v53 =	vld [tilespmem:s6+$0x85A0]  }
0x32b: {  	v0 =	vmul.f32 v59, v58;
	v5 =	vmul.f32 v15, v6;
	v15 =	vld [tilespmem:s6+$0x490]  }
0x32c: {  	v16 =	vmul.f32 v17, v16;
	v17 =	vmul.f32 v19, v18;
	v19 =	vld [tilespmem:s6+$0x8490]  }
0x32d: {  	v20 =	vmul.f32 v21, v20;
	v21 =	vmul.f32 v23, v22;
	v23 =	vld [tilespmem:s6+$0x8510]  }
0x32e: {  	v7 =	vmul.f32 v61, v60;
	v28 =	vmul.f32 v29, v28;
	v29 =	vld [tilespmem:s6+$0x8590]  }
0x32f: {  	v4 =	vmul.f32 v63, v62;
	v30 =	vmul.f32 v31, v30;
	v31 =	vld [tilespmem:s6+$0x8400]  }
0x330: {  	v36 =	vmul.f32 v37, v36;
	v37 =	vmul.f32 v39, v38;
	v38 =	vld [tilespmem:s6+$0x8480]  }
0x331: {  	v41 =	vmul.f32 v41, v40;
	v43 =	vmul.f32 v43, v42;
	v59 =	vld [tilespmem:s6+$0x500]  }
0x332: {  	v57 =	vmul.f32 v49, v48;
	v58 =	vmul.f32 v51, v50;
	v60 =	vld [tilespmem:s6+$0x8500]  }
0x333: {  	v61 =	vmul.f32 v45, v44;
	v63 =	vld [tilespmem:s6+$0x580];
	v6 =	vmul.f32 v16, v14  }
0x334: {  	v16 =	vmul.f32 v17, v14;
	v17 =	vmul.f32 v25, v24;
	v25 =	vld [tilespmem:s6+$0x510]  }
0x335: {  	v62 =	vmul.f32 v47, v46;
	v24 =	vmul.f32 v27, v26;
	v27 =	vld [tilespmem:s6+$0x590]  }
0x336: {  	v2 =	vmul.f32 v2, v52;
	v26 =	vmul.f32 v35, v34;
	v35 =	vld [tilespmem:s6+$0x480]  }
0x337: {  	v22 =	vmul.f32 v24, v55;
	v24 =	vmul.f32 v33, v32;
	v32 =	vld [tilespmem:s6+$0x400]  }
0x338: {  	v3 =	vmul.f32 v53, v3;
	v15 =	vmul.f32 v19, v15;
	v19 =	vld [tilespmem:s6+$0x8580]  }
0x339: {  	v10 =	vld [tilespmem:$0x1FF80];
	v0 =	vmul.f32 v0, v8;
	v1 =	vmul.f32 v7, v8  }
0x33a: {  	v34 =	vmul.f32 v43, v9;
	v39 =	vmul.f32 v57, v56  }
0x33b: {  	v54 =	vld [tilespmem:s6+$0x410];
	v23 =	vmul.f32 v23, v25;
	v25 =	vmul.f32 v29, v27  }
0x33c: {  	v18 =	vld [tilespmem:s6+$0x8410];
	v29 =	vmul.f32 v38, v35;
	v27 =	vmul.f32 v31, v32  }
0x33d: {  	v31 =	vmul.f32 v60, v59;
	v19 =	vmul.f32 v19, v63  }
0x33e: {  	v29 =	vmul.f32 v29, v10;
	v27 =	vmul.f32 v27, v10  }
0x33f: {  	v31 =	vmul.f32 v31, v10;
	v19 =	vmul.f32 v19, v10;
	v10 =	vld [tilespmem:$0x1FF90]  }
0x340: {  	v40 =	vmul.f32 v58, v56;
	v2 =	vmul.f32 v2, v56  }
0x341: {  	v3 =	vmul.f32 v3, v56;
	v18 =	vmul.f32 v18, v54  }
0x342: {  	v17 =	vmul.f32 v17, v55;
	v26 =	vmul.f32 v26, v11  }
0x343: {  	v18 =	vmul.f32 v18, v13;
	v15 =	vmul.f32 v15, v13  }
0x344: {  	v23 =	vmul.f32 v23, v13;
	v27 =	vadd.f32 v27, v10;
	v29 =	vadd.f32 v29, v10  }
0x345: {  	v25 =	vmul.f32 v25, v13;
	v31 =	vadd.f32 v31, v10;
	v19 =	vadd.f32 v19, v10  }
0x346: {  	v33 =	vmul.f32 v41, v9;
	v18 =	vadd.f32 v18, v27;
	v15 =	vadd.f32 v15, v29  }
0x347: {  	v24 =	vmul.f32 v24, v11;
	v23 =	vadd.f32 v23, v31;
	v19 =	vadd.f32 v25, v19  }
0x348: {  	v25 =	vmul.f32 v61, v9;
	v18 =	vadd.f32 v39, v18;
	v15 =	vadd.f32 v40, v15  }
0x349: {  	v2 =	vadd.f32 v2, v23;
	v3 =	vadd.f32 v3, v19;
	v19 =	vmul.f32 v62, v9  }
0x34a: {  	v23 =	vmul.f32 v36, v11;
	v18 =	vadd.f32 v33, v18;
	v15 =	vadd.f32 v34, v15  }
0x34b: {  	v2 =	vadd.f32 v25, v2;
	v3 =	vadd.f32 v19, v3;
	v19 =	vmul.f32 v37, v11  }
0x34c: {  	v18 =	vadd.f32 v24, v18;
	v15 =	vadd.f32 v26, v15;
	v24 =	vmul.f32 v28, v55  }
0x34d: {  	v7 =	vmovc v14;
	v2 =	vadd.f32 v23, v2;
	v3 =	vadd.f32 v19, v3;
	v19 =	vmul.f32 v30, v55  }
0x34e: {  	v17 =	vadd.f32 v17, v18;
	v15 =	vadd.f32 v22, v15;
	v18 =	vmul.f32 v20, v7  }
0x34f: {  	v10 =	vld [tilespmem:$0x1FFB0];
	v2 =	vadd.f32 v24, v2;
	v3 =	vadd.f32 v19, v3;
	v19 =	vmul.f32 v21, v7  }
0x350: {  	v4 =	vmul.f32 v4, v8;
	v6 =	vadd.f32 v6, v17;
	v15 =	vadd.f32 v16, v15  }
0x351: {  	v5 =	vmul.f32 v5, v8;
	v2 =	vadd.f32 v18, v2;
	v3 =	vadd.f32 v19, v3  }
0x352: {  	v0 =	vadd.f32 v0, v6;
	v1 =	vadd.f32 v1, v15  }
0x353: {  	v2 =	vadd.f32 v4, v2;
	v3 =	vadd.f32 v5, v3  }
0x354: {  	v36 =	vperm.xlane v0, v10;
	v37 =	vperm.xlane v1, v10  }
0x355: {  	v40 =	vld [tilespmem:$0x1FFD0];
	v38 =	vperm.xlane v2, v10;
	v15 =	vperm.xlane v3, v10  }
0x356: {  	v0 =	vadd.f32 v36, v0;
	v1 =	vadd.f32 v37, v1  }
0x357: {  	v2 =	vadd.f32 v38, v2;
	v3 =	vadd.f32 v15, v3;
	_ =	sdelay $0x1  }
0x358: {  	v0 =	vsel vm3, v0, v1;
	v39 =	vsel vm3, v2, v3  }
0x359: {  	v42 =	vld [tilespmem:$0x1FFC0];
	v41 =	vperm.xlane v0, v40;
	v3 =	vperm.xlane v39, v40;
	_ =	sdelay $0x1  }
0x35a: {  	v0 =	vadd.f32 v41, v0;
	v1 =	vadd.f32 v3, v39;
	_ =	sdelay $0x1  }
0x35b: {  	v0 =	vsel vm0, v0, v1  }
0x35c: {  	v1 =	vperm.xlane v0, v42;
	_ =	sdelay $0x1  }
0x35d: {  	v0 =	vadd.f32 v0, v1  }
0x35e: {  	s31 =	simm.s32 $0x10500  }
0x35f: {  	s2 =	simm.s32 $0x200;
	[tilespmem:s31+$0x0] =	vst v0  }
0x360: {  	v0 =	vld [tilespmem:s2+$0x470]  }
0x361: {  	v1 =	vld [tilespmem:s2+$0x8470]  }
0x362: {  	v2 =	vld [tilespmem:s2+$0x4F0]  }
0x363: {  	v3 =	vld [tilespmem:s2+$0x84F0]  }
0x364: {  	v39 =	vld [tilespmem:s2+$0x570]  }
0x365: {  	v40 =	vld [tilespmem:s2+$0x8570]  }
0x366: {  	v6 =	vld [tilespmem:s2+$0x5F0]  }
0x367: {  	v17 =	vld [tilespmem:s2+$0x85F0]  }
0x368: {  	v18 =	vld [tilespmem:s2+$0x460]  }
0x369: {  	v19 =	vld [tilespmem:s2+$0x8460]  }
0x36a: {  	v20 =	vld [tilespmem:s2+$0x4E0]  }
0x36b: {  	v21 =	vld [tilespmem:s2+$0x84E0]  }
0x36c: {  	v22 =	vld [tilespmem:s2+$0x560]  }
0x36d: {  	v23 =	vld [tilespmem:s2+$0x8560]  }
0x36e: {  	v24 =	vld [tilespmem:s2+$0x5E0]  }
0x36f: {  	v25 =	vld [tilespmem:s2+$0x85E0]  }
0x370: {  	v26 =	vld [tilespmem:s2+$0x450]  }
0x371: {  	v27 =	vld [tilespmem:s2+$0x8450]  }
0x372: {  	v28 =	vld [tilespmem:s2+$0x4D0]  }
0x373: {  	v30 =	vld [tilespmem:s2+$0x84D0]  }
0x374: {  	v33 =	vld [tilespmem:s2+$0x550]  }
0x375: {  	v35 =	vld [tilespmem:s2+$0x8550]  }
0x376: {  	v36 =	vld [tilespmem:s2+$0x5D0]  }
0x377: {  	v49 =	vld [tilespmem:s2+$0x85D0]  }
0x378: {  	v42 =	vld [tilespmem:s2+$0x440]  }
0x379: {  	v45 =	vld [tilespmem:s2+$0x8440]  }
0x37a: {  	v46 =	vld [tilespmem:s2+$0x4C0]  }
0x37b: {  	v47 =	vld [tilespmem:s2+$0x84C0]  }
0x37c: {  	v52 =	vld [tilespmem:s2+$0x540]  }
0x37d: {  	v53 =	vld [tilespmem:s2+$0x8540]  }
0x37e: {  	v54 =	vld [tilespmem:s2+$0x5C0]  }
0x37f: {  	[tilespmem:$0x1FF70] =	vst v14;
	v14 =	vmov v55;
	v55 =	vld [tilespmem:s2+$0x85C0]  }
0x380: {  	v51 =	vld [tilespmem:s2+$0x430]  }
0x381: {  	v12 =	vmov v56;
	v56 =	vld [tilespmem:s2+$0x8430]  }
0x382: {  	v57 =	vld [tilespmem:s2+$0x4B0]  }
0x383: {  	v58 =	vld [tilespmem:s2+$0x84B0]  }
0x384: {  	v59 =	vld [tilespmem:s2+$0x530]  }
0x385: {  	v60 =	vld [tilespmem:s2+$0x8530]  }
0x386: {  	v61 =	vld [tilespmem:s2+$0x5B0]  }
0x387: {  	v62 =	vld [tilespmem:s2+$0x85B0]  }
0x388: {  	v63 =	vld [tilespmem:s2+$0x420]  }
0x389: {  	v4 =	vld [tilespmem:s2+$0x8420]  }
0x38a: {  	v41 =	vld [tilespmem:s2+$0x4A0]  }
0x38b: {  	v5 =	vld [tilespmem:s2+$0x84A0]  }
0x38c: {  	v29 =	vld [tilespmem:s2+$0x520]  }
0x38d: {  	v31 =	vld [tilespmem:s2+$0x8520]  }
0x38e: {  	v32 =	vld [tilespmem:s2+$0x5A0];
	v0 =	vmul.f32 v1, v0;
	v43 =	vmul.f32 v3, v2  }
0x38f: {  	v34 =	vld [tilespmem:s2+$0x85A0];
	v44 =	vmul.f32 v19, v18;
	v48 =	vmul.f32 v21, v20  }
0x390: {  	v37 =	vld [tilespmem:s2+$0x410];
	v18 =	vmul.f32 v40, v39;
	v17 =	vmul.f32 v17, v6  }
0x391: {  	v38 =	vld [tilespmem:s2+$0x8410];
	v50 =	vmul.f32 v27, v26;
	v6 =	vmul.f32 v30, v28  }
0x392: {  	v40 =	vld [tilespmem:s2+$0x490];
	v22 =	vmul.f32 v23, v22;
	v21 =	vmul.f32 v25, v24  }
0x393: {  	v39 =	vld [tilespmem:s2+$0x510];
	v26 =	vmul.f32 v35, v33;
	v25 =	vmul.f32 v49, v36  }
0x394: {  	v49 =	vld [tilespmem:s2+$0x8400];
	v56 =	vmul.f32 v56, v51;
	v57 =	vmul.f32 v58, v57  }
0x395: {  	v51 =	vld [tilespmem:s2+$0x480];
	v33 =	vmul.f32 v53, v52;
	v30 =	vmul.f32 v55, v54  }
0x396: {  	v52 =	vld [tilespmem:s2+$0x8480];
	v58 =	vmul.f32 v4, v63;
	v63 =	vmul.f32 v5, v41  }
0x397: {  	v53 =	vld [tilespmem:s2+$0x500];
	v41 =	vmul.f32 v62, v61;
	v15 =	vmul.f32 v0, v8  }
0x398: {  	v54 =	vld [tilespmem:s2+$0x8500];
	v16 =	vmul.f32 v43, v8;
	v19 =	vmul.f32 v44, v7  }
0x399: {  	v55 =	vld [tilespmem:s2+$0x580];
	v20 =	vmul.f32 v48, v7;
	v23 =	vmul.f32 v50, v14  }
0x39a: {  	v43 =	vld [tilespmem:s2+$0x8490];
	v24 =	vmul.f32 v6, v14;
	v7 =	vmul.f32 v45, v42  }
0x39b: {  	v44 =	vld [tilespmem:s2+$0x8510];
	v42 =	vmul.f32 v47, v46;
	v35 =	vmul.f32 v56, v9  }
0x39c: {  	v45 =	vld [tilespmem:s2+$0x590];
	v36 =	vmul.f32 v57, v9;
	v46 =	vmul.f32 v58, v12  }
0x39d: {  	v48 =	vld [tilespmem:s2+$0x8590];
	v47 =	vmul.f32 v63, v12;
	v27 =	vmul.f32 v7, v11  }
0x39e: {  	s4 =	simm.s32 $0x0;
	[tilespmem:$0x1FF60] =	vst v8;
	s6 =	simm.s32 $0x1000;
	v10 =	vmovc v14;
	v50 =	vld [tilespmem:s2+$0x400];
	v14 =	vmov v9;
	v28 =	vmul.f32 v42, v11;
	v42 =	vmul.f32 v60, v59  }
.LBB2_10:
0x39f: {  	v2 =	vld [tilespmem:s2+$0x8580]  }
0x3a0: {  	v7 =	vld [tilespmem:$0x1FF80];
	v0 =	vmul.f32 v38, v37  }
0x3a1: {  	v1 =	vmul.f32 v43, v40;
	v3 =	vmul.f32 v31, v29  }
0x3a2: {  	v61 =	vld [tilespmem:$0x1FF90];
	v4 =	vmul.f32 v34, v32;
	v5 =	vmul.f32 v44, v39  }
0x3a3: {  	v6 =	vmul.f32 v48, v45;
	v60 =	vmul.f32 v54, v53  }
0x3a4: {  	v29 =	vmul.f32 v49, v50;
	v31 =	vmul.f32 v52, v51  }
0x3a5: {  	v2 =	vmul.f32 v2, v55;
	v32 =	vmul.f32 v60, v7  }
0x3a6: {  	v0 =	vmul.f32 v0, v13;
	v29 =	vmul.f32 v29, v7  }
0x3a7: {  	v31 =	vmul.f32 v31, v7;
	v5 =	vmul.f32 v5, v13;
	v32 =	vadd.f32 v32, v61  }
0x3a8: {  	v1 =	vmul.f32 v1, v13;
	v2 =	vmul.f32 v2, v7;
	v29 =	vadd.f32 v29, v61  }
0x3a9: {  	v3 =	vmul.f32 v3, v12;
	v31 =	vadd.f32 v31, v61;
	v5 =	vadd.f32 v5, v32  }
0x3aa: {  	v6 =	vmul.f32 v6, v13;
	v2 =	vadd.f32 v2, v61;
	v0 =	vadd.f32 v0, v29  }
0x3ab: {  	v62 =	vmul.f32 v42, v14;
	v1 =	vadd.f32 v1, v31;
	v3 =	vadd.f32 v3, v5  }
0x3ac: {  	v4 =	vmul.f32 v4, v12;
	v2 =	vadd.f32 v6, v2;
	v0 =	vadd.f32 v46, v0  }
0x3ad: {  	v32 =	vmul.f32 v33, v11;
	v1 =	vadd.f32 v47, v1;
	v3 =	vadd.f32 v62, v3  }
0x3ae: {  	v63 =	vmul.f32 v41, v14;
	v39 =	vld [tilespmem:$0x1FF70];
	v2 =	vadd.f32 v4, v2;
	v0 =	vadd.f32 v35, v0  }
0x3af: {  	v34 =	vmul.f32 v26, v10;
	v1 =	vadd.f32 v36, v1;
	v3 =	vadd.f32 v32, v3  }
0x3b0: {  	v33 =	vmul.f32 v30, v11;
	v2 =	vadd.f32 v63, v2;
	v0 =	vadd.f32 v27, v0  }
0x3b1: {  	v1 =	vadd.f32 v28, v1;
	v3 =	vadd.f32 v34, v3;
	v34 =	vld [tilespmem:$0x1FF60]  }
0x3b2: {  	v35 =	vmul.f32 v25, v10;
	v2 =	vadd.f32 v33, v2;
	v0 =	vadd.f32 v23, v0  }
0x3b3: {  	v36 =	vmul.f32 v22, v39;
	v1 =	vadd.f32 v24, v1  }
0x3b4: {  	v41 =	vld [tilespmem:$0x1FFB0];
	v37 =	vmul.f32 v21, v39;
	v2 =	vadd.f32 v35, v2;
	v0 =	vadd.f32 v19, v0  }
0x3b5: {  	v1 =	vadd.f32 v20, v1;
	v3 =	vadd.f32 v36, v3  }
0x3b6: {  	v2 =	vadd.f32 v37, v2;
	v38 =	vmul.f32 v18, v34;
	v40 =	vmul.f32 v17, v34  }
0x3b7: {  	v0 =	vadd.f32 v15, v0;
	v1 =	vadd.f32 v16, v1  }
0x3b8: {  	v3 =	vadd.f32 v38, v3;
	v2 =	vadd.f32 v40, v2  }
0x3b9: {  	v42 =	vperm.xlane v0, v41;
	v43 =	vperm.xlane v1, v41  }
0x3ba: {  	v45 =	vld [tilespmem:$0x1FFD0];
	v6 =	vperm.xlane v3, v41;
	v15 =	vperm.xlane v2, v41  }
0x3bb: {  	v0 =	vadd.f32 v42, v0;
	v1 =	vadd.f32 v43, v1  }
0x3bc: {  	v3 =	vadd.f32 v6, v3;
	v2 =	vadd.f32 v15, v2;
	_ =	sdelay $0x1  }
0x3bd: {  	v0 =	vsel vm3, v0, v1;
	v44 =	vsel vm3, v3, v2  }
0x3be: {  	v47 =	vld [tilespmem:$0x1FFC0];
	v46 =	vperm.xlane v0, v45;
	v3 =	vperm.xlane v44, v45;
	_ =	sdelay $0x1  }
0x3bf: {  	v0 =	vadd.f32 v46, v0;
	v1 =	vadd.f32 v3, v44;
	_ =	sdelay $0x1  }
0x3c0: {  	v0 =	vsel vm0, v0, v1  }
0x3c1: {  	v1 =	vperm.xlane v0, v47;
	_ =	sdelay $0x1  }
0x3c2: {  	v0 =	vadd.f32 v0, v1  }
0x3c3: {  	s31 =	sadd.s32 $0x10, s31  }
0x3c4: {  	s2 =	sshra.s32 s6, $0x2;
	[tilespmem:s31+$0x0] =	vst v0  }
0x3c5: {  	v0 =	vld [tilespmem:s2+$0x470]  }
0x3c6: {  	v1 =	vld [tilespmem:s2+$0x8470]  }
0x3c7: {  	v2 =	vld [tilespmem:s2+$0x4F0]  }
0x3c8: {  	v3 =	vld [tilespmem:s2+$0x84F0]  }
0x3c9: {  	v4 =	vld [tilespmem:s2+$0x570]  }
0x3ca: {  	v5 =	vld [tilespmem:s2+$0x8570]  }
0x3cb: {  	v6 =	vld [tilespmem:s2+$0x5F0]  }
0x3cc: {  	v17 =	vld [tilespmem:s2+$0x85F0]  }
0x3cd: {  	v18 =	vld [tilespmem:s2+$0x460]  }
0x3ce: {  	v19 =	vld [tilespmem:s2+$0x8460]  }
0x3cf: {  	v20 =	vld [tilespmem:s2+$0x4E0]  }
0x3d0: {  	v21 =	vld [tilespmem:s2+$0x84E0]  }
0x3d1: {  	v22 =	vld [tilespmem:s2+$0x560]  }
0x3d2: {  	v23 =	vld [tilespmem:s2+$0x8560]  }
0x3d3: {  	v24 =	vld [tilespmem:s2+$0x5E0]  }
0x3d4: {  	v25 =	vld [tilespmem:s2+$0x85E0]  }
0x3d5: {  	v26 =	vld [tilespmem:s2+$0x450]  }
0x3d6: {  	v27 =	vld [tilespmem:s2+$0x8450]  }
0x3d7: {  	v28 =	vld [tilespmem:s2+$0x4D0]  }
0x3d8: {  	v30 =	vld [tilespmem:s2+$0x84D0]  }
0x3d9: {  	v33 =	vld [tilespmem:s2+$0x550]  }
0x3da: {  	v35 =	vld [tilespmem:s2+$0x8550]  }
0x3db: {  	v36 =	vld [tilespmem:s2+$0x5D0]  }
0x3dc: {  	v41 =	vld [tilespmem:s2+$0x85D0]  }
0x3dd: {  	v42 =	vld [tilespmem:s2+$0x440]  }
0x3de: {  	v45 =	vld [tilespmem:s2+$0x8440]  }
0x3df: {  	v46 =	vld [tilespmem:s2+$0x4C0]  }
0x3e0: {  	v47 =	vld [tilespmem:s2+$0x84C0]  }
0x3e1: {  	v52 =	vld [tilespmem:s2+$0x540]  }
0x3e2: {  	v53 =	vld [tilespmem:s2+$0x8540]  }
0x3e3: {  	v54 =	vld [tilespmem:s2+$0x5C0]  }
0x3e4: {  	v55 =	vld [tilespmem:s2+$0x85C0]  }
0x3e5: {  	v51 =	vld [tilespmem:s2+$0x430]  }
0x3e6: {  	v56 =	vld [tilespmem:s2+$0x8430]  }
0x3e7: {  	v57 =	vld [tilespmem:s2+$0x4B0]  }
0x3e8: {  	v58 =	vld [tilespmem:s2+$0x84B0]  }
0x3e9: {  	v59 =	vld [tilespmem:s2+$0x530]  }
0x3ea: {  	v60 =	vld [tilespmem:s2+$0x8530]  }
0x3eb: {  	v61 =	vld [tilespmem:s2+$0x5B0]  }
0x3ec: {  	v62 =	vld [tilespmem:s2+$0x85B0]  }
0x3ed: {  	v63 =	vld [tilespmem:s2+$0x420]  }
0x3ee: {  	v7 =	vld [tilespmem:s2+$0x8420]  }
0x3ef: {  	v8 =	vld [tilespmem:s2+$0x4A0]  }
0x3f0: {  	v9 =	vld [tilespmem:s2+$0x84A0]  }
0x3f1: {  	v29 =	vld [tilespmem:s2+$0x520]  }
0x3f2: {  	v31 =	vld [tilespmem:s2+$0x8520]  }
0x3f3: {  	v32 =	vld [tilespmem:s2+$0x5A0];
	v0 =	vmul.f32 v1, v0;
	v48 =	vmul.f32 v3, v2  }
0x3f4: {  	v37 =	vld [tilespmem:s2+$0x410];
	v49 =	vmul.f32 v19, v18;
	v50 =	vmul.f32 v21, v20  }
0x3f5: {  	v38 =	vld [tilespmem:s2+$0x8410];
	v18 =	vmul.f32 v5, v4;
	v17 =	vmul.f32 v17, v6  }
0x3f6: {  	v40 =	vld [tilespmem:s2+$0x490];
	v4 =	vmul.f32 v27, v26;
	v5 =	vmul.f32 v30, v28  }
0x3f7: {  	v43 =	vld [tilespmem:s2+$0x8490];
	v22 =	vmul.f32 v23, v22;
	v21 =	vmul.f32 v25, v24  }
0x3f8: {  	v44 =	vld [tilespmem:s2+$0x8510];
	v6 =	vmul.f32 v45, v42;
	v42 =	vmul.f32 v47, v46  }
0x3f9: {  	v45 =	vld [tilespmem:s2+$0x590];
	v26 =	vmul.f32 v35, v33;
	v25 =	vmul.f32 v41, v36  }
0x3fa: {  	v56 =	vmul.f32 v56, v51;
	v57 =	vmul.f32 v58, v57;
	v51 =	vld [tilespmem:s2+$0x480]  }
0x3fb: {  	v33 =	vmul.f32 v53, v52;
	v30 =	vmul.f32 v55, v54;
	v52 =	vld [tilespmem:s2+$0x8480]  }
0x3fc: {  	v58 =	vmul.f32 v7, v63;
	v63 =	vmul.f32 v9, v8;
	v53 =	vld [tilespmem:s2+$0x500]  }
0x3fd: {  	v54 =	vld [tilespmem:s2+$0x8500];
	v41 =	vmul.f32 v62, v61;
	v15 =	vmul.f32 v0, v34  }
0x3fe: {  	p0 =	sne.s32 s6, $0xF800;
	v55 =	vld [tilespmem:s2+$0x580];
	v16 =	vmul.f32 v48, v34;
	v19 =	vmul.f32 v49, v39  }
.Ltmp4:
0x3ff: {  	v34 =	vld [tilespmem:s2+$0x85A0];
	v20 =	vmul.f32 v50, v39;
	v23 =	vmul.f32 v4, v10;
	(pc) =	sbr.rel @p0 .LBB2_10-.Ltmp4, $4  }
0x400: {  	v39 =	vld [tilespmem:s2+$0x510];
	v24 =	vmul.f32 v5, v10;
	v27 =	vmul.f32 v6, v11  }
0x401: {  	v48 =	vld [tilespmem:s2+$0x8590];
	v28 =	vmul.f32 v42, v11;
	v35 =	vmul.f32 v56, v14  }
0x402: {  	v49 =	vld [tilespmem:s2+$0x8400];
	v36 =	vmul.f32 v57, v14;
	v42 =	vmul.f32 v60, v59  }
0x403: {  	s6 =	sadd.s32 $0x800, s6;
	v50 =	vld [tilespmem:s2+$0x400];
	v46 =	vmul.f32 v58, v12;
	v47 =	vmul.f32 v63, v12  }
0x404: {  	v2 =	vld [tilespmem:s2+$0x8580];
	_ =	sdelay $0x1  }
0x405: {  	v0 =	vmul.f32 v38, v37;
	v1 =	vmul.f32 v43, v40;
	v59 =	vld [tilespmem:$0x1FF80]  }
0x406: {  	v3 =	vmul.f32 v31, v29;
	v4 =	vmul.f32 v34, v32  }
0x407: {  	v8 =	vmul.f32 v52, v51;
	v9 =	vmul.f32 v54, v53;
	v60 =	vld [tilespmem:$0x1FF90]  }
0x408: {  	v5 =	vmul.f32 v44, v39;
	v2 =	vmul.f32 v2, v55  }
0x409: {  	v0 =	vmul.f32 v0, v13;
	v1 =	vmul.f32 v1, v13  }
0x40a: {  	v6 =	vmul.f32 v48, v45;
	v2 =	vmul.f32 v2, v59  }
0x40b: {  	v7 =	vmul.f32 v49, v50;
	v9 =	vmul.f32 v9, v59  }
0x40c: {  	v6 =	vmul.f32 v6, v13;
	v8 =	vmul.f32 v8, v59;
	v2 =	vadd.f32 v2, v60  }
0x40d: {  	v5 =	vmul.f32 v5, v13;
	v7 =	vmul.f32 v7, v59;
	v9 =	vadd.f32 v9, v60  }
0x40e: {  	v4 =	vmul.f32 v4, v12;
	v8 =	vadd.f32 v8, v60;
	v2 =	vadd.f32 v6, v2  }
0x40f: {  	v3 =	vmul.f32 v3, v12;
	v7 =	vadd.f32 v7, v60;
	v5 =	vadd.f32 v5, v9  }
0x410: {  	v1 =	vadd.f32 v1, v8;
	v2 =	vadd.f32 v4, v2;
	v4 =	vmul.f32 v41, v14  }
0x411: {  	v0 =	vadd.f32 v0, v7;
	v7 =	vld [tilespmem:$0x1FF70];
	v6 =	vmul.f32 v42, v14;
	v3 =	vadd.f32 v3, v5  }
0x412: {  	v1 =	vadd.f32 v47, v1;
	v2 =	vadd.f32 v4, v2;
	v4 =	vmul.f32 v30, v11  }
0x413: {  	v5 =	vmul.f32 v33, v11;
	v0 =	vadd.f32 v46, v0;
	v3 =	vadd.f32 v6, v3  }
0x414: {  	v1 =	vadd.f32 v36, v1;
	v2 =	vadd.f32 v4, v2;
	v4 =	vmul.f32 v25, v10  }
0x415: {  	v0 =	vadd.f32 v35, v0;
	v3 =	vadd.f32 v5, v3  }
0x416: {  	v5 =	vmul.f32 v22, v7;
	v2 =	vadd.f32 v4, v2;
	v4 =	vmul.f32 v21, v7;
	v7 =	vld [tilespmem:$0x1FF60]  }
0x417: {  	v1 =	vadd.f32 v28, v1  }
0x418: {  	v6 =	vmul.f32 v26, v10;
	v0 =	vadd.f32 v27, v0  }
0x419: {  	v1 =	vadd.f32 v24, v1  }
0x41a: {  	v3 =	vadd.f32 v6, v3;
	v0 =	vadd.f32 v23, v0  }
0x41b: {  	v2 =	vadd.f32 v4, v2;
	v6 =	vmul.f32 v18, v7;
	v50 =	vmovc v7;
	v4 =	vmul.f32 v17, v7;
	v7 =	vld [tilespmem:$0x1FFB0]  }
0x41c: {  	v1 =	vadd.f32 v20, v1;
	v0 =	vadd.f32 v19, v0  }
0x41d: {  	v3 =	vadd.f32 v5, v3  }
0x41e: {  	v1 =	vadd.f32 v16, v1;
	v0 =	vadd.f32 v15, v0  }
0x41f: {  	v3 =	vadd.f32 v6, v3;
	v2 =	vadd.f32 v4, v2  }
0x420: {  	v4 =	vperm.xlane v0, v7;
	v5 =	vperm.xlane v1, v7  }
0x421: {  	v6 =	vperm.xlane v3, v7;
	v7 =	vperm.xlane v2, v7;
	_ =	sdelay $0x1  }
0x422: {  	v3 =	vadd.f32 v6, v3;
	v2 =	vadd.f32 v7, v2;
	_ =	sdelay $0x1  }
0x423: {  	v61 =	vsel vm3, v3, v2;
	v3 =	vld [tilespmem:$0x1FFD0];
	_ =	sdelay $0x1  }
0x424: {  	v0 =	vadd.f32 v4, v0;
	v1 =	vadd.f32 v5, v1;
	_ =	sdelay $0x1  }
0x425: {  	v0 =	vsel vm3, v0, v1  }
0x426: {  	v63 =	vld [tilespmem:$0x1FFC0];
	v62 =	vperm.xlane v0, v3;
	v3 =	vperm.xlane v61, v3;
	_ =	sdelay $0x1  }
0x427: {  	v0 =	vadd.f32 v62, v0;
	v1 =	vadd.f32 v3, v61;
	_ =	sdelay $0x1  }
0x428: {  	v0 =	vsel vm0, v0, v1  }
0x429: {  	v1 =	vperm.xlane v0, v63;
	_ =	sdelay $0x1  }
0x42a: {  	v0 =	vadd.f32 v0, v1  }
0x42b: {  	s31 =	sadd.s32 $0x10, s31;
	v4 =	vld [tilespmem:$0x1FFF0]  }
0x42c: {  	s2 =	simm.s32 $0x10520;
	v5 =	vld [tilespmem:$0x1FFE0];
	[tilespmem:s31+$0x0] =	vst v0  }
0x42d: {  	v15 =	vld [tilespmem:s2+$0xFFFFFFF0]  }
0x42e: {  	v16 =	vld [tilespmem:s2+$0xFFFFFFE0]  }
0x42f: {  	v17 =	vld [tilespmem:s2+$0x0]  }
0x430: {  	v56 =	vmovc v13;
	v54 =	vmovc v14;
	v53 =	vmov v11;
	v52 =	vmov v10;
	s6 =	simm.s32 $0x40;
	v55 =	vmov v12;
	v18 =	vld [tilespmem:s2+$0x10]  }
.LBB2_12:
0x431: {  	p0 =	sne.s32 s6, $0x1C0;
	_ =	sdelay $0x3  }
0x432: {  	v0 =	vsel vm1, v16, v15;
	v1 =	vsel vm1, v17, v18  }
0x433: {  	v2 =	vperm.xlane v0, v5;
	v3 =	vperm.xlane v1, v5;
	_ =	sdelay $0x1  }
0x434: {  	v0 =	vadd.f32 v2, v0;
	v1 =	vadd.f32 v3, v1;
	_ =	sdelay $0x1  }
0x435: {  	v0 =	vsel vm2, v0, v1  }
0x436: {  	v0 =	vperm.xlane v0, v4  }
0x437: {  	s31 =	sshra.s32 s4, $0x2;
	s4 =	smov.u32 s6  }
.Ltmp5:
0x438: {  	s2 =	sadd.s32 $0x40, s2;
	[tilespmem:s31+$0x10800] =	vst v0;
	(pc) =	sbr.rel @p0 .LBB2_12-.Ltmp5, $4  }
0x439: {  	v15 =	vld [tilespmem:s2+$0xFFFFFFF0]  }
0x43a: {  	v16 =	vld [tilespmem:s2+$0xFFFFFFE0]  }
0x43b: {  	v17 =	vld [tilespmem:s2+$0x0]  }
0x43c: {  	s6 =	sadd.s32 $0x40, s6;
	v18 =	vld [tilespmem:s2+$0x10]  }
0x43d: {  	_ =	sdelay $0x3  }
0x43e: {  	v0 =	vsel vm1, v16, v15;
	v1 =	vsel vm1, v17, v18  }
0x43f: {  	v2 =	vperm.xlane v0, v5;
	v3 =	vperm.xlane v1, v5;
	_ =	sdelay $0x1  }
0x440: {  	v0 =	vadd.f32 v2, v0;
	v1 =	vadd.f32 v3, v1;
	_ =	sdelay $0x1  }
0x441: {  	v0 =	vsel vm2, v0, v1  }
0x442: {  	v0 =	vperm.xlane v0, v4  }
0x443: {  	s2 =	sshra.s32 s4, $0x2  }
0x444: {  	[tilespmem:s2+$0x10800] =	vst v0  }
0x445: {  	_ =	swait.ge [sflag:s3], $0x2000  }
0x446: {  	[sflag:s3] =	ssyncset.done $0x0  }
0x447: {  	[sflag:s3] =	ssyncadd.s32 $0xFFFFE000  }
0x448: {  	_ =	swait.ge [sflag:s3], $0x2000  }
0x449: {  	[sflag:s3] =	ssyncset.done $0x0  }
0x44a: {  	[sflag:s3] =	ssyncadd.s32 $0xFFFFE000  }
0x44b: {  	_ =	swait.ge [sflag:s3], $0x2000  }
0x44c: {  	[sflag:s3] =	ssyncset.done $0x0  }
0x44d: {  	[sflag:s3] =	ssyncadd.s32 $0xFFFFE000  }
0x44e: {  	_ =	swait.ge [sflag:s3], $0x2000  }
0x44f: {  	[sflag:s3] =	ssyncset.done $0x0  }
0x450: {  	s6 =	simm.s32 $0x0;
	v13 =	vld [tilespmem:$0x1FF70];
	[sflag:s3] =	ssyncadd.s32 $0xFFFFE000  }
0x451: {  	v58 =	vld [tilespmem:s6+$0x4470]  }
0x452: {  	v59 =	vld [tilespmem:s6+$0xC470]  }
0x453: {  	v60 =	vld [tilespmem:s6+$0x44F0]  }
0x454: {  	v61 =	vld [tilespmem:s6+$0xC4F0]  }
0x455: {  	v62 =	vld [tilespmem:s6+$0x4570]  }
0x456: {  	v63 =	vld [tilespmem:s6+$0xC570]  }
0x457: {  	v6 =	vld [tilespmem:s6+$0x45F0]  }
0x458: {  	v7 =	vld [tilespmem:s6+$0xC5F0]  }
0x459: {  	v8 =	vld [tilespmem:s6+$0x4460]  }
0x45a: {  	v9 =	vld [tilespmem:s6+$0xC460]  }
0x45b: {  	v15 =	vld [tilespmem:s6+$0x44E0]  }
0x45c: {  	v16 =	vld [tilespmem:s6+$0xC4E0]  }
0x45d: {  	v17 =	vld [tilespmem:s6+$0x4560]  }
0x45e: {  	v18 =	vld [tilespmem:s6+$0xC560]  }
0x45f: {  	v19 =	vld [tilespmem:s6+$0x45E0]  }
0x460: {  	v20 =	vld [tilespmem:s6+$0xC5E0]  }
0x461: {  	v21 =	vld [tilespmem:s6+$0x4450]  }
0x462: {  	v22 =	vld [tilespmem:s6+$0xC450]  }
0x463: {  	v23 =	vld [tilespmem:s6+$0x44D0]  }
0x464: {  	v24 =	vld [tilespmem:s6+$0xC4D0]  }
0x465: {  	v25 =	vld [tilespmem:s6+$0x4550]  }
0x466: {  	v26 =	vld [tilespmem:s6+$0xC550]  }
0x467: {  	v27 =	vld [tilespmem:s6+$0x45D0]  }
0x468: {  	v28 =	vld [tilespmem:s6+$0xC5D0]  }
0x469: {  	v29 =	vld [tilespmem:s6+$0x4440]  }
0x46a: {  	v30 =	vld [tilespmem:s6+$0xC440]  }
0x46b: {  	v31 =	vld [tilespmem:s6+$0x44C0]  }
0x46c: {  	v32 =	vld [tilespmem:s6+$0xC4C0]  }
0x46d: {  	v33 =	vld [tilespmem:s6+$0x4540]  }
0x46e: {  	v34 =	vld [tilespmem:s6+$0xC540]  }
0x46f: {  	v35 =	vld [tilespmem:s6+$0x45C0]  }
0x470: {  	v36 =	vld [tilespmem:s6+$0xC5C0]  }
0x471: {  	v37 =	vld [tilespmem:s6+$0x4430]  }
0x472: {  	v38 =	vld [tilespmem:s6+$0xC430]  }
0x473: {  	v39 =	vld [tilespmem:s6+$0x44B0]  }
0x474: {  	v40 =	vld [tilespmem:s6+$0xC4B0]  }
0x475: {  	v41 =	vld [tilespmem:s6+$0x4530]  }
0x476: {  	v42 =	vld [tilespmem:s6+$0xC530]  }
0x477: {  	v43 =	vld [tilespmem:s6+$0x45B0]  }
0x478: {  	v44 =	vld [tilespmem:s6+$0xC5B0]  }
0x479: {  	v45 =	vld [tilespmem:s6+$0x4420]  }
0x47a: {  	v46 =	vld [tilespmem:s6+$0xC420]  }
0x47b: {  	v47 =	vld [tilespmem:s6+$0x44A0]  }
0x47c: {  	v48 =	vld [tilespmem:s6+$0xC4A0]  }
0x47d: {  	v49 =	vld [tilespmem:s6+$0x4520]  }
0x47e: {  	v2 =	vld [tilespmem:s6+$0xC520]  }
0x47f: {  	v3 =	vld [tilespmem:s6+$0x45A0];
	v0 =	vmul.f32 v59, v58;
	v51 =	vmul.f32 v61, v60  }
0x480: {  	v10 =	vld [tilespmem:s6+$0xC5A0];
	v8 =	vmul.f32 v9, v8;
	v9 =	vmul.f32 v16, v15  }
0x481: {  	v15 =	vld [tilespmem:s6+$0xC410];
	v4 =	vmul.f32 v63, v62;
	v5 =	vmul.f32 v7, v6  }
0x482: {  	v7 =	vld [tilespmem:s6+$0x4490];
	v17 =	vmul.f32 v18, v17;
	v18 =	vmul.f32 v20, v19  }
0x483: {  	v16 =	vld [tilespmem:s6+$0xC490];
	v25 =	vmul.f32 v26, v25;
	v27 =	vmul.f32 v28, v27  }
0x484: {  	v20 =	vld [tilespmem:s6+$0xC510];
	v33 =	vmul.f32 v34, v33;
	v34 =	vmul.f32 v36, v35  }
0x485: {  	v26 =	vld [tilespmem:s6+$0xC590];
	v57 =	vmul.f32 v46, v45;
	v58 =	vmul.f32 v48, v47  }
0x486: {  	v28 =	vld [tilespmem:s6+$0xC400];
	v61 =	vmul.f32 v42, v41;
	v62 =	vmul.f32 v44, v43  }
0x487: {  	v35 =	vld [tilespmem:s6+$0xC480];
	v2 =	vmul.f32 v2, v49;
	v3 =	vmul.f32 v10, v3  }
0x488: {  	v59 =	vld [tilespmem:s6+$0x4500];
	v0 =	vmul.f32 v0, v50;
	v1 =	vmul.f32 v51, v50  }
0x489: {  	v60 =	vld [tilespmem:s6+$0xC500];
	v6 =	vmul.f32 v8, v13;
	v8 =	vmul.f32 v9, v13  }
0x48a: {  	v63 =	vld [tilespmem:s6+$0x4580];
	v9 =	vmul.f32 v22, v21;
	v21 =	vmul.f32 v24, v23  }
0x48b: {  	v51 =	vld [tilespmem:s6+$0x4410];
	v23 =	vmul.f32 v32, v31;
	v31 =	vmul.f32 v40, v39  }
0x48c: {  	v22 =	vld [tilespmem:s6+$0x4510];
	v36 =	vmul.f32 v57, v55;
	v2 =	vmul.f32 v2, v55  }
0x48d: {  	v24 =	vld [tilespmem:s6+$0x4590];
	v3 =	vmul.f32 v3, v55;
	v9 =	vmul.f32 v9, v52  }
0x48e: {  	v32 =	vld [tilespmem:s6+$0x4480];
	v19 =	vmul.f32 v21, v52;
	v21 =	vmul.f32 v30, v29  }
0x48f: {  	v23 =	vmul.f32 v23, v53;
	v29 =	vld [tilespmem:s6+$0x4400];
	v30 =	vmul.f32 v38, v37  }
0x490: {  	v31 =	vmul.f32 v31, v54;
	v7 =	vmul.f32 v16, v7;
	v16 =	vld [tilespmem:s6+$0xC580]  }
0x491: {  	v14 =	vld [tilespmem:$0x1FF80];
	v37 =	vmul.f32 v58, v55;
	v15 =	vmul.f32 v15, v51  }
0x492: {  	v7 =	vmul.f32 v7, v56;
	v20 =	vmul.f32 v20, v22  }
0x493: {  	v10 =	vld [tilespmem:$0x1FF90];
	v22 =	vmul.f32 v26, v24;
	v26 =	vmul.f32 v35, v32  }
0x494: {  	v15 =	vmul.f32 v15, v56;
	v24 =	vmul.f32 v28, v29  }
0x495: {  	v28 =	vmul.f32 v60, v59;
	v16 =	vmul.f32 v16, v63  }
0x496: {  	v26 =	vmul.f32 v26, v14;
	v24 =	vmul.f32 v24, v14  }
0x497: {  	v28 =	vmul.f32 v28, v14;
	v16 =	vmul.f32 v16, v14  }
0x498: {  	v20 =	vmul.f32 v20, v56;
	v26 =	vadd.f32 v26, v10;
	v24 =	vadd.f32 v24, v10  }
0x499: {  	v22 =	vmul.f32 v22, v56;
	v28 =	vadd.f32 v28, v10;
	v16 =	vadd.f32 v16, v10  }
0x49a: {  	v21 =	vmul.f32 v21, v53;
	v7 =	vadd.f32 v7, v26;
	v15 =	vadd.f32 v15, v24  }
0x49b: {  	v30 =	vmul.f32 v30, v54;
	v20 =	vadd.f32 v20, v28;
	v16 =	vadd.f32 v22, v16  }
0x49c: {  	v7 =	vadd.f32 v37, v7;
	v22 =	vmul.f32 v61, v54;
	v15 =	vadd.f32 v36, v15  }
0x49d: {  	v2 =	vadd.f32 v2, v20;
	v3 =	vadd.f32 v3, v16;
	v16 =	vmul.f32 v62, v54  }
0x49e: {  	v7 =	vadd.f32 v31, v7;
	v20 =	vmul.f32 v33, v53;
	v15 =	vadd.f32 v30, v15  }
0x49f: {  	v2 =	vadd.f32 v22, v2;
	v3 =	vadd.f32 v16, v3;
	v16 =	vmul.f32 v34, v53  }
0x4a0: {  	v7 =	vadd.f32 v23, v7;
	v15 =	vadd.f32 v21, v15;
	v21 =	vmul.f32 v25, v52  }
0x4a1: {  	v2 =	vadd.f32 v20, v2;
	v3 =	vadd.f32 v16, v3;
	v16 =	vmul.f32 v27, v52  }
0x4a2: {  	v7 =	vadd.f32 v19, v7;
	v9 =	vadd.f32 v9, v15;
	v15 =	vmul.f32 v17, v13  }
0x4a3: {  	v35 =	vld [tilespmem:$0x1FFB0];
	v2 =	vadd.f32 v21, v2;
	v3 =	vadd.f32 v16, v3;
	v16 =	vmul.f32 v18, v13  }
0x4a4: {  	v4 =	vmul.f32 v4, v50;
	v7 =	vadd.f32 v8, v7;
	v6 =	vadd.f32 v6, v9  }
0x4a5: {  	v5 =	vmul.f32 v5, v50;
	v2 =	vadd.f32 v15, v2;
	v3 =	vadd.f32 v16, v3  }
0x4a6: {  	v1 =	vadd.f32 v1, v7;
	v0 =	vadd.f32 v0, v6  }
0x4a7: {  	v2 =	vadd.f32 v4, v2;
	v3 =	vadd.f32 v5, v3  }
0x4a8: {  	v37 =	vperm.xlane v1, v35;
	v36 =	vperm.xlane v0, v35  }
0x4a9: {  	v40 =	vld [tilespmem:$0x1FFD0];
	v38 =	vperm.xlane v2, v35;
	v7 =	vperm.xlane v3, v35  }
0x4aa: {  	v1 =	vadd.f32 v37, v1;
	v0 =	vadd.f32 v36, v0  }
0x4ab: {  	v2 =	vadd.f32 v38, v2;
	v3 =	vadd.f32 v7, v3;
	_ =	sdelay $0x1  }
0x4ac: {  	v0 =	vsel vm3, v0, v1;
	v39 =	vsel vm3, v2, v3  }
0x4ad: {  	v42 =	vld [tilespmem:$0x1FFC0];
	v41 =	vperm.xlane v0, v40;
	v3 =	vperm.xlane v39, v40;
	_ =	sdelay $0x1  }
0x4ae: {  	v0 =	vadd.f32 v41, v0;
	v1 =	vadd.f32 v3, v39;
	_ =	sdelay $0x1  }
0x4af: {  	v0 =	vsel vm0, v0, v1  }
0x4b0: {  	v1 =	vperm.xlane v0, v42;
	_ =	sdelay $0x1  }
0x4b1: {  	v0 =	vadd.f32 v0, v1  }
0x4b2: {  	s31 =	simm.s32 $0x10500  }
0x4b3: {  	s2 =	simm.s32 $0x200;
	[tilespmem:s31+$0x0] =	vst v0  }
0x4b4: {  	v0 =	vld [tilespmem:s2+$0x4470]  }
0x4b5: {  	v1 =	vld [tilespmem:s2+$0xC470]  }
0x4b6: {  	v2 =	vld [tilespmem:s2+$0x44F0]  }
0x4b7: {  	v3 =	vld [tilespmem:s2+$0xC4F0]  }
0x4b8: {  	v19 =	vld [tilespmem:s2+$0x4570]  }
0x4b9: {  	v20 =	vld [tilespmem:s2+$0xC570]  }
0x4ba: {  	v6 =	vld [tilespmem:s2+$0x45F0]  }
0x4bb: {  	v7 =	vld [tilespmem:s2+$0xC5F0]  }
0x4bc: {  	v8 =	vld [tilespmem:s2+$0x4460]  }
0x4bd: {  	v9 =	vld [tilespmem:s2+$0xC460]  }
0x4be: {  	v17 =	vld [tilespmem:s2+$0x44E0]  }
0x4bf: {  	v18 =	vld [tilespmem:s2+$0xC4E0]  }
0x4c0: {  	v21 =	vld [tilespmem:s2+$0x4560]  }
0x4c1: {  	v22 =	vld [tilespmem:s2+$0xC560]  }
0x4c2: {  	v23 =	vld [tilespmem:s2+$0x45E0]  }
0x4c3: {  	v24 =	vld [tilespmem:s2+$0xC5E0]  }
0x4c4: {  	v25 =	vld [tilespmem:s2+$0x4450]  }
0x4c5: {  	v26 =	vld [tilespmem:s2+$0xC450]  }
0x4c6: {  	v27 =	vld [tilespmem:s2+$0x44D0]  }
0x4c7: {  	v28 =	vld [tilespmem:s2+$0xC4D0]  }
0x4c8: {  	v30 =	vld [tilespmem:s2+$0x4550]  }
0x4c9: {  	v33 =	vld [tilespmem:s2+$0xC550]  }
0x4ca: {  	v35 =	vld [tilespmem:s2+$0x45D0]  }
0x4cb: {  	v36 =	vld [tilespmem:s2+$0xC5D0]  }
0x4cc: {  	v41 =	vld [tilespmem:s2+$0x4440]  }
0x4cd: {  	v42 =	vld [tilespmem:s2+$0xC440]  }
0x4ce: {  	v45 =	vld [tilespmem:s2+$0x44C0]  }
0x4cf: {  	v46 =	vld [tilespmem:s2+$0xC4C0]  }
0x4d0: {  	v43 =	vld [tilespmem:s2+$0x4540]  }
0x4d1: {  	v47 =	vld [tilespmem:s2+$0xC540]  }
0x4d2: {  	v58 =	vld [tilespmem:s2+$0x45C0]  }
0x4d3: {  	v12 =	vld [tilespmem:s2+$0xC5C0]  }
0x4d4: {  	v51 =	vld [tilespmem:s2+$0x4430]  }
0x4d5: {  	v11 =	vld [tilespmem:s2+$0xC430]  }
0x4d6: {  	v56 =	vld [tilespmem:s2+$0x44B0]  }
0x4d7: {  	v57 =	vld [tilespmem:s2+$0xC4B0]  }
0x4d8: {  	v44 =	vld [tilespmem:s2+$0x4530]  }
0x4d9: {  	v59 =	vld [tilespmem:s2+$0xC530]  }
0x4da: {  	v60 =	vld [tilespmem:s2+$0x45B0]  }
0x4db: {  	v61 =	vld [tilespmem:s2+$0xC5B0]  }
0x4dc: {  	v62 =	vld [tilespmem:s2+$0x4420]  }
0x4dd: {  	v63 =	vld [tilespmem:s2+$0xC420]  }
0x4de: {  	v4 =	vld [tilespmem:s2+$0x44A0]  }
0x4df: {  	v5 =	vld [tilespmem:s2+$0xC4A0]  }
0x4e0: {  	v29 =	vld [tilespmem:s2+$0x4520]  }
0x4e1: {  	v31 =	vld [tilespmem:s2+$0xC520]  }
0x4e2: {  	v32 =	vld [tilespmem:s2+$0x45A0]  }
0x4e3: {  	v34 =	vld [tilespmem:s2+$0xC5A0]  }
0x4e4: {  	v37 =	vld [tilespmem:s2+$0x4410];
	v0 =	vmul.f32 v1, v0;
	v48 =	vmul.f32 v3, v2  }
0x4e5: {  	v38 =	vld [tilespmem:s2+$0xC410];
	v49 =	vmul.f32 v9, v8;
	v22 =	vmul.f32 v22, v21  }
0x4e6: {  	v40 =	vld [tilespmem:s2+$0x4490];
	v21 =	vmul.f32 v24, v23;
	v41 =	vmul.f32 v42, v41  }
0x4e7: {  	v39 =	vld [tilespmem:s2+$0x4510];
	v42 =	vmul.f32 v46, v45;
	v46 =	vmul.f32 v11, v51  }
0x4e8: {  	[tilespmem:$0x1FF20] =	vst v43;
	v43 =	vld [tilespmem:s2+$0xC490];
	v56 =	vmul.f32 v57, v56;
	v15 =	vmul.f32 v0, v50  }
0x4e9: {  	[tilespmem:$0x1FF40] =	vst v44;
	v44 =	vld [tilespmem:s2+$0xC510];
	v16 =	vmul.f32 v48, v50;
	v50 =	vmul.f32 v18, v17  }
0x4ea: {  	v45 =	vld [tilespmem:s2+$0x4590];
	v18 =	vmul.f32 v20, v19;
	v17 =	vmul.f32 v7, v6  }
0x4eb: {  	v51 =	vld [tilespmem:s2+$0x4480];
	v19 =	vmul.f32 v49, v13;
	v6 =	vmul.f32 v26, v25  }
0x4ec: {  	v57 =	vld [tilespmem:$0x1FF20];
	v7 =	vmul.f32 v28, v27;
	v26 =	vmul.f32 v33, v30  }
0x4ed: {  	v48 =	vld [tilespmem:s2+$0xC590];
	v25 =	vmul.f32 v36, v35;
	v27 =	vmul.f32 v41, v53  }
0x4ee: {  	v49 =	vld [tilespmem:s2+$0xC400];
	v28 =	vmul.f32 v42, v53;
	v30 =	vmul.f32 v12, v58  }
0x4ef: {  	v35 =	vmul.f32 v46, v54;
	v58 =	vmul.f32 v63, v62;
	v63 =	vld [tilespmem:$0x1FF40]  }
0x4f0: {  	[tilespmem:$0x1FF10] =	vst v53;
	v36 =	vmul.f32 v56, v54;
	v62 =	vmul.f32 v5, v4;
	v53 =	vld [tilespmem:s2+$0x4500]  }
0x4f1: {  	[tilespmem:$0x1FF30] =	vst v54;
	v54 =	vld [tilespmem:s2+$0xC500];
	v41 =	vmul.f32 v61, v60;
	v20 =	vmul.f32 v50, v13  }
0x4f2: {  	v23 =	vmul.f32 v6, v52;
	v24 =	vmul.f32 v7, v52;
	v50 =	vld [tilespmem:s2+$0x4400]  }
0x4f3: {  	[tilespmem:$0x1FF00] =	vst v52;
	v52 =	vld [tilespmem:s2+$0xC480];
	v46 =	vmul.f32 v58, v55;
	v33 =	vmul.f32 v47, v57  }
0x4f4: {  	s4 =	simm.s32 $0x0;
	[tilespmem:$0x1FF50] =	vst v55;
	s6 =	simm.s32 $0x1000;
	v47 =	vmul.f32 v62, v55;
	v55 =	vld [tilespmem:s2+$0x4580];
	v42 =	vmul.f32 v59, v63  }
.LBB2_14:
0x4f5: {  	_ = 	snop  }
0x4f6: {  	v2 =	vld [tilespmem:s2+$0xC580]  }
0x4f7: {  	v11 =	vld [tilespmem:$0x1FFA0]  }
0x4f8: {  	v0 =	vmul.f32 v38, v37;
	v1 =	vmul.f32 v43, v40  }
0x4f9: {  	v5 =	vmul.f32 v44, v39;
	v7 =	vmul.f32 v49, v50  }
0x4fa: {  	v6 =	vmul.f32 v48, v45;
	v8 =	vmul.f32 v52, v51  }
0x4fb: {  	v9 =	vmul.f32 v54, v53;
	v7 =	vmul.f32 v7, v14  }
0x4fc: {  	v2 =	vmul.f32 v2, v55;
	v0 =	vmul.f32 v0, v11  }
0x4fd: {  	v1 =	vmul.f32 v1, v11;
	v8 =	vmul.f32 v8, v14;
	v7 =	vadd.f32 v7, v10  }
0x4fe: {  	v5 =	vmul.f32 v5, v11;
	v6 =	vmul.f32 v6, v11;
	v11 =	vld [tilespmem:$0x1FF50]  }
0x4ff: {  	v9 =	vmul.f32 v9, v14;
	v0 =	vadd.f32 v0, v7  }
0x500: {  	v12 =	vld [tilespmem:$0x1FF30];
	v2 =	vmul.f32 v2, v14;
	v8 =	vadd.f32 v8, v10  }
0x501: {  	v3 =	vmul.f32 v31, v29;
	v9 =	vadd.f32 v9, v10;
	v0 =	vadd.f32 v46, v0  }
0x502: {  	v4 =	vmul.f32 v34, v32;
	v50 =	vld [tilespmem:$0x1FF10];
	v2 =	vadd.f32 v2, v10;
	v1 =	vadd.f32 v1, v8  }
0x503: {  	v5 =	vadd.f32 v5, v9;
	v3 =	vmul.f32 v3, v11;
	v0 =	vadd.f32 v35, v0  }
0x504: {  	v44 =	vld [tilespmem:$0x1FF00];
	v2 =	vadd.f32 v6, v2;
	v4 =	vmul.f32 v4, v11;
	v1 =	vadd.f32 v47, v1  }
0x505: {  	v58 =	vmul.f32 v42, v12;
	v3 =	vadd.f32 v3, v5;
	v0 =	vadd.f32 v27, v0  }
0x506: {  	v59 =	vmul.f32 v41, v12;
	v2 =	vadd.f32 v4, v2;
	v1 =	vadd.f32 v36, v1  }
0x507: {  	v60 =	vmul.f32 v33, v50;
	v3 =	vadd.f32 v58, v3;
	v0 =	vadd.f32 v23, v0  }
0x508: {  	v61 =	vmul.f32 v30, v50;
	v2 =	vadd.f32 v59, v2;
	v1 =	vadd.f32 v28, v1  }
0x509: {  	v62 =	vmul.f32 v26, v44;
	v3 =	vadd.f32 v60, v3;
	v0 =	vadd.f32 v19, v0;
	v19 =	vld [tilespmem:$0x1FF60]  }
0x50a: {  	v63 =	vmul.f32 v25, v44;
	v2 =	vadd.f32 v61, v2  }
0x50b: {  	v32 =	vmul.f32 v22, v13;
	v1 =	vadd.f32 v24, v1;
	v3 =	vadd.f32 v62, v3  }
0x50c: {  	v33 =	vmul.f32 v21, v13;
	v36 =	vld [tilespmem:$0x1FFB0];
	v2 =	vadd.f32 v63, v2  }
0x50d: {  	v1 =	vadd.f32 v20, v1;
	v3 =	vadd.f32 v32, v3  }
0x50e: {  	v2 =	vadd.f32 v33, v2;
	v34 =	vmul.f32 v18, v19;
	v35 =	vmul.f32 v17, v19  }
0x50f: {  	v0 =	vadd.f32 v15, v0;
	v1 =	vadd.f32 v16, v1  }
0x510: {  	v3 =	vadd.f32 v34, v3;
	v2 =	vadd.f32 v35, v2  }
0x511: {  	v37 =	vperm.xlane v0, v36;
	v38 =	vperm.xlane v1, v36  }
0x512: {  	v40 =	vld [tilespmem:$0x1FFD0];
	v6 =	vperm.xlane v3, v36;
	v7 =	vperm.xlane v2, v36  }
0x513: {  	v0 =	vadd.f32 v37, v0;
	v1 =	vadd.f32 v38, v1  }
0x514: {  	v3 =	vadd.f32 v6, v3;
	v2 =	vadd.f32 v7, v2;
	_ =	sdelay $0x1  }
0x515: {  	v0 =	vsel vm3, v0, v1;
	v39 =	vsel vm3, v3, v2  }
0x516: {  	v42 =	vld [tilespmem:$0x1FFC0];
	v41 =	vperm.xlane v0, v40;
	v3 =	vperm.xlane v39, v40;
	_ =	sdelay $0x1  }
0x517: {  	v0 =	vadd.f32 v41, v0;
	v1 =	vadd.f32 v3, v39;
	_ =	sdelay $0x1  }
0x518: {  	v0 =	vsel vm0, v0, v1  }
0x519: {  	v1 =	vperm.xlane v0, v42;
	_ =	sdelay $0x1  }
0x51a: {  	v0 =	vadd.f32 v0, v1  }
0x51b: {  	s31 =	sadd.s32 $0x10, s31  }
0x51c: {  	s2 =	sshra.s32 s6, $0x2;
	[tilespmem:s31+$0x0] =	vst v0  }
0x51d: {  	v0 =	vld [tilespmem:s2+$0x4470]  }
0x51e: {  	v1 =	vld [tilespmem:s2+$0xC470]  }
0x51f: {  	v2 =	vld [tilespmem:s2+$0x44F0]  }
0x520: {  	v3 =	vld [tilespmem:s2+$0xC4F0]  }
0x521: {  	v4 =	vld [tilespmem:s2+$0x4570]  }
0x522: {  	v5 =	vld [tilespmem:s2+$0xC570]  }
0x523: {  	v6 =	vld [tilespmem:s2+$0x45F0]  }
0x524: {  	v7 =	vld [tilespmem:s2+$0xC5F0]  }
0x525: {  	v8 =	vld [tilespmem:s2+$0x4460]  }
0x526: {  	v9 =	vld [tilespmem:s2+$0xC460]  }
0x527: {  	v17 =	vld [tilespmem:s2+$0x44E0]  }
0x528: {  	v18 =	vld [tilespmem:s2+$0xC4E0]  }
0x529: {  	v21 =	vld [tilespmem:s2+$0x4560]  }
0x52a: {  	v22 =	vld [tilespmem:s2+$0xC560]  }
0x52b: {  	v23 =	vld [tilespmem:s2+$0x45E0]  }
0x52c: {  	v24 =	vld [tilespmem:s2+$0xC5E0]  }
0x52d: {  	v25 =	vld [tilespmem:s2+$0x4450]  }
0x52e: {  	v26 =	vld [tilespmem:s2+$0xC450]  }
0x52f: {  	v27 =	vld [tilespmem:s2+$0x44D0]  }
0x530: {  	v28 =	vld [tilespmem:s2+$0xC4D0]  }
0x531: {  	v30 =	vld [tilespmem:s2+$0x4550]  }
0x532: {  	v33 =	vld [tilespmem:s2+$0xC550]  }
0x533: {  	v35 =	vld [tilespmem:s2+$0x45D0]  }
0x534: {  	v36 =	vld [tilespmem:s2+$0xC5D0]  }
0x535: {  	v41 =	vld [tilespmem:s2+$0x4440]  }
0x536: {  	v42 =	vld [tilespmem:s2+$0xC440]  }
0x537: {  	v45 =	vld [tilespmem:s2+$0x44C0]  }
0x538: {  	v46 =	vld [tilespmem:s2+$0xC4C0]  }
0x539: {  	v47 =	vld [tilespmem:s2+$0x4540]  }
0x53a: {  	v52 =	vld [tilespmem:s2+$0xC540]  }
0x53b: {  	v53 =	vld [tilespmem:s2+$0x45C0]  }
0x53c: {  	v54 =	vld [tilespmem:s2+$0xC5C0]  }
0x53d: {  	v51 =	vld [tilespmem:s2+$0x4430]  }
0x53e: {  	v55 =	vld [tilespmem:s2+$0xC430]  }
0x53f: {  	v56 =	vld [tilespmem:s2+$0x44B0]  }
0x540: {  	v57 =	vld [tilespmem:s2+$0xC4B0]  }
0x541: {  	v58 =	vld [tilespmem:s2+$0x4530]  }
0x542: {  	v59 =	vld [tilespmem:s2+$0xC530]  }
0x543: {  	v60 =	vld [tilespmem:s2+$0x45B0]  }
0x544: {  	v61 =	vld [tilespmem:s2+$0xC5B0]  }
0x545: {  	v62 =	vld [tilespmem:s2+$0x4420]  }
0x546: {  	v63 =	vld [tilespmem:s2+$0xC420]  }
0x547: {  	v10 =	vld [tilespmem:s2+$0x44A0]  }
0x548: {  	v13 =	vld [tilespmem:s2+$0xC4A0]  }
0x549: {  	v29 =	vld [tilespmem:s2+$0x4520]  }
0x54a: {  	v31 =	vld [tilespmem:s2+$0xC520]  }
0x54b: {  	v32 =	vld [tilespmem:s2+$0x45A0]  }
0x54c: {  	v34 =	vld [tilespmem:s2+$0xC5A0]  }
0x54d: {  	v37 =	vld [tilespmem:s2+$0x4410]  }
0x54e: {  	v38 =	vld [tilespmem:s2+$0xC410]  }
0x54f: {  	v40 =	vld [tilespmem:s2+$0x4490];
	v0 =	vmul.f32 v1, v0;
	v43 =	vmul.f32 v3, v2  }
0x550: {  	v39 =	vld [tilespmem:s2+$0x4510];
	v48 =	vmul.f32 v9, v8;
	v49 =	vmul.f32 v18, v17  }
0x551: {  	v18 =	vmul.f32 v5, v4;
	v17 =	vmul.f32 v7, v6;
	v4 =	vld [tilespmem:$0x1FF70]  }
0x552: {  	v5 =	vld [tilespmem:$0x1FF70];
	v6 =	vmul.f32 v26, v25;
	v7 =	vmul.f32 v28, v27  }
0x553: {  	v41 =	vmul.f32 v42, v41;
	v42 =	vmul.f32 v46, v45;
	v45 =	vld [tilespmem:s2+$0x4590]  }
0x554: {  	v22 =	vmul.f32 v22, v21;
	v55 =	vmul.f32 v55, v51;
	v51 =	vld [tilespmem:s2+$0x4480]  }
0x555: {  	v26 =	vmul.f32 v33, v30;
	v33 =	vmul.f32 v52, v47;
	v52 =	vld [tilespmem:s2+$0xC480]  }
0x556: {  	v62 =	vmul.f32 v63, v62;
	v63 =	vmul.f32 v13, v10;
	v10 =	vld [tilespmem:$0x1FF90]  }
0x557: {  	v21 =	vmul.f32 v24, v23;
	v25 =	vmul.f32 v36, v35;
	v13 =	vld [tilespmem:$0x1FF70]  }
0x558: {  	v57 =	vmul.f32 v57, v56;
	v30 =	vmul.f32 v54, v53;
	v53 =	vld [tilespmem:s2+$0x4500]  }
0x559: {  	v54 =	vld [tilespmem:s2+$0xC500];
	v15 =	vmul.f32 v0, v19;
	v16 =	vmul.f32 v43, v19  }
0x55a: {  	p0 =	sne.s32 s6, $0xF800;
	v43 =	vld [tilespmem:s2+$0xC490];
	v23 =	vmul.f32 v6, v44;
	v24 =	vmul.f32 v7, v44  }
.Ltmp6:
0x55b: {  	v44 =	vld [tilespmem:s2+$0xC510];
	v27 =	vmul.f32 v41, v50;
	v28 =	vmul.f32 v42, v50;
	(pc) =	sbr.rel @p0 .LBB2_14-.Ltmp6, $4  }
0x55c: {  	v50 =	vld [tilespmem:s2+$0x4400];
	v35 =	vmul.f32 v55, v12;
	v36 =	vmul.f32 v57, v12  }
0x55d: {  	v42 =	vmul.f32 v59, v58;
	v41 =	vmul.f32 v61, v60;
	v55 =	vld [tilespmem:s2+$0x4580]  }
0x55e: {  	v46 =	vmul.f32 v62, v11;
	v19 =	vmul.f32 v48, v4;
	v48 =	vld [tilespmem:s2+$0xC590]  }
0x55f: {  	s6 =	sadd.s32 $0x800, s6;
	v47 =	vmul.f32 v63, v11;
	v20 =	vmul.f32 v49, v5;
	v49 =	vld [tilespmem:s2+$0xC400]  }
0x560: {  	_ =	sdelay $0x2  }
0x561: {  	v11 =	vld [tilespmem:$0x1FFA0]  }
0x562: {  	v7 =	vmul.f32 v49, v50;
	_ =	sdelay $0x1  }
0x563: {  	v0 =	vmul.f32 v38, v37;
	v7 =	vmul.f32 v7, v14  }
0x564: {  	v2 =	vld [tilespmem:s2+$0xC580]  }
0x565: {  	v0 =	vmul.f32 v0, v11;
	v7 =	vadd.f32 v7, v10;
	_ =	sdelay $0x1  }
0x566: {  	v0 =	vadd.f32 v0, v7;
	v7 =	vld [tilespmem:$0x1FF50];
	_ =	sdelay $0x1  }
0x567: {  	v3 =	vmul.f32 v31, v29;
	v2 =	vmul.f32 v2, v55  }
0x568: {  	v4 =	vmul.f32 v34, v32;
	v9 =	vmul.f32 v54, v53  }
0x569: {  	v6 =	vmul.f32 v48, v45;
	v2 =	vmul.f32 v2, v14  }
0x56a: {  	v3 =	vmul.f32 v3, v7;
	v4 =	vmul.f32 v4, v7;
	v7 =	vld [tilespmem:$0x1FF30]  }
0x56b: {  	v5 =	vmul.f32 v44, v39;
	v6 =	vmul.f32 v6, v11;
	v2 =	vadd.f32 v2, v10  }
0x56c: {  	v8 =	vmul.f32 v52, v51;
	v9 =	vmul.f32 v9, v14  }
0x56d: {  	v1 =	vmul.f32 v43, v40;
	v2 =	vadd.f32 v6, v2  }
0x56e: {  	v8 =	vmul.f32 v8, v14;
	v9 =	vadd.f32 v9, v10;
	v5 =	vmul.f32 v5, v11  }
0x56f: {  	v2 =	vadd.f32 v4, v2;
	v6 =	vmul.f32 v42, v7;
	v4 =	vmul.f32 v41, v7;
	v7 =	vld [tilespmem:$0x1FF10];
	_ =	sdelay $0x1  }
0x570: {  	v8 =	vadd.f32 v8, v10;
	v1 =	vmul.f32 v1, v11;
	v5 =	vadd.f32 v5, v9;
	_ =	sdelay $0x1  }
0x571: {  	v1 =	vadd.f32 v1, v8;
	v3 =	vadd.f32 v3, v5  }
0x572: {  	v2 =	vadd.f32 v4, v2;
	v5 =	vmul.f32 v33, v7;
	v4 =	vmul.f32 v30, v7;
	v7 =	vld [tilespmem:$0x1FF00]  }
0x573: {  	v1 =	vadd.f32 v47, v1  }
0x574: {  	v0 =	vadd.f32 v46, v0  }
0x575: {  	v1 =	vadd.f32 v36, v1  }
0x576: {  	v0 =	vadd.f32 v35, v0;
	v3 =	vadd.f32 v6, v3  }
0x577: {  	v2 =	vadd.f32 v4, v2;
	v6 =	vmul.f32 v26, v7;
	v4 =	vmul.f32 v25, v7;
	v7 =	vld [tilespmem:$0x1FF60]  }
0x578: {  	v1 =	vadd.f32 v28, v1  }
0x579: {  	v0 =	vadd.f32 v27, v0;
	v3 =	vadd.f32 v5, v3  }
0x57a: {  	v1 =	vadd.f32 v24, v1;
	v2 =	vadd.f32 v4, v2;
	v4 =	vmul.f32 v21, v13  }
0x57b: {  	v0 =	vadd.f32 v23, v0;
	v5 =	vmul.f32 v22, v13;
	v3 =	vadd.f32 v6, v3  }
0x57c: {  	v2 =	vadd.f32 v4, v2;
	v6 =	vmul.f32 v18, v7;
	v4 =	vmul.f32 v17, v7;
	v7 =	vld [tilespmem:$0x1FFB0]  }
0x57d: {  	v1 =	vadd.f32 v20, v1;
	v0 =	vadd.f32 v19, v0  }
0x57e: {  	v3 =	vadd.f32 v5, v3  }
0x57f: {  	v1 =	vadd.f32 v16, v1;
	v0 =	vadd.f32 v15, v0  }
0x580: {  	v3 =	vadd.f32 v6, v3;
	v2 =	vadd.f32 v4, v2  }
0x581: {  	v4 =	vperm.xlane v0, v7;
	v5 =	vperm.xlane v1, v7  }
0x582: {  	v6 =	vperm.xlane v3, v7;
	v7 =	vperm.xlane v2, v7;
	_ =	sdelay $0x1  }
0x583: {  	v3 =	vadd.f32 v6, v3;
	v2 =	vadd.f32 v7, v2;
	_ =	sdelay $0x1  }
0x584: {  	v61 =	vsel vm3, v3, v2;
	v3 =	vld [tilespmem:$0x1FFD0];
	_ =	sdelay $0x1  }
0x585: {  	v0 =	vadd.f32 v4, v0;
	v1 =	vadd.f32 v5, v1;
	_ =	sdelay $0x1  }
0x586: {  	v0 =	vsel vm3, v0, v1  }
0x587: {  	v63 =	vld [tilespmem:$0x1FFC0];
	v62 =	vperm.xlane v0, v3;
	v3 =	vperm.xlane v61, v3;
	_ =	sdelay $0x1  }
0x588: {  	v0 =	vadd.f32 v62, v0;
	v1 =	vadd.f32 v3, v61;
	_ =	sdelay $0x1  }
0x589: {  	v0 =	vsel vm0, v0, v1  }
0x58a: {  	v1 =	vperm.xlane v0, v63;
	_ =	sdelay $0x1  }
0x58b: {  	v0 =	vadd.f32 v0, v1  }
0x58c: {  	s31 =	sadd.s32 $0x10, s31;
	v10 =	vld [tilespmem:$0x1FFE0]  }
0x58d: {  	s2 =	simm.s32 $0x10520;
	v4 =	vld [tilespmem:$0x1FFF0];
	[tilespmem:s31+$0x0] =	vst v0  }
0x58e: {  	v6 =	vld [tilespmem:s2+$0xFFFFFFF0]  }
0x58f: {  	v7 =	vld [tilespmem:s2+$0xFFFFFFE0]  }
0x590: {  	v8 =	vld [tilespmem:s2+$0x0]  }
0x591: {  	s6 =	simm.s32 $0x40;
	v9 =	vld [tilespmem:s2+$0x10]  }
.LBB2_16:
0x592: {  	p0 =	sne.s32 s6, $0x1C0;
	_ =	sdelay $0x3  }
0x593: {  	v0 =	vsel vm1, v7, v6;
	v1 =	vsel vm1, v8, v9  }
0x594: {  	v2 =	vperm.xlane v0, v10;
	v3 =	vperm.xlane v1, v10;
	_ =	sdelay $0x1  }
0x595: {  	v0 =	vadd.f32 v2, v0;
	v1 =	vadd.f32 v3, v1;
	_ =	sdelay $0x1  }
0x596: {  	v0 =	vsel vm2, v0, v1  }
0x597: {  	v0 =	vperm.xlane v0, v4  }
0x598: {  	s31 =	sshra.s32 s4, $0x2;
	s4 =	smov.u32 s6  }
.Ltmp7:
0x599: {  	s2 =	sadd.s32 $0x40, s2;
	[tilespmem:s31+$0x10880] =	vst v0;
	(pc) =	sbr.rel @p0 .LBB2_16-.Ltmp7, $4  }
0x59a: {  	v6 =	vld [tilespmem:s2+$0xFFFFFFF0]  }
0x59b: {  	v7 =	vld [tilespmem:s2+$0xFFFFFFE0]  }
0x59c: {  	v8 =	vld [tilespmem:s2+$0x0]  }
0x59d: {  	s6 =	sadd.s32 $0x40, s6;
	v9 =	vld [tilespmem:s2+$0x10]  }
0x59e: {  	_ =	sdelay $0x3  }
0x59f: {  	v0 =	vsel vm1, v7, v6;
	v1 =	vsel vm1, v8, v9  }
0x5a0: {  	v2 =	vperm.xlane v0, v10;
	v3 =	vperm.xlane v1, v10;
	_ =	sdelay $0x1  }
0x5a1: {  	v0 =	vadd.f32 v2, v0;
	v1 =	vadd.f32 v3, v1;
	_ =	sdelay $0x1  }
0x5a2: {  	v0 =	vsel vm2, v0, v1  }
0x5a3: {  	s28 =	sadd.s32 $0x1, s28;
	v0 =	vperm.xlane v0, v4  }
0x5a4: {  	s2 =	sshra.s32 s4, $0x2;
	p0 =	sne.s32 s28, s10  }
.Ltmp8:
0x5a5: {  	[tilespmem:s2+$0x10880] =	vst v0;
	(pc) =	sbr.rel @p0 .LBB2_1-.Ltmp8, $4  }
0x5a6: {  	[hbm4b:s9+s5] =	stream.linear.scatter [tilespmem:s24], [sflag:$0x4], $0x200, $0x38;
	[tilespmem:$0x10900] =	vst v63  }
0x5a7: {  	_ =	swait.ge [sflag:s25], $0x200  }
0x5a8: {  	[sflag:s25] =	ssyncset.done $0x0  }
0x5a9: {  	[sflag:s25] =	ssyncadd.s32 $0xFFFFFE00  }
0x5aa: {  	_ =	sfence.sel $0x180000  }
0x5ab: {  	[bflag:$0x0] =	sbarrier.arrive $0xFFFF  }
0x5ac: {  	_ =	strace $0x90000047  }
0x5ad: {  	s0 =	stileid.u32;
	[bflag:$0x2] =	sbarrier.arrive $0xFFFF  }
0x5ae: {  	p0 =	sne.s32 s0, $0x0;
	s0 =	rddreg [dreg:$0x7]  }
0x5af: {  	s0 =	sadd.s32 @!p0 $0x100000, s0  }
0x5b0: {  	[sflag:s0] =	ssyncadd.tile.s32 @!p0 $0x1;
	_ =	shalt  }
.Lfunc_end2:
_tile_overlayer_lowered:
.L_overlay_start_2:
0x5b1: {  	(tag) =	ssettag $0x2  }
0x5b2: {  	s0 =	rddreg [dreg:$0x0];
	s2 =	stileid.u32  }
0x5b3: {  	s1 =	rddreg [dreg:$0x1];
	p0 =	sne.s32 s2, $0x0  }
0x5b4: {  	s3 =	rddreg [dreg:$0x2];
	[bflag:$0x3] =	sbarrier.arrive $0xFFFF;
	s2 =	simm.s32 @!p0 $0x1C04  }
0x5b5: {  	[timem:s3], [sflag:s2] =	dma.local @!p0 [hbm:s0], s1  }
0x5b6: {  	s0 =	simm.s32 @!p0 $0x4  }
0x5b7: {  	_ =	swait.ge @!p0 [sflag:s0], s1  }
0x5b8: {  	s1 =	ssub.s32 @!p0 $0x0, s1;
	[sflag:s0] =	ssyncset.done @!p0 $0x0  }
0x5b9: {  	[sflag:s0] =	ssyncadd.s32 @!p0 s1  }
0x5ba: {  	[bflag:$0x3] =	sbarrier.arrive $0xFFFF  }
0x5bb: {  	_ =	shalt  }

</sc_bundles>
